<compile_context>
chip_gen: v7x
topology: tpu7x:2x2x1
jax: 0.10.2.dev20260603
libtpu: 0.0.44.dev20260713+nightly
codegen_flags: <defaults>
</compile_context>

<pallas_src>
import dataclasses
import functools

import jax
import jax.numpy as jnp
from jax import lax
from jax.experimental import pallas as pl
from jax.experimental.pallas import tpu as pltpu
from jax.experimental.pallas import tpu_sc as plsc

C = 4
HH = 8
WW = 8
HEADS = 4
N = 4096
E = 32768
D = C * HH * WW
DH = HEADS * D
EP = E + N
PIX = HH * WW

NW = 32
NODES_PER_W = N // NW
BLK = 64
NBLK = NODES_PER_W // BLK
ECHUNK = 4608
NCHUNK = EP // ECHUNK
GB = 8
NC32 = DH // 32


def _bn_cols(h1, s_ref, g_ref, gt_ref):
    cs = jnp.sum(h1, axis=0, keepdims=True)
    cq = jnp.sum(h1 * h1, axis=0, keepdims=True)
    gs = jnp.dot(cs, g_ref[...], preferred_element_type=jnp.float32)
    gq = jnp.dot(cq, g_ref[...], preferred_element_type=jnp.float32)
    cnt = h1.shape[0] * float(PIX)
    m = gs / cnt
    v = gq / cnt - m * m
    a = s_ref[0:1, :] * lax.rsqrt(v + 1e-5)
    b = s_ref[1:2, :] - m * a
    return h1 * jnp.dot(a, gt_ref[...], preferred_element_type=jnp.float32) + \
        jnp.dot(b, gt_ref[...], preferred_element_type=jnp.float32)


def _front_body(xf_ref, k1_ref, g_ref, gt_ref, s1_ref, wl_ref, wr_ref, blr_ref,
                xl_ref, xr_ref):
    h1 = jnp.dot(xf_ref[...], k1_ref[...], preferred_element_type=jnp.float32)
    h = _bn_cols(h1, s1_ref, g_ref, gt_ref)
    xl = jnp.dot(h, wl_ref[...], preferred_element_type=jnp.float32) \
        + blr_ref[0:1, :]
    xr = jnp.dot(h, wr_ref[...], preferred_element_type=jnp.float32) \
        + blr_ref[1:2, :]
    xl_ref[...] = xl.astype(jnp.bfloat16)
    xr_ref[...] = xr.astype(jnp.bfloat16)


def _tail_body(gat_ref, xf_ref, k2_ref, b2v_ref, k3_ref, k4_ref,
               s2_ref, s3_ref, s4_ref, g_ref, gt_ref, out_ref):
    a2 = jnp.dot(gat_ref[...], k2_ref[...], preferred_element_type=jnp.float32) \
        + b2v_ref[...]
    y = _bn_cols(a2, s2_ref, g_ref, gt_ref) + xf_ref[...]
    a3 = jnp.dot(y, k3_ref[...], preferred_element_type=jnp.float32)
    z = jnp.maximum(_bn_cols(a3, s3_ref, g_ref, gt_ref), 0.0)
    a4 = jnp.dot(z, k4_ref[...], preferred_element_type=jnp.float32)
    out_ref[...] = _bn_cols(a4, s4_ref, g_ref, gt_ref) + y


def _sc_gat_body(xl_hbm, xr_hbm, sd_hbm, att_hbm, out_hbm,
                 acc, den, att_v, sd, sel_s, sel_d, rows_l, rows_r, cnt_ref,
                 sem_ca, sem_cb, sem_la, sem_lb, sem_ra, sem_rb):
    cidx = lax.axis_index("c")
    sidx = lax.axis_index("s")
    wid = sidx * 2 + cidx
    pltpu.sync_copy(att_hbm, att_v)
    lane = lax.iota(jnp.int32, 16)
    zf = jnp.zeros((16,), jnp.float32)
    zi = jnp.zeros((16,), jnp.int32)
    bft = jnp.bfloat16
    slope = jnp.bfloat16(0.2)
    bzero = jnp.bfloat16(0.0)
    last_c = NCHUNK - 1

    def chunk_dma(ci, half, sem):
        return pltpu.make_async_copy(sd_hbm.at[ci], sd.at[half], sem)

    def gather_l(off, half, sem):
        return pltpu.make_async_copy(
            xl_hbm.at[sel_s.at[pl.ds(off, GB)]],
            rows_l.at[pl.ds(half * GB, GB)], sem)

    def gather_r(off, half, sem):
        return pltpu.make_async_copy(
            xr_hbm.at[sel_d.at[pl.ds(off, GB)]],
            rows_r.at[pl.ds(half * GB, GB)], sem)

    @pl.loop(0, NBLK)
    def _blk(blk):
        base = wid * NODES_PER_W + blk * BLK

        @pl.loop(0, BLK)
        def _zero(r):
            den[r, :] = zf
            for j in range(DH // 16):
                acc[r, pl.ds(j * 16, 16)] = zf

        chunk_dma(0, 0, sem_ca).start()
        chunk_dma(jnp.minimum(1, last_c), 1, sem_cb).start()

        @pl.loop(0, NCHUNK)
        def _chunk(ci):
            cp = jnp.bitwise_and(ci, 1)

            @pl.when(cp == 0)
            def _():
                chunk_dma(0, 0, sem_ca).wait()

            @pl.when(cp == 1)
            def _():
                chunk_dma(0, 1, sem_cb).wait()

            cs = ci * ECHUNK

            def scan_half(half):
                def scan_vreg(i, cnt):
                    sv = sd[half, 0, pl.ds(i * 16, 16)]
                    dv = sd[half, 1, pl.ds(i * 16, 16)]
                    gi = jnp.full((16,), cs + i * 16, jnp.int32) + lane
                    valid = jnp.logical_or(gi >= E, sv != dv)
                    m = jnp.logical_and(
                        valid, jnp.logical_and(dv >= base, dv < base + BLK))
                    plsc.store_compressed(sel_s.at[pl.ds(cnt, 16)], sv, mask=m)
                    plsc.store_compressed(sel_d.at[pl.ds(cnt, 16)], dv, mask=m)
                    pc = plsc.all_reduce_population_count(m)
                    return cnt + jnp.max(pc)

                cnt_ref[0] = lax.fori_loop(0, ECHUNK // 16, scan_vreg, 0)

            @pl.when(cp == 0)
            def _():
                scan_half(0)

            @pl.when(cp == 1)
            def _():
                scan_half(1)

            cnt = cnt_ref[0]

            nc = jnp.minimum(ci + 2, last_c)

            @pl.when(cp == 0)
            def _():
                chunk_dma(nc, 0, sem_ca).start()

            @pl.when(cp == 1)
            def _():
                chunk_dma(nc, 1, sem_cb).start()

            padd = jnp.full((16,), base, jnp.int32)
            sel_s[pl.ds(cnt, 16)] = zi
            sel_s[pl.ds(cnt + 16, 16)] = zi
            sel_s[pl.ds(cnt + 32, 16)] = zi
            sel_d[pl.ds(cnt, 16)] = padd
            sel_d[pl.ds(cnt + 16, 16)] = padd
            sel_d[pl.ds(cnt + 32, 16)] = padd

            gather_l(0, 0, sem_la).start()
            gather_r(0, 0, sem_ra).start()
            gather_l(GB, 1, sem_lb).start()
            gather_r(GB, 1, sem_rb).start()

            def batch(b, _):
                p = jnp.bitwise_and(b, 1)
                poff = p * GB

                @pl.when(p == 0)
                def _():
                    gather_l(0, 0, sem_la).wait()
                    gather_r(0, 0, sem_ra).wait()

                @pl.when(p == 1)
                def _():
                    gather_l(0, 1, sem_lb).wait()
                    gather_r(0, 1, sem_rb).wait()

                boff = b * GB

                @pl.loop(0, GB)
                def _edge(k):
                    eid = boff + k

                    @pl.when(eid < cnt)
                    def _():
                        rk = poff + k
                        dl = sel_d[pl.ds(eid, 16)][0] - base
                        abc = []
                        for h in range(HEADS):
                            part = [zf, zf, zf, zf]
                            for j in range(NC32 // HEADS):
                                offw = (h * (NC32 // HEADS) + j) * 16
                                vb = plsc.bitcast(
                                    rows_l[rk, pl.ds(offw, 16)], bft) + \
                                    plsc.bitcast(
                                        rows_r[rk, pl.ds(offw, 16)], bft)
                                vb = jnp.where(vb > bzero, vb, slope * vb)
                                pb = vb * plsc.bitcast(
                                    att_v[pl.ds(offw, 16)], bft)
                                p0, p1 = plsc.unpack(
                                    pb, format=plsc.PackFormat.INTERLEAVED)
                                part[2 * (j % 2)] = part[2 * (j % 2)] + p0
                                part[2 * (j % 2) + 1] = part[2 * (j % 2) + 1] + p1
                            sh = (part[0] + part[1]) + (part[2] + part[3])
                            logit = jnp.sum(sh)
                            abc.append(jnp.exp(jnp.full((16,), logit)))
                        dvec = zf
                        for h in range(HEADS):
                            dvec = jnp.where(lane == h, abc[h], dvec)
                        plsc.addupdate(den.at[dl, :], dvec)
                        for h in range(HEADS):
                            for j in range(NC32 // HEADS):
                                offw = (h * (NC32 // HEADS) + j) * 16
                                l0, l1 = plsc.unpack(
                                    plsc.bitcast(
                                        rows_l[rk, pl.ds(offw, 16)], bft),
                                    format=plsc.PackFormat.INTERLEAVED)
                                plsc.addupdate(
                                    acc.at[dl, pl.ds(offw * 2, 16)],
                                    abc[h] * l0)
                                plsc.addupdate(
                                    acc.at[dl, pl.ds(offw * 2 + 16, 16)],
                                    abc[h] * l1)

                nxt = (b + 2) * GB

                @pl.when(p == 0)
                def _():
                    gather_l(nxt, 0, sem_la).start()
                    gather_r(nxt, 0, sem_ra).start()

                @pl.when(p == 1)
                def _():
                    gather_l(nxt, 1, sem_lb).start()
                    gather_r(nxt, 1, sem_rb).start()
                return 0

            nb = (cnt + GB - 1) // GB
            lax.fori_loop(0, nb, batch, 0)
            gather_l(0, 0, sem_la).wait()
            gather_r(0, 0, sem_ra).wait()
            gather_l(0, 1, sem_lb).wait()
            gather_r(0, 1, sem_rb).wait()

        chunk_dma(0, 0, sem_ca).wait()
        chunk_dma(0, 1, sem_cb).wait()

        @pl.loop(0, BLK)
        def _norm(r):
            drow = den[r, :]
            one16 = jnp.full((16,), 1.0, jnp.float32)
            for h in range(HEADS):
                ib = one16 / (jnp.full((16,), drow[h]) + 1e-16)
                for j in range(D // 16):
                    off = h * D + j * 16
                    acc[r, pl.ds(off, 16)] = acc[r, pl.ds(off, 16)] * ib

        pltpu.sync_copy(acc, out_hbm.at[pl.ds(base, BLK)])


def kernel(x, edge_index, g_fc1_w, g_fc1_b, g_bn1_g, g_bn1_b, gat_wl, gat_bl,
           gat_wr, gat_br, gat_att, gat_bias, g_fc2_w, g_fc2_b, g_bn2_g,
           g_bn2_b, f_fc1_w, f_fc1_b, f_bn1_g, f_bn1_b, f_fc2_w, f_fc2_b,
           f_bn2_g, f_bn2_b):
    f32 = jnp.float32
    bf16 = jnp.bfloat16
    xf = x.reshape(N, D)

    i64 = jnp.eye(PIX, dtype=f32)
    k1 = jnp.kron(g_fc1_w.T, i64)
    k2 = jnp.kron(g_fc2_w.T, i64)
    k3 = jnp.kron(f_fc1_w.T, i64)
    k4 = jnp.kron(f_fc2_w.T, i64)
    g_ind = (jnp.arange(D)[:, None] // PIX == jnp.arange(8)[None, :]).astype(f32)
    gt_ind = g_ind.T

    t16 = jnp.arange(32)
    blk_perm = jnp.where(t16 < 16, 2 * t16, 2 * (t16 - 16) + 1)
    orig_idx = (jnp.arange(DH) // 32) * 32 + blk_perm[jnp.arange(DH) % 32]
    k2p = k2[orig_idx, :]

    def pack(gam, bet):
        pad = jnp.zeros((4,), f32)
        return jnp.stack([jnp.concatenate([gam, pad]),
                          jnp.concatenate([bet, pad])])

    s1 = pack(g_bn1_g, g_bn1_b)
    s2 = pack(g_bn2_g, g_bn2_b)
    s3 = pack(f_bn1_g, f_bn1_b)
    s4 = pack(f_bn2_g, f_bn2_b)
    blr = jnp.stack([gat_bl, gat_br])
    b2v = (gat_bias @ k2)[None, :]

    loop = jnp.arange(N, dtype=jnp.int32)
    src = jnp.concatenate([edge_index[0], loop])
    dst = jnp.concatenate([edge_index[1], loop])
    sd = jnp.stack([src, dst]).reshape(2, NCHUNK, ECHUNK).transpose(1, 0, 2)

    def pack_i32(a):
        return lax.bitcast_convert_type(
            a.reshape(a.shape[:-1] + (a.shape[-1] // 2, 2)), jnp.int32)

    att_packed = pack_i32(gat_att.reshape(DH).astype(bf16))

    xl16, xr16 = pl.pallas_call(
        _front_body,
        out_shape=[jax.ShapeDtypeStruct((N, DH), bf16),
                   jax.ShapeDtypeStruct((N, DH), bf16)],
    )(xf, k1, g_ind, gt_ind, s1, gat_wl, gat_wr, blr)
    xli = pack_i32(xl16)
    xri = pack_i32(xr16)

    sc_params = pltpu.CompilerParams()
    if "needs_layout_passes" in pltpu.CompilerParams.__dataclass_fields__:
        sc_params = dataclasses.replace(sc_params, needs_layout_passes=False)
    sc_gat = pl.kernel(
        _sc_gat_body,
        out_type=jax.ShapeDtypeStruct((N, DH), f32),
        compiler_params=sc_params,
        mesh=plsc.VectorSubcoreMesh(core_axis_name="c", subcore_axis_name="s"),
        scratch_types=[
            pltpu.VMEM((BLK, DH), f32),
            pltpu.VMEM((BLK, 16), f32),
            pltpu.VMEM((DH // 2,), jnp.int32),
            pltpu.VMEM((2, 2, ECHUNK), jnp.int32),
            pltpu.VMEM((ECHUNK + 48,), jnp.int32),
            pltpu.VMEM((ECHUNK + 48,), jnp.int32),
            pltpu.VMEM((2 * GB, DH // 2), jnp.int32),
            pltpu.VMEM((2 * GB, DH // 2), jnp.int32),
            pltpu.SMEM((1,), jnp.int32),
            pltpu.SemaphoreType.DMA,
            pltpu.SemaphoreType.DMA,
            pltpu.SemaphoreType.DMA,
            pltpu.SemaphoreType.DMA,
            pltpu.SemaphoreType.DMA,
            pltpu.SemaphoreType.DMA,
        ],
    )
    gat = sc_gat(xli, xri, sd, att_packed)

    outf = pl.pallas_call(
        _tail_body,
        out_shape=jax.ShapeDtypeStruct((N, D), f32),
    )(gat, xf, k2p, b2v, k3, k4, s2, s3, s4, g_ind, gt_ind)

    return outf.reshape(N, C, HH, WW)

# --- scband reference (transcript-rebuilt; emitter-appended) ---
"""Pipeline reference for scband-graph-encoder-block-se-36910948941898 (READ-ONLY COPY).

The authoritative reference and input builder live on the scoring server;
editing this copy changes nothing except your own understanding.
"""

import jax, jax.numpy as jnp
import numpy as np

C = 4; H = 8; W = 8; HEADS = 4; N = 4096; E = 32768; D = C * H * W


def setup_inputs():
    ks = jax.random.split(jax.random.key(0), 16)
    p = lambda i, shape: jax.random.normal(ks[i], shape, dtype=jnp.float32) * 0.05
    return {
        "x": jax.random.normal(ks[0], (N, C, H, W), dtype=jnp.float32),
        "edge_index": jax.random.randint(ks[1], (2, E), 0, N, dtype=jnp.int32),
        "g_fc1_w": p(2, (C, C)), "g_fc1_b": jnp.zeros((C,), jnp.float32),
        "g_bn1_g": jnp.ones((C,), jnp.float32), "g_bn1_b": jnp.zeros((C,), jnp.float32),
        "gat_wl": p(3, (D, HEADS * D)), "gat_bl": jnp.zeros((HEADS * D,), jnp.float32),
        "gat_wr": p(4, (D, HEADS * D)), "gat_br": jnp.zeros((HEADS * D,), jnp.float32),
        "gat_att": p(5, (HEADS, D)), "gat_bias": jnp.zeros((HEADS * D,), jnp.float32),
        "g_fc2_w": p(6, (C, C * HEADS)), "g_fc2_b": jnp.zeros((C,), jnp.float32),
        "g_bn2_g": jnp.ones((C,), jnp.float32), "g_bn2_b": jnp.zeros((C,), jnp.float32),
        "f_fc1_w": p(7, (C, C)), "f_fc1_b": jnp.zeros((C,), jnp.float32),
        "f_bn1_g": jnp.ones((C,), jnp.float32), "f_bn1_b": jnp.zeros((C,), jnp.float32),
        "f_fc2_w": p(8, (C, C)), "f_fc2_b": jnp.zeros((C,), jnp.float32),
        "f_bn2_g": jnp.ones((C,), jnp.float32), "f_bn2_b": jnp.zeros((C,), jnp.float32),
    }


def _conv_bn(x, w, b, g, beta):
    # 1x1 conv + BatchNorm2d in training mode (biased batch statistics), eps=1e-5
    y = jnp.einsum('bchw,oc->bohw', x, w) + b[None, :, None, None]
    m = y.mean(axis=(0, 2, 3), keepdims=True)
    v = ((y - m) ** 2).mean(axis=(0, 2, 3), keepdims=True)
    y = (y - m) / jnp.sqrt(v + 1e-5)
    return y * g[None, :, None, None] + beta[None, :, None, None]


def _gatv2(flat, src, dst, mask, wl, bl, wr, br, att, bias):
    # GATv2Conv: concat=True, negative_slope=0.2, self-loops already in src/dst
    n = flat.shape[0]
    xl = (flat @ wl + bl).reshape(n, HEADS, D)
    xr = (flat @ wr + br).reshape(n, HEADS, D)
    e = xl[src] + xr[dst]
    e = jnp.where(e > 0, e, 0.2 * e)
    logits = (e * att[None]).sum(-1)  # [E, HEADS]
    logits = jnp.where(mask[:, None], logits, -jnp.inf)
    mx = jax.ops.segment_max(logits, dst, num_segments=n)
    mx = jnp.where(jnp.isfinite(mx), mx, 0.0)
    a = jnp.exp(logits - mx[dst])
    den = jax.ops.segment_sum(a, dst, num_segments=n)
    alpha = a / (den[dst] + 1e-16)
    out = jax.ops.segment_sum(alpha[:, :, None] * xl[src], dst, num_segments=n)
    return out.reshape(n, HEADS * D) + bias


def _loops(edge_index, n):
    # PyG GATv2 add_self_loops default: remove existing self loops, add fresh ones
    s, d = edge_index[0], edge_index[1]
    loop = jnp.arange(n, dtype=edge_index.dtype)
    src = jnp.concatenate([s, loop])
    dst = jnp.concatenate([d, loop])
    mask = jnp.concatenate([s != d, jnp.ones((n,), dtype=bool)])
    return src, dst, mask


def reference(x, edge_index, g_fc1_w, g_fc1_b, g_bn1_g, g_bn1_b, gat_wl, gat_bl, gat_wr, gat_br, gat_att, gat_bias, g_fc2_w, g_fc2_b, g_bn2_g, g_bn2_b, f_fc1_w, f_fc1_b, f_bn1_g, f_bn1_b, f_fc2_w, f_fc2_b, f_bn2_g, f_bn2_b):
    n = x.shape[0]
    src, dst, mask = _loops(edge_index, n)
    shortcut = x
    h = _conv_bn(x, g_fc1_w, g_fc1_b, g_bn1_g, g_bn1_b)
    out = _gatv2(h.reshape(n, -1), src, dst, mask, gat_wl, gat_bl, gat_wr, gat_br, gat_att, gat_bias)
    h2 = _conv_bn(out.reshape(n, C * HEADS, H, W), g_fc2_w, g_fc2_b, g_bn2_g, g_bn2_b)
    y = h2 + shortcut
    z = _conv_bn(y, f_fc1_w, f_fc1_b, f_bn1_g, f_bn1_b)
    z = jnp.maximum(z, 0.0)
    z = _conv_bn(z, f_fc2_w, f_fc2_b, f_bn2_g, f_bn2_b)
    return z + y

if __name__ == "__main__":
    import jax
    _d = setup_inputs()
    print(jax.jit(kernel)(*tuple(_d.values())))

</pallas_src>

<mosaic_0001>
#map = affine_map<(d0, d1) -> (0, 0)>
#map1 = affine_map<(d0, d1) -> (0, 0, 0)>
#map2 = affine_map<(d0, d1) -> (0)>
module attributes {stable_mosaic.version = 14 : i64} {
  func.func @_sc_gat_body(%arg0: i32, %arg1: i32, %arg2: memref<4096x512xi32, #tpu.memory_space<hbm>>, %arg3: memref<4096x512xi32, #tpu.memory_space<hbm>>, %arg4: memref<8x2x4608xi32, #tpu.memory_space<hbm>>, %arg5: memref<512xi32, #tpu.memory_space<hbm>>, %arg6: memref<4096x1024xf32, #tpu.memory_space<hbm>>, %arg7: memref<64x1024xf32, #tpu.memory_space<vmem>>, %arg8: memref<64x16xf32, #tpu.memory_space<vmem>>, %arg9: memref<512xi32, #tpu.memory_space<vmem>>, %arg10: memref<2x2x4608xi32, #tpu.memory_space<vmem>>, %arg11: memref<4656xi32, #tpu.memory_space<vmem>>, %arg12: memref<4656xi32, #tpu.memory_space<vmem>>, %arg13: memref<16x512xi32, #tpu.memory_space<vmem>>, %arg14: memref<16x512xi32, #tpu.memory_space<vmem>>, %arg15: memref<1xi32, #tpu.memory_space<smem>>, %arg16: memref<!tpu.dma_semaphore, #tpu.memory_space<semaphore_mem>>, %arg17: memref<!tpu.dma_semaphore, #tpu.memory_space<semaphore_mem>>, %arg18: memref<!tpu.dma_semaphore, #tpu.memory_space<semaphore_mem>>, %arg19: memref<!tpu.dma_semaphore, #tpu.memory_space<semaphore_mem>>, %arg20: memref<!tpu.dma_semaphore, #tpu.memory_space<semaphore_mem>>, %arg21: memref<!tpu.dma_semaphore, #tpu.memory_space<semaphore_mem>>) attributes {dimension_semantics = [#tpu.dimension_semantics<core_parallel>, #tpu.dimension_semantics<subcore_parallel>], iteration_bounds = array<i64: 2, 16>, scalar_prefetch = 0 : i64, scratch_operands = 15 : i64, tpu.core_type = #tpu.core_type<sc_vector_subcore>, window_params = [{transform_indices = #map}, {transform_indices = #map}, {transform_indices = #map1}, {transform_indices = #map2}, {transform_indices = #map}]} {
    %mul3A = arith.constant 2 : i32
    %mul3A_0 = arith.muli %arg1, %mul3A : i32
    %add3A = arith.addi %mul3A_0, %arg0 : i32
    "tpu.region"() ({
      %run_scoped3A = tpu.sem_alloc : memref<!tpu.dma_semaphore, #tpu.memory_space<semaphore_mem>>
      tpu.enqueue_dma source(%arg5 : memref<512xi32, #tpu.memory_space<hbm>>) target(%arg9 : memref<512xi32, #tpu.memory_space<vmem>>) target_semaphore(%run_scoped3A : memref<!tpu.dma_semaphore, #tpu.memory_space<semaphore_mem>>)
      tpu.wait_dma2 semaphore(%run_scoped3A : memref<!tpu.dma_semaphore, #tpu.memory_space<semaphore_mem>>) src(%arg5 : memref<512xi32, #tpu.memory_space<hbm>>) dst(%arg9 : memref<512xi32, #tpu.memory_space<vmem>>)
      tpu.yield
    }) : () -> ()
    %iota3A = tpu.iota {dimensions = array<i32: 0>} : vector<16xi32>
    %broadcast_in_dim3A = arith.constant 0.000000e+00 : f32
    %broadcast_in_dim3A_1 = vector.broadcast %broadcast_in_dim3A : f32 to vector<16xf32>
    %broadcast_in_dim3A_2 = arith.constant 0 : i32
    %broadcast_in_dim3A_3 = vector.broadcast %broadcast_in_dim3A_2 : i32 to vector<16xi32>
    %scan3A = arith.constant 0.000000e+00 : bf16
    %scan3A_4 = arith.constant 2.001950e-01 : bf16
    %scan3A_5 = arith.constant 0 : i32
    %scan3A_6 = arith.constant 2 : i32
    %scan3A_7 = arith.addi %scan3A_5, %scan3A_6 : i32
    %scan3A_8 = arith.constant 1 : i32
    scf.for %scan3A_10 = %scan3A_5 to %scan3A_7 step %scan3A_8  : i32 {
      %mul3A_11 = arith.constant 1 : i32
      %mul3A_12 = arith.muli %scan3A_10, %mul3A_11 : i32
      %add3A_13 = arith.constant 0 : i32
      %add3A_14 = arith.addi %add3A_13, %mul3A_12 : i32
      %mul3A_15 = arith.constant 128 : i32
      %mul3A_16 = arith.muli %add3A, %mul3A_15 : i32
      %mul3A_17 = arith.constant 64 : i32
      %mul3A_18 = arith.muli %add3A_14, %mul3A_17 : i32
      %add3A_19 = arith.addi %mul3A_16, %mul3A_18 : i32
      %scan3A_20 = arith.constant 0 : i32
      %scan3A_21 = arith.constant 64 : i32
      %scan3A_22 = arith.addi %scan3A_20, %scan3A_21 : i32
      %scan3A_23 = arith.constant 1 : i32
      scf.for %scan3A_106 = %scan3A_20 to %scan3A_22 step %scan3A_23  : i32 {
        %mul3A_107 = arith.constant 1 : i32
        %mul3A_108 = arith.muli %scan3A_106, %mul3A_107 : i32
        %add3A_109 = arith.constant 0 : i32
        %add3A_110 = arith.addi %add3A_109, %mul3A_108 : i32
        %swap3A = arith.index_cast %add3A_110 : i32 to index
        %swap3A_111 = arith.constant 0 : index
        %swap3A_112 = tpu.vector_load %arg8[%swap3A, %swap3A_111] {strides = array<i32>} : memref<64x16xf32, #tpu.memory_space<vmem>>, vector<16xf32>,
        tpu.vector_store %arg8[%swap3A, %swap3A_111], %broadcast_in_dim3A_1 {strides = array<i32>} : memref<64x16xf32, #tpu.memory_space<vmem>>, vector<16xf32>,
        %swap3A_113 = arith.index_cast %add3A_110 : i32 to index
        %swap3A_114 = arith.constant 0 : index
        %swap3A_115 = tpu.vector_load %arg7[%swap3A_113, %swap3A_114] {strides = array<i32>} : memref<64x1024xf32, #tpu.memory_space<vmem>>, vector<16xf32>,
        tpu.vector_store %arg7[%swap3A_113, %swap3A_114], %broadcast_in_dim3A_1 {strides = array<i32>} : memref<64x1024xf32, #tpu.memory_space<vmem>>, vector<16xf32>,
        %swap3A_116 = arith.index_cast %add3A_110 : i32 to index
        %swap3A_117 = arith.constant 16 : index
        %swap3A_118 = tpu.vector_load %arg7[%swap3A_116, %swap3A_117] {strides = array<i32>} : memref<64x1024xf32, #tpu.memory_space<vmem>>, vector<16xf32>,
        tpu.vector_store %arg7[%swap3A_116, %swap3A_117], %broadcast_in_dim3A_1 {strides = array<i32>} : memref<64x1024xf32, #tpu.memory_space<vmem>>, vector<16xf32>,
        %swap3A_119 = arith.index_cast %add3A_110 : i32 to index
        %swap3A_120 = arith.constant 32 : index
        %swap3A_121 = tpu.vector_load %arg7[%swap3A_119, %swap3A_120] {strides = array<i32>} : memref<64x1024xf32, #tpu.memory_space<vmem>>, vector<16xf32>,
        tpu.vector_store %arg7[%swap3A_119, %swap3A_120], %broadcast_in_dim3A_1 {strides = array<i32>} : memref<64x1024xf32, #tpu.memory_space<vmem>>, vector<16xf32>,
        %swap3A_122 = arith.index_cast %add3A_110 : i32 to index
        %swap3A_123 = arith.constant 48 : index
        %swap3A_124 = tpu.vector_load %arg7[%swap3A_122, %swap3A_123] {strides = array<i32>} : memref<64x1024xf32, #tpu.memory_space<vmem>>, vector<16xf32>,
        tpu.vector_store %arg7[%swap3A_122, %swap3A_123], %broadcast_in_dim3A_1 {strides = array<i32>} : memref<64x1024xf32, #tpu.memory_space<vmem>>, vector<16xf32>,
        %swap3A_125 = arith.index_cast %add3A_110 : i32 to index
        %swap3A_126 = arith.constant 64 : index
        %swap3A_127 = tpu.vector_load %arg7[%swap3A_125, %swap3A_126] {strides = array<i32>} : memref<64x1024xf32, #tpu.memory_space<vmem>>, vector<16xf32>,
        tpu.vector_store %arg7[%swap3A_125, %swap3A_126], %broadcast_in_dim3A_1 {strides = array<i32>} : memref<64x1024xf32, #tpu.memory_space<vmem>>, vector<16xf32>,
        %swap3A_128 = arith.index_cast %add3A_110 : i32 to index
        %swap3A_129 = arith.constant 80 : index
        %swap3A_130 = tpu.vector_load %arg7[%swap3A_128, %swap3A_129] {strides = array<i32>} : memref<64x1024xf32, #tpu.memory_space<vmem>>, vector<16xf32>,
        tpu.vector_store %arg7[%swap3A_128, %swap3A_129], %broadcast_in_dim3A_1 {strides = array<i32>} : memref<64x1024xf32, #tpu.memory_space<vmem>>, vector<16xf32>,
        %swap3A_131 = arith.index_cast %add3A_110 : i32 to index
        %swap3A_132 = arith.constant 96 : index
        %swap3A_133 = tpu.vector_load %arg7[%swap3A_131, %swap3A_132] {strides = array<i32>} : memref<64x1024xf32, #tpu.memory_space<vmem>>, vector<16xf32>,
        tpu.vector_store %arg7[%swap3A_131, %swap3A_132], %broadcast_in_dim3A_1 {strides = array<i32>} : memref<64x1024xf32, #tpu.memory_space<vmem>>, vector<16xf32>,
        %swap3A_134 = arith.index_cast %add3A_110 : i32 to index
        %swap3A_135 = arith.constant 112 : index
        %swap3A_136 = tpu.vector_load %arg7[%swap3A_134, %swap3A_135] {strides = array<i32>} : memref<64x1024xf32, #tpu.memory_space<vmem>>, vector<16xf32>,
        tpu.vector_store %arg7[%swap3A_134, %swap3A_135], %broadcast_in_dim3A_1 {strides = array<i32>} : memref<64x1024xf32, #tpu.memory_space<vmem>>, vector<16xf32>,
        %swap3A_137 = arith.index_cast %add3A_110 : i32 to index
        %swap3A_138 = arith.constant 128 : index
        %swap3A_139 = tpu.vector_load %arg7[%swap3A_137, %swap3A_138] {strides = array<i32>} : memref<64x1024xf32, #tpu.memory_space<vmem>>, vector<16xf32>,
        tpu.vector_store %arg7[%swap3A_137, %swap3A_138], %broadcast_in_dim3A_1 {strides = array<i32>} : memref<64x1024xf32, #tpu.memory_space<vmem>>, vector<16xf32>,
        %swap3A_140 = arith.index_cast %add3A_110 : i32 to index
        %swap3A_141 = arith.constant 144 : index
        %swap3A_142 = tpu.vector_load %arg7[%swap3A_140, %swap3A_141] {strides = array<i32>} : memref<64x1024xf32, #tpu.memory_space<vmem>>, vector<16xf32>,
        tpu.vector_store %arg7[%swap3A_140, %swap3A_141], %broadcast_in_dim3A_1 {strides = array<i32>} : memref<64x1024xf32, #tpu.memory_space<vmem>>, vector<16xf32>,
        %swap3A_143 = arith.index_cast %add3A_110 : i32 to index
        %swap3A_144 = arith.constant 160 : index
        %swap3A_145 = tpu.vector_load %arg7[%swap3A_143, %swap3A_144] {strides = array<i32>} : memref<64x1024xf32, #tpu.memory_space<vmem>>, vector<16xf32>,
        tpu.vector_store %arg7[%swap3A_143, %swap3A_144], %broadcast_in_dim3A_1 {strides = array<i32>} : memref<64x1024xf32, #tpu.memory_space<vmem>>, vector<16xf32>,
        %swap3A_146 = arith.index_cast %add3A_110 : i32 to index
        %swap3A_147 = arith.constant 176 : index
        %swap3A_148 = tpu.vector_load %arg7[%swap3A_146, %swap3A_147] {strides = array<i32>} : memref<64x1024xf32, #tpu.memory_space<vmem>>, vector<16xf32>,
        tpu.vector_store %arg7[%swap3A_146, %swap3A_147], %broadcast_in_dim3A_1 {strides = array<i32>} : memref<64x1024xf32, #tpu.memory_space<vmem>>, vector<16xf32>,
        %swap3A_149 = arith.index_cast %add3A_110 : i32 to index
        %swap3A_150 = arith.constant 192 : index
        %swap3A_151 = tpu.vector_load %arg7[%swap3A_149, %swap3A_150] {strides = array<i32>} : memref<64x1024xf32, #tpu.memory_space<vmem>>, vector<16xf32>,
        tpu.vector_store %arg7[%swap3A_149, %swap3A_150], %broadcast_in_dim3A_1 {strides = array<i32>} : memref<64x1024xf32, #tpu.memory_space<vmem>>, vector<16xf32>,
        %swap3A_152 = arith.index_cast %add3A_110 : i32 to index
        %swap3A_153 = arith.constant 208 : index
        %swap3A_154 = tpu.vector_load %arg7[%swap3A_152, %swap3A_153] {strides = array<i32>} : memref<64x1024xf32, #tpu.memory_space<vmem>>, vector<16xf32>,
        tpu.vector_store %arg7[%swap3A_152, %swap3A_153], %broadcast_in_dim3A_1 {strides = array<i32>} : memref<64x1024xf32, #tpu.memory_space<vmem>>, vector<16xf32>,
        %swap3A_155 = arith.index_cast %add3A_110 : i32 to index
        %swap3A_156 = arith.constant 224 : index
        %swap3A_157 = tpu.vector_load %arg7[%swap3A_155, %swap3A_156] {strides = array<i32>} : memref<64x1024xf32, #tpu.memory_space<vmem>>, vector<16xf32>,
        tpu.vector_store %arg7[%swap3A_155, %swap3A_156], %broadcast_in_dim3A_1 {strides = array<i32>} : memref<64x1024xf32, #tpu.memory_space<vmem>>, vector<16xf32>,
        %swap3A_158 = arith.index_cast %add3A_110 : i32 to index
        %swap3A_159 = arith.constant 240 : index
        %swap3A_160 = tpu.vector_load %arg7[%swap3A_158, %swap3A_159] {strides = array<i32>} : memref<64x1024xf32, #tpu.memory_space<vmem>>, vector<16xf32>,
        tpu.vector_store %arg7[%swap3A_158, %swap3A_159], %broadcast_in_dim3A_1 {strides = array<i32>} : memref<64x1024xf32, #tpu.memory_space<vmem>>, vector<16xf32>,
        %swap3A_161 = arith.index_cast %add3A_110 : i32 to index
        %swap3A_162 = arith.constant 256 : index
        %swap3A_163 = tpu.vector_load %arg7[%swap3A_161, %swap3A_162] {strides = array<i32>} : memref<64x1024xf32, #tpu.memory_space<vmem>>, vector<16xf32>,
        tpu.vector_store %arg7[%swap3A_161, %swap3A_162], %broadcast_in_dim3A_1 {strides = array<i32>} : memref<64x1024xf32, #tpu.memory_space<vmem>>, vector<16xf32>,
        %swap3A_164 = arith.index_cast %add3A_110 : i32 to index
        %swap3A_165 = arith.constant 272 : index
        %swap3A_166 = tpu.vector_load %arg7[%swap3A_164, %swap3A_165] {strides = array<i32>} : memref<64x1024xf32, #tpu.memory_space<vmem>>, vector<16xf32>,
        tpu.vector_store %arg7[%swap3A_164, %swap3A_165], %broadcast_in_dim3A_1 {strides = array<i32>} : memref<64x1024xf32, #tpu.memory_space<vmem>>, vector<16xf32>,
        %swap3A_167 = arith.index_cast %add3A_110 : i32 to index
        %swap3A_168 = arith.constant 288 : index
        %swap3A_169 = tpu.vector_load %arg7[%swap3A_167, %swap3A_168] {strides = array<i32>} : memref<64x1024xf32, #tpu.memory_space<vmem>>, vector<16xf32>,
        tpu.vector_store %arg7[%swap3A_167, %swap3A_168], %broadcast_in_dim3A_1 {strides = array<i32>} : memref<64x1024xf32, #tpu.memory_space<vmem>>, vector<16xf32>,
        %swap3A_170 = arith.index_cast %add3A_110 : i32 to index
        %swap3A_171 = arith.constant 304 : index
        %swap3A_172 = tpu.vector_load %arg7[%swap3A_170, %swap3A_171] {strides = array<i32>} : memref<64x1024xf32, #tpu.memory_space<vmem>>, vector<16xf32>,
        tpu.vector_store %arg7[%swap3A_170, %swap3A_171], %broadcast_in_dim3A_1 {strides = array<i32>} : memref<64x1024xf32, #tpu.memory_space<vmem>>, vector<16xf32>,
        %swap3A_173 = arith.index_cast %add3A_110 : i32 to index
        %swap3A_174 = arith.constant 320 : index
        %swap3A_175 = tpu.vector_load %arg7[%swap3A_173, %swap3A_174] {strides = array<i32>} : memref<64x1024xf32, #tpu.memory_space<vmem>>, vector<16xf32>,
        tpu.vector_store %arg7[%swap3A_173, %swap3A_174], %broadcast_in_dim3A_1 {strides = array<i32>} : memref<64x1024xf32, #tpu.memory_space<vmem>>, vector<16xf32>,
        %swap3A_176 = arith.index_cast %add3A_110 : i32 to index
        %swap3A_177 = arith.constant 336 : index
        %swap3A_178 = tpu.vector_load %arg7[%swap3A_176, %swap3A_177] {strides = array<i32>} : memref<64x1024xf32, #tpu.memory_space<vmem>>, vector<16xf32>,
        tpu.vector_store %arg7[%swap3A_176, %swap3A_177], %broadcast_in_dim3A_1 {strides = array<i32>} : memref<64x1024xf32, #tpu.memory_space<vmem>>, vector<16xf32>,
        %swap3A_179 = arith.index_cast %add3A_110 : i32 to index
        %swap3A_180 = arith.constant 352 : index
        %swap3A_181 = tpu.vector_load %arg7[%swap3A_179, %swap3A_180] {strides = array<i32>} : memref<64x1024xf32, #tpu.memory_space<vmem>>, vector<16xf32>,
        tpu.vector_store %arg7[%swap3A_179, %swap3A_180], %broadcast_in_dim3A_1 {strides = array<i32>} : memref<64x1024xf32, #tpu.memory_space<vmem>>, vector<16xf32>,
        %swap3A_182 = arith.index_cast %add3A_110 : i32 to index
        %swap3A_183 = arith.constant 368 : index
        %swap3A_184 = tpu.vector_load %arg7[%swap3A_182, %swap3A_183] {strides = array<i32>} : memref<64x1024xf32, #tpu.memory_space<vmem>>, vector<16xf32>,
        tpu.vector_store %arg7[%swap3A_182, %swap3A_183], %broadcast_in_dim3A_1 {strides = array<i32>} : memref<64x1024xf32, #tpu.memory_space<vmem>>, vector<16xf32>,
        %swap3A_185 = arith.index_cast %add3A_110 : i32 to index
        %swap3A_186 = arith.constant 384 : index
        %swap3A_187 = tpu.vector_load %arg7[%swap3A_185, %swap3A_186] {strides = array<i32>} : memref<64x1024xf32, #tpu.memory_space<vmem>>, vector<16xf32>,
        tpu.vector_store %arg7[%swap3A_185, %swap3A_186], %broadcast_in_dim3A_1 {strides = array<i32>} : memref<64x1024xf32, #tpu.memory_space<vmem>>, vector<16xf32>,
        %swap3A_188 = arith.index_cast %add3A_110 : i32 to index
        %swap3A_189 = arith.constant 400 : index
        %swap3A_190 = tpu.vector_load %arg7[%swap3A_188, %swap3A_189] {strides = array<i32>} : memref<64x1024xf32, #tpu.memory_space<vmem>>, vector<16xf32>,
        tpu.vector_store %arg7[%swap3A_188, %swap3A_189], %broadcast_in_dim3A_1 {strides = array<i32>} : memref<64x1024xf32, #tpu.memory_space<vmem>>, vector<16xf32>,
        %swap3A_191 = arith.index_cast %add3A_110 : i32 to index
        %swap3A_192 = arith.constant 416 : index
        %swap3A_193 = tpu.vector_load %arg7[%swap3A_191, %swap3A_192] {strides = array<i32>} : memref<64x1024xf32, #tpu.memory_space<vmem>>, vector<16xf32>,
        tpu.vector_store %arg7[%swap3A_191, %swap3A_192], %broadcast_in_dim3A_1 {strides = array<i32>} : memref<64x1024xf32, #tpu.memory_space<vmem>>, vector<16xf32>,
        %swap3A_194 = arith.index_cast %add3A_110 : i32 to index
        %swap3A_195 = arith.constant 432 : index
        %swap3A_196 = tpu.vector_load %arg7[%swap3A_194, %swap3A_195] {strides = array<i32>} : memref<64x1024xf32, #tpu.memory_space<vmem>>, vector<16xf32>,
        tpu.vector_store %arg7[%swap3A_194, %swap3A_195], %broadcast_in_dim3A_1 {strides = array<i32>} : memref<64x1024xf32, #tpu.memory_space<vmem>>, vector<16xf32>,
        %swap3A_197 = arith.index_cast %add3A_110 : i32 to index
        %swap3A_198 = arith.constant 448 : index
        %swap3A_199 = tpu.vector_load %arg7[%swap3A_197, %swap3A_198] {strides = array<i32>} : memref<64x1024xf32, #tpu.memory_space<vmem>>, vector<16xf32>,
        tpu.vector_store %arg7[%swap3A_197, %swap3A_198], %broadcast_in_dim3A_1 {strides = array<i32>} : memref<64x1024xf32, #tpu.memory_space<vmem>>, vector<16xf32>,
        %swap3A_200 = arith.index_cast %add3A_110 : i32 to index
        %swap3A_201 = arith.constant 464 : index
        %swap3A_202 = tpu.vector_load %arg7[%swap3A_200, %swap3A_201] {strides = array<i32>} : memref<64x1024xf32, #tpu.memory_space<vmem>>, vector<16xf32>,
        tpu.vector_store %arg7[%swap3A_200, %swap3A_201], %broadcast_in_dim3A_1 {strides = array<i32>} : memref<64x1024xf32, #tpu.memory_space<vmem>>, vector<16xf32>,
        %swap3A_203 = arith.index_cast %add3A_110 : i32 to index
        %swap3A_204 = arith.constant 480 : index
        %swap3A_205 = tpu.vector_load %arg7[%swap3A_203, %swap3A_204] {strides = array<i32>} : memref<64x1024xf32, #tpu.memory_space<vmem>>, vector<16xf32>,
        tpu.vector_store %arg7[%swap3A_203, %swap3A_204], %broadcast_in_dim3A_1 {strides = array<i32>} : memref<64x1024xf32, #tpu.memory_space<vmem>>, vector<16xf32>,
        %swap3A_206 = arith.index_cast %add3A_110 : i32 to index
        %swap3A_207 = arith.constant 496 : index
        %swap3A_208 = tpu.vector_load %arg7[%swap3A_206, %swap3A_207] {strides = array<i32>} : memref<64x1024xf32, #tpu.memory_space<vmem>>, vector<16xf32>,
        tpu.vector_store %arg7[%swap3A_206, %swap3A_207], %broadcast_in_dim3A_1 {strides = array<i32>} : memref<64x1024xf32, #tpu.memory_space<vmem>>, vector<16xf32>,
        %swap3A_209 = arith.index_cast %add3A_110 : i32 to index
        %swap3A_210 = arith.constant 512 : index
        %swap3A_211 = tpu.vector_load %arg7[%swap3A_209, %swap3A_210] {strides = array<i32>} : memref<64x1024xf32, #tpu.memory_space<vmem>>, vector<16xf32>,
        tpu.vector_store %arg7[%swap3A_209, %swap3A_210], %broadcast_in_dim3A_1 {strides = array<i32>} : memref<64x1024xf32, #tpu.memory_space<vmem>>, vector<16xf32>,
        %swap3A_212 = arith.index_cast %add3A_110 : i32 to index
        %swap3A_213 = arith.constant 528 : index
        %swap3A_214 = tpu.vector_load %arg7[%swap3A_212, %swap3A_213] {strides = array<i32>} : memref<64x1024xf32, #tpu.memory_space<vmem>>, vector<16xf32>,
        tpu.vector_store %arg7[%swap3A_212, %swap3A_213], %broadcast_in_dim3A_1 {strides = array<i32>} : memref<64x1024xf32, #tpu.memory_space<vmem>>, vector<16xf32>,
        %swap3A_215 = arith.index_cast %add3A_110 : i32 to index
        %swap3A_216 = arith.constant 544 : index
        %swap3A_217 = tpu.vector_load %arg7[%swap3A_215, %swap3A_216] {strides = array<i32>} : memref<64x1024xf32, #tpu.memory_space<vmem>>, vector<16xf32>,
        tpu.vector_store %arg7[%swap3A_215, %swap3A_216], %broadcast_in_dim3A_1 {strides = array<i32>} : memref<64x1024xf32, #tpu.memory_space<vmem>>, vector<16xf32>,
        %swap3A_218 = arith.index_cast %add3A_110 : i32 to index
        %swap3A_219 = arith.constant 560 : index
        %swap3A_220 = tpu.vector_load %arg7[%swap3A_218, %swap3A_219] {strides = array<i32>} : memref<64x1024xf32, #tpu.memory_space<vmem>>, vector<16xf32>,
        tpu.vector_store %arg7[%swap3A_218, %swap3A_219], %broadcast_in_dim3A_1 {strides = array<i32>} : memref<64x1024xf32, #tpu.memory_space<vmem>>, vector<16xf32>,
        %swap3A_221 = arith.index_cast %add3A_110 : i32 to index
        %swap3A_222 = arith.constant 576 : index
        %swap3A_223 = tpu.vector_load %arg7[%swap3A_221, %swap3A_222] {strides = array<i32>} : memref<64x1024xf32, #tpu.memory_space<vmem>>, vector<16xf32>,
        tpu.vector_store %arg7[%swap3A_221, %swap3A_222], %broadcast_in_dim3A_1 {strides = array<i32>} : memref<64x1024xf32, #tpu.memory_space<vmem>>, vector<16xf32>,
        %swap3A_224 = arith.index_cast %add3A_110 : i32 to index
        %swap3A_225 = arith.constant 592 : index
        %swap3A_226 = tpu.vector_load %arg7[%swap3A_224, %swap3A_225] {strides = array<i32>} : memref<64x1024xf32, #tpu.memory_space<vmem>>, vector<16xf32>,
        tpu.vector_store %arg7[%swap3A_224, %swap3A_225], %broadcast_in_dim3A_1 {strides = array<i32>} : memref<64x1024xf32, #tpu.memory_space<vmem>>, vector<16xf32>,
        %swap3A_227 = arith.index_cast %add3A_110 : i32 to index
        %swap3A_228 = arith.constant 608 : index
        %swap3A_229 = tpu.vector_load %arg7[%swap3A_227, %swap3A_228] {strides = array<i32>} : memref<64x1024xf32, #tpu.memory_space<vmem>>, vector<16xf32>,
        tpu.vector_store %arg7[%swap3A_227, %swap3A_228], %broadcast_in_dim3A_1 {strides = array<i32>} : memref<64x1024xf32, #tpu.memory_space<vmem>>, vector<16xf32>,
        %swap3A_230 = arith.index_cast %add3A_110 : i32 to index
        %swap3A_231 = arith.constant 624 : index
        %swap3A_232 = tpu.vector_load %arg7[%swap3A_230, %swap3A_231] {strides = array<i32>} : memref<64x1024xf32, #tpu.memory_space<vmem>>, vector<16xf32>,
        tpu.vector_store %arg7[%swap3A_230, %swap3A_231], %broadcast_in_dim3A_1 {strides = array<i32>} : memref<64x1024xf32, #tpu.memory_space<vmem>>, vector<16xf32>,
        %swap3A_233 = arith.index_cast %add3A_110 : i32 to index
        %swap3A_234 = arith.constant 640 : index
        %swap3A_235 = tpu.vector_load %arg7[%swap3A_233, %swap3A_234] {strides = array<i32>} : memref<64x1024xf32, #tpu.memory_space<vmem>>, vector<16xf32>,
        tpu.vector_store %arg7[%swap3A_233, %swap3A_234], %broadcast_in_dim3A_1 {strides = array<i32>} : memref<64x1024xf32, #tpu.memory_space<vmem>>, vector<16xf32>,
        %swap3A_236 = arith.index_cast %add3A_110 : i32 to index
        %swap3A_237 = arith.constant 656 : index
        %swap3A_238 = tpu.vector_load %arg7[%swap3A_236, %swap3A_237] {strides = array<i32>} : memref<64x1024xf32, #tpu.memory_space<vmem>>, vector<16xf32>,
        tpu.vector_store %arg7[%swap3A_236, %swap3A_237], %broadcast_in_dim3A_1 {strides = array<i32>} : memref<64x1024xf32, #tpu.memory_space<vmem>>, vector<16xf32>,
        %swap3A_239 = arith.index_cast %add3A_110 : i32 to index
        %swap3A_240 = arith.constant 672 : index
        %swap3A_241 = tpu.vector_load %arg7[%swap3A_239, %swap3A_240] {strides = array<i32>} : memref<64x1024xf32, #tpu.memory_space<vmem>>, vector<16xf32>,
        tpu.vector_store %arg7[%swap3A_239, %swap3A_240], %broadcast_in_dim3A_1 {strides = array<i32>} : memref<64x1024xf32, #tpu.memory_space<vmem>>, vector<16xf32>,
        %swap3A_242 = arith.index_cast %add3A_110 : i32 to index
        %swap3A_243 = arith.constant 688 : index
        %swap3A_244 = tpu.vector_load %arg7[%swap3A_242, %swap3A_243] {strides = array<i32>} : memref<64x1024xf32, #tpu.memory_space<vmem>>, vector<16xf32>,
        tpu.vector_store %arg7[%swap3A_242, %swap3A_243], %broadcast_in_dim3A_1 {strides = array<i32>} : memref<64x1024xf32, #tpu.memory_space<vmem>>, vector<16xf32>,
        %swap3A_245 = arith.index_cast %add3A_110 : i32 to index
        %swap3A_246 = arith.constant 704 : index
        %swap3A_247 = tpu.vector_load %arg7[%swap3A_245, %swap3A_246] {strides = array<i32>} : memref<64x1024xf32, #tpu.memory_space<vmem>>, vector<16xf32>,
        tpu.vector_store %arg7[%swap3A_245, %swap3A_246], %broadcast_in_dim3A_1 {strides = array<i32>} : memref<64x1024xf32, #tpu.memory_space<vmem>>, vector<16xf32>,
        %swap3A_248 = arith.index_cast %add3A_110 : i32 to index
        %swap3A_249 = arith.constant 720 : index
        %swap3A_250 = tpu.vector_load %arg7[%swap3A_248, %swap3A_249] {strides = array<i32>} : memref<64x1024xf32, #tpu.memory_space<vmem>>, vector<16xf32>,
        tpu.vector_store %arg7[%swap3A_248, %swap3A_249], %broadcast_in_dim3A_1 {strides = array<i32>} : memref<64x1024xf32, #tpu.memory_space<vmem>>, vector<16xf32>,
        %swap3A_251 = arith.index_cast %add3A_110 : i32 to index
        %swap3A_252 = arith.constant 736 : index
        %swap3A_253 = tpu.vector_load %arg7[%swap3A_251, %swap3A_252] {strides = array<i32>} : memref<64x1024xf32, #tpu.memory_space<vmem>>, vector<16xf32>,
        tpu.vector_store %arg7[%swap3A_251, %swap3A_252], %broadcast_in_dim3A_1 {strides = array<i32>} : memref<64x1024xf32, #tpu.memory_space<vmem>>, vector<16xf32>,
        %swap3A_254 = arith.index_cast %add3A_110 : i32 to index
        %swap3A_255 = arith.constant 752 : index
        %swap3A_256 = tpu.vector_load %arg7[%swap3A_254, %swap3A_255] {strides = array<i32>} : memref<64x1024xf32, #tpu.memory_space<vmem>>, vector<16xf32>,
        tpu.vector_store %arg7[%swap3A_254, %swap3A_255], %broadcast_in_dim3A_1 {strides = array<i32>} : memref<64x1024xf32, #tpu.memory_space<vmem>>, vector<16xf32>,
        %swap3A_257 = arith.index_cast %add3A_110 : i32 to index
        %swap3A_258 = arith.constant 768 : index
        %swap3A_259 = tpu.vector_load %arg7[%swap3A_257, %swap3A_258] {strides = array<i32>} : memref<64x1024xf32, #tpu.memory_space<vmem>>, vector<16xf32>,
        tpu.vector_store %arg7[%swap3A_257, %swap3A_258], %broadcast_in_dim3A_1 {strides = array<i32>} : memref<64x1024xf32, #tpu.memory_space<vmem>>, vector<16xf32>,
        %swap3A_260 = arith.index_cast %add3A_110 : i32 to index
        %swap3A_261 = arith.constant 784 : index
        %swap3A_262 = tpu.vector_load %arg7[%swap3A_260, %swap3A_261] {strides = array<i32>} : memref<64x1024xf32, #tpu.memory_space<vmem>>, vector<16xf32>,
        tpu.vector_store %arg7[%swap3A_260, %swap3A_261], %broadcast_in_dim3A_1 {strides = array<i32>} : memref<64x1024xf32, #tpu.memory_space<vmem>>, vector<16xf32>,
        %swap3A_263 = arith.index_cast %add3A_110 : i32 to index
        %swap3A_264 = arith.constant 800 : index
        %swap3A_265 = tpu.vector_load %arg7[%swap3A_263, %swap3A_264] {strides = array<i32>} : memref<64x1024xf32, #tpu.memory_space<vmem>>, vector<16xf32>,
        tpu.vector_store %arg7[%swap3A_263, %swap3A_264], %broadcast_in_dim3A_1 {strides = array<i32>} : memref<64x1024xf32, #tpu.memory_space<vmem>>, vector<16xf32>,
        %swap3A_266 = arith.index_cast %add3A_110 : i32 to index
        %swap3A_267 = arith.constant 816 : index
        %swap3A_268 = tpu.vector_load %arg7[%swap3A_266, %swap3A_267] {strides = array<i32>} : memref<64x1024xf32, #tpu.memory_space<vmem>>, vector<16xf32>,
        tpu.vector_store %arg7[%swap3A_266, %swap3A_267], %broadcast_in_dim3A_1 {strides = array<i32>} : memref<64x1024xf32, #tpu.memory_space<vmem>>, vector<16xf32>,
        %swap3A_269 = arith.index_cast %add3A_110 : i32 to index
        %swap3A_270 = arith.constant 832 : index
        %swap3A_271 = tpu.vector_load %arg7[%swap3A_269, %swap3A_270] {strides = array<i32>} : memref<64x1024xf32, #tpu.memory_space<vmem>>, vector<16xf32>,
        tpu.vector_store %arg7[%swap3A_269, %swap3A_270], %broadcast_in_dim3A_1 {strides = array<i32>} : memref<64x1024xf32, #tpu.memory_space<vmem>>, vector<16xf32>,
        %swap3A_272 = arith.index_cast %add3A_110 : i32 to index
        %swap3A_273 = arith.constant 848 : index
        %swap3A_274 = tpu.vector_load %arg7[%swap3A_272, %swap3A_273] {strides = array<i32>} : memref<64x1024xf32, #tpu.memory_space<vmem>>, vector<16xf32>,
        tpu.vector_store %arg7[%swap3A_272, %swap3A_273], %broadcast_in_dim3A_1 {strides = array<i32>} : memref<64x1024xf32, #tpu.memory_space<vmem>>, vector<16xf32>,
        %swap3A_275 = arith.index_cast %add3A_110 : i32 to index
        %swap3A_276 = arith.constant 864 : index
        %swap3A_277 = tpu.vector_load %arg7[%swap3A_275, %swap3A_276] {strides = array<i32>} : memref<64x1024xf32, #tpu.memory_space<vmem>>, vector<16xf32>,
        tpu.vector_store %arg7[%swap3A_275, %swap3A_276], %broadcast_in_dim3A_1 {strides = array<i32>} : memref<64x1024xf32, #tpu.memory_space<vmem>>, vector<16xf32>,
        %swap3A_278 = arith.index_cast %add3A_110 : i32 to index
        %swap3A_279 = arith.constant 880 : index
        %swap3A_280 = tpu.vector_load %arg7[%swap3A_278, %swap3A_279] {strides = array<i32>} : memref<64x1024xf32, #tpu.memory_space<vmem>>, vector<16xf32>,
        tpu.vector_store %arg7[%swap3A_278, %swap3A_279], %broadcast_in_dim3A_1 {strides = array<i32>} : memref<64x1024xf32, #tpu.memory_space<vmem>>, vector<16xf32>,
        %swap3A_281 = arith.index_cast %add3A_110 : i32 to index
        %swap3A_282 = arith.constant 896 : index
        %swap3A_283 = tpu.vector_load %arg7[%swap3A_281, %swap3A_282] {strides = array<i32>} : memref<64x1024xf32, #tpu.memory_space<vmem>>, vector<16xf32>,
        tpu.vector_store %arg7[%swap3A_281, %swap3A_282], %broadcast_in_dim3A_1 {strides = array<i32>} : memref<64x1024xf32, #tpu.memory_space<vmem>>, vector<16xf32>,
        %swap3A_284 = arith.index_cast %add3A_110 : i32 to index
        %swap3A_285 = arith.constant 912 : index
        %swap3A_286 = tpu.vector_load %arg7[%swap3A_284, %swap3A_285] {strides = array<i32>} : memref<64x1024xf32, #tpu.memory_space<vmem>>, vector<16xf32>,
        tpu.vector_store %arg7[%swap3A_284, %swap3A_285], %broadcast_in_dim3A_1 {strides = array<i32>} : memref<64x1024xf32, #tpu.memory_space<vmem>>, vector<16xf32>,
        %swap3A_287 = arith.index_cast %add3A_110 : i32 to index
        %swap3A_288 = arith.constant 928 : index
        %swap3A_289 = tpu.vector_load %arg7[%swap3A_287, %swap3A_288] {strides = array<i32>} : memref<64x1024xf32, #tpu.memory_space<vmem>>, vector<16xf32>,
        tpu.vector_store %arg7[%swap3A_287, %swap3A_288], %broadcast_in_dim3A_1 {strides = array<i32>} : memref<64x1024xf32, #tpu.memory_space<vmem>>, vector<16xf32>,
        %swap3A_290 = arith.index_cast %add3A_110 : i32 to index
        %swap3A_291 = arith.constant 944 : index
        %swap3A_292 = tpu.vector_load %arg7[%swap3A_290, %swap3A_291] {strides = array<i32>} : memref<64x1024xf32, #tpu.memory_space<vmem>>, vector<16xf32>,
        tpu.vector_store %arg7[%swap3A_290, %swap3A_291], %broadcast_in_dim3A_1 {strides = array<i32>} : memref<64x1024xf32, #tpu.memory_space<vmem>>, vector<16xf32>,
        %swap3A_293 = arith.index_cast %add3A_110 : i32 to index
        %swap3A_294 = arith.constant 960 : index
        %swap3A_295 = tpu.vector_load %arg7[%swap3A_293, %swap3A_294] {strides = array<i32>} : memref<64x1024xf32, #tpu.memory_space<vmem>>, vector<16xf32>,
        tpu.vector_store %arg7[%swap3A_293, %swap3A_294], %broadcast_in_dim3A_1 {strides = array<i32>} : memref<64x1024xf32, #tpu.memory_space<vmem>>, vector<16xf32>,
        %swap3A_296 = arith.index_cast %add3A_110 : i32 to index
        %swap3A_297 = arith.constant 976 : index
        %swap3A_298 = tpu.vector_load %arg7[%swap3A_296, %swap3A_297] {strides = array<i32>} : memref<64x1024xf32, #tpu.memory_space<vmem>>, vector<16xf32>,
        tpu.vector_store %arg7[%swap3A_296, %swap3A_297], %broadcast_in_dim3A_1 {strides = array<i32>} : memref<64x1024xf32, #tpu.memory_space<vmem>>, vector<16xf32>,
        %swap3A_299 = arith.index_cast %add3A_110 : i32 to index
        %swap3A_300 = arith.constant 992 : index
        %swap3A_301 = tpu.vector_load %arg7[%swap3A_299, %swap3A_300] {strides = array<i32>} : memref<64x1024xf32, #tpu.memory_space<vmem>>, vector<16xf32>,
        tpu.vector_store %arg7[%swap3A_299, %swap3A_300], %broadcast_in_dim3A_1 {strides = array<i32>} : memref<64x1024xf32, #tpu.memory_space<vmem>>, vector<16xf32>,
        %swap3A_302 = arith.index_cast %add3A_110 : i32 to index
        %swap3A_303 = arith.constant 1008 : index
        %swap3A_304 = tpu.vector_load %arg7[%swap3A_302, %swap3A_303] {strides = array<i32>} : memref<64x1024xf32, #tpu.memory_space<vmem>>, vector<16xf32>,
        tpu.vector_store %arg7[%swap3A_302, %swap3A_303], %broadcast_in_dim3A_1 {strides = array<i32>} : memref<64x1024xf32, #tpu.memory_space<vmem>>, vector<16xf32>,
      }
      %scan3A_24 = arith.constant 64 : i32
      %dma_start3A = arith.constant 0 : i32
      %dma_start3A_25 = arith.constant 0 : i32
      %dma_start3A_26 = arith.constant 0 : i32
      %dma_start3A_27 = arith.constant 0 : i32
      %dma_start3A_28 = tpu.memref_slice %arg10[%dma_start3A_25, %dma_start3A_26, %dma_start3A_27] : memref<2x2x4608xi32, #tpu.memory_space<vmem>> -> memref<1x2x4608xi32, #tpu.memory_space<vmem>>
      %dma_start3A_29 = tpu.memref_squeeze %dma_start3A_28 : memref<1x2x4608xi32, #tpu.memory_space<vmem>> -> memref<2x4608xi32, #tpu.memory_space<vmem>>
      %dma_start3A_30 = arith.constant 0 : i32
      %dma_start3A_31 = arith.constant 0 : i32
      %dma_start3A_32 = tpu.memref_slice %arg4[%dma_start3A, %dma_start3A_30, %dma_start3A_31] : memref<8x2x4608xi32, #tpu.memory_space<hbm>> -> memref<1x2x4608xi32, #tpu.memory_space<hbm>>
      %dma_start3A_33 = tpu.memref_squeeze %dma_start3A_32 : memref<1x2x4608xi32, #tpu.memory_space<hbm>> -> memref<2x4608xi32, #tpu.memory_space<hbm>>
      %dma_start3A_34 = arith.constant 0 : i32
      %dma_start3A_35 = arith.constant 0 : i32
      %dma_start3A_36 = tpu.memref_slice %arg10[%dma_start3A_25, %dma_start3A_34, %dma_start3A_35] : memref<2x2x4608xi32, #tpu.memory_space<vmem>> -> memref<1x2x4608xi32, #tpu.memory_space<vmem>>
      %dma_start3A_37 = tpu.memref_squeeze %dma_start3A_36 : memref<1x2x4608xi32, #tpu.memory_space<vmem>> -> memref<2x4608xi32, #tpu.memory_space<vmem>>
      %dma_start3A_38 = arith.constant 0 : i32
      %dma_start3A_39 = arith.constant 0 : i32
      %dma_start3A_40 = tpu.memref_slice %arg4[%dma_start3A, %dma_start3A_38, %dma_start3A_39] : memref<8x2x4608xi32, #tpu.memory_space<hbm>> -> memref<1x2x4608xi32, #tpu.memory_space<hbm>>
      %dma_start3A_41 = tpu.memref_squeeze %dma_start3A_40 : memref<1x2x4608xi32, #tpu.memory_space<hbm>> -> memref<2x4608xi32, #tpu.memory_space<hbm>>
      tpu.enqueue_dma source(%dma_start3A_41 : memref<2x4608xi32, #tpu.memory_space<hbm>>) target(%dma_start3A_37 : memref<2x4608xi32, #tpu.memory_space<vmem>>) target_semaphore(%arg16 : memref<!tpu.dma_semaphore, #tpu.memory_space<semaphore_mem>>)
      %min3A = arith.constant 1 : i32
      %min3A_42 = arith.constant 7 : i32
      %min3A_43 = arith.minsi %min3A, %min3A_42 : i32
      %dma_start3A_44 = arith.constant 1 : i32
      %dma_start3A_45 = arith.constant 0 : i32
      %dma_start3A_46 = arith.constant 0 : i32
      %dma_start3A_47 = tpu.memref_slice %arg10[%dma_start3A_44, %dma_start3A_45, %dma_start3A_46] : memref<2x2x4608xi32, #tpu.memory_space<vmem>> -> memref<1x2x4608xi32, #tpu.memory_space<vmem>>
      %dma_start3A_48 = tpu.memref_squeeze %dma_start3A_47 : memref<1x2x4608xi32, #tpu.memory_space<vmem>> -> memref<2x4608xi32, #tpu.memory_space<vmem>>
      %dma_start3A_49 = arith.constant 0 : i32
      %dma_start3A_50 = arith.constant 0 : i32
      %dma_start3A_51 = tpu.memref_slice %arg4[%min3A_43, %dma_start3A_49, %dma_start3A_50] : memref<8x2x4608xi32, #tpu.memory_space<hbm>> -> memref<1x2x4608xi32, #tpu.memory_space<hbm>>
      %dma_start3A_52 = tpu.memref_squeeze %dma_start3A_51 : memref<1x2x4608xi32, #tpu.memory_space<hbm>> -> memref<2x4608xi32, #tpu.memory_space<hbm>>
      %dma_start3A_53 = arith.constant 0 : i32
      %dma_start3A_54 = arith.constant 0 : i32
      %dma_start3A_55 = tpu.memref_slice %arg10[%dma_start3A_44, %dma_start3A_53, %dma_start3A_54] : memref<2x2x4608xi32, #tpu.memory_space<vmem>> -> memref<1x2x4608xi32, #tpu.memory_space<vmem>>
      %dma_start3A_56 = tpu.memref_squeeze %dma_start3A_55 : memref<1x2x4608xi32, #tpu.memory_space<vmem>> -> memref<2x4608xi32, #tpu.memory_space<vmem>>
      %dma_start3A_57 = arith.constant 0 : i32
      %dma_start3A_58 = arith.constant 0 : i32
      %dma_start3A_59 = tpu.memref_slice %arg4[%min3A_43, %dma_start3A_57, %dma_start3A_58] : memref<8x2x4608xi32, #tpu.memory_space<hbm>> -> memref<1x2x4608xi32, #tpu.memory_space<hbm>>
      %dma_start3A_60 = tpu.memref_squeeze %dma_start3A_59 : memref<1x2x4608xi32, #tpu.memory_space<hbm>> -> memref<2x4608xi32, #tpu.memory_space<hbm>>
      tpu.enqueue_dma source(%dma_start3A_60 : memref<2x4608xi32, #tpu.memory_space<hbm>>) target(%dma_start3A_56 : memref<2x4608xi32, #tpu.memory_space<vmem>>) target_semaphore(%arg17 : memref<!tpu.dma_semaphore, #tpu.memory_space<semaphore_mem>>)
      %scan3A_61 = arith.constant 0 : i32
      %scan3A_62 = arith.constant 8 : i32
      %scan3A_63 = arith.addi %scan3A_61, %scan3A_62 : i32
      %scan3A_64 = arith.constant 1 : i32
      scf.for %scan3A_106 = %scan3A_61 to %scan3A_63 step %scan3A_64  : i32 {
        %mul3A_107 = arith.constant 1 : i32
        %mul3A_108 = arith.muli %scan3A_106, %mul3A_107 : i32
        %add3A_109 = arith.constant 0 : i32
        %add3A_110 = arith.addi %add3A_109, %mul3A_108 : i32
        %and3A = arith.constant 1 : i32
        %and3A_111 = arith.andi %add3A_110, %and3A : i32
        %eq3A = arith.constant 0 : i32
        %eq3A_112 = arith.cmpi eq, %and3A_111, %eq3A : i32
        %convert_element_type3A = arith.extui %eq3A_112 : i1 to i32
        %cond3A = arith.constant 0 : i32
        %cond3A_113 = arith.cmpi ne, %convert_element_type3A, %cond3A : i32
        scf.if %cond3A_113 {
          %dma_wait3A_263 = arith.constant 0 : i32
          %dma_wait3A_264 = arith.constant 0 : i32
          %dma_wait3A_265 = arith.constant 0 : i32
          %dma_wait3A_266 = arith.constant 0 : i32
          %dma_wait3A_267 = tpu.memref_slice %arg10[%dma_wait3A_264, %dma_wait3A_265, %dma_wait3A_266] : memref<2x2x4608xi32, #tpu.memory_space<vmem>> -> memref<1x2x4608xi32, #tpu.memory_space<vmem>>
          %dma_wait3A_268 = tpu.memref_squeeze %dma_wait3A_267 : memref<1x2x4608xi32, #tpu.memory_space<vmem>> -> memref<2x4608xi32, #tpu.memory_space<vmem>>
          %dma_wait3A_269 = arith.constant 0 : i32
          %dma_wait3A_270 = arith.constant 0 : i32
          %dma_wait3A_271 = tpu.memref_slice %arg4[%dma_wait3A_263, %dma_wait3A_269, %dma_wait3A_270] : memref<8x2x4608xi32, #tpu.memory_space<hbm>> -> memref<1x2x4608xi32, #tpu.memory_space<hbm>>
          %dma_wait3A_272 = tpu.memref_squeeze %dma_wait3A_271 : memref<1x2x4608xi32, #tpu.memory_space<hbm>> -> memref<2x4608xi32, #tpu.memory_space<hbm>>
          %dma_wait3A_273 = arith.constant 0 : i32
          %dma_wait3A_274 = arith.constant 0 : i32
          %dma_wait3A_275 = tpu.memref_slice %arg10[%dma_wait3A_264, %dma_wait3A_273, %dma_wait3A_274] : memref<2x2x4608xi32, #tpu.memory_space<vmem>> -> memref<1x2x4608xi32, #tpu.memory_space<vmem>>
          %dma_wait3A_276 = tpu.memref_squeeze %dma_wait3A_275 : memref<1x2x4608xi32, #tpu.memory_space<vmem>> -> memref<2x4608xi32, #tpu.memory_space<vmem>>
          %dma_wait3A_277 = arith.constant 0 : i32
          %dma_wait3A_278 = arith.constant 0 : i32
          %dma_wait3A_279 = tpu.memref_slice %arg4[%dma_wait3A_263, %dma_wait3A_277, %dma_wait3A_278] : memref<8x2x4608xi32, #tpu.memory_space<hbm>> -> memref<1x2x4608xi32, #tpu.memory_space<hbm>>
          %dma_wait3A_280 = tpu.memref_squeeze %dma_wait3A_279 : memref<1x2x4608xi32, #tpu.memory_space<hbm>> -> memref<2x4608xi32, #tpu.memory_space<hbm>>
          tpu.wait_dma2 semaphore(%arg16 : memref<!tpu.dma_semaphore, #tpu.memory_space<semaphore_mem>>) src(%dma_wait3A_280 : memref<2x4608xi32, #tpu.memory_space<hbm>>) dst(%dma_wait3A_276 : memref<2x4608xi32, #tpu.memory_space<vmem>>)
        } else {
        }
        %eq3A_114 = arith.constant 1 : i32
        %eq3A_115 = arith.cmpi eq, %and3A_111, %eq3A_114 : i32
        %convert_element_type3A_116 = arith.extui %eq3A_115 : i1 to i32
        %cond3A_117 = arith.constant 0 : i32
        %cond3A_118 = arith.cmpi ne, %convert_element_type3A_116, %cond3A_117 : i32
        scf.if %cond3A_118 {
          %dma_wait3A_263 = arith.constant 0 : i32
          %dma_wait3A_264 = arith.constant 1 : i32
          %dma_wait3A_265 = arith.constant 0 : i32
          %dma_wait3A_266 = arith.constant 0 : i32
          %dma_wait3A_267 = tpu.memref_slice %arg10[%dma_wait3A_264, %dma_wait3A_265, %dma_wait3A_266] : memref<2x2x4608xi32, #tpu.memory_space<vmem>> -> memref<1x2x4608xi32, #tpu.memory_space<vmem>>
          %dma_wait3A_268 = tpu.memref_squeeze %dma_wait3A_267 : memref<1x2x4608xi32, #tpu.memory_space<vmem>> -> memref<2x4608xi32, #tpu.memory_space<vmem>>
          %dma_wait3A_269 = arith.constant 0 : i32
          %dma_wait3A_270 = arith.constant 0 : i32
          %dma_wait3A_271 = tpu.memref_slice %arg4[%dma_wait3A_263, %dma_wait3A_269, %dma_wait3A_270] : memref<8x2x4608xi32, #tpu.memory_space<hbm>> -> memref<1x2x4608xi32, #tpu.memory_space<hbm>>
          %dma_wait3A_272 = tpu.memref_squeeze %dma_wait3A_271 : memref<1x2x4608xi32, #tpu.memory_space<hbm>> -> memref<2x4608xi32, #tpu.memory_space<hbm>>
          %dma_wait3A_273 = arith.constant 0 : i32
          %dma_wait3A_274 = arith.constant 0 : i32
          %dma_wait3A_275 = tpu.memref_slice %arg10[%dma_wait3A_264, %dma_wait3A_273, %dma_wait3A_274] : memref<2x2x4608xi32, #tpu.memory_space<vmem>> -> memref<1x2x4608xi32, #tpu.memory_space<vmem>>
          %dma_wait3A_276 = tpu.memref_squeeze %dma_wait3A_275 : memref<1x2x4608xi32, #tpu.memory_space<vmem>> -> memref<2x4608xi32, #tpu.memory_space<vmem>>
          %dma_wait3A_277 = arith.constant 0 : i32
          %dma_wait3A_278 = arith.constant 0 : i32
          %dma_wait3A_279 = tpu.memref_slice %arg4[%dma_wait3A_263, %dma_wait3A_277, %dma_wait3A_278] : memref<8x2x4608xi32, #tpu.memory_space<hbm>> -> memref<1x2x4608xi32, #tpu.memory_space<hbm>>
          %dma_wait3A_280 = tpu.memref_squeeze %dma_wait3A_279 : memref<1x2x4608xi32, #tpu.memory_space<hbm>> -> memref<2x4608xi32, #tpu.memory_space<hbm>>
          tpu.wait_dma2 semaphore(%arg17 : memref<!tpu.dma_semaphore, #tpu.memory_space<semaphore_mem>>) src(%dma_wait3A_280 : memref<2x4608xi32, #tpu.memory_space<hbm>>) dst(%dma_wait3A_276 : memref<2x4608xi32, #tpu.memory_space<vmem>>)
        } else {
        }
        %mul3A_119 = arith.constant 4608 : i32
        %mul3A_120 = arith.muli %add3A_110, %mul3A_119 : i32
        %eq3A_121 = arith.constant 0 : i32
        %eq3A_122 = arith.cmpi eq, %and3A_111, %eq3A_121 : i32
        %convert_element_type3A_123 = arith.extui %eq3A_122 : i1 to i32
        %cond3A_124 = arith.constant 0 : i32
        %cond3A_125 = arith.cmpi ne, %convert_element_type3A_123, %cond3A_124 : i32
        scf.if %cond3A_125 {
          %scan3A_263 = arith.constant 0 : i32
          %scan3A_264 = arith.constant 0 : i32
          %scan3A_265 = arith.constant 288 : i32
          %scan3A_266 = arith.addi %scan3A_264, %scan3A_265 : i32
          %scan3A_267 = arith.constant 1 : i32
          %scan3A_268 = scf.for %scan3A_273 = %scan3A_264 to %scan3A_266 step %scan3A_267 iter_args(%scan3A_274 = %scan3A_263) -> (i32)  : i32 {
            %mul3A_275 = arith.constant 16 : i32
            %mul3A_276 = arith.muli %scan3A_273, %mul3A_275 : i32
            %get3A_277 = arith.constant 0 : i32
            %get3A_278 = arith.constant 0 : i32
            %get3A_279 = arith.index_cast %get3A_277 : i32 to index
            %get3A_280 = arith.index_cast %get3A_278 : i32 to index
            %get3A_281 = arith.index_cast %mul3A_276 : i32 to index
            %get3A_282 = tpu.vector_load %arg10[%get3A_279, %get3A_280, %get3A_281] {strides = array<i32>} : memref<2x2x4608xi32, #tpu.memory_space<vmem>>, vector<16xi32>,
            %mul3A_283 = arith.constant 16 : i32
            %mul3A_284 = arith.muli %scan3A_273, %mul3A_283 : i32
            %get3A_285 = arith.constant 0 : i32
            %get3A_286 = arith.constant 1 : i32
            %get3A_287 = arith.index_cast %get3A_285 : i32 to index
            %get3A_288 = arith.index_cast %get3A_286 : i32 to index
            %get3A_289 = arith.index_cast %mul3A_284 : i32 to index
            %get3A_290 = tpu.vector_load %arg10[%get3A_287, %get3A_288, %get3A_289] {strides = array<i32>} : memref<2x2x4608xi32, #tpu.memory_space<vmem>>, vector<16xi32>,
            %mul3A_291 = arith.constant 16 : i32
            %mul3A_292 = arith.muli %scan3A_273, %mul3A_291 : i32
            %add3A_293 = arith.addi %mul3A_120, %mul3A_292 : i32
            %broadcast_in_dim3A_294 = vector.broadcast %add3A_293 : i32 to vector<16xi32>
            %add3A_295 = arith.addi %broadcast_in_dim3A_294, %iota3A : vector<16xi32>
            %ge3A = arith.constant 32768 : i32
            %ge3A_296 = vector.broadcast %ge3A : i32 to vector<16xi32>
            %ge3A_297 = arith.cmpi sge, %add3A_295, %ge3A_296 : vector<16xi32>
            %ne3A_298 = arith.cmpi ne, %get3A_282, %get3A_290 : vector<16xi32>
            %or3A = arith.ori %ge3A_297, %ne3A_298 : vector<16xi1>
            %ge3A_299 = vector.broadcast %add3A_19 : i32 to vector<16xi32>
            %ge3A_300 = arith.cmpi sge, %get3A_290, %ge3A_299 : vector<16xi32>
            %add3A_301 = arith.constant 64 : i32
            %add3A_302 = arith.addi %add3A_19, %add3A_301 : i32
            %lt3A = vector.broadcast %add3A_302 : i32 to vector<16xi32>
            %lt3A_303 = arith.cmpi slt, %get3A_290, %lt3A : vector<16xi32>
            %and3A_304 = arith.andi %ge3A_300, %lt3A_303 : vector<16xi1>
            %and3A_305 = arith.andi %or3A, %and3A_304 : vector<16xi1>
            %swap3A_306 = arith.index_cast %scan3A_274 : i32 to index
            %swap3A_307 = tpu.vector_load %arg11[%swap3A_306] masked %and3A_305 {strides = array<i32>} : memref<4656xi32, #tpu.memory_space<vmem>>, vector<16xi32>, vector<16xi1>
            tpu.vector_store %arg11[%swap3A_306], %get3A_282 masked %and3A_305 {strides = array<i32>} : memref<4656xi32, #tpu.memory_space<vmem>>, vector<16xi32>, vector<16xi1>
            %swap3A_308 = arith.index_cast %scan3A_274 : i32 to index
            %swap3A_309 = tpu.vector_load %arg12[%swap3A_308] masked %and3A_305 {strides = array<i32>} : memref<4656xi32, #tpu.memory_space<vmem>>, vector<16xi32>, vector<16xi1>
            tpu.vector_store %arg12[%swap3A_308], %get3A_290 masked %and3A_305 {strides = array<i32>} : memref<4656xi32, #tpu.memory_space<vmem>>, vector<16xi32>, vector<16xi1>
            %all_reduce_population_count3A = tpu.all_reduce %and3A_305 {dim = 0 : i64, kind = #tpu.reduction_kind<sum>} : vector<16xi1> -> vector<16xi32>
            %reduce_max3A = arith.constant true
            %reduce_max3A_310 = vector.broadcast %reduce_max3A : i1 to vector<16xi1>
            %reduce_max3A_311 = arith.constant -2147483648 : i32
            %reduce_max3A_312 = vector.broadcast %reduce_max3A_311 : i32 to vector<16xi32>
            %reduce_max3A_313 = arith.xori %all_reduce_population_count3A, %reduce_max3A_312 : vector<16xi32>
            %reduce_max3A_314 = tpu.scan <max>, %reduce_max3A_313 masked %reduce_max3A_310 : vector<16xi32>, vector<16xi1> -> vector<16xi32>
            %reduce_max3A_315 = arith.xori %reduce_max3A_314, %reduce_max3A_312 : vector<16xi32>
            %reduce_max3A_316 = vector.extract %reduce_max3A_315[15] : i32 from vector<16xi32>
            %add3A_317 = arith.addi %scan3A_274, %reduce_max3A_316 : i32
            scf.yield %add3A_317 : i32
          }
          %scan3A_269 = arith.constant 288 : i32
          %swap3A_270 = arith.constant 0 : i32
          %swap3A_271 = arith.index_cast %swap3A_270 : i32 to index
          %swap3A_272 = memref.load %arg15[%swap3A_271] : memref<1xi32, #tpu.memory_space<smem>>
          memref.store %scan3A_268, %arg15[%swap3A_271] : memref<1xi32, #tpu.memory_space<smem>>
        } else {
        }
        %eq3A_126 = arith.constant 1 : i32
        %eq3A_127 = arith.cmpi eq, %and3A_111, %eq3A_126 : i32
        %convert_element_type3A_128 = arith.extui %eq3A_127 : i1 to i32
        %cond3A_129 = arith.constant 0 : i32
        %cond3A_130 = arith.cmpi ne, %convert_element_type3A_128, %cond3A_129 : i32
        scf.if %cond3A_130 {
          %scan3A_263 = arith.constant 0 : i32
          %scan3A_264 = arith.constant 0 : i32
          %scan3A_265 = arith.constant 288 : i32
          %scan3A_266 = arith.addi %scan3A_264, %scan3A_265 : i32
          %scan3A_267 = arith.constant 1 : i32
          %scan3A_268 = scf.for %scan3A_273 = %scan3A_264 to %scan3A_266 step %scan3A_267 iter_args(%scan3A_274 = %scan3A_263) -> (i32)  : i32 {
            %mul3A_275 = arith.constant 16 : i32
            %mul3A_276 = arith.muli %scan3A_273, %mul3A_275 : i32
            %get3A_277 = arith.constant 1 : i32
            %get3A_278 = arith.constant 0 : i32
            %get3A_279 = arith.index_cast %get3A_277 : i32 to index
            %get3A_280 = arith.index_cast %get3A_278 : i32 to index
            %get3A_281 = arith.index_cast %mul3A_276 : i32 to index
            %get3A_282 = tpu.vector_load %arg10[%get3A_279, %get3A_280, %get3A_281] {strides = array<i32>} : memref<2x2x4608xi32, #tpu.memory_space<vmem>>, vector<16xi32>,
            %mul3A_283 = arith.constant 16 : i32
            %mul3A_284 = arith.muli %scan3A_273, %mul3A_283 : i32
            %get3A_285 = arith.constant 1 : i32
            %get3A_286 = arith.constant 1 : i32
            %get3A_287 = arith.index_cast %get3A_285 : i32 to index
            %get3A_288 = arith.index_cast %get3A_286 : i32 to index
            %get3A_289 = arith.index_cast %mul3A_284 : i32 to index
            %get3A_290 = tpu.vector_load %arg10[%get3A_287, %get3A_288, %get3A_289] {strides = array<i32>} : memref<2x2x4608xi32, #tpu.memory_space<vmem>>, vector<16xi32>,
            %mul3A_291 = arith.constant 16 : i32
            %mul3A_292 = arith.muli %scan3A_273, %mul3A_291 : i32
            %add3A_293 = arith.addi %mul3A_120, %mul3A_292 : i32
            %broadcast_in_dim3A_294 = vector.broadcast %add3A_293 : i32 to vector<16xi32>
            %add3A_295 = arith.addi %broadcast_in_dim3A_294, %iota3A : vector<16xi32>
            %ge3A = arith.constant 32768 : i32
            %ge3A_296 = vector.broadcast %ge3A : i32 to vector<16xi32>
            %ge3A_297 = arith.cmpi sge, %add3A_295, %ge3A_296 : vector<16xi32>
            %ne3A_298 = arith.cmpi ne, %get3A_282, %get3A_290 : vector<16xi32>
            %or3A = arith.ori %ge3A_297, %ne3A_298 : vector<16xi1>
            %ge3A_299 = vector.broadcast %add3A_19 : i32 to vector<16xi32>
            %ge3A_300 = arith.cmpi sge, %get3A_290, %ge3A_299 : vector<16xi32>
            %add3A_301 = arith.constant 64 : i32
            %add3A_302 = arith.addi %add3A_19, %add3A_301 : i32
            %lt3A = vector.broadcast %add3A_302 : i32 to vector<16xi32>
            %lt3A_303 = arith.cmpi slt, %get3A_290, %lt3A : vector<16xi32>
            %and3A_304 = arith.andi %ge3A_300, %lt3A_303 : vector<16xi1>
            %and3A_305 = arith.andi %or3A, %and3A_304 : vector<16xi1>
            %swap3A_306 = arith.index_cast %scan3A_274 : i32 to index
            %swap3A_307 = tpu.vector_load %arg11[%swap3A_306] masked %and3A_305 {strides = array<i32>} : memref<4656xi32, #tpu.memory_space<vmem>>, vector<16xi32>, vector<16xi1>
            tpu.vector_store %arg11[%swap3A_306], %get3A_282 masked %and3A_305 {strides = array<i32>} : memref<4656xi32, #tpu.memory_space<vmem>>, vector<16xi32>, vector<16xi1>
            %swap3A_308 = arith.index_cast %scan3A_274 : i32 to index
            %swap3A_309 = tpu.vector_load %arg12[%swap3A_308] masked %and3A_305 {strides = array<i32>} : memref<4656xi32, #tpu.memory_space<vmem>>, vector<16xi32>, vector<16xi1>
            tpu.vector_store %arg12[%swap3A_308], %get3A_290 masked %and3A_305 {strides = array<i32>} : memref<4656xi32, #tpu.memory_space<vmem>>, vector<16xi32>, vector<16xi1>
            %all_reduce_population_count3A = tpu.all_reduce %and3A_305 {dim = 0 : i64, kind = #tpu.reduction_kind<sum>} : vector<16xi1> -> vector<16xi32>
            %reduce_max3A = arith.constant true
            %reduce_max3A_310 = vector.broadcast %reduce_max3A : i1 to vector<16xi1>
            %reduce_max3A_311 = arith.constant -2147483648 : i32
            %reduce_max3A_312 = vector.broadcast %reduce_max3A_311 : i32 to vector<16xi32>
            %reduce_max3A_313 = arith.xori %all_reduce_population_count3A, %reduce_max3A_312 : vector<16xi32>
            %reduce_max3A_314 = tpu.scan <max>, %reduce_max3A_313 masked %reduce_max3A_310 : vector<16xi32>, vector<16xi1> -> vector<16xi32>
            %reduce_max3A_315 = arith.xori %reduce_max3A_314, %reduce_max3A_312 : vector<16xi32>
            %reduce_max3A_316 = vector.extract %reduce_max3A_315[15] : i32 from vector<16xi32>
            %add3A_317 = arith.addi %scan3A_274, %reduce_max3A_316 : i32
            scf.yield %add3A_317 : i32
          }
          %scan3A_269 = arith.constant 288 : i32
          %swap3A_270 = arith.constant 0 : i32
          %swap3A_271 = arith.index_cast %swap3A_270 : i32 to index
          %swap3A_272 = memref.load %arg15[%swap3A_271] : memref<1xi32, #tpu.memory_space<smem>>
          memref.store %scan3A_268, %arg15[%swap3A_271] : memref<1xi32, #tpu.memory_space<smem>>
        } else {
        }
        %get3A = arith.constant 0 : i32
        %get3A_131 = arith.index_cast %get3A : i32 to index
        %get3A_132 = memref.load %arg15[%get3A_131] : memref<1xi32, #tpu.memory_space<smem>>
        %add3A_133 = arith.constant 2 : i32
        %add3A_134 = arith.addi %add3A_110, %add3A_133 : i32
        %min3A_135 = arith.constant 7 : i32
        %min3A_136 = arith.minsi %add3A_134, %min3A_135 : i32
        %eq3A_137 = arith.constant 0 : i32
        %eq3A_138 = arith.cmpi eq, %and3A_111, %eq3A_137 : i32
        %convert_element_type3A_139 = arith.extui %eq3A_138 : i1 to i32
        %cond3A_140 = arith.constant 0 : i32
        %cond3A_141 = arith.cmpi ne, %convert_element_type3A_139, %cond3A_140 : i32
        scf.if %cond3A_141 {
          %dma_start3A_263 = arith.constant 0 : i32
          %dma_start3A_264 = arith.constant 0 : i32
          %dma_start3A_265 = arith.constant 0 : i32
          %dma_start3A_266 = tpu.memref_slice %arg10[%dma_start3A_263, %dma_start3A_264, %dma_start3A_265] : memref<2x2x4608xi32, #tpu.memory_space<vmem>> -> memref<1x2x4608xi32, #tpu.memory_space<vmem>>
          %dma_start3A_267 = tpu.memref_squeeze %dma_start3A_266 : memref<1x2x4608xi32, #tpu.memory_space<vmem>> -> memref<2x4608xi32, #tpu.memory_space<vmem>>
          %dma_start3A_268 = arith.constant 0 : i32
          %dma_start3A_269 = arith.constant 0 : i32
          %dma_start3A_270 = tpu.memref_slice %arg4[%min3A_136, %dma_start3A_268, %dma_start3A_269] : memref<8x2x4608xi32, #tpu.memory_space<hbm>> -> memref<1x2x4608xi32, #tpu.memory_space<hbm>>
          %dma_start3A_271 = tpu.memref_squeeze %dma_start3A_270 : memref<1x2x4608xi32, #tpu.memory_space<hbm>> -> memref<2x4608xi32, #tpu.memory_space<hbm>>
          %dma_start3A_272 = arith.constant 0 : i32
          %dma_start3A_273 = arith.constant 0 : i32
          %dma_start3A_274 = tpu.memref_slice %arg10[%dma_start3A_263, %dma_start3A_272, %dma_start3A_273] : memref<2x2x4608xi32, #tpu.memory_space<vmem>> -> memref<1x2x4608xi32, #tpu.memory_space<vmem>>
          %dma_start3A_275 = tpu.memref_squeeze %dma_start3A_274 : memref<1x2x4608xi32, #tpu.memory_space<vmem>> -> memref<2x4608xi32, #tpu.memory_space<vmem>>
          %dma_start3A_276 = arith.constant 0 : i32
          %dma_start3A_277 = arith.constant 0 : i32
          %dma_start3A_278 = tpu.memref_slice %arg4[%min3A_136, %dma_start3A_276, %dma_start3A_277] : memref<8x2x4608xi32, #tpu.memory_space<hbm>> -> memref<1x2x4608xi32, #tpu.memory_space<hbm>>
          %dma_start3A_279 = tpu.memref_squeeze %dma_start3A_278 : memref<1x2x4608xi32, #tpu.memory_space<hbm>> -> memref<2x4608xi32, #tpu.memory_space<hbm>>
          tpu.enqueue_dma source(%dma_start3A_279 : memref<2x4608xi32, #tpu.memory_space<hbm>>) target(%dma_start3A_275 : memref<2x4608xi32, #tpu.memory_space<vmem>>) target_semaphore(%arg16 : memref<!tpu.dma_semaphore, #tpu.memory_space<semaphore_mem>>)
        } else {
        }
        %eq3A_142 = arith.constant 1 : i32
        %eq3A_143 = arith.cmpi eq, %and3A_111, %eq3A_142 : i32
        %convert_element_type3A_144 = arith.extui %eq3A_143 : i1 to i32
        %cond3A_145 = arith.constant 0 : i32
        %cond3A_146 = arith.cmpi ne, %convert_element_type3A_144, %cond3A_145 : i32
        scf.if %cond3A_146 {
          %dma_start3A_263 = arith.constant 1 : i32
          %dma_start3A_264 = arith.constant 0 : i32
          %dma_start3A_265 = arith.constant 0 : i32
          %dma_start3A_266 = tpu.memref_slice %arg10[%dma_start3A_263, %dma_start3A_264, %dma_start3A_265] : memref<2x2x4608xi32, #tpu.memory_space<vmem>> -> memref<1x2x4608xi32, #tpu.memory_space<vmem>>
          %dma_start3A_267 = tpu.memref_squeeze %dma_start3A_266 : memref<1x2x4608xi32, #tpu.memory_space<vmem>> -> memref<2x4608xi32, #tpu.memory_space<vmem>>
          %dma_start3A_268 = arith.constant 0 : i32
          %dma_start3A_269 = arith.constant 0 : i32
          %dma_start3A_270 = tpu.memref_slice %arg4[%min3A_136, %dma_start3A_268, %dma_start3A_269] : memref<8x2x4608xi32, #tpu.memory_space<hbm>> -> memref<1x2x4608xi32, #tpu.memory_space<hbm>>
          %dma_start3A_271 = tpu.memref_squeeze %dma_start3A_270 : memref<1x2x4608xi32, #tpu.memory_space<hbm>> -> memref<2x4608xi32, #tpu.memory_space<hbm>>
          %dma_start3A_272 = arith.constant 0 : i32
          %dma_start3A_273 = arith.constant 0 : i32
          %dma_start3A_274 = tpu.memref_slice %arg10[%dma_start3A_263, %dma_start3A_272, %dma_start3A_273] : memref<2x2x4608xi32, #tpu.memory_space<vmem>> -> memref<1x2x4608xi32, #tpu.memory_space<vmem>>
          %dma_start3A_275 = tpu.memref_squeeze %dma_start3A_274 : memref<1x2x4608xi32, #tpu.memory_space<vmem>> -> memref<2x4608xi32, #tpu.memory_space<vmem>>
          %dma_start3A_276 = arith.constant 0 : i32
          %dma_start3A_277 = arith.constant 0 : i32
          %dma_start3A_278 = tpu.memref_slice %arg4[%min3A_136, %dma_start3A_276, %dma_start3A_277] : memref<8x2x4608xi32, #tpu.memory_space<hbm>> -> memref<1x2x4608xi32, #tpu.memory_space<hbm>>
          %dma_start3A_279 = tpu.memref_squeeze %dma_start3A_278 : memref<1x2x4608xi32, #tpu.memory_space<hbm>> -> memref<2x4608xi32, #tpu.memory_space<hbm>>
          tpu.enqueue_dma source(%dma_start3A_279 : memref<2x4608xi32, #tpu.memory_space<hbm>>) target(%dma_start3A_275 : memref<2x4608xi32, #tpu.memory_space<vmem>>) target_semaphore(%arg17 : memref<!tpu.dma_semaphore, #tpu.memory_space<semaphore_mem>>)
        } else {
        }
        %broadcast_in_dim3A_147 = vector.broadcast %add3A_19 : i32 to vector<16xi32>
        %swap3A = arith.index_cast %get3A_132 : i32 to index
        %swap3A_148 = tpu.vector_load %arg11[%swap3A] {strides = array<i32>} : memref<4656xi32, #tpu.memory_space<vmem>>, vector<16xi32>,
        tpu.vector_store %arg11[%swap3A], %broadcast_in_dim3A_3 {strides = array<i32>} : memref<4656xi32, #tpu.memory_space<vmem>>, vector<16xi32>,
        %add3A_149 = arith.constant 16 : i32
        %add3A_150 = arith.addi %get3A_132, %add3A_149 : i32
        %swap3A_151 = arith.index_cast %add3A_150 : i32 to index
        %swap3A_152 = tpu.vector_load %arg11[%swap3A_151] {strides = array<i32>} : memref<4656xi32, #tpu.memory_space<vmem>>, vector<16xi32>,
        tpu.vector_store %arg11[%swap3A_151], %broadcast_in_dim3A_3 {strides = array<i32>} : memref<4656xi32, #tpu.memory_space<vmem>>, vector<16xi32>,
        %add3A_153 = arith.constant 32 : i32
        %add3A_154 = arith.addi %get3A_132, %add3A_153 : i32
        %swap3A_155 = arith.index_cast %add3A_154 : i32 to index
        %swap3A_156 = tpu.vector_load %arg11[%swap3A_155] {strides = array<i32>} : memref<4656xi32, #tpu.memory_space<vmem>>, vector<16xi32>,
        tpu.vector_store %arg11[%swap3A_155], %broadcast_in_dim3A_3 {strides = array<i32>} : memref<4656xi32, #tpu.memory_space<vmem>>, vector<16xi32>,
        %swap3A_157 = arith.index_cast %get3A_132 : i32 to index
        %swap3A_158 = tpu.vector_load %arg12[%swap3A_157] {strides = array<i32>} : memref<4656xi32, #tpu.memory_space<vmem>>, vector<16xi32>,
        tpu.vector_store %arg12[%swap3A_157], %broadcast_in_dim3A_147 {strides = array<i32>} : memref<4656xi32, #tpu.memory_space<vmem>>, vector<16xi32>,
        %add3A_159 = arith.constant 16 : i32
        %add3A_160 = arith.addi %get3A_132, %add3A_159 : i32
        %swap3A_161 = arith.index_cast %add3A_160 : i32 to index
        %swap3A_162 = tpu.vector_load %arg12[%swap3A_161] {strides = array<i32>} : memref<4656xi32, #tpu.memory_space<vmem>>, vector<16xi32>,
        tpu.vector_store %arg12[%swap3A_161], %broadcast_in_dim3A_147 {strides = array<i32>} : memref<4656xi32, #tpu.memory_space<vmem>>, vector<16xi32>,
        %add3A_163 = arith.constant 32 : i32
        %add3A_164 = arith.addi %get3A_132, %add3A_163 : i32
        %swap3A_165 = arith.index_cast %add3A_164 : i32 to index
        %swap3A_166 = tpu.vector_load %arg12[%swap3A_165] {strides = array<i32>} : memref<4656xi32, #tpu.memory_space<vmem>>, vector<16xi32>,
        tpu.vector_store %arg12[%swap3A_165], %broadcast_in_dim3A_147 {strides = array<i32>} : memref<4656xi32, #tpu.memory_space<vmem>>, vector<16xi32>,
        %dma_start3A_167 = arith.constant 0 : i32
        %dma_start3A_168 = arith.constant 0 : i32
        %dma_start3A_169 = tpu.memref_slice %arg13[%dma_start3A_167, %dma_start3A_168] : memref<16x512xi32, #tpu.memory_space<vmem>> -> memref<8x512xi32, #tpu.memory_space<vmem>>
        %dma_start3A_170 = arith.constant 0 : i32
        %dma_start3A_171 = tpu.memref_slice %arg11[%dma_start3A_170] : memref<4656xi32, #tpu.memory_space<vmem>> -> memref<8xi32, #tpu.memory_space<vmem>>
        %dma_start3A_172 = arith.constant 0 : i32
        %dma_start3A_173 = arith.constant 0 : i32
        %dma_start3A_174 = tpu.memref_slice %arg2[%dma_start3A_172, %dma_start3A_173] : memref<4096x512xi32, #tpu.memory_space<hbm>> -> memref<4096x512xi32, #tpu.memory_space<hbm>>
        tpu.enqueue_indirect_dma source(%dma_start3A_174 : memref<4096x512xi32, #tpu.memory_space<hbm>>) target(%dma_start3A_169 : memref<8x512xi32, #tpu.memory_space<vmem>>) offsets(%dma_start3A_171 : memref<8xi32, #tpu.memory_space<vmem>>) semaphore(%arg18 : memref<!tpu.dma_semaphore, #tpu.memory_space<semaphore_mem>>)
        %dma_start3A_175 = arith.constant 0 : i32
        %dma_start3A_176 = arith.constant 0 : i32
        %dma_start3A_177 = tpu.memref_slice %arg14[%dma_start3A_175, %dma_start3A_176] : memref<16x512xi32, #tpu.memory_space<vmem>> -> memref<8x512xi32, #tpu.memory_space<vmem>>
        %dma_start3A_178 = arith.constant 0 : i32
        %dma_start3A_179 = tpu.memref_slice %arg12[%dma_start3A_178] : memref<4656xi32, #tpu.memory_space<vmem>> -> memref<8xi32, #tpu.memory_space<vmem>>
        %dma_start3A_180 = arith.constant 0 : i32
        %dma_start3A_181 = arith.constant 0 : i32
        %dma_start3A_182 = tpu.memref_slice %arg3[%dma_start3A_180, %dma_start3A_181] : memref<4096x512xi32, #tpu.memory_space<hbm>> -> memref<4096x512xi32, #tpu.memory_space<hbm>>
        tpu.enqueue_indirect_dma source(%dma_start3A_182 : memref<4096x512xi32, #tpu.memory_space<hbm>>) target(%dma_start3A_177 : memref<8x512xi32, #tpu.memory_space<vmem>>) offsets(%dma_start3A_179 : memref<8xi32, #tpu.memory_space<vmem>>) semaphore(%arg20 : memref<!tpu.dma_semaphore, #tpu.memory_space<semaphore_mem>>)
        %dma_start3A_183 = arith.constant 8 : i32
        %dma_start3A_184 = arith.constant 0 : i32
        %dma_start3A_185 = tpu.memref_slice %arg13[%dma_start3A_183, %dma_start3A_184] : memref<16x512xi32, #tpu.memory_space<vmem>> -> memref<8x512xi32, #tpu.memory_space<vmem>>
        %dma_start3A_186 = arith.constant 8 : i32
        %dma_start3A_187 = tpu.memref_slice %arg11[%dma_start3A_186] : memref<4656xi32, #tpu.memory_space<vmem>> -> memref<8xi32, #tpu.memory_space<vmem>>
        %dma_start3A_188 = arith.constant 0 : i32
        %dma_start3A_189 = arith.constant 0 : i32
        %dma_start3A_190 = tpu.memref_slice %arg2[%dma_start3A_188, %dma_start3A_189] : memref<4096x512xi32, #tpu.memory_space<hbm>> -> memref<4096x512xi32, #tpu.memory_space<hbm>>
        tpu.enqueue_indirect_dma source(%dma_start3A_190 : memref<4096x512xi32, #tpu.memory_space<hbm>>) target(%dma_start3A_185 : memref<8x512xi32, #tpu.memory_space<vmem>>) offsets(%dma_start3A_187 : memref<8xi32, #tpu.memory_space<vmem>>) semaphore(%arg19 : memref<!tpu.dma_semaphore, #tpu.memory_space<semaphore_mem>>)
        %dma_start3A_191 = arith.constant 8 : i32
        %dma_start3A_192 = arith.constant 0 : i32
        %dma_start3A_193 = tpu.memref_slice %arg14[%dma_start3A_191, %dma_start3A_192] : memref<16x512xi32, #tpu.memory_space<vmem>> -> memref<8x512xi32, #tpu.memory_space<vmem>>
        %dma_start3A_194 = arith.constant 8 : i32
        %dma_start3A_195 = tpu.memref_slice %arg12[%dma_start3A_194] : memref<4656xi32, #tpu.memory_space<vmem>> -> memref<8xi32, #tpu.memory_space<vmem>>
        %dma_start3A_196 = arith.constant 0 : i32
        %dma_start3A_197 = arith.constant 0 : i32
        %dma_start3A_198 = tpu.memref_slice %arg3[%dma_start3A_196, %dma_start3A_197] : memref<4096x512xi32, #tpu.memory_space<hbm>> -> memref<4096x512xi32, #tpu.memory_space<hbm>>
        tpu.enqueue_indirect_dma source(%dma_start3A_198 : memref<4096x512xi32, #tpu.memory_space<hbm>>) target(%dma_start3A_193 : memref<8x512xi32, #tpu.memory_space<vmem>>) offsets(%dma_start3A_195 : memref<8xi32, #tpu.memory_space<vmem>>) semaphore(%arg21 : memref<!tpu.dma_semaphore, #tpu.memory_space<semaphore_mem>>)
        %add3A_199 = arith.constant 8 : i32
        %add3A_200 = arith.addi %get3A_132, %add3A_199 : i32
        %sub3A = arith.constant 1 : i32
        %sub3A_201 = arith.subi %add3A_200, %sub3A : i32
        %jit3A = arith.constant 8 : i32
        %div3A = arith.divsi %sub3A_201, %jit3A : i32
        %sign3A = arith.constant 0 : i32
        %sign3A_202 = arith.cmpi sgt, %sub3A_201, %sign3A : i32
        %sign3A_203 = arith.extui %sign3A_202 : i1 to i32
        %sign3A_204 = arith.constant 0 : i32
        %sign3A_205 = arith.cmpi slt, %sub3A_201, %sign3A_204 : i32
        %sign3A_206 = arith.extui %sign3A_205 : i1 to i32
        %sign3A_207 = arith.subi %sign3A_203, %sign3A_206 : i32
        %sign3A_208 = arith.constant 0 : i32
        %sign3A_209 = arith.cmpi sgt, %jit3A, %sign3A_208 : i32
        %sign3A_210 = arith.extui %sign3A_209 : i1 to i32
        %sign3A_211 = arith.constant 0 : i32
        %sign3A_212 = arith.cmpi slt, %jit3A, %sign3A_211 : i32
        %sign3A_213 = arith.extui %sign3A_212 : i1 to i32
        %sign3A_214 = arith.subi %sign3A_210, %sign3A_213 : i32
        %ne3A = arith.cmpi ne, %sign3A_207, %sign3A_214 : i32
        %rem3A = arith.remsi %sub3A_201, %jit3A : i32
        %ne3A_215 = arith.constant 0 : i32
        %ne3A_216 = arith.cmpi ne, %rem3A, %ne3A_215 : i32
        %and3A_217 = arith.andi %ne3A, %ne3A_216 : i1
        %sub3A_218 = arith.constant 1 : i32
        %sub3A_219 = arith.subi %div3A, %sub3A_218 : i32
        %select_n3A = arith.select %and3A_217, %sub3A_219, %div3A : i32
        %while3A = arith.constant 0 : i32
        %while3A_220 = arith.constant 0 : i32
        %while3A_221 = arith.subi %select_n3A, %while3A : i32
        %while3A_222 = arith.addi %while3A, %while3A_221 : i32
        %while3A_223 = arith.constant 1 : i32
        %while3A_224 = arith.divsi %while3A_221, %while3A_223 : i32
        %while3A_225 = arith.muli %while3A_224, %while3A_223 : i32
        %while3A_226 = arith.addi %while3A, %while3A_225 : i32
        %while3A_227 = arith.constant 1 : i32
        %while3A_228 = scf.for %while3A_263 = %while3A to %while3A_226 step %while3A_227 iter_args(%while3A_264 = %while3A_220) -> (i32)  : i32 {
          %and3A_265 = arith.constant 1 : i32
          %and3A_266 = arith.andi %while3A_263, %and3A_265 : i32
          %mul3A_267 = arith.constant 8 : i32
          %mul3A_268 = arith.muli %and3A_266, %mul3A_267 : i32
          %eq3A_269 = arith.constant 0 : i32
          %eq3A_270 = arith.cmpi eq, %and3A_266, %eq3A_269 : i32
          %convert_element_type3A_271 = arith.extui %eq3A_270 : i1 to i32
          %cond3A_272 = arith.constant 0 : i32
          %cond3A_273 = arith.cmpi ne, %convert_element_type3A_271, %cond3A_272 : i32
          scf.if %cond3A_273 {
            %dma_wait3A_301 = arith.constant 0 : i32
            %dma_wait3A_302 = arith.constant 0 : i32
            %dma_wait3A_303 = tpu.memref_slice %arg13[%dma_wait3A_301, %dma_wait3A_302] : memref<16x512xi32, #tpu.memory_space<vmem>> -> memref<8x512xi32, #tpu.memory_space<vmem>>
            %dma_wait3A_304 = arith.constant 0 : i32
            %dma_wait3A_305 = tpu.memref_slice %arg11[%dma_wait3A_304] : memref<4656xi32, #tpu.memory_space<vmem>> -> memref<8xi32, #tpu.memory_space<vmem>>
            %dma_wait3A_306 = arith.constant 0 : i32
            %dma_wait3A_307 = arith.constant 0 : i32
            %dma_wait3A_308 = tpu.memref_slice %arg2[%dma_wait3A_306, %dma_wait3A_307] : memref<4096x512xi32, #tpu.memory_space<hbm>> -> memref<4096x512xi32, #tpu.memory_space<hbm>>
            tpu.wait_indirect_dma semaphore(%arg18 : memref<!tpu.dma_semaphore, #tpu.memory_space<semaphore_mem>>) src(%dma_wait3A_308 : memref<4096x512xi32, #tpu.memory_space<hbm>>) dst(%dma_wait3A_303 : memref<8x512xi32, #tpu.memory_space<vmem>>)
            %dma_wait3A_309 = arith.constant 0 : i32
            %dma_wait3A_310 = arith.constant 0 : i32
            %dma_wait3A_311 = tpu.memref_slice %arg14[%dma_wait3A_309, %dma_wait3A_310] : memref<16x512xi32, #tpu.memory_space<vmem>> -> memref<8x512xi32, #tpu.memory_space<vmem>>
            %dma_wait3A_312 = arith.constant 0 : i32
            %dma_wait3A_313 = tpu.memref_slice %arg12[%dma_wait3A_312] : memref<4656xi32, #tpu.memory_space<vmem>> -> memref<8xi32, #tpu.memory_space<vmem>>
            %dma_wait3A_314 = arith.constant 0 : i32
            %dma_wait3A_315 = arith.constant 0 : i32
            %dma_wait3A_316 = tpu.memref_slice %arg3[%dma_wait3A_314, %dma_wait3A_315] : memref<4096x512xi32, #tpu.memory_space<hbm>> -> memref<4096x512xi32, #tpu.memory_space<hbm>>
            tpu.wait_indirect_dma semaphore(%arg20 : memref<!tpu.dma_semaphore, #tpu.memory_space<semaphore_mem>>) src(%dma_wait3A_316 : memref<4096x512xi32, #tpu.memory_space<hbm>>) dst(%dma_wait3A_311 : memref<8x512xi32, #tpu.memory_space<vmem>>)
          } else {
          }
          %eq3A_274 = arith.constant 1 : i32
          %eq3A_275 = arith.cmpi eq, %and3A_266, %eq3A_274 : i32
          %convert_element_type3A_276 = arith.extui %eq3A_275 : i1 to i32
          %cond3A_277 = arith.constant 0 : i32
          %cond3A_278 = arith.cmpi ne, %convert_element_type3A_276, %cond3A_277 : i32
          scf.if %cond3A_278 {
            %dma_wait3A_301 = arith.constant 8 : i32
            %dma_wait3A_302 = arith.constant 0 : i32
            %dma_wait3A_303 = tpu.memref_slice %arg13[%dma_wait3A_301, %dma_wait3A_302] : memref<16x512xi32, #tpu.memory_space<vmem>> -> memref<8x512xi32, #tpu.memory_space<vmem>>
            %dma_wait3A_304 = arith.constant 0 : i32
            %dma_wait3A_305 = tpu.memref_slice %arg11[%dma_wait3A_304] : memref<4656xi32, #tpu.memory_space<vmem>> -> memref<8xi32, #tpu.memory_space<vmem>>
            %dma_wait3A_306 = arith.constant 0 : i32
            %dma_wait3A_307 = arith.constant 0 : i32
            %dma_wait3A_308 = tpu.memref_slice %arg2[%dma_wait3A_306, %dma_wait3A_307] : memref<4096x512xi32, #tpu.memory_space<hbm>> -> memref<4096x512xi32, #tpu.memory_space<hbm>>
            tpu.wait_indirect_dma semaphore(%arg19 : memref<!tpu.dma_semaphore, #tpu.memory_space<semaphore_mem>>) src(%dma_wait3A_308 : memref<4096x512xi32, #tpu.memory_space<hbm>>) dst(%dma_wait3A_303 : memref<8x512xi32, #tpu.memory_space<vmem>>)
            %dma_wait3A_309 = arith.constant 8 : i32
            %dma_wait3A_310 = arith.constant 0 : i32
            %dma_wait3A_311 = tpu.memref_slice %arg14[%dma_wait3A_309, %dma_wait3A_310] : memref<16x512xi32, #tpu.memory_space<vmem>> -> memref<8x512xi32, #tpu.memory_space<vmem>>
            %dma_wait3A_312 = arith.constant 0 : i32
            %dma_wait3A_313 = tpu.memref_slice %arg12[%dma_wait3A_312] : memref<4656xi32, #tpu.memory_space<vmem>> -> memref<8xi32, #tpu.memory_space<vmem>>
            %dma_wait3A_314 = arith.constant 0 : i32
            %dma_wait3A_315 = arith.constant 0 : i32
            %dma_wait3A_316 = tpu.memref_slice %arg3[%dma_wait3A_314, %dma_wait3A_315] : memref<4096x512xi32, #tpu.memory_space<hbm>> -> memref<4096x512xi32, #tpu.memory_space<hbm>>
            tpu.wait_indirect_dma semaphore(%arg21 : memref<!tpu.dma_semaphore, #tpu.memory_space<semaphore_mem>>) src(%dma_wait3A_316 : memref<4096x512xi32, #tpu.memory_space<hbm>>) dst(%dma_wait3A_311 : memref<8x512xi32, #tpu.memory_space<vmem>>)
          } else {
          }
          %mul3A_279 = arith.constant 8 : i32
          %mul3A_280 = arith.muli %while3A_263, %mul3A_279 : i32
          %scan3A_281 = arith.constant 0 : i32
          %scan3A_282 = arith.constant 8 : i32
          %scan3A_283 = arith.addi %scan3A_281, %scan3A_282 : i32
          %scan3A_284 = arith.constant 1 : i32
          scf.for %scan3A_301 = %scan3A_281 to %scan3A_283 step %scan3A_284  : i32 {
            %mul3A_302 = arith.constant 1 : i32
            %mul3A_303 = arith.muli %scan3A_301, %mul3A_302 : i32
            %add3A_304 = arith.constant 0 : i32
            %add3A_305 = arith.addi %add3A_304, %mul3A_303 : i32
            %add3A_306 = arith.addi %mul3A_280, %add3A_305 : i32
            %lt3A = arith.cmpi slt, %add3A_306, %get3A_132 : i32
            %convert_element_type3A_307 = arith.extui %lt3A : i1 to i32
            %cond3A_308 = arith.constant 0 : i32
            %cond3A_309 = arith.cmpi ne, %convert_element_type3A_307, %cond3A_308 : i32
            scf.if %cond3A_309 {
              %add3A_310 = arith.addi %mul3A_268, %add3A_305 : i32
              %get3A_311 = arith.index_cast %add3A_306 : i32 to index
              %get3A_312 = tpu.vector_load %arg12[%get3A_311] {strides = array<i32>} : memref<4656xi32, #tpu.memory_space<vmem>>, vector<16xi32>,
              %slice3A = vector.extract_strided_slice %get3A_312 {offsets = [0], sizes = [1], strides = [1]} : vector<16xi32> to vector<1xi32>
              %squeeze3A = vector.extract %slice3A[0] : i32 from vector<1xi32>
              %sub3A_313 = arith.subi %squeeze3A, %add3A_19 : i32
              %get3A_314 = arith.index_cast %add3A_310 : i32 to index
              %get3A_315 = arith.constant 0 : index
              %get3A_316 = tpu.vector_load %arg13[%get3A_314, %get3A_315] {strides = array<i32>} : memref<16x512xi32, #tpu.memory_space<vmem>>, vector<16xi32>,
              %bitcast3A = vector.bitcast %get3A_316 : vector<16xi32> to vector<32xbf16>
              %get3A_317 = arith.index_cast %add3A_310 : i32 to index
              %get3A_318 = arith.constant 0 : index
              %get3A_319 = tpu.vector_load %arg14[%get3A_317, %get3A_318] {strides = array<i32>} : memref<16x512xi32, #tpu.memory_space<vmem>>, vector<16xi32>,
              %bitcast3A_320 = vector.bitcast %get3A_319 : vector<16xi32> to vector<32xbf16>
              %add3A_321 = arith.addf %bitcast3A, %bitcast3A_320 : vector<32xbf16>
              %gt3A = vector.broadcast %scan3A : bf16 to vector<32xbf16>
              %gt3A_322 = arith.cmpf ogt, %add3A_321, %gt3A : vector<32xbf16>
              %mul3A_323 = vector.broadcast %scan3A_4 : bf16 to vector<32xbf16>
              %mul3A_324 = arith.mulf %mul3A_323, %add3A_321 : vector<32xbf16>
              %select_n3A_325 = arith.select %gt3A_322, %add3A_321, %mul3A_324 : vector<32xi1>, vector<32xbf16>
              %get3A_326 = arith.constant 0 : index
              %get3A_327 = tpu.vector_load %arg9[%get3A_326] {strides = array<i32>} : memref<512xi32, #tpu.memory_space<vmem>>, vector<16xi32>,
              %bitcast3A_328 = vector.bitcast %get3A_327 : vector<16xi32> to vector<32xbf16>
              %mul3A_329 = arith.mulf %select_n3A_325, %bitcast3A_328 : vector<32xbf16>
              %unpack3A = tpu.unpack_subelements %mul3A_329, 0 {pack_format = #tpu.pack_format<interleaved>} : vector<32xbf16> -> vector<16xf32>
              %unpack3A_330 = tpu.unpack_subelements %mul3A_329, 1 {pack_format = #tpu.pack_format<interleaved>} : vector<32xbf16> -> vector<16xf32>
              %add3A_331 = arith.addf %broadcast_in_dim3A_1, %unpack3A : vector<16xf32>
              %add3A_332 = arith.addf %broadcast_in_dim3A_1, %unpack3A_330 : vector<16xf32>
              %get3A_333 = arith.index_cast %add3A_310 : i32 to index
              %get3A_334 = arith.constant 16 : index
              %get3A_335 = tpu.vector_load %arg13[%get3A_333, %get3A_334] {strides = array<i32>} : memref<16x512xi32, #tpu.memory_space<vmem>>, vector<16xi32>,
              %bitcast3A_336 = vector.bitcast %get3A_335 : vector<16xi32> to vector<32xbf16>
              %get3A_337 = arith.index_cast %add3A_310 : i32 to index
              %get3A_338 = arith.constant 16 : index
              %get3A_339 = tpu.vector_load %arg14[%get3A_337, %get3A_338] {strides = array<i32>} : memref<16x512xi32, #tpu.memory_space<vmem>>, vector<16xi32>,
              %bitcast3A_340 = vector.bitcast %get3A_339 : vector<16xi32> to vector<32xbf16>
              %add3A_341 = arith.addf %bitcast3A_336, %bitcast3A_340 : vector<32xbf16>
              %gt3A_342 = vector.broadcast %scan3A : bf16 to vector<32xbf16>
              %gt3A_343 = arith.cmpf ogt, %add3A_341, %gt3A_342 : vector<32xbf16>
              %mul3A_344 = vector.broadcast %scan3A_4 : bf16 to vector<32xbf16>
              %mul3A_345 = arith.mulf %mul3A_344, %add3A_341 : vector<32xbf16>
              %select_n3A_346 = arith.select %gt3A_343, %add3A_341, %mul3A_345 : vector<32xi1>, vector<32xbf16>
              %get3A_347 = arith.constant 16 : index
              %get3A_348 = tpu.vector_load %arg9[%get3A_347] {strides = array<i32>} : memref<512xi32, #tpu.memory_space<vmem>>, vector<16xi32>,
              %bitcast3A_349 = vector.bitcast %get3A_348 : vector<16xi32> to vector<32xbf16>
              %mul3A_350 = arith.mulf %select_n3A_346, %bitcast3A_349 : vector<32xbf16>
              %unpack3A_351 = tpu.unpack_subelements %mul3A_350, 0 {pack_format = #tpu.pack_format<interleaved>} : vector<32xbf16> -> vector<16xf32>
              %unpack3A_352 = tpu.unpack_subelements %mul3A_350, 1 {pack_format = #tpu.pack_format<interleaved>} : vector<32xbf16> -> vector<16xf32>
              %add3A_353 = arith.addf %broadcast_in_dim3A_1, %unpack3A_351 : vector<16xf32>
              %add3A_354 = arith.addf %broadcast_in_dim3A_1, %unpack3A_352 : vector<16xf32>
              %get3A_355 = arith.index_cast %add3A_310 : i32 to index
              %get3A_356 = arith.constant 32 : index
              %get3A_357 = tpu.vector_load %arg13[%get3A_355, %get3A_356] {strides = array<i32>} : memref<16x512xi32, #tpu.memory_space<vmem>>, vector<16xi32>,
              %bitcast3A_358 = vector.bitcast %get3A_357 : vector<16xi32> to vector<32xbf16>
              %get3A_359 = arith.index_cast %add3A_310 : i32 to index
              %get3A_360 = arith.constant 32 : index
              %get3A_361 = tpu.vector_load %arg14[%get3A_359, %get3A_360] {strides = array<i32>} : memref<16x512xi32, #tpu.memory_space<vmem>>, vector<16xi32>,
              %bitcast3A_362 = vector.bitcast %get3A_361 : vector<16xi32> to vector<32xbf16>
              %add3A_363 = arith.addf %bitcast3A_358, %bitcast3A_362 : vector<32xbf16>
              %gt3A_364 = vector.broadcast %scan3A : bf16 to vector<32xbf16>
              %gt3A_365 = arith.cmpf ogt, %add3A_363, %gt3A_364 : vector<32xbf16>
              %mul3A_366 = vector.broadcast %scan3A_4 : bf16 to vector<32xbf16>
              %mul3A_367 = arith.mulf %mul3A_366, %add3A_363 : vector<32xbf16>
              %select_n3A_368 = arith.select %gt3A_365, %add3A_363, %mul3A_367 : vector<32xi1>, vector<32xbf16>
              %get3A_369 = arith.constant 32 : index
              %get3A_370 = tpu.vector_load %arg9[%get3A_369] {strides = array<i32>} : memref<512xi32, #tpu.memory_space<vmem>>, vector<16xi32>,
              %bitcast3A_371 = vector.bitcast %get3A_370 : vector<16xi32> to vector<32xbf16>
              %mul3A_372 = arith.mulf %select_n3A_368, %bitcast3A_371 : vector<32xbf16>
              %unpack3A_373 = tpu.unpack_subelements %mul3A_372, 0 {pack_format = #tpu.pack_format<interleaved>} : vector<32xbf16> -> vector<16xf32>
              %unpack3A_374 = tpu.unpack_subelements %mul3A_372, 1 {pack_format = #tpu.pack_format<interleaved>} : vector<32xbf16> -> vector<16xf32>
              %add3A_375 = arith.addf %add3A_331, %unpack3A_373 : vector<16xf32>
              %add3A_376 = arith.addf %add3A_332, %unpack3A_374 : vector<16xf32>
              %get3A_377 = arith.index_cast %add3A_310 : i32 to index
              %get3A_378 = arith.constant 48 : index
              %get3A_379 = tpu.vector_load %arg13[%get3A_377, %get3A_378] {strides = array<i32>} : memref<16x512xi32, #tpu.memory_space<vmem>>, vector<16xi32>,
              %bitcast3A_380 = vector.bitcast %get3A_379 : vector<16xi32> to vector<32xbf16>
              %get3A_381 = arith.index_cast %add3A_310 : i32 to index
              %get3A_382 = arith.constant 48 : index
              %get3A_383 = tpu.vector_load %arg14[%get3A_381, %get3A_382] {strides = array<i32>} : memref<16x512xi32, #tpu.memory_space<vmem>>, vector<16xi32>,
              %bitcast3A_384 = vector.bitcast %get3A_383 : vector<16xi32> to vector<32xbf16>
              %add3A_385 = arith.addf %bitcast3A_380, %bitcast3A_384 : vector<32xbf16>
              %gt3A_386 = vector.broadcast %scan3A : bf16 to vector<32xbf16>
              %gt3A_387 = arith.cmpf ogt, %add3A_385, %gt3A_386 : vector<32xbf16>
              %mul3A_388 = vector.broadcast %scan3A_4 : bf16 to vector<32xbf16>
              %mul3A_389 = arith.mulf %mul3A_388, %add3A_385 : vector<32xbf16>
              %select_n3A_390 = arith.select %gt3A_387, %add3A_385, %mul3A_389 : vector<32xi1>, vector<32xbf16>
              %get3A_391 = arith.constant 48 : index
              %get3A_392 = tpu.vector_load %arg9[%get3A_391] {strides = array<i32>} : memref<512xi32, #tpu.memory_space<vmem>>, vector<16xi32>,
              %bitcast3A_393 = vector.bitcast %get3A_392 : vector<16xi32> to vector<32xbf16>
              %mul3A_394 = arith.mulf %select_n3A_390, %bitcast3A_393 : vector<32xbf16>
              %unpack3A_395 = tpu.unpack_subelements %mul3A_394, 0 {pack_format = #tpu.pack_format<interleaved>} : vector<32xbf16> -> vector<16xf32>
              %unpack3A_396 = tpu.unpack_subelements %mul3A_394, 1 {pack_format = #tpu.pack_format<interleaved>} : vector<32xbf16> -> vector<16xf32>
              %add3A_397 = arith.addf %add3A_353, %unpack3A_395 : vector<16xf32>
              %add3A_398 = arith.addf %add3A_354, %unpack3A_396 : vector<16xf32>
              %get3A_399 = arith.index_cast %add3A_310 : i32 to index
              %get3A_400 = arith.constant 64 : index
              %get3A_401 = tpu.vector_load %arg13[%get3A_399, %get3A_400] {strides = array<i32>} : memref<16x512xi32, #tpu.memory_space<vmem>>, vector<16xi32>,
              %bitcast3A_402 = vector.bitcast %get3A_401 : vector<16xi32> to vector<32xbf16>
              %get3A_403 = arith.index_cast %add3A_310 : i32 to index
              %get3A_404 = arith.constant 64 : index
              %get3A_405 = tpu.vector_load %arg14[%get3A_403, %get3A_404] {strides = array<i32>} : memref<16x512xi32, #tpu.memory_space<vmem>>, vector<16xi32>,
              %bitcast3A_406 = vector.bitcast %get3A_405 : vector<16xi32> to vector<32xbf16>
              %add3A_407 = arith.addf %bitcast3A_402, %bitcast3A_406 : vector<32xbf16>
              %gt3A_408 = vector.broadcast %scan3A : bf16 to vector<32xbf16>
              %gt3A_409 = arith.cmpf ogt, %add3A_407, %gt3A_408 : vector<32xbf16>
              %mul3A_410 = vector.broadcast %scan3A_4 : bf16 to vector<32xbf16>
              %mul3A_411 = arith.mulf %mul3A_410, %add3A_407 : vector<32xbf16>
              %select_n3A_412 = arith.select %gt3A_409, %add3A_407, %mul3A_411 : vector<32xi1>, vector<32xbf16>
              %get3A_413 = arith.constant 64 : index
              %get3A_414 = tpu.vector_load %arg9[%get3A_413] {strides = array<i32>} : memref<512xi32, #tpu.memory_space<vmem>>, vector<16xi32>,
              %bitcast3A_415 = vector.bitcast %get3A_414 : vector<16xi32> to vector<32xbf16>
              %mul3A_416 = arith.mulf %select_n3A_412, %bitcast3A_415 : vector<32xbf16>
              %unpack3A_417 = tpu.unpack_subelements %mul3A_416, 0 {pack_format = #tpu.pack_format<interleaved>} : vector<32xbf16> -> vector<16xf32>
              %unpack3A_418 = tpu.unpack_subelements %mul3A_416, 1 {pack_format = #tpu.pack_format<interleaved>} : vector<32xbf16> -> vector<16xf32>
              %add3A_419 = arith.addf %add3A_375, %unpack3A_417 : vector<16xf32>
              %add3A_420 = arith.addf %add3A_376, %unpack3A_418 : vector<16xf32>
              %get3A_421 = arith.index_cast %add3A_310 : i32 to index
              %get3A_422 = arith.constant 80 : index
              %get3A_423 = tpu.vector_load %arg13[%get3A_421, %get3A_422] {strides = array<i32>} : memref<16x512xi32, #tpu.memory_space<vmem>>, vector<16xi32>,
              %bitcast3A_424 = vector.bitcast %get3A_423 : vector<16xi32> to vector<32xbf16>
              %get3A_425 = arith.index_cast %add3A_310 : i32 to index
              %get3A_426 = arith.constant 80 : index
              %get3A_427 = tpu.vector_load %arg14[%get3A_425, %get3A_426] {strides = array<i32>} : memref<16x512xi32, #tpu.memory_space<vmem>>, vector<16xi32>,
              %bitcast3A_428 = vector.bitcast %get3A_427 : vector<16xi32> to vector<32xbf16>
              %add3A_429 = arith.addf %bitcast3A_424, %bitcast3A_428 : vector<32xbf16>
              %gt3A_430 = vector.broadcast %scan3A : bf16 to vector<32xbf16>
              %gt3A_431 = arith.cmpf ogt, %add3A_429, %gt3A_430 : vector<32xbf16>
              %mul3A_432 = vector.broadcast %scan3A_4 : bf16 to vector<32xbf16>
              %mul3A_433 = arith.mulf %mul3A_432, %add3A_429 : vector<32xbf16>
              %select_n3A_434 = arith.select %gt3A_431, %add3A_429, %mul3A_433 : vector<32xi1>, vector<32xbf16>
              %get3A_435 = arith.constant 80 : index
              %get3A_436 = tpu.vector_load %arg9[%get3A_435] {strides = array<i32>} : memref<512xi32, #tpu.memory_space<vmem>>, vector<16xi32>,
              %bitcast3A_437 = vector.bitcast %get3A_436 : vector<16xi32> to vector<32xbf16>
              %mul3A_438 = arith.mulf %select_n3A_434, %bitcast3A_437 : vector<32xbf16>
              %unpack3A_439 = tpu.unpack_subelements %mul3A_438, 0 {pack_format = #tpu.pack_format<interleaved>} : vector<32xbf16> -> vector<16xf32>
              %unpack3A_440 = tpu.unpack_subelements %mul3A_438, 1 {pack_format = #tpu.pack_format<interleaved>} : vector<32xbf16> -> vector<16xf32>
              %add3A_441 = arith.addf %add3A_397, %unpack3A_439 : vector<16xf32>
              %add3A_442 = arith.addf %add3A_398, %unpack3A_440 : vector<16xf32>
              %get3A_443 = arith.index_cast %add3A_310 : i32 to index
              %get3A_444 = arith.constant 96 : index
              %get3A_445 = tpu.vector_load %arg13[%get3A_443, %get3A_444] {strides = array<i32>} : memref<16x512xi32, #tpu.memory_space<vmem>>, vector<16xi32>,
              %bitcast3A_446 = vector.bitcast %get3A_445 : vector<16xi32> to vector<32xbf16>
              %get3A_447 = arith.index_cast %add3A_310 : i32 to index
              %get3A_448 = arith.constant 96 : index
              %get3A_449 = tpu.vector_load %arg14[%get3A_447, %get3A_448] {strides = array<i32>} : memref<16x512xi32, #tpu.memory_space<vmem>>, vector<16xi32>,
              %bitcast3A_450 = vector.bitcast %get3A_449 : vector<16xi32> to vector<32xbf16>
              %add3A_451 = arith.addf %bitcast3A_446, %bitcast3A_450 : vector<32xbf16>
              %gt3A_452 = vector.broadcast %scan3A : bf16 to vector<32xbf16>
              %gt3A_453 = arith.cmpf ogt, %add3A_451, %gt3A_452 : vector<32xbf16>
              %mul3A_454 = vector.broadcast %scan3A_4 : bf16 to vector<32xbf16>
              %mul3A_455 = arith.mulf %mul3A_454, %add3A_451 : vector<32xbf16>
              %select_n3A_456 = arith.select %gt3A_453, %add3A_451, %mul3A_455 : vector<32xi1>, vector<32xbf16>
              %get3A_457 = arith.constant 96 : index
              %get3A_458 = tpu.vector_load %arg9[%get3A_457] {strides = array<i32>} : memref<512xi32, #tpu.memory_space<vmem>>, vector<16xi32>,
              %bitcast3A_459 = vector.bitcast %get3A_458 : vector<16xi32> to vector<32xbf16>
              %mul3A_460 = arith.mulf %select_n3A_456, %bitcast3A_459 : vector<32xbf16>
              %unpack3A_461 = tpu.unpack_subelements %mul3A_460, 0 {pack_format = #tpu.pack_format<interleaved>} : vector<32xbf16> -> vector<16xf32>
              %unpack3A_462 = tpu.unpack_subelements %mul3A_460, 1 {pack_format = #tpu.pack_format<interleaved>} : vector<32xbf16> -> vector<16xf32>
              %add3A_463 = arith.addf %add3A_419, %unpack3A_461 : vector<16xf32>
              %add3A_464 = arith.addf %add3A_420, %unpack3A_462 : vector<16xf32>
              %get3A_465 = arith.index_cast %add3A_310 : i32 to index
              %get3A_466 = arith.constant 112 : index
              %get3A_467 = tpu.vector_load %arg13[%get3A_465, %get3A_466] {strides = array<i32>} : memref<16x512xi32, #tpu.memory_space<vmem>>, vector<16xi32>,
              %bitcast3A_468 = vector.bitcast %get3A_467 : vector<16xi32> to vector<32xbf16>
              %get3A_469 = arith.index_cast %add3A_310 : i32 to index
              %get3A_470 = arith.constant 112 : index
              %get3A_471 = tpu.vector_load %arg14[%get3A_469, %get3A_470] {strides = array<i32>} : memref<16x512xi32, #tpu.memory_space<vmem>>, vector<16xi32>,
              %bitcast3A_472 = vector.bitcast %get3A_471 : vector<16xi32> to vector<32xbf16>
              %add3A_473 = arith.addf %bitcast3A_468, %bitcast3A_472 : vector<32xbf16>
              %gt3A_474 = vector.broadcast %scan3A : bf16 to vector<32xbf16>
              %gt3A_475 = arith.cmpf ogt, %add3A_473, %gt3A_474 : vector<32xbf16>
              %mul3A_476 = vector.broadcast %scan3A_4 : bf16 to vector<32xbf16>
              %mul3A_477 = arith.mulf %mul3A_476, %add3A_473 : vector<32xbf16>
              %select_n3A_478 = arith.select %gt3A_475, %add3A_473, %mul3A_477 : vector<32xi1>, vector<32xbf16>
              %get3A_479 = arith.constant 112 : index
              %get3A_480 = tpu.vector_load %arg9[%get3A_479] {strides = array<i32>} : memref<512xi32, #tpu.memory_space<vmem>>, vector<16xi32>,
              %bitcast3A_481 = vector.bitcast %get3A_480 : vector<16xi32> to vector<32xbf16>
              %mul3A_482 = arith.mulf %select_n3A_478, %bitcast3A_481 : vector<32xbf16>
              %unpack3A_483 = tpu.unpack_subelements %mul3A_482, 0 {pack_format = #tpu.pack_format<interleaved>} : vector<32xbf16> -> vector<16xf32>
              %unpack3A_484 = tpu.unpack_subelements %mul3A_482, 1 {pack_format = #tpu.pack_format<interleaved>} : vector<32xbf16> -> vector<16xf32>
              %add3A_485 = arith.addf %add3A_441, %unpack3A_483 : vector<16xf32>
              %add3A_486 = arith.addf %add3A_442, %unpack3A_484 : vector<16xf32>
              %add3A_487 = arith.addf %add3A_463, %add3A_464 : vector<16xf32>
              %add3A_488 = arith.addf %add3A_485, %add3A_486 : vector<16xf32>
              %add3A_489 = arith.addf %add3A_487, %add3A_488 : vector<16xf32>
              %reduce_sum3A = arith.constant true
              %reduce_sum3A_490 = vector.broadcast %reduce_sum3A : i1 to vector<16xi1>
              %reduce_sum3A_491 = tpu.scan <sum>, %add3A_489 masked %reduce_sum3A_490 : vector<16xf32>, vector<16xi1> -> vector<16xf32>
              %reduce_sum3A_492 = vector.extract %reduce_sum3A_491[15] : f32 from vector<16xf32>
              %broadcast_in_dim3A_493 = vector.broadcast %reduce_sum3A_492 : f32 to vector<16xf32>
              %exp3A = math.exp %broadcast_in_dim3A_493 : vector<16xf32>
              %get3A_494 = arith.index_cast %add3A_310 : i32 to index
              %get3A_495 = arith.constant 128 : index
              %get3A_496 = tpu.vector_load %arg13[%get3A_494, %get3A_495] {strides = array<i32>} : memref<16x512xi32, #tpu.memory_space<vmem>>, vector<16xi32>,
              %bitcast3A_497 = vector.bitcast %get3A_496 : vector<16xi32> to vector<32xbf16>
              %get3A_498 = arith.index_cast %add3A_310 : i32 to index
              %get3A_499 = arith.constant 128 : index
              %get3A_500 = tpu.vector_load %arg14[%get3A_498, %get3A_499] {strides = array<i32>} : memref<16x512xi32, #tpu.memory_space<vmem>>, vector<16xi32>,
              %bitcast3A_501 = vector.bitcast %get3A_500 : vector<16xi32> to vector<32xbf16>
              %add3A_502 = arith.addf %bitcast3A_497, %bitcast3A_501 : vector<32xbf16>
              %gt3A_503 = vector.broadcast %scan3A : bf16 to vector<32xbf16>
              %gt3A_504 = arith.cmpf ogt, %add3A_502, %gt3A_503 : vector<32xbf16>
              %mul3A_505 = vector.broadcast %scan3A_4 : bf16 to vector<32xbf16>
              %mul3A_506 = arith.mulf %mul3A_505, %add3A_502 : vector<32xbf16>
              %select_n3A_507 = arith.select %gt3A_504, %add3A_502, %mul3A_506 : vector<32xi1>, vector<32xbf16>
              %get3A_508 = arith.constant 128 : index
              %get3A_509 = tpu.vector_load %arg9[%get3A_508] {strides = array<i32>} : memref<512xi32, #tpu.memory_space<vmem>>, vector<16xi32>,
              %bitcast3A_510 = vector.bitcast %get3A_509 : vector<16xi32> to vector<32xbf16>
              %mul3A_511 = arith.mulf %select_n3A_507, %bitcast3A_510 : vector<32xbf16>
              %unpack3A_512 = tpu.unpack_subelements %mul3A_511, 0 {pack_format = #tpu.pack_format<interleaved>} : vector<32xbf16> -> vector<16xf32>
              %unpack3A_513 = tpu.unpack_subelements %mul3A_511, 1 {pack_format = #tpu.pack_format<interleaved>} : vector<32xbf16> -> vector<16xf32>
              %add3A_514 = arith.addf %broadcast_in_dim3A_1, %unpack3A_512 : vector<16xf32>
              %add3A_515 = arith.addf %broadcast_in_dim3A_1, %unpack3A_513 : vector<16xf32>
              %get3A_516 = arith.index_cast %add3A_310 : i32 to index
              %get3A_517 = arith.constant 144 : index
              %get3A_518 = tpu.vector_load %arg13[%get3A_516, %get3A_517] {strides = array<i32>} : memref<16x512xi32, #tpu.memory_space<vmem>>, vector<16xi32>,
              %bitcast3A_519 = vector.bitcast %get3A_518 : vector<16xi32> to vector<32xbf16>
              %get3A_520 = arith.index_cast %add3A_310 : i32 to index
              %get3A_521 = arith.constant 144 : index
              %get3A_522 = tpu.vector_load %arg14[%get3A_520, %get3A_521] {strides = array<i32>} : memref<16x512xi32, #tpu.memory_space<vmem>>, vector<16xi32>,
              %bitcast3A_523 = vector.bitcast %get3A_522 : vector<16xi32> to vector<32xbf16>
              %add3A_524 = arith.addf %bitcast3A_519, %bitcast3A_523 : vector<32xbf16>
              %gt3A_525 = vector.broadcast %scan3A : bf16 to vector<32xbf16>
              %gt3A_526 = arith.cmpf ogt, %add3A_524, %gt3A_525 : vector<32xbf16>
              %mul3A_527 = vector.broadcast %scan3A_4 : bf16 to vector<32xbf16>
              %mul3A_528 = arith.mulf %mul3A_527, %add3A_524 : vector<32xbf16>
              %select_n3A_529 = arith.select %gt3A_526, %add3A_524, %mul3A_528 : vector<32xi1>, vector<32xbf16>
              %get3A_530 = arith.constant 144 : index
              %get3A_531 = tpu.vector_load %arg9[%get3A_530] {strides = array<i32>} : memref<512xi32, #tpu.memory_space<vmem>>, vector<16xi32>,
              %bitcast3A_532 = vector.bitcast %get3A_531 : vector<16xi32> to vector<32xbf16>
              %mul3A_533 = arith.mulf %select_n3A_529, %bitcast3A_532 : vector<32xbf16>
              %unpack3A_534 = tpu.unpack_subelements %mul3A_533, 0 {pack_format = #tpu.pack_format<interleaved>} : vector<32xbf16> -> vector<16xf32>
              %unpack3A_535 = tpu.unpack_subelements %mul3A_533, 1 {pack_format = #tpu.pack_format<interleaved>} : vector<32xbf16> -> vector<16xf32>
              %add3A_536 = arith.addf %broadcast_in_dim3A_1, %unpack3A_534 : vector<16xf32>
              %add3A_537 = arith.addf %broadcast_in_dim3A_1, %unpack3A_535 : vector<16xf32>
              %get3A_538 = arith.index_cast %add3A_310 : i32 to index
              %get3A_539 = arith.constant 160 : index
              %get3A_540 = tpu.vector_load %arg13[%get3A_538, %get3A_539] {strides = array<i32>} : memref<16x512xi32, #tpu.memory_space<vmem>>, vector<16xi32>,
              %bitcast3A_541 = vector.bitcast %get3A_540 : vector<16xi32> to vector<32xbf16>
              %get3A_542 = arith.index_cast %add3A_310 : i32 to index
              %get3A_543 = arith.constant 160 : index
              %get3A_544 = tpu.vector_load %arg14[%get3A_542, %get3A_543] {strides = array<i32>} : memref<16x512xi32, #tpu.memory_space<vmem>>, vector<16xi32>,
              %bitcast3A_545 = vector.bitcast %get3A_544 : vector<16xi32> to vector<32xbf16>
              %add3A_546 = arith.addf %bitcast3A_541, %bitcast3A_545 : vector<32xbf16>
              %gt3A_547 = vector.broadcast %scan3A : bf16 to vector<32xbf16>
              %gt3A_548 = arith.cmpf ogt, %add3A_546, %gt3A_547 : vector<32xbf16>
              %mul3A_549 = vector.broadcast %scan3A_4 : bf16 to vector<32xbf16>
              %mul3A_550 = arith.mulf %mul3A_549, %add3A_546 : vector<32xbf16>
              %select_n3A_551 = arith.select %gt3A_548, %add3A_546, %mul3A_550 : vector<32xi1>, vector<32xbf16>
              %get3A_552 = arith.constant 160 : index
              %get3A_553 = tpu.vector_load %arg9[%get3A_552] {strides = array<i32>} : memref<512xi32, #tpu.memory_space<vmem>>, vector<16xi32>,
              %bitcast3A_554 = vector.bitcast %get3A_553 : vector<16xi32> to vector<32xbf16>
              %mul3A_555 = arith.mulf %select_n3A_551, %bitcast3A_554 : vector<32xbf16>
              %unpack3A_556 = tpu.unpack_subelements %mul3A_555, 0 {pack_format = #tpu.pack_format<interleaved>} : vector<32xbf16> -> vector<16xf32>
              %unpack3A_557 = tpu.unpack_subelements %mul3A_555, 1 {pack_format = #tpu.pack_format<interleaved>} : vector<32xbf16> -> vector<16xf32>
              %add3A_558 = arith.addf %add3A_514, %unpack3A_556 : vector<16xf32>
              %add3A_559 = arith.addf %add3A_515, %unpack3A_557 : vector<16xf32>
              %get3A_560 = arith.index_cast %add3A_310 : i32 to index
              %get3A_561 = arith.constant 176 : index
              %get3A_562 = tpu.vector_load %arg13[%get3A_560, %get3A_561] {strides = array<i32>} : memref<16x512xi32, #tpu.memory_space<vmem>>, vector<16xi32>,
              %bitcast3A_563 = vector.bitcast %get3A_562 : vector<16xi32> to vector<32xbf16>
              %get3A_564 = arith.index_cast %add3A_310 : i32 to index
              %get3A_565 = arith.constant 176 : index
              %get3A_566 = tpu.vector_load %arg14[%get3A_564, %get3A_565] {strides = array<i32>} : memref<16x512xi32, #tpu.memory_space<vmem>>, vector<16xi32>,
              %bitcast3A_567 = vector.bitcast %get3A_566 : vector<16xi32> to vector<32xbf16>
              %add3A_568 = arith.addf %bitcast3A_563, %bitcast3A_567 : vector<32xbf16>
              %gt3A_569 = vector.broadcast %scan3A : bf16 to vector<32xbf16>
              %gt3A_570 = arith.cmpf ogt, %add3A_568, %gt3A_569 : vector<32xbf16>
              %mul3A_571 = vector.broadcast %scan3A_4 : bf16 to vector<32xbf16>
              %mul3A_572 = arith.mulf %mul3A_571, %add3A_568 : vector<32xbf16>
              %select_n3A_573 = arith.select %gt3A_570, %add3A_568, %mul3A_572 : vector<32xi1>, vector<32xbf16>
              %get3A_574 = arith.constant 176 : index
              %get3A_575 = tpu.vector_load %arg9[%get3A_574] {strides = array<i32>} : memref<512xi32, #tpu.memory_space<vmem>>, vector<16xi32>,
              %bitcast3A_576 = vector.bitcast %get3A_575 : vector<16xi32> to vector<32xbf16>
              %mul3A_577 = arith.mulf %select_n3A_573, %bitcast3A_576 : vector<32xbf16>
              %unpack3A_578 = tpu.unpack_subelements %mul3A_577, 0 {pack_format = #tpu.pack_format<interleaved>} : vector<32xbf16> -> vector<16xf32>
              %unpack3A_579 = tpu.unpack_subelements %mul3A_577, 1 {pack_format = #tpu.pack_format<interleaved>} : vector<32xbf16> -> vector<16xf32>
              %add3A_580 = arith.addf %add3A_536, %unpack3A_578 : vector<16xf32>
              %add3A_581 = arith.addf %add3A_537, %unpack3A_579 : vector<16xf32>
              %get3A_582 = arith.index_cast %add3A_310 : i32 to index
              %get3A_583 = arith.constant 192 : index
              %get3A_584 = tpu.vector_load %arg13[%get3A_582, %get3A_583] {strides = array<i32>} : memref<16x512xi32, #tpu.memory_space<vmem>>, vector<16xi32>,
              %bitcast3A_585 = vector.bitcast %get3A_584 : vector<16xi32> to vector<32xbf16>
              %get3A_586 = arith.index_cast %add3A_310 : i32 to index
              %get3A_587 = arith.constant 192 : index
              %get3A_588 = tpu.vector_load %arg14[%get3A_586, %get3A_587] {strides = array<i32>} : memref<16x512xi32, #tpu.memory_space<vmem>>, vector<16xi32>,
              %bitcast3A_589 = vector.bitcast %get3A_588 : vector<16xi32> to vector<32xbf16>
              %add3A_590 = arith.addf %bitcast3A_585, %bitcast3A_589 : vector<32xbf16>
              %gt3A_591 = vector.broadcast %scan3A : bf16 to vector<32xbf16>
              %gt3A_592 = arith.cmpf ogt, %add3A_590, %gt3A_591 : vector<32xbf16>
              %mul3A_593 = vector.broadcast %scan3A_4 : bf16 to vector<32xbf16>
              %mul3A_594 = arith.mulf %mul3A_593, %add3A_590 : vector<32xbf16>
              %select_n3A_595 = arith.select %gt3A_592, %add3A_590, %mul3A_594 : vector<32xi1>, vector<32xbf16>
              %get3A_596 = arith.constant 192 : index
              %get3A_597 = tpu.vector_load %arg9[%get3A_596] {strides = array<i32>} : memref<512xi32, #tpu.memory_space<vmem>>, vector<16xi32>,
              %bitcast3A_598 = vector.bitcast %get3A_597 : vector<16xi32> to vector<32xbf16>
              %mul3A_599 = arith.mulf %select_n3A_595, %bitcast3A_598 : vector<32xbf16>
              %unpack3A_600 = tpu.unpack_subelements %mul3A_599, 0 {pack_format = #tpu.pack_format<interleaved>} : vector<32xbf16> -> vector<16xf32>
              %unpack3A_601 = tpu.unpack_subelements %mul3A_599, 1 {pack_format = #tpu.pack_format<interleaved>} : vector<32xbf16> -> vector<16xf32>
              %add3A_602 = arith.addf %add3A_558, %unpack3A_600 : vector<16xf32>
              %add3A_603 = arith.addf %add3A_559, %unpack3A_601 : vector<16xf32>
              %get3A_604 = arith.index_cast %add3A_310 : i32 to index
              %get3A_605 = arith.constant 208 : index
              %get3A_606 = tpu.vector_load %arg13[%get3A_604, %get3A_605] {strides = array<i32>} : memref<16x512xi32, #tpu.memory_space<vmem>>, vector<16xi32>,
              %bitcast3A_607 = vector.bitcast %get3A_606 : vector<16xi32> to vector<32xbf16>
              %get3A_608 = arith.index_cast %add3A_310 : i32 to index
              %get3A_609 = arith.constant 208 : index
              %get3A_610 = tpu.vector_load %arg14[%get3A_608, %get3A_609] {strides = array<i32>} : memref<16x512xi32, #tpu.memory_space<vmem>>, vector<16xi32>,
              %bitcast3A_611 = vector.bitcast %get3A_610 : vector<16xi32> to vector<32xbf16>
              %add3A_612 = arith.addf %bitcast3A_607, %bitcast3A_611 : vector<32xbf16>
              %gt3A_613 = vector.broadcast %scan3A : bf16 to vector<32xbf16>
              %gt3A_614 = arith.cmpf ogt, %add3A_612, %gt3A_613 : vector<32xbf16>
              %mul3A_615 = vector.broadcast %scan3A_4 : bf16 to vector<32xbf16>
              %mul3A_616 = arith.mulf %mul3A_615, %add3A_612 : vector<32xbf16>
              %select_n3A_617 = arith.select %gt3A_614, %add3A_612, %mul3A_616 : vector<32xi1>, vector<32xbf16>
              %get3A_618 = arith.constant 208 : index
              %get3A_619 = tpu.vector_load %arg9[%get3A_618] {strides = array<i32>} : memref<512xi32, #tpu.memory_space<vmem>>, vector<16xi32>,
              %bitcast3A_620 = vector.bitcast %get3A_619 : vector<16xi32> to vector<32xbf16>
              %mul3A_621 = arith.mulf %select_n3A_617, %bitcast3A_620 : vector<32xbf16>
              %unpack3A_622 = tpu.unpack_subelements %mul3A_621, 0 {pack_format = #tpu.pack_format<interleaved>} : vector<32xbf16> -> vector<16xf32>
              %unpack3A_623 = tpu.unpack_subelements %mul3A_621, 1 {pack_format = #tpu.pack_format<interleaved>} : vector<32xbf16> -> vector<16xf32>
              %add3A_624 = arith.addf %add3A_580, %unpack3A_622 : vector<16xf32>
              %add3A_625 = arith.addf %add3A_581, %unpack3A_623 : vector<16xf32>
              %get3A_626 = arith.index_cast %add3A_310 : i32 to index
              %get3A_627 = arith.constant 224 : index
              %get3A_628 = tpu.vector_load %arg13[%get3A_626, %get3A_627] {strides = array<i32>} : memref<16x512xi32, #tpu.memory_space<vmem>>, vector<16xi32>,
              %bitcast3A_629 = vector.bitcast %get3A_628 : vector<16xi32> to vector<32xbf16>
              %get3A_630 = arith.index_cast %add3A_310 : i32 to index
              %get3A_631 = arith.constant 224 : index
              %get3A_632 = tpu.vector_load %arg14[%get3A_630, %get3A_631] {strides = array<i32>} : memref<16x512xi32, #tpu.memory_space<vmem>>, vector<16xi32>,
              %bitcast3A_633 = vector.bitcast %get3A_632 : vector<16xi32> to vector<32xbf16>
              %add3A_634 = arith.addf %bitcast3A_629, %bitcast3A_633 : vector<32xbf16>
              %gt3A_635 = vector.broadcast %scan3A : bf16 to vector<32xbf16>
              %gt3A_636 = arith.cmpf ogt, %add3A_634, %gt3A_635 : vector<32xbf16>
              %mul3A_637 = vector.broadcast %scan3A_4 : bf16 to vector<32xbf16>
              %mul3A_638 = arith.mulf %mul3A_637, %add3A_634 : vector<32xbf16>
              %select_n3A_639 = arith.select %gt3A_636, %add3A_634, %mul3A_638 : vector<32xi1>, vector<32xbf16>
              %get3A_640 = arith.constant 224 : index
              %get3A_641 = tpu.vector_load %arg9[%get3A_640] {strides = array<i32>} : memref<512xi32, #tpu.memory_space<vmem>>, vector<16xi32>,
              %bitcast3A_642 = vector.bitcast %get3A_641 : vector<16xi32> to vector<32xbf16>
              %mul3A_643 = arith.mulf %select_n3A_639, %bitcast3A_642 : vector<32xbf16>
              %unpack3A_644 = tpu.unpack_subelements %mul3A_643, 0 {pack_format = #tpu.pack_format<interleaved>} : vector<32xbf16> -> vector<16xf32>
              %unpack3A_645 = tpu.unpack_subelements %mul3A_643, 1 {pack_format = #tpu.pack_format<interleaved>} : vector<32xbf16> -> vector<16xf32>
              %add3A_646 = arith.addf %add3A_602, %unpack3A_644 : vector<16xf32>
              %add3A_647 = arith.addf %add3A_603, %unpack3A_645 : vector<16xf32>
              %get3A_648 = arith.index_cast %add3A_310 : i32 to index
              %get3A_649 = arith.constant 240 : index
              %get3A_650 = tpu.vector_load %arg13[%get3A_648, %get3A_649] {strides = array<i32>} : memref<16x512xi32, #tpu.memory_space<vmem>>, vector<16xi32>,
              %bitcast3A_651 = vector.bitcast %get3A_650 : vector<16xi32> to vector<32xbf16>
              %get3A_652 = arith.index_cast %add3A_310 : i32 to index
              %get3A_653 = arith.constant 240 : index
              %get3A_654 = tpu.vector_load %arg14[%get3A_652, %get3A_653] {strides = array<i32>} : memref<16x512xi32, #tpu.memory_space<vmem>>, vector<16xi32>,
              %bitcast3A_655 = vector.bitcast %get3A_654 : vector<16xi32> to vector<32xbf16>
              %add3A_656 = arith.addf %bitcast3A_651, %bitcast3A_655 : vector<32xbf16>
              %gt3A_657 = vector.broadcast %scan3A : bf16 to vector<32xbf16>
              %gt3A_658 = arith.cmpf ogt, %add3A_656, %gt3A_657 : vector<32xbf16>
              %mul3A_659 = vector.broadcast %scan3A_4 : bf16 to vector<32xbf16>
              %mul3A_660 = arith.mulf %mul3A_659, %add3A_656 : vector<32xbf16>
              %select_n3A_661 = arith.select %gt3A_658, %add3A_656, %mul3A_660 : vector<32xi1>, vector<32xbf16>
              %get3A_662 = arith.constant 240 : index
              %get3A_663 = tpu.vector_load %arg9[%get3A_662] {strides = array<i32>} : memref<512xi32, #tpu.memory_space<vmem>>, vector<16xi32>,
              %bitcast3A_664 = vector.bitcast %get3A_663 : vector<16xi32> to vector<32xbf16>
              %mul3A_665 = arith.mulf %select_n3A_661, %bitcast3A_664 : vector<32xbf16>
              %unpack3A_666 = tpu.unpack_subelements %mul3A_665, 0 {pack_format = #tpu.pack_format<interleaved>} : vector<32xbf16> -> vector<16xf32>
              %unpack3A_667 = tpu.unpack_subelements %mul3A_665, 1 {pack_format = #tpu.pack_format<interleaved>} : vector<32xbf16> -> vector<16xf32>
              %add3A_668 = arith.addf %add3A_624, %unpack3A_666 : vector<16xf32>
              %add3A_669 = arith.addf %add3A_625, %unpack3A_667 : vector<16xf32>
              %add3A_670 = arith.addf %add3A_646, %add3A_647 : vector<16xf32>
              %add3A_671 = arith.addf %add3A_668, %add3A_669 : vector<16xf32>
              %add3A_672 = arith.addf %add3A_670, %add3A_671 : vector<16xf32>
              %reduce_sum3A_673 = arith.constant true
              %reduce_sum3A_674 = vector.broadcast %reduce_sum3A_673 : i1 to vector<16xi1>
              %reduce_sum3A_675 = tpu.scan <sum>, %add3A_672 masked %reduce_sum3A_674 : vector<16xf32>, vector<16xi1> -> vector<16xf32>
              %reduce_sum3A_676 = vector.extract %reduce_sum3A_675[15] : f32 from vector<16xf32>
              %broadcast_in_dim3A_677 = vector.broadcast %reduce_sum3A_676 : f32 to vector<16xf32>
              %exp3A_678 = math.exp %broadcast_in_dim3A_677 : vector<16xf32>
              %get3A_679 = arith.index_cast %add3A_310 : i32 to index
              %get3A_680 = arith.constant 256 : index
              %get3A_681 = tpu.vector_load %arg13[%get3A_679, %get3A_680] {strides = array<i32>} : memref<16x512xi32, #tpu.memory_space<vmem>>, vector<16xi32>,
              %bitcast3A_682 = vector.bitcast %get3A_681 : vector<16xi32> to vector<32xbf16>
              %get3A_683 = arith.index_cast %add3A_310 : i32 to index
              %get3A_684 = arith.constant 256 : index
              %get3A_685 = tpu.vector_load %arg14[%get3A_683, %get3A_684] {strides = array<i32>} : memref<16x512xi32, #tpu.memory_space<vmem>>, vector<16xi32>,
              %bitcast3A_686 = vector.bitcast %get3A_685 : vector<16xi32> to vector<32xbf16>
              %add3A_687 = arith.addf %bitcast3A_682, %bitcast3A_686 : vector<32xbf16>
              %gt3A_688 = vector.broadcast %scan3A : bf16 to vector<32xbf16>
              %gt3A_689 = arith.cmpf ogt, %add3A_687, %gt3A_688 : vector<32xbf16>
              %mul3A_690 = vector.broadcast %scan3A_4 : bf16 to vector<32xbf16>
              %mul3A_691 = arith.mulf %mul3A_690, %add3A_687 : vector<32xbf16>
              %select_n3A_692 = arith.select %gt3A_689, %add3A_687, %mul3A_691 : vector<32xi1>, vector<32xbf16>
              %get3A_693 = arith.constant 256 : index
              %get3A_694 = tpu.vector_load %arg9[%get3A_693] {strides = array<i32>} : memref<512xi32, #tpu.memory_space<vmem>>, vector<16xi32>,
              %bitcast3A_695 = vector.bitcast %get3A_694 : vector<16xi32> to vector<32xbf16>
              %mul3A_696 = arith.mulf %select_n3A_692, %bitcast3A_695 : vector<32xbf16>
              %unpack3A_697 = tpu.unpack_subelements %mul3A_696, 0 {pack_format = #tpu.pack_format<interleaved>} : vector<32xbf16> -> vector<16xf32>
              %unpack3A_698 = tpu.unpack_subelements %mul3A_696, 1 {pack_format = #tpu.pack_format<interleaved>} : vector<32xbf16> -> vector<16xf32>
              %add3A_699 = arith.addf %broadcast_in_dim3A_1, %unpack3A_697 : vector<16xf32>
              %add3A_700 = arith.addf %broadcast_in_dim3A_1, %unpack3A_698 : vector<16xf32>
              %get3A_701 = arith.index_cast %add3A_310 : i32 to index
              %get3A_702 = arith.constant 272 : index
              %get3A_703 = tpu.vector_load %arg13[%get3A_701, %get3A_702] {strides = array<i32>} : memref<16x512xi32, #tpu.memory_space<vmem>>, vector<16xi32>,
              %bitcast3A_704 = vector.bitcast %get3A_703 : vector<16xi32> to vector<32xbf16>
              %get3A_705 = arith.index_cast %add3A_310 : i32 to index
              %get3A_706 = arith.constant 272 : index
              %get3A_707 = tpu.vector_load %arg14[%get3A_705, %get3A_706] {strides = array<i32>} : memref<16x512xi32, #tpu.memory_space<vmem>>, vector<16xi32>,
              %bitcast3A_708 = vector.bitcast %get3A_707 : vector<16xi32> to vector<32xbf16>
              %add3A_709 = arith.addf %bitcast3A_704, %bitcast3A_708 : vector<32xbf16>
              %gt3A_710 = vector.broadcast %scan3A : bf16 to vector<32xbf16>
              %gt3A_711 = arith.cmpf ogt, %add3A_709, %gt3A_710 : vector<32xbf16>
              %mul3A_712 = vector.broadcast %scan3A_4 : bf16 to vector<32xbf16>
              %mul3A_713 = arith.mulf %mul3A_712, %add3A_709 : vector<32xbf16>
              %select_n3A_714 = arith.select %gt3A_711, %add3A_709, %mul3A_713 : vector<32xi1>, vector<32xbf16>
              %get3A_715 = arith.constant 272 : index
              %get3A_716 = tpu.vector_load %arg9[%get3A_715] {strides = array<i32>} : memref<512xi32, #tpu.memory_space<vmem>>, vector<16xi32>,
              %bitcast3A_717 = vector.bitcast %get3A_716 : vector<16xi32> to vector<32xbf16>
              %mul3A_718 = arith.mulf %select_n3A_714, %bitcast3A_717 : vector<32xbf16>
              %unpack3A_719 = tpu.unpack_subelements %mul3A_718, 0 {pack_format = #tpu.pack_format<interleaved>} : vector<32xbf16> -> vector<16xf32>
              %unpack3A_720 = tpu.unpack_subelements %mul3A_718, 1 {pack_format = #tpu.pack_format<interleaved>} : vector<32xbf16> -> vector<16xf32>
              %add3A_721 = arith.addf %broadcast_in_dim3A_1, %unpack3A_719 : vector<16xf32>
              %add3A_722 = arith.addf %broadcast_in_dim3A_1, %unpack3A_720 : vector<16xf32>
              %get3A_723 = arith.index_cast %add3A_310 : i32 to index
              %get3A_724 = arith.constant 288 : index
              %get3A_725 = tpu.vector_load %arg13[%get3A_723, %get3A_724] {strides = array<i32>} : memref<16x512xi32, #tpu.memory_space<vmem>>, vector<16xi32>,
              %bitcast3A_726 = vector.bitcast %get3A_725 : vector<16xi32> to vector<32xbf16>
              %get3A_727 = arith.index_cast %add3A_310 : i32 to index
              %get3A_728 = arith.constant 288 : index
              %get3A_729 = tpu.vector_load %arg14[%get3A_727, %get3A_728] {strides = array<i32>} : memref<16x512xi32, #tpu.memory_space<vmem>>, vector<16xi32>,
              %bitcast3A_730 = vector.bitcast %get3A_729 : vector<16xi32> to vector<32xbf16>
              %add3A_731 = arith.addf %bitcast3A_726, %bitcast3A_730 : vector<32xbf16>
              %gt3A_732 = vector.broadcast %scan3A : bf16 to vector<32xbf16>
              %gt3A_733 = arith.cmpf ogt, %add3A_731, %gt3A_732 : vector<32xbf16>
              %mul3A_734 = vector.broadcast %scan3A_4 : bf16 to vector<32xbf16>
              %mul3A_735 = arith.mulf %mul3A_734, %add3A_731 : vector<32xbf16>
              %select_n3A_736 = arith.select %gt3A_733, %add3A_731, %mul3A_735 : vector<32xi1>, vector<32xbf16>
              %get3A_737 = arith.constant 288 : index
              %get3A_738 = tpu.vector_load %arg9[%get3A_737] {strides = array<i32>} : memref<512xi32, #tpu.memory_space<vmem>>, vector<16xi32>,
              %bitcast3A_739 = vector.bitcast %get3A_738 : vector<16xi32> to vector<32xbf16>
              %mul3A_740 = arith.mulf %select_n3A_736, %bitcast3A_739 : vector<32xbf16>
              %unpack3A_741 = tpu.unpack_subelements %mul3A_740, 0 {pack_format = #tpu.pack_format<interleaved>} : vector<32xbf16> -> vector<16xf32>
              %unpack3A_742 = tpu.unpack_subelements %mul3A_740, 1 {pack_format = #tpu.pack_format<interleaved>} : vector<32xbf16> -> vector<16xf32>
              %add3A_743 = arith.addf %add3A_699, %unpack3A_741 : vector<16xf32>
              %add3A_744 = arith.addf %add3A_700, %unpack3A_742 : vector<16xf32>
              %get3A_745 = arith.index_cast %add3A_310 : i32 to index
              %get3A_746 = arith.constant 304 : index
              %get3A_747 = tpu.vector_load %arg13[%get3A_745, %get3A_746] {strides = array<i32>} : memref<16x512xi32, #tpu.memory_space<vmem>>, vector<16xi32>,
              %bitcast3A_748 = vector.bitcast %get3A_747 : vector<16xi32> to vector<32xbf16>
              %get3A_749 = arith.index_cast %add3A_310 : i32 to index
              %get3A_750 = arith.constant 304 : index
              %get3A_751 = tpu.vector_load %arg14[%get3A_749, %get3A_750] {strides = array<i32>} : memref<16x512xi32, #tpu.memory_space<vmem>>, vector<16xi32>,
              %bitcast3A_752 = vector.bitcast %get3A_751 : vector<16xi32> to vector<32xbf16>
              %add3A_753 = arith.addf %bitcast3A_748, %bitcast3A_752 : vector<32xbf16>
              %gt3A_754 = vector.broadcast %scan3A : bf16 to vector<32xbf16>
              %gt3A_755 = arith.cmpf ogt, %add3A_753, %gt3A_754 : vector<32xbf16>
              %mul3A_756 = vector.broadcast %scan3A_4 : bf16 to vector<32xbf16>
              %mul3A_757 = arith.mulf %mul3A_756, %add3A_753 : vector<32xbf16>
              %select_n3A_758 = arith.select %gt3A_755, %add3A_753, %mul3A_757 : vector<32xi1>, vector<32xbf16>
              %get3A_759 = arith.constant 304 : index
              %get3A_760 = tpu.vector_load %arg9[%get3A_759] {strides = array<i32>} : memref<512xi32, #tpu.memory_space<vmem>>, vector<16xi32>,
              %bitcast3A_761 = vector.bitcast %get3A_760 : vector<16xi32> to vector<32xbf16>
              %mul3A_762 = arith.mulf %select_n3A_758, %bitcast3A_761 : vector<32xbf16>
              %unpack3A_763 = tpu.unpack_subelements %mul3A_762, 0 {pack_format = #tpu.pack_format<interleaved>} : vector<32xbf16> -> vector<16xf32>
              %unpack3A_764 = tpu.unpack_subelements %mul3A_762, 1 {pack_format = #tpu.pack_format<interleaved>} : vector<32xbf16> -> vector<16xf32>
              %add3A_765 = arith.addf %add3A_721, %unpack3A_763 : vector<16xf32>
              %add3A_766 = arith.addf %add3A_722, %unpack3A_764 : vector<16xf32>
              %get3A_767 = arith.index_cast %add3A_310 : i32 to index
              %get3A_768 = arith.constant 320 : index
              %get3A_769 = tpu.vector_load %arg13[%get3A_767, %get3A_768] {strides = array<i32>} : memref<16x512xi32, #tpu.memory_space<vmem>>, vector<16xi32>,
              %bitcast3A_770 = vector.bitcast %get3A_769 : vector<16xi32> to vector<32xbf16>
              %get3A_771 = arith.index_cast %add3A_310 : i32 to index
              %get3A_772 = arith.constant 320 : index
              %get3A_773 = tpu.vector_load %arg14[%get3A_771, %get3A_772] {strides = array<i32>} : memref<16x512xi32, #tpu.memory_space<vmem>>, vector<16xi32>,
              %bitcast3A_774 = vector.bitcast %get3A_773 : vector<16xi32> to vector<32xbf16>
              %add3A_775 = arith.addf %bitcast3A_770, %bitcast3A_774 : vector<32xbf16>
              %gt3A_776 = vector.broadcast %scan3A : bf16 to vector<32xbf16>
              %gt3A_777 = arith.cmpf ogt, %add3A_775, %gt3A_776 : vector<32xbf16>
              %mul3A_778 = vector.broadcast %scan3A_4 : bf16 to vector<32xbf16>
              %mul3A_779 = arith.mulf %mul3A_778, %add3A_775 : vector<32xbf16>
              %select_n3A_780 = arith.select %gt3A_777, %add3A_775, %mul3A_779 : vector<32xi1>, vector<32xbf16>
              %get3A_781 = arith.constant 320 : index
              %get3A_782 = tpu.vector_load %arg9[%get3A_781] {strides = array<i32>} : memref<512xi32, #tpu.memory_space<vmem>>, vector<16xi32>,
              %bitcast3A_783 = vector.bitcast %get3A_782 : vector<16xi32> to vector<32xbf16>
              %mul3A_784 = arith.mulf %select_n3A_780, %bitcast3A_783 : vector<32xbf16>
              %unpack3A_785 = tpu.unpack_subelements %mul3A_784, 0 {pack_format = #tpu.pack_format<interleaved>} : vector<32xbf16> -> vector<16xf32>
              %unpack3A_786 = tpu.unpack_subelements %mul3A_784, 1 {pack_format = #tpu.pack_format<interleaved>} : vector<32xbf16> -> vector<16xf32>
              %add3A_787 = arith.addf %add3A_743, %unpack3A_785 : vector<16xf32>
              %add3A_788 = arith.addf %add3A_744, %unpack3A_786 : vector<16xf32>
              %get3A_789 = arith.index_cast %add3A_310 : i32 to index
              %get3A_790 = arith.constant 336 : index
              %get3A_791 = tpu.vector_load %arg13[%get3A_789, %get3A_790] {strides = array<i32>} : memref<16x512xi32, #tpu.memory_space<vmem>>, vector<16xi32>,
              %bitcast3A_792 = vector.bitcast %get3A_791 : vector<16xi32> to vector<32xbf16>
              %get3A_793 = arith.index_cast %add3A_310 : i32 to index
              %get3A_794 = arith.constant 336 : index
              %get3A_795 = tpu.vector_load %arg14[%get3A_793, %get3A_794] {strides = array<i32>} : memref<16x512xi32, #tpu.memory_space<vmem>>, vector<16xi32>,
              %bitcast3A_796 = vector.bitcast %get3A_795 : vector<16xi32> to vector<32xbf16>
              %add3A_797 = arith.addf %bitcast3A_792, %bitcast3A_796 : vector<32xbf16>
              %gt3A_798 = vector.broadcast %scan3A : bf16 to vector<32xbf16>
              %gt3A_799 = arith.cmpf ogt, %add3A_797, %gt3A_798 : vector<32xbf16>
              %mul3A_800 = vector.broadcast %scan3A_4 : bf16 to vector<32xbf16>
              %mul3A_801 = arith.mulf %mul3A_800, %add3A_797 : vector<32xbf16>
              %select_n3A_802 = arith.select %gt3A_799, %add3A_797, %mul3A_801 : vector<32xi1>, vector<32xbf16>
              %get3A_803 = arith.constant 336 : index
              %get3A_804 = tpu.vector_load %arg9[%get3A_803] {strides = array<i32>} : memref<512xi32, #tpu.memory_space<vmem>>, vector<16xi32>,
              %bitcast3A_805 = vector.bitcast %get3A_804 : vector<16xi32> to vector<32xbf16>
              %mul3A_806 = arith.mulf %select_n3A_802, %bitcast3A_805 : vector<32xbf16>
              %unpack3A_807 = tpu.unpack_subelements %mul3A_806, 0 {pack_format = #tpu.pack_format<interleaved>} : vector<32xbf16> -> vector<16xf32>
              %unpack3A_808 = tpu.unpack_subelements %mul3A_806, 1 {pack_format = #tpu.pack_format<interleaved>} : vector<32xbf16> -> vector<16xf32>
              %add3A_809 = arith.addf %add3A_765, %unpack3A_807 : vector<16xf32>
              %add3A_810 = arith.addf %add3A_766, %unpack3A_808 : vector<16xf32>
              %get3A_811 = arith.index_cast %add3A_310 : i32 to index
              %get3A_812 = arith.constant 352 : index
              %get3A_813 = tpu.vector_load %arg13[%get3A_811, %get3A_812] {strides = array<i32>} : memref<16x512xi32, #tpu.memory_space<vmem>>, vector<16xi32>,
              %bitcast3A_814 = vector.bitcast %get3A_813 : vector<16xi32> to vector<32xbf16>
              %get3A_815 = arith.index_cast %add3A_310 : i32 to index
              %get3A_816 = arith.constant 352 : index
              %get3A_817 = tpu.vector_load %arg14[%get3A_815, %get3A_816] {strides = array<i32>} : memref<16x512xi32, #tpu.memory_space<vmem>>, vector<16xi32>,
              %bitcast3A_818 = vector.bitcast %get3A_817 : vector<16xi32> to vector<32xbf16>
              %add3A_819 = arith.addf %bitcast3A_814, %bitcast3A_818 : vector<32xbf16>
              %gt3A_820 = vector.broadcast %scan3A : bf16 to vector<32xbf16>
              %gt3A_821 = arith.cmpf ogt, %add3A_819, %gt3A_820 : vector<32xbf16>
              %mul3A_822 = vector.broadcast %scan3A_4 : bf16 to vector<32xbf16>
              %mul3A_823 = arith.mulf %mul3A_822, %add3A_819 : vector<32xbf16>
              %select_n3A_824 = arith.select %gt3A_821, %add3A_819, %mul3A_823 : vector<32xi1>, vector<32xbf16>
              %get3A_825 = arith.constant 352 : index
              %get3A_826 = tpu.vector_load %arg9[%get3A_825] {strides = array<i32>} : memref<512xi32, #tpu.memory_space<vmem>>, vector<16xi32>,
              %bitcast3A_827 = vector.bitcast %get3A_826 : vector<16xi32> to vector<32xbf16>
              %mul3A_828 = arith.mulf %select_n3A_824, %bitcast3A_827 : vector<32xbf16>
              %unpack3A_829 = tpu.unpack_subelements %mul3A_828, 0 {pack_format = #tpu.pack_format<interleaved>} : vector<32xbf16> -> vector<16xf32>
              %unpack3A_830 = tpu.unpack_subelements %mul3A_828, 1 {pack_format = #tpu.pack_format<interleaved>} : vector<32xbf16> -> vector<16xf32>
              %add3A_831 = arith.addf %add3A_787, %unpack3A_829 : vector<16xf32>
              %add3A_832 = arith.addf %add3A_788, %unpack3A_830 : vector<16xf32>
              %get3A_833 = arith.index_cast %add3A_310 : i32 to index
              %get3A_834 = arith.constant 368 : index
              %get3A_835 = tpu.vector_load %arg13[%get3A_833, %get3A_834] {strides = array<i32>} : memref<16x512xi32, #tpu.memory_space<vmem>>, vector<16xi32>,
              %bitcast3A_836 = vector.bitcast %get3A_835 : vector<16xi32> to vector<32xbf16>
              %get3A_837 = arith.index_cast %add3A_310 : i32 to index
              %get3A_838 = arith.constant 368 : index
              %get3A_839 = tpu.vector_load %arg14[%get3A_837, %get3A_838] {strides = array<i32>} : memref<16x512xi32, #tpu.memory_space<vmem>>, vector<16xi32>,
              %bitcast3A_840 = vector.bitcast %get3A_839 : vector<16xi32> to vector<32xbf16>
              %add3A_841 = arith.addf %bitcast3A_836, %bitcast3A_840 : vector<32xbf16>
              %gt3A_842 = vector.broadcast %scan3A : bf16 to vector<32xbf16>
              %gt3A_843 = arith.cmpf ogt, %add3A_841, %gt3A_842 : vector<32xbf16>
              %mul3A_844 = vector.broadcast %scan3A_4 : bf16 to vector<32xbf16>
              %mul3A_845 = arith.mulf %mul3A_844, %add3A_841 : vector<32xbf16>
              %select_n3A_846 = arith.select %gt3A_843, %add3A_841, %mul3A_845 : vector<32xi1>, vector<32xbf16>
              %get3A_847 = arith.constant 368 : index
              %get3A_848 = tpu.vector_load %arg9[%get3A_847] {strides = array<i32>} : memref<512xi32, #tpu.memory_space<vmem>>, vector<16xi32>,
              %bitcast3A_849 = vector.bitcast %get3A_848 : vector<16xi32> to vector<32xbf16>
              %mul3A_850 = arith.mulf %select_n3A_846, %bitcast3A_849 : vector<32xbf16>
              %unpack3A_851 = tpu.unpack_subelements %mul3A_850, 0 {pack_format = #tpu.pack_format<interleaved>} : vector<32xbf16> -> vector<16xf32>
              %unpack3A_852 = tpu.unpack_subelements %mul3A_850, 1 {pack_format = #tpu.pack_format<interleaved>} : vector<32xbf16> -> vector<16xf32>
              %add3A_853 = arith.addf %add3A_809, %unpack3A_851 : vector<16xf32>
              %add3A_854 = arith.addf %add3A_810, %unpack3A_852 : vector<16xf32>
              %add3A_855 = arith.addf %add3A_831, %add3A_832 : vector<16xf32>
              %add3A_856 = arith.addf %add3A_853, %add3A_854 : vector<16xf32>
              %add3A_857 = arith.addf %add3A_855, %add3A_856 : vector<16xf32>
              %reduce_sum3A_858 = arith.constant true
              %reduce_sum3A_859 = vector.broadcast %reduce_sum3A_858 : i1 to vector<16xi1>
              %reduce_sum3A_860 = tpu.scan <sum>, %add3A_857 masked %reduce_sum3A_859 : vector<16xf32>, vector<16xi1> -> vector<16xf32>
              %reduce_sum3A_861 = vector.extract %reduce_sum3A_860[15] : f32 from vector<16xf32>
              %broadcast_in_dim3A_862 = vector.broadcast %reduce_sum3A_861 : f32 to vector<16xf32>
              %exp3A_863 = math.exp %broadcast_in_dim3A_862 : vector<16xf32>
              %get3A_864 = arith.index_cast %add3A_310 : i32 to index
              %get3A_865 = arith.constant 384 : index
              %get3A_866 = tpu.vector_load %arg13[%get3A_864, %get3A_865] {strides = array<i32>} : memref<16x512xi32, #tpu.memory_space<vmem>>, vector<16xi32>,
              %bitcast3A_867 = vector.bitcast %get3A_866 : vector<16xi32> to vector<32xbf16>
              %get3A_868 = arith.index_cast %add3A_310 : i32 to index
              %get3A_869 = arith.constant 384 : index
              %get3A_870 = tpu.vector_load %arg14[%get3A_868, %get3A_869] {strides = array<i32>} : memref<16x512xi32, #tpu.memory_space<vmem>>, vector<16xi32>,
              %bitcast3A_871 = vector.bitcast %get3A_870 : vector<16xi32> to vector<32xbf16>
              %add3A_872 = arith.addf %bitcast3A_867, %bitcast3A_871 : vector<32xbf16>
              %gt3A_873 = vector.broadcast %scan3A : bf16 to vector<32xbf16>
              %gt3A_874 = arith.cmpf ogt, %add3A_872, %gt3A_873 : vector<32xbf16>
              %mul3A_875 = vector.broadcast %scan3A_4 : bf16 to vector<32xbf16>
              %mul3A_876 = arith.mulf %mul3A_875, %add3A_872 : vector<32xbf16>
              %select_n3A_877 = arith.select %gt3A_874, %add3A_872, %mul3A_876 : vector<32xi1>, vector<32xbf16>
              %get3A_878 = arith.constant 384 : index
              %get3A_879 = tpu.vector_load %arg9[%get3A_878] {strides = array<i32>} : memref<512xi32, #tpu.memory_space<vmem>>, vector<16xi32>,
              %bitcast3A_880 = vector.bitcast %get3A_879 : vector<16xi32> to vector<32xbf16>
              %mul3A_881 = arith.mulf %select_n3A_877, %bitcast3A_880 : vector<32xbf16>
              %unpack3A_882 = tpu.unpack_subelements %mul3A_881, 0 {pack_format = #tpu.pack_format<interleaved>} : vector<32xbf16> -> vector<16xf32>
              %unpack3A_883 = tpu.unpack_subelements %mul3A_881, 1 {pack_format = #tpu.pack_format<interleaved>} : vector<32xbf16> -> vector<16xf32>
              %add3A_884 = arith.addf %broadcast_in_dim3A_1, %unpack3A_882 : vector<16xf32>
              %add3A_885 = arith.addf %broadcast_in_dim3A_1, %unpack3A_883 : vector<16xf32>
              %get3A_886 = arith.index_cast %add3A_310 : i32 to index
              %get3A_887 = arith.constant 400 : index
              %get3A_888 = tpu.vector_load %arg13[%get3A_886, %get3A_887] {strides = array<i32>} : memref<16x512xi32, #tpu.memory_space<vmem>>, vector<16xi32>,
              %bitcast3A_889 = vector.bitcast %get3A_888 : vector<16xi32> to vector<32xbf16>
              %get3A_890 = arith.index_cast %add3A_310 : i32 to index
              %get3A_891 = arith.constant 400 : index
              %get3A_892 = tpu.vector_load %arg14[%get3A_890, %get3A_891] {strides = array<i32>} : memref<16x512xi32, #tpu.memory_space<vmem>>, vector<16xi32>,
              %bitcast3A_893 = vector.bitcast %get3A_892 : vector<16xi32> to vector<32xbf16>
              %add3A_894 = arith.addf %bitcast3A_889, %bitcast3A_893 : vector<32xbf16>
              %gt3A_895 = vector.broadcast %scan3A : bf16 to vector<32xbf16>
              %gt3A_896 = arith.cmpf ogt, %add3A_894, %gt3A_895 : vector<32xbf16>
              %mul3A_897 = vector.broadcast %scan3A_4 : bf16 to vector<32xbf16>
              %mul3A_898 = arith.mulf %mul3A_897, %add3A_894 : vector<32xbf16>
              %select_n3A_899 = arith.select %gt3A_896, %add3A_894, %mul3A_898 : vector<32xi1>, vector<32xbf16>
              %get3A_900 = arith.constant 400 : index
              %get3A_901 = tpu.vector_load %arg9[%get3A_900] {strides = array<i32>} : memref<512xi32, #tpu.memory_space<vmem>>, vector<16xi32>,
              %bitcast3A_902 = vector.bitcast %get3A_901 : vector<16xi32> to vector<32xbf16>
              %mul3A_903 = arith.mulf %select_n3A_899, %bitcast3A_902 : vector<32xbf16>
              %unpack3A_904 = tpu.unpack_subelements %mul3A_903, 0 {pack_format = #tpu.pack_format<interleaved>} : vector<32xbf16> -> vector<16xf32>
              %unpack3A_905 = tpu.unpack_subelements %mul3A_903, 1 {pack_format = #tpu.pack_format<interleaved>} : vector<32xbf16> -> vector<16xf32>
              %add3A_906 = arith.addf %broadcast_in_dim3A_1, %unpack3A_904 : vector<16xf32>
              %add3A_907 = arith.addf %broadcast_in_dim3A_1, %unpack3A_905 : vector<16xf32>
              %get3A_908 = arith.index_cast %add3A_310 : i32 to index
              %get3A_909 = arith.constant 416 : index
              %get3A_910 = tpu.vector_load %arg13[%get3A_908, %get3A_909] {strides = array<i32>} : memref<16x512xi32, #tpu.memory_space<vmem>>, vector<16xi32>,
              %bitcast3A_911 = vector.bitcast %get3A_910 : vector<16xi32> to vector<32xbf16>
              %get3A_912 = arith.index_cast %add3A_310 : i32 to index
              %get3A_913 = arith.constant 416 : index
              %get3A_914 = tpu.vector_load %arg14[%get3A_912, %get3A_913] {strides = array<i32>} : memref<16x512xi32, #tpu.memory_space<vmem>>, vector<16xi32>,
              %bitcast3A_915 = vector.bitcast %get3A_914 : vector<16xi32> to vector<32xbf16>
              %add3A_916 = arith.addf %bitcast3A_911, %bitcast3A_915 : vector<32xbf16>
              %gt3A_917 = vector.broadcast %scan3A : bf16 to vector<32xbf16>
              %gt3A_918 = arith.cmpf ogt, %add3A_916, %gt3A_917 : vector<32xbf16>
              %mul3A_919 = vector.broadcast %scan3A_4 : bf16 to vector<32xbf16>
              %mul3A_920 = arith.mulf %mul3A_919, %add3A_916 : vector<32xbf16>
              %select_n3A_921 = arith.select %gt3A_918, %add3A_916, %mul3A_920 : vector<32xi1>, vector<32xbf16>
              %get3A_922 = arith.constant 416 : index
              %get3A_923 = tpu.vector_load %arg9[%get3A_922] {strides = array<i32>} : memref<512xi32, #tpu.memory_space<vmem>>, vector<16xi32>,
              %bitcast3A_924 = vector.bitcast %get3A_923 : vector<16xi32> to vector<32xbf16>
              %mul3A_925 = arith.mulf %select_n3A_921, %bitcast3A_924 : vector<32xbf16>
              %unpack3A_926 = tpu.unpack_subelements %mul3A_925, 0 {pack_format = #tpu.pack_format<interleaved>} : vector<32xbf16> -> vector<16xf32>
              %unpack3A_927 = tpu.unpack_subelements %mul3A_925, 1 {pack_format = #tpu.pack_format<interleaved>} : vector<32xbf16> -> vector<16xf32>
              %add3A_928 = arith.addf %add3A_884, %unpack3A_926 : vector<16xf32>
              %add3A_929 = arith.addf %add3A_885, %unpack3A_927 : vector<16xf32>
              %get3A_930 = arith.index_cast %add3A_310 : i32 to index
              %get3A_931 = arith.constant 432 : index
              %get3A_932 = tpu.vector_load %arg13[%get3A_930, %get3A_931] {strides = array<i32>} : memref<16x512xi32, #tpu.memory_space<vmem>>, vector<16xi32>,
              %bitcast3A_933 = vector.bitcast %get3A_932 : vector<16xi32> to vector<32xbf16>
              %get3A_934 = arith.index_cast %add3A_310 : i32 to index
              %get3A_935 = arith.constant 432 : index
              %get3A_936 = tpu.vector_load %arg14[%get3A_934, %get3A_935] {strides = array<i32>} : memref<16x512xi32, #tpu.memory_space<vmem>>, vector<16xi32>,
              %bitcast3A_937 = vector.bitcast %get3A_936 : vector<16xi32> to vector<32xbf16>
              %add3A_938 = arith.addf %bitcast3A_933, %bitcast3A_937 : vector<32xbf16>
              %gt3A_939 = vector.broadcast %scan3A : bf16 to vector<32xbf16>
              %gt3A_940 = arith.cmpf ogt, %add3A_938, %gt3A_939 : vector<32xbf16>
              %mul3A_941 = vector.broadcast %scan3A_4 : bf16 to vector<32xbf16>
              %mul3A_942 = arith.mulf %mul3A_941, %add3A_938 : vector<32xbf16>
              %select_n3A_943 = arith.select %gt3A_940, %add3A_938, %mul3A_942 : vector<32xi1>, vector<32xbf16>
              %get3A_944 = arith.constant 432 : index
              %get3A_945 = tpu.vector_load %arg9[%get3A_944] {strides = array<i32>} : memref<512xi32, #tpu.memory_space<vmem>>, vector<16xi32>,
              %bitcast3A_946 = vector.bitcast %get3A_945 : vector<16xi32> to vector<32xbf16>
              %mul3A_947 = arith.mulf %select_n3A_943, %bitcast3A_946 : vector<32xbf16>
              %unpack3A_948 = tpu.unpack_subelements %mul3A_947, 0 {pack_format = #tpu.pack_format<interleaved>} : vector<32xbf16> -> vector<16xf32>
              %unpack3A_949 = tpu.unpack_subelements %mul3A_947, 1 {pack_format = #tpu.pack_format<interleaved>} : vector<32xbf16> -> vector<16xf32>
              %add3A_950 = arith.addf %add3A_906, %unpack3A_948 : vector<16xf32>
              %add3A_951 = arith.addf %add3A_907, %unpack3A_949 : vector<16xf32>
              %get3A_952 = arith.index_cast %add3A_310 : i32 to index
              %get3A_953 = arith.constant 448 : index
              %get3A_954 = tpu.vector_load %arg13[%get3A_952, %get3A_953] {strides = array<i32>} : memref<16x512xi32, #tpu.memory_space<vmem>>, vector<16xi32>,
              %bitcast3A_955 = vector.bitcast %get3A_954 : vector<16xi32> to vector<32xbf16>
              %get3A_956 = arith.index_cast %add3A_310 : i32 to index
              %get3A_957 = arith.constant 448 : index
              %get3A_958 = tpu.vector_load %arg14[%get3A_956, %get3A_957] {strides = array<i32>} : memref<16x512xi32, #tpu.memory_space<vmem>>, vector<16xi32>,
              %bitcast3A_959 = vector.bitcast %get3A_958 : vector<16xi32> to vector<32xbf16>
              %add3A_960 = arith.addf %bitcast3A_955, %bitcast3A_959 : vector<32xbf16>
              %gt3A_961 = vector.broadcast %scan3A : bf16 to vector<32xbf16>
              %gt3A_962 = arith.cmpf ogt, %add3A_960, %gt3A_961 : vector<32xbf16>
              %mul3A_963 = vector.broadcast %scan3A_4 : bf16 to vector<32xbf16>
              %mul3A_964 = arith.mulf %mul3A_963, %add3A_960 : vector<32xbf16>
              %select_n3A_965 = arith.select %gt3A_962, %add3A_960, %mul3A_964 : vector<32xi1>, vector<32xbf16>
              %get3A_966 = arith.constant 448 : index
              %get3A_967 = tpu.vector_load %arg9[%get3A_966] {strides = array<i32>} : memref<512xi32, #tpu.memory_space<vmem>>, vector<16xi32>,
              %bitcast3A_968 = vector.bitcast %get3A_967 : vector<16xi32> to vector<32xbf16>
              %mul3A_969 = arith.mulf %select_n3A_965, %bitcast3A_968 : vector<32xbf16>
              %unpack3A_970 = tpu.unpack_subelements %mul3A_969, 0 {pack_format = #tpu.pack_format<interleaved>} : vector<32xbf16> -> vector<16xf32>
              %unpack3A_971 = tpu.unpack_subelements %mul3A_969, 1 {pack_format = #tpu.pack_format<interleaved>} : vector<32xbf16> -> vector<16xf32>
              %add3A_972 = arith.addf %add3A_928, %unpack3A_970 : vector<16xf32>
              %add3A_973 = arith.addf %add3A_929, %unpack3A_971 : vector<16xf32>
              %get3A_974 = arith.index_cast %add3A_310 : i32 to index
              %get3A_975 = arith.constant 464 : index
              %get3A_976 = tpu.vector_load %arg13[%get3A_974, %get3A_975] {strides = array<i32>} : memref<16x512xi32, #tpu.memory_space<vmem>>, vector<16xi32>,
              %bitcast3A_977 = vector.bitcast %get3A_976 : vector<16xi32> to vector<32xbf16>
              %get3A_978 = arith.index_cast %add3A_310 : i32 to index
              %get3A_979 = arith.constant 464 : index
              %get3A_980 = tpu.vector_load %arg14[%get3A_978, %get3A_979] {strides = array<i32>} : memref<16x512xi32, #tpu.memory_space<vmem>>, vector<16xi32>,
              %bitcast3A_981 = vector.bitcast %get3A_980 : vector<16xi32> to vector<32xbf16>
              %add3A_982 = arith.addf %bitcast3A_977, %bitcast3A_981 : vector<32xbf16>
              %gt3A_983 = vector.broadcast %scan3A : bf16 to vector<32xbf16>
              %gt3A_984 = arith.cmpf ogt, %add3A_982, %gt3A_983 : vector<32xbf16>
              %mul3A_985 = vector.broadcast %scan3A_4 : bf16 to vector<32xbf16>
              %mul3A_986 = arith.mulf %mul3A_985, %add3A_982 : vector<32xbf16>
              %select_n3A_987 = arith.select %gt3A_984, %add3A_982, %mul3A_986 : vector<32xi1>, vector<32xbf16>
              %get3A_988 = arith.constant 464 : index
              %get3A_989 = tpu.vector_load %arg9[%get3A_988] {strides = array<i32>} : memref<512xi32, #tpu.memory_space<vmem>>, vector<16xi32>,
              %bitcast3A_990 = vector.bitcast %get3A_989 : vector<16xi32> to vector<32xbf16>
              %mul3A_991 = arith.mulf %select_n3A_987, %bitcast3A_990 : vector<32xbf16>
              %unpack3A_992 = tpu.unpack_subelements %mul3A_991, 0 {pack_format = #tpu.pack_format<interleaved>} : vector<32xbf16> -> vector<16xf32>
              %unpack3A_993 = tpu.unpack_subelements %mul3A_991, 1 {pack_format = #tpu.pack_format<interleaved>} : vector<32xbf16> -> vector<16xf32>
              %add3A_994 = arith.addf %add3A_950, %unpack3A_992 : vector<16xf32>
              %add3A_995 = arith.addf %add3A_951, %unpack3A_993 : vector<16xf32>
              %get3A_996 = arith.index_cast %add3A_310 : i32 to index
              %get3A_997 = arith.constant 480 : index
              %get3A_998 = tpu.vector_load %arg13[%get3A_996, %get3A_997] {strides = array<i32>} : memref<16x512xi32, #tpu.memory_space<vmem>>, vector<16xi32>,
              %bitcast3A_999 = vector.bitcast %get3A_998 : vector<16xi32> to vector<32xbf16>
              %get3A_1000 = arith.index_cast %add3A_310 : i32 to index
              %get3A_1001 = arith.constant 480 : index
              %get3A_1002 = tpu.vector_load %arg14[%get3A_1000, %get3A_1001] {strides = array<i32>} : memref<16x512xi32, #tpu.memory_space<vmem>>, vector<16xi32>,
              %bitcast3A_1003 = vector.bitcast %get3A_1002 : vector<16xi32> to vector<32xbf16>
              %add3A_1004 = arith.addf %bitcast3A_999, %bitcast3A_1003 : vector<32xbf16>
              %gt3A_1005 = vector.broadcast %scan3A : bf16 to vector<32xbf16>
              %gt3A_1006 = arith.cmpf ogt, %add3A_1004, %gt3A_1005 : vector<32xbf16>
              %mul3A_1007 = vector.broadcast %scan3A_4 : bf16 to vector<32xbf16>
              %mul3A_1008 = arith.mulf %mul3A_1007, %add3A_1004 : vector<32xbf16>
              %select_n3A_1009 = arith.select %gt3A_1006, %add3A_1004, %mul3A_1008 : vector<32xi1>, vector<32xbf16>
              %get3A_1010 = arith.constant 480 : index
              %get3A_1011 = tpu.vector_load %arg9[%get3A_1010] {strides = array<i32>} : memref<512xi32, #tpu.memory_space<vmem>>, vector<16xi32>,
              %bitcast3A_1012 = vector.bitcast %get3A_1011 : vector<16xi32> to vector<32xbf16>
              %mul3A_1013 = arith.mulf %select_n3A_1009, %bitcast3A_1012 : vector<32xbf16>
              %unpack3A_1014 = tpu.unpack_subelements %mul3A_1013, 0 {pack_format = #tpu.pack_format<interleaved>} : vector<32xbf16> -> vector<16xf32>
              %unpack3A_1015 = tpu.unpack_subelements %mul3A_1013, 1 {pack_format = #tpu.pack_format<interleaved>} : vector<32xbf16> -> vector<16xf32>
              %add3A_1016 = arith.addf %add3A_972, %unpack3A_1014 : vector<16xf32>
              %add3A_1017 = arith.addf %add3A_973, %unpack3A_1015 : vector<16xf32>
              %get3A_1018 = arith.index_cast %add3A_310 : i32 to index
              %get3A_1019 = arith.constant 496 : index
              %get3A_1020 = tpu.vector_load %arg13[%get3A_1018, %get3A_1019] {strides = array<i32>} : memref<16x512xi32, #tpu.memory_space<vmem>>, vector<16xi32>,
              %bitcast3A_1021 = vector.bitcast %get3A_1020 : vector<16xi32> to vector<32xbf16>
              %get3A_1022 = arith.index_cast %add3A_310 : i32 to index
              %get3A_1023 = arith.constant 496 : index
              %get3A_1024 = tpu.vector_load %arg14[%get3A_1022, %get3A_1023] {strides = array<i32>} : memref<16x512xi32, #tpu.memory_space<vmem>>, vector<16xi32>,
              %bitcast3A_1025 = vector.bitcast %get3A_1024 : vector<16xi32> to vector<32xbf16>
              %add3A_1026 = arith.addf %bitcast3A_1021, %bitcast3A_1025 : vector<32xbf16>
              %gt3A_1027 = vector.broadcast %scan3A : bf16 to vector<32xbf16>
              %gt3A_1028 = arith.cmpf ogt, %add3A_1026, %gt3A_1027 : vector<32xbf16>
              %mul3A_1029 = vector.broadcast %scan3A_4 : bf16 to vector<32xbf16>
              %mul3A_1030 = arith.mulf %mul3A_1029, %add3A_1026 : vector<32xbf16>
              %select_n3A_1031 = arith.select %gt3A_1028, %add3A_1026, %mul3A_1030 : vector<32xi1>, vector<32xbf16>
              %get3A_1032 = arith.constant 496 : index
              %get3A_1033 = tpu.vector_load %arg9[%get3A_1032] {strides = array<i32>} : memref<512xi32, #tpu.memory_space<vmem>>, vector<16xi32>,
              %bitcast3A_1034 = vector.bitcast %get3A_1033 : vector<16xi32> to vector<32xbf16>
              %mul3A_1035 = arith.mulf %select_n3A_1031, %bitcast3A_1034 : vector<32xbf16>
              %unpack3A_1036 = tpu.unpack_subelements %mul3A_1035, 0 {pack_format = #tpu.pack_format<interleaved>} : vector<32xbf16> -> vector<16xf32>
              %unpack3A_1037 = tpu.unpack_subelements %mul3A_1035, 1 {pack_format = #tpu.pack_format<interleaved>} : vector<32xbf16> -> vector<16xf32>
              %add3A_1038 = arith.addf %add3A_994, %unpack3A_1036 : vector<16xf32>
              %add3A_1039 = arith.addf %add3A_995, %unpack3A_1037 : vector<16xf32>
              %add3A_1040 = arith.addf %add3A_1016, %add3A_1017 : vector<16xf32>
              %add3A_1041 = arith.addf %add3A_1038, %add3A_1039 : vector<16xf32>
              %add3A_1042 = arith.addf %add3A_1040, %add3A_1041 : vector<16xf32>
              %reduce_sum3A_1043 = arith.constant true
              %reduce_sum3A_1044 = vector.broadcast %reduce_sum3A_1043 : i1 to vector<16xi1>
              %reduce_sum3A_1045 = tpu.scan <sum>, %add3A_1042 masked %reduce_sum3A_1044 : vector<16xf32>, vector<16xi1> -> vector<16xf32>
              %reduce_sum3A_1046 = vector.extract %reduce_sum3A_1045[15] : f32 from vector<16xf32>
              %broadcast_in_dim3A_1047 = vector.broadcast %reduce_sum3A_1046 : f32 to vector<16xf32>
              %exp3A_1048 = math.exp %broadcast_in_dim3A_1047 : vector<16xf32>
              %eq3A_1049 = arith.constant 0 : i32
              %eq3A_1050 = vector.broadcast %eq3A_1049 : i32 to vector<16xi32>
              %eq3A_1051 = arith.cmpi eq, %iota3A, %eq3A_1050 : vector<16xi32>
              %select_n3A_1052 = arith.select %eq3A_1051, %exp3A, %broadcast_in_dim3A_1 : vector<16xi1>, vector<16xf32>
              %eq3A_1053 = arith.constant 1 : i32
              %eq3A_1054 = vector.broadcast %eq3A_1053 : i32 to vector<16xi32>
              %eq3A_1055 = arith.cmpi eq, %iota3A, %eq3A_1054 : vector<16xi32>
              %select_n3A_1056 = arith.select %eq3A_1055, %exp3A_678, %select_n3A_1052 : vector<16xi1>, vector<16xf32>
              %eq3A_1057 = arith.constant 2 : i32
              %eq3A_1058 = vector.broadcast %eq3A_1057 : i32 to vector<16xi32>
              %eq3A_1059 = arith.cmpi eq, %iota3A, %eq3A_1058 : vector<16xi32>
              %select_n3A_1060 = arith.select %eq3A_1059, %exp3A_863, %select_n3A_1056 : vector<16xi1>, vector<16xf32>
              %eq3A_1061 = arith.constant 3 : i32
              %eq3A_1062 = vector.broadcast %eq3A_1061 : i32 to vector<16xi32>
              %eq3A_1063 = arith.cmpi eq, %iota3A, %eq3A_1062 : vector<16xi32>
              %select_n3A_1064 = arith.select %eq3A_1063, %exp3A_1048, %select_n3A_1060 : vector<16xi1>, vector<16xf32>
              %swap3A_1065 = arith.index_cast %sub3A_313 : i32 to index
              %swap3A_1066 = arith.constant 0 : index
              %swap3A_1067 = tpu.vector_load %arg8[%swap3A_1065, %swap3A_1066] {strides = array<i32>} : memref<64x16xf32, #tpu.memory_space<vmem>>, vector<16xf32>,
              tpu.vector_store %arg8[%swap3A_1065, %swap3A_1066], %select_n3A_1064 {add = true, strides = array<i32>} : memref<64x16xf32, #tpu.memory_space<vmem>>, vector<16xf32>,
              %get3A_1068 = arith.index_cast %add3A_310 : i32 to index
              %get3A_1069 = arith.constant 0 : index
              %get3A_1070 = tpu.vector_load %arg13[%get3A_1068, %get3A_1069] {strides = array<i32>} : memref<16x512xi32, #tpu.memory_space<vmem>>, vector<16xi32>,
              %bitcast3A_1071 = vector.bitcast %get3A_1070 : vector<16xi32> to vector<32xbf16>
              %unpack3A_1072 = tpu.unpack_subelements %bitcast3A_1071, 0 {pack_format = #tpu.pack_format<interleaved>} : vector<32xbf16> -> vector<16xf32>
              %unpack3A_1073 = tpu.unpack_subelements %bitcast3A_1071, 1 {pack_format = #tpu.pack_format<interleaved>} : vector<32xbf16> -> vector<16xf32>
              %mul3A_1074 = arith.mulf %exp3A, %unpack3A_1072 : vector<16xf32>
              %swap3A_1075 = arith.index_cast %sub3A_313 : i32 to index
              %swap3A_1076 = arith.constant 0 : index
              %swap3A_1077 = tpu.vector_load %arg7[%swap3A_1075, %swap3A_1076] {strides = array<i32>} : memref<64x1024xf32, #tpu.memory_space<vmem>>, vector<16xf32>,
              tpu.vector_store %arg7[%swap3A_1075, %swap3A_1076], %mul3A_1074 {add = true, strides = array<i32>} : memref<64x1024xf32, #tpu.memory_space<vmem>>, vector<16xf32>,
              %mul3A_1078 = arith.mulf %exp3A, %unpack3A_1073 : vector<16xf32>
              %swap3A_1079 = arith.index_cast %sub3A_313 : i32 to index
              %swap3A_1080 = arith.constant 16 : index
              %swap3A_1081 = tpu.vector_load %arg7[%swap3A_1079, %swap3A_1080] {strides = array<i32>} : memref<64x1024xf32, #tpu.memory_space<vmem>>, vector<16xf32>,
              tpu.vector_store %arg7[%swap3A_1079, %swap3A_1080], %mul3A_1078 {add = true, strides = array<i32>} : memref<64x1024xf32, #tpu.memory_space<vmem>>, vector<16xf32>,
              %get3A_1082 = arith.index_cast %add3A_310 : i32 to index
              %get3A_1083 = arith.constant 16 : index
              %get3A_1084 = tpu.vector_load %arg13[%get3A_1082, %get3A_1083] {strides = array<i32>} : memref<16x512xi32, #tpu.memory_space<vmem>>, vector<16xi32>,
              %bitcast3A_1085 = vector.bitcast %get3A_1084 : vector<16xi32> to vector<32xbf16>
              %unpack3A_1086 = tpu.unpack_subelements %bitcast3A_1085, 0 {pack_format = #tpu.pack_format<interleaved>} : vector<32xbf16> -> vector<16xf32>
              %unpack3A_1087 = tpu.unpack_subelements %bitcast3A_1085, 1 {pack_format = #tpu.pack_format<interleaved>} : vector<32xbf16> -> vector<16xf32>
              %mul3A_1088 = arith.mulf %exp3A, %unpack3A_1086 : vector<16xf32>
              %swap3A_1089 = arith.index_cast %sub3A_313 : i32 to index
              %swap3A_1090 = arith.constant 32 : index
              %swap3A_1091 = tpu.vector_load %arg7[%swap3A_1089, %swap3A_1090] {strides = array<i32>} : memref<64x1024xf32, #tpu.memory_space<vmem>>, vector<16xf32>,
              tpu.vector_store %arg7[%swap3A_1089, %swap3A_1090], %mul3A_1088 {add = true, strides = array<i32>} : memref<64x1024xf32, #tpu.memory_space<vmem>>, vector<16xf32>,
              %mul3A_1092 = arith.mulf %exp3A, %unpack3A_1087 : vector<16xf32>
              %swap3A_1093 = arith.index_cast %sub3A_313 : i32 to index
              %swap3A_1094 = arith.constant 48 : index
              %swap3A_1095 = tpu.vector_load %arg7[%swap3A_1093, %swap3A_1094] {strides = array<i32>} : memref<64x1024xf32, #tpu.memory_space<vmem>>, vector<16xf32>,
              tpu.vector_store %arg7[%swap3A_1093, %swap3A_1094], %mul3A_1092 {add = true, strides = array<i32>} : memref<64x1024xf32, #tpu.memory_space<vmem>>, vector<16xf32>,
              %get3A_1096 = arith.index_cast %add3A_310 : i32 to index
              %get3A_1097 = arith.constant 32 : index
              %get3A_1098 = tpu.vector_load %arg13[%get3A_1096, %get3A_1097] {strides = array<i32>} : memref<16x512xi32, #tpu.memory_space<vmem>>, vector<16xi32>,
              %bitcast3A_1099 = vector.bitcast %get3A_1098 : vector<16xi32> to vector<32xbf16>
              %unpack3A_1100 = tpu.unpack_subelements %bitcast3A_1099, 0 {pack_format = #tpu.pack_format<interleaved>} : vector<32xbf16> -> vector<16xf32>
              %unpack3A_1101 = tpu.unpack_subelements %bitcast3A_1099, 1 {pack_format = #tpu.pack_format<interleaved>} : vector<32xbf16> -> vector<16xf32>
              %mul3A_1102 = arith.mulf %exp3A, %unpack3A_1100 : vector<16xf32>
              %swap3A_1103 = arith.index_cast %sub3A_313 : i32 to index
              %swap3A_1104 = arith.constant 64 : index
              %swap3A_1105 = tpu.vector_load %arg7[%swap3A_1103, %swap3A_1104] {strides = array<i32>} : memref<64x1024xf32, #tpu.memory_space<vmem>>, vector<16xf32>,
              tpu.vector_store %arg7[%swap3A_1103, %swap3A_1104], %mul3A_1102 {add = true, strides = array<i32>} : memref<64x1024xf32, #tpu.memory_space<vmem>>, vector<16xf32>,
              %mul3A_1106 = arith.mulf %exp3A, %unpack3A_1101 : vector<16xf32>
              %swap3A_1107 = arith.index_cast %sub3A_313 : i32 to index
              %swap3A_1108 = arith.constant 80 : index
              %swap3A_1109 = tpu.vector_load %arg7[%swap3A_1107, %swap3A_1108] {strides = array<i32>} : memref<64x1024xf32, #tpu.memory_space<vmem>>, vector<16xf32>,
              tpu.vector_store %arg7[%swap3A_1107, %swap3A_1108], %mul3A_1106 {add = true, strides = array<i32>} : memref<64x1024xf32, #tpu.memory_space<vmem>>, vector<16xf32>,
              %get3A_1110 = arith.index_cast %add3A_310 : i32 to index
              %get3A_1111 = arith.constant 48 : index
              %get3A_1112 = tpu.vector_load %arg13[%get3A_1110, %get3A_1111] {strides = array<i32>} : memref<16x512xi32, #tpu.memory_space<vmem>>, vector<16xi32>,
              %bitcast3A_1113 = vector.bitcast %get3A_1112 : vector<16xi32> to vector<32xbf16>
              %unpack3A_1114 = tpu.unpack_subelements %bitcast3A_1113, 0 {pack_format = #tpu.pack_format<interleaved>} : vector<32xbf16> -> vector<16xf32>
              %unpack3A_1115 = tpu.unpack_subelements %bitcast3A_1113, 1 {pack_format = #tpu.pack_format<interleaved>} : vector<32xbf16> -> vector<16xf32>
              %mul3A_1116 = arith.mulf %exp3A, %unpack3A_1114 : vector<16xf32>
              %swap3A_1117 = arith.index_cast %sub3A_313 : i32 to index
              %swap3A_1118 = arith.constant 96 : index
              %swap3A_1119 = tpu.vector_load %arg7[%swap3A_1117, %swap3A_1118] {strides = array<i32>} : memref<64x1024xf32, #tpu.memory_space<vmem>>, vector<16xf32>,
              tpu.vector_store %arg7[%swap3A_1117, %swap3A_1118], %mul3A_1116 {add = true, strides = array<i32>} : memref<64x1024xf32, #tpu.memory_space<vmem>>, vector<16xf32>,
              %mul3A_1120 = arith.mulf %exp3A, %unpack3A_1115 : vector<16xf32>
              %swap3A_1121 = arith.index_cast %sub3A_313 : i32 to index
              %swap3A_1122 = arith.constant 112 : index
              %swap3A_1123 = tpu.vector_load %arg7[%swap3A_1121, %swap3A_1122] {strides = array<i32>} : memref<64x1024xf32, #tpu.memory_space<vmem>>, vector<16xf32>,
              tpu.vector_store %arg7[%swap3A_1121, %swap3A_1122], %mul3A_1120 {add = true, strides = array<i32>} : memref<64x1024xf32, #tpu.memory_space<vmem>>, vector<16xf32>,
              %get3A_1124 = arith.index_cast %add3A_310 : i32 to index
              %get3A_1125 = arith.constant 64 : index
              %get3A_1126 = tpu.vector_load %arg13[%get3A_1124, %get3A_1125] {strides = array<i32>} : memref<16x512xi32, #tpu.memory_space<vmem>>, vector<16xi32>,
              %bitcast3A_1127 = vector.bitcast %get3A_1126 : vector<16xi32> to vector<32xbf16>
              %unpack3A_1128 = tpu.unpack_subelements %bitcast3A_1127, 0 {pack_format = #tpu.pack_format<interleaved>} : vector<32xbf16> -> vector<16xf32>
              %unpack3A_1129 = tpu.unpack_subelements %bitcast3A_1127, 1 {pack_format = #tpu.pack_format<interleaved>} : vector<32xbf16> -> vector<16xf32>
              %mul3A_1130 = arith.mulf %exp3A, %unpack3A_1128 : vector<16xf32>
              %swap3A_1131 = arith.index_cast %sub3A_313 : i32 to index
              %swap3A_1132 = arith.constant 128 : index
              %swap3A_1133 = tpu.vector_load %arg7[%swap3A_1131, %swap3A_1132] {strides = array<i32>} : memref<64x1024xf32, #tpu.memory_space<vmem>>, vector<16xf32>,
              tpu.vector_store %arg7[%swap3A_1131, %swap3A_1132], %mul3A_1130 {add = true, strides = array<i32>} : memref<64x1024xf32, #tpu.memory_space<vmem>>, vector<16xf32>,
              %mul3A_1134 = arith.mulf %exp3A, %unpack3A_1129 : vector<16xf32>
              %swap3A_1135 = arith.index_cast %sub3A_313 : i32 to index
              %swap3A_1136 = arith.constant 144 : index
              %swap3A_1137 = tpu.vector_load %arg7[%swap3A_1135, %swap3A_1136] {strides = array<i32>} : memref<64x1024xf32, #tpu.memory_space<vmem>>, vector<16xf32>,
              tpu.vector_store %arg7[%swap3A_1135, %swap3A_1136], %mul3A_1134 {add = true, strides = array<i32>} : memref<64x1024xf32, #tpu.memory_space<vmem>>, vector<16xf32>,
              %get3A_1138 = arith.index_cast %add3A_310 : i32 to index
              %get3A_1139 = arith.constant 80 : index
              %get3A_1140 = tpu.vector_load %arg13[%get3A_1138, %get3A_1139] {strides = array<i32>} : memref<16x512xi32, #tpu.memory_space<vmem>>, vector<16xi32>,
              %bitcast3A_1141 = vector.bitcast %get3A_1140 : vector<16xi32> to vector<32xbf16>
              %unpack3A_1142 = tpu.unpack_subelements %bitcast3A_1141, 0 {pack_format = #tpu.pack_format<interleaved>} : vector<32xbf16> -> vector<16xf32>
              %unpack3A_1143 = tpu.unpack_subelements %bitcast3A_1141, 1 {pack_format = #tpu.pack_format<interleaved>} : vector<32xbf16> -> vector<16xf32>
              %mul3A_1144 = arith.mulf %exp3A, %unpack3A_1142 : vector<16xf32>
              %swap3A_1145 = arith.index_cast %sub3A_313 : i32 to index
              %swap3A_1146 = arith.constant 160 : index
              %swap3A_1147 = tpu.vector_load %arg7[%swap3A_1145, %swap3A_1146] {strides = array<i32>} : memref<64x1024xf32, #tpu.memory_space<vmem>>, vector<16xf32>,
              tpu.vector_store %arg7[%swap3A_1145, %swap3A_1146], %mul3A_1144 {add = true, strides = array<i32>} : memref<64x1024xf32, #tpu.memory_space<vmem>>, vector<16xf32>,
              %mul3A_1148 = arith.mulf %exp3A, %unpack3A_1143 : vector<16xf32>
              %swap3A_1149 = arith.index_cast %sub3A_313 : i32 to index
              %swap3A_1150 = arith.constant 176 : index
              %swap3A_1151 = tpu.vector_load %arg7[%swap3A_1149, %swap3A_1150] {strides = array<i32>} : memref<64x1024xf32, #tpu.memory_space<vmem>>, vector<16xf32>,
              tpu.vector_store %arg7[%swap3A_1149, %swap3A_1150], %mul3A_1148 {add = true, strides = array<i32>} : memref<64x1024xf32, #tpu.memory_space<vmem>>, vector<16xf32>,
              %get3A_1152 = arith.index_cast %add3A_310 : i32 to index
              %get3A_1153 = arith.constant 96 : index
              %get3A_1154 = tpu.vector_load %arg13[%get3A_1152, %get3A_1153] {strides = array<i32>} : memref<16x512xi32, #tpu.memory_space<vmem>>, vector<16xi32>,
              %bitcast3A_1155 = vector.bitcast %get3A_1154 : vector<16xi32> to vector<32xbf16>
              %unpack3A_1156 = tpu.unpack_subelements %bitcast3A_1155, 0 {pack_format = #tpu.pack_format<interleaved>} : vector<32xbf16> -> vector<16xf32>
              %unpack3A_1157 = tpu.unpack_subelements %bitcast3A_1155, 1 {pack_format = #tpu.pack_format<interleaved>} : vector<32xbf16> -> vector<16xf32>
              %mul3A_1158 = arith.mulf %exp3A, %unpack3A_1156 : vector<16xf32>
              %swap3A_1159 = arith.index_cast %sub3A_313 : i32 to index
              %swap3A_1160 = arith.constant 192 : index
              %swap3A_1161 = tpu.vector_load %arg7[%swap3A_1159, %swap3A_1160] {strides = array<i32>} : memref<64x1024xf32, #tpu.memory_space<vmem>>, vector<16xf32>,
              tpu.vector_store %arg7[%swap3A_1159, %swap3A_1160], %mul3A_1158 {add = true, strides = array<i32>} : memref<64x1024xf32, #tpu.memory_space<vmem>>, vector<16xf32>,
              %mul3A_1162 = arith.mulf %exp3A, %unpack3A_1157 : vector<16xf32>
              %swap3A_1163 = arith.index_cast %sub3A_313 : i32 to index
              %swap3A_1164 = arith.constant 208 : index
              %swap3A_1165 = tpu.vector_load %arg7[%swap3A_1163, %swap3A_1164] {strides = array<i32>} : memref<64x1024xf32, #tpu.memory_space<vmem>>, vector<16xf32>,
              tpu.vector_store %arg7[%swap3A_1163, %swap3A_1164], %mul3A_1162 {add = true, strides = array<i32>} : memref<64x1024xf32, #tpu.memory_space<vmem>>, vector<16xf32>,
              %get3A_1166 = arith.index_cast %add3A_310 : i32 to index
              %get3A_1167 = arith.constant 112 : index
              %get3A_1168 = tpu.vector_load %arg13[%get3A_1166, %get3A_1167] {strides = array<i32>} : memref<16x512xi32, #tpu.memory_space<vmem>>, vector<16xi32>,
              %bitcast3A_1169 = vector.bitcast %get3A_1168 : vector<16xi32> to vector<32xbf16>
              %unpack3A_1170 = tpu.unpack_subelements %bitcast3A_1169, 0 {pack_format = #tpu.pack_format<interleaved>} : vector<32xbf16> -> vector<16xf32>
              %unpack3A_1171 = tpu.unpack_subelements %bitcast3A_1169, 1 {pack_format = #tpu.pack_format<interleaved>} : vector<32xbf16> -> vector<16xf32>
              %mul3A_1172 = arith.mulf %exp3A, %unpack3A_1170 : vector<16xf32>
              %swap3A_1173 = arith.index_cast %sub3A_313 : i32 to index
              %swap3A_1174 = arith.constant 224 : index
              %swap3A_1175 = tpu.vector_load %arg7[%swap3A_1173, %swap3A_1174] {strides = array<i32>} : memref<64x1024xf32, #tpu.memory_space<vmem>>, vector<16xf32>,
              tpu.vector_store %arg7[%swap3A_1173, %swap3A_1174], %mul3A_1172 {add = true, strides = array<i32>} : memref<64x1024xf32, #tpu.memory_space<vmem>>, vector<16xf32>,
              %mul3A_1176 = arith.mulf %exp3A, %unpack3A_1171 : vector<16xf32>
              %swap3A_1177 = arith.index_cast %sub3A_313 : i32 to index
              %swap3A_1178 = arith.constant 240 : index
              %swap3A_1179 = tpu.vector_load %arg7[%swap3A_1177, %swap3A_1178] {strides = array<i32>} : memref<64x1024xf32, #tpu.memory_space<vmem>>, vector<16xf32>,
              tpu.vector_store %arg7[%swap3A_1177, %swap3A_1178], %mul3A_1176 {add = true, strides = array<i32>} : memref<64x1024xf32, #tpu.memory_space<vmem>>, vector<16xf32>,
              %get3A_1180 = arith.index_cast %add3A_310 : i32 to index
              %get3A_1181 = arith.constant 128 : index
              %get3A_1182 = tpu.vector_load %arg13[%get3A_1180, %get3A_1181] {strides = array<i32>} : memref<16x512xi32, #tpu.memory_space<vmem>>, vector<16xi32>,
              %bitcast3A_1183 = vector.bitcast %get3A_1182 : vector<16xi32> to vector<32xbf16>
              %unpack3A_1184 = tpu.unpack_subelements %bitcast3A_1183, 0 {pack_format = #tpu.pack_format<interleaved>} : vector<32xbf16> -> vector<16xf32>
              %unpack3A_1185 = tpu.unpack_subelements %bitcast3A_1183, 1 {pack_format = #tpu.pack_format<interleaved>} : vector<32xbf16> -> vector<16xf32>
              %mul3A_1186 = arith.mulf %exp3A_678, %unpack3A_1184 : vector<16xf32>
              %swap3A_1187 = arith.index_cast %sub3A_313 : i32 to index
              %swap3A_1188 = arith.constant 256 : index
              %swap3A_1189 = tpu.vector_load %arg7[%swap3A_1187, %swap3A_1188] {strides = array<i32>} : memref<64x1024xf32, #tpu.memory_space<vmem>>, vector<16xf32>,
              tpu.vector_store %arg7[%swap3A_1187, %swap3A_1188], %mul3A_1186 {add = true, strides = array<i32>} : memref<64x1024xf32, #tpu.memory_space<vmem>>, vector<16xf32>,
              %mul3A_1190 = arith.mulf %exp3A_678, %unpack3A_1185 : vector<16xf32>
              %swap3A_1191 = arith.index_cast %sub3A_313 : i32 to index
              %swap3A_1192 = arith.constant 272 : index
              %swap3A_1193 = tpu.vector_load %arg7[%swap3A_1191, %swap3A_1192] {strides = array<i32>} : memref<64x1024xf32, #tpu.memory_space<vmem>>, vector<16xf32>,
              tpu.vector_store %arg7[%swap3A_1191, %swap3A_1192], %mul3A_1190 {add = true, strides = array<i32>} : memref<64x1024xf32, #tpu.memory_space<vmem>>, vector<16xf32>,
              %get3A_1194 = arith.index_cast %add3A_310 : i32 to index
              %get3A_1195 = arith.constant 144 : index
              %get3A_1196 = tpu.vector_load %arg13[%get3A_1194, %get3A_1195] {strides = array<i32>} : memref<16x512xi32, #tpu.memory_space<vmem>>, vector<16xi32>,
              %bitcast3A_1197 = vector.bitcast %get3A_1196 : vector<16xi32> to vector<32xbf16>
              %unpack3A_1198 = tpu.unpack_subelements %bitcast3A_1197, 0 {pack_format = #tpu.pack_format<interleaved>} : vector<32xbf16> -> vector<16xf32>
              %unpack3A_1199 = tpu.unpack_subelements %bitcast3A_1197, 1 {pack_format = #tpu.pack_format<interleaved>} : vector<32xbf16> -> vector<16xf32>
              %mul3A_1200 = arith.mulf %exp3A_678, %unpack3A_1198 : vector<16xf32>
              %swap3A_1201 = arith.index_cast %sub3A_313 : i32 to index
              %swap3A_1202 = arith.constant 288 : index
              %swap3A_1203 = tpu.vector_load %arg7[%swap3A_1201, %swap3A_1202] {strides = array<i32>} : memref<64x1024xf32, #tpu.memory_space<vmem>>, vector<16xf32>,
              tpu.vector_store %arg7[%swap3A_1201, %swap3A_1202], %mul3A_1200 {add = true, strides = array<i32>} : memref<64x1024xf32, #tpu.memory_space<vmem>>, vector<16xf32>,
              %mul3A_1204 = arith.mulf %exp3A_678, %unpack3A_1199 : vector<16xf32>
              %swap3A_1205 = arith.index_cast %sub3A_313 : i32 to index
              %swap3A_1206 = arith.constant 304 : index
              %swap3A_1207 = tpu.vector_load %arg7[%swap3A_1205, %swap3A_1206] {strides = array<i32>} : memref<64x1024xf32, #tpu.memory_space<vmem>>, vector<16xf32>,
              tpu.vector_store %arg7[%swap3A_1205, %swap3A_1206], %mul3A_1204 {add = true, strides = array<i32>} : memref<64x1024xf32, #tpu.memory_space<vmem>>, vector<16xf32>,
              %get3A_1208 = arith.index_cast %add3A_310 : i32 to index
              %get3A_1209 = arith.constant 160 : index
              %get3A_1210 = tpu.vector_load %arg13[%get3A_1208, %get3A_1209] {strides = array<i32>} : memref<16x512xi32, #tpu.memory_space<vmem>>, vector<16xi32>,
              %bitcast3A_1211 = vector.bitcast %get3A_1210 : vector<16xi32> to vector<32xbf16>
              %unpack3A_1212 = tpu.unpack_subelements %bitcast3A_1211, 0 {pack_format = #tpu.pack_format<interleaved>} : vector<32xbf16> -> vector<16xf32>
              %unpack3A_1213 = tpu.unpack_subelements %bitcast3A_1211, 1 {pack_format = #tpu.pack_format<interleaved>} : vector<32xbf16> -> vector<16xf32>
              %mul3A_1214 = arith.mulf %exp3A_678, %unpack3A_1212 : vector<16xf32>
              %swap3A_1215 = arith.index_cast %sub3A_313 : i32 to index
              %swap3A_1216 = arith.constant 320 : index
              %swap3A_1217 = tpu.vector_load %arg7[%swap3A_1215, %swap3A_1216] {strides = array<i32>} : memref<64x1024xf32, #tpu.memory_space<vmem>>, vector<16xf32>,
              tpu.vector_store %arg7[%swap3A_1215, %swap3A_1216], %mul3A_1214 {add = true, strides = array<i32>} : memref<64x1024xf32, #tpu.memory_space<vmem>>, vector<16xf32>,
              %mul3A_1218 = arith.mulf %exp3A_678, %unpack3A_1213 : vector<16xf32>
              %swap3A_1219 = arith.index_cast %sub3A_313 : i32 to index
              %swap3A_1220 = arith.constant 336 : index
              %swap3A_1221 = tpu.vector_load %arg7[%swap3A_1219, %swap3A_1220] {strides = array<i32>} : memref<64x1024xf32, #tpu.memory_space<vmem>>, vector<16xf32>,
              tpu.vector_store %arg7[%swap3A_1219, %swap3A_1220], %mul3A_1218 {add = true, strides = array<i32>} : memref<64x1024xf32, #tpu.memory_space<vmem>>, vector<16xf32>,
              %get3A_1222 = arith.index_cast %add3A_310 : i32 to index
              %get3A_1223 = arith.constant 176 : index
              %get3A_1224 = tpu.vector_load %arg13[%get3A_1222, %get3A_1223] {strides = array<i32>} : memref<16x512xi32, #tpu.memory_space<vmem>>, vector<16xi32>,
              %bitcast3A_1225 = vector.bitcast %get3A_1224 : vector<16xi32> to vector<32xbf16>
              %unpack3A_1226 = tpu.unpack_subelements %bitcast3A_1225, 0 {pack_format = #tpu.pack_format<interleaved>} : vector<32xbf16> -> vector<16xf32>
              %unpack3A_1227 = tpu.unpack_subelements %bitcast3A_1225, 1 {pack_format = #tpu.pack_format<interleaved>} : vector<32xbf16> -> vector<16xf32>
              %mul3A_1228 = arith.mulf %exp3A_678, %unpack3A_1226 : vector<16xf32>
              %swap3A_1229 = arith.index_cast %sub3A_313 : i32 to index
              %swap3A_1230 = arith.constant 352 : index
              %swap3A_1231 = tpu.vector_load %arg7[%swap3A_1229, %swap3A_1230] {strides = array<i32>} : memref<64x1024xf32, #tpu.memory_space<vmem>>, vector<16xf32>,
              tpu.vector_store %arg7[%swap3A_1229, %swap3A_1230], %mul3A_1228 {add = true, strides = array<i32>} : memref<64x1024xf32, #tpu.memory_space<vmem>>, vector<16xf32>,
              %mul3A_1232 = arith.mulf %exp3A_678, %unpack3A_1227 : vector<16xf32>
              %swap3A_1233 = arith.index_cast %sub3A_313 : i32 to index
              %swap3A_1234 = arith.constant 368 : index
              %swap3A_1235 = tpu.vector_load %arg7[%swap3A_1233, %swap3A_1234] {strides = array<i32>} : memref<64x1024xf32, #tpu.memory_space<vmem>>, vector<16xf32>,
              tpu.vector_store %arg7[%swap3A_1233, %swap3A_1234], %mul3A_1232 {add = true, strides = array<i32>} : memref<64x1024xf32, #tpu.memory_space<vmem>>, vector<16xf32>,
              %get3A_1236 = arith.index_cast %add3A_310 : i32 to index
              %get3A_1237 = arith.constant 192 : index
              %get3A_1238 = tpu.vector_load %arg13[%get3A_1236, %get3A_1237] {strides = array<i32>} : memref<16x512xi32, #tpu.memory_space<vmem>>, vector<16xi32>,
              %bitcast3A_1239 = vector.bitcast %get3A_1238 : vector<16xi32> to vector<32xbf16>
              %unpack3A_1240 = tpu.unpack_subelements %bitcast3A_1239, 0 {pack_format = #tpu.pack_format<interleaved>} : vector<32xbf16> -> vector<16xf32>
              %unpack3A_1241 = tpu.unpack_subelements %bitcast3A_1239, 1 {pack_format = #tpu.pack_format<interleaved>} : vector<32xbf16> -> vector<16xf32>
              %mul3A_1242 = arith.mulf %exp3A_678, %unpack3A_1240 : vector<16xf32>
              %swap3A_1243 = arith.index_cast %sub3A_313 : i32 to index
              %swap3A_1244 = arith.constant 384 : index
              %swap3A_1245 = tpu.vector_load %arg7[%swap3A_1243, %swap3A_1244] {strides = array<i32>} : memref<64x1024xf32, #tpu.memory_space<vmem>>, vector<16xf32>,
              tpu.vector_store %arg7[%swap3A_1243, %swap3A_1244], %mul3A_1242 {add = true, strides = array<i32>} : memref<64x1024xf32, #tpu.memory_space<vmem>>, vector<16xf32>,
              %mul3A_1246 = arith.mulf %exp3A_678, %unpack3A_1241 : vector<16xf32>
              %swap3A_1247 = arith.index_cast %sub3A_313 : i32 to index
              %swap3A_1248 = arith.constant 400 : index
              %swap3A_1249 = tpu.vector_load %arg7[%swap3A_1247, %swap3A_1248] {strides = array<i32>} : memref<64x1024xf32, #tpu.memory_space<vmem>>, vector<16xf32>,
              tpu.vector_store %arg7[%swap3A_1247, %swap3A_1248], %mul3A_1246 {add = true, strides = array<i32>} : memref<64x1024xf32, #tpu.memory_space<vmem>>, vector<16xf32>,
              %get3A_1250 = arith.index_cast %add3A_310 : i32 to index
              %get3A_1251 = arith.constant 208 : index
              %get3A_1252 = tpu.vector_load %arg13[%get3A_1250, %get3A_1251] {strides = array<i32>} : memref<16x512xi32, #tpu.memory_space<vmem>>, vector<16xi32>,
              %bitcast3A_1253 = vector.bitcast %get3A_1252 : vector<16xi32> to vector<32xbf16>
              %unpack3A_1254 = tpu.unpack_subelements %bitcast3A_1253, 0 {pack_format = #tpu.pack_format<interleaved>} : vector<32xbf16> -> vector<16xf32>
              %unpack3A_1255 = tpu.unpack_subelements %bitcast3A_1253, 1 {pack_format = #tpu.pack_format<interleaved>} : vector<32xbf16> -> vector<16xf32>
              %mul3A_1256 = arith.mulf %exp3A_678, %unpack3A_1254 : vector<16xf32>
              %swap3A_1257 = arith.index_cast %sub3A_313 : i32 to index
              %swap3A_1258 = arith.constant 416 : index
              %swap3A_1259 = tpu.vector_load %arg7[%swap3A_1257, %swap3A_1258] {strides = array<i32>} : memref<64x1024xf32, #tpu.memory_space<vmem>>, vector<16xf32>,
              tpu.vector_store %arg7[%swap3A_1257, %swap3A_1258], %mul3A_1256 {add = true, strides = array<i32>} : memref<64x1024xf32, #tpu.memory_space<vmem>>, vector<16xf32>,
              %mul3A_1260 = arith.mulf %exp3A_678, %unpack3A_1255 : vector<16xf32>
              %swap3A_1261 = arith.index_cast %sub3A_313 : i32 to index
              %swap3A_1262 = arith.constant 432 : index
              %swap3A_1263 = tpu.vector_load %arg7[%swap3A_1261, %swap3A_1262] {strides = array<i32>} : memref<64x1024xf32, #tpu.memory_space<vmem>>, vector<16xf32>,
              tpu.vector_store %arg7[%swap3A_1261, %swap3A_1262], %mul3A_1260 {add = true, strides = array<i32>} : memref<64x1024xf32, #tpu.memory_space<vmem>>, vector<16xf32>,
              %get3A_1264 = arith.index_cast %add3A_310 : i32 to index
              %get3A_1265 = arith.constant 224 : index
              %get3A_1266 = tpu.vector_load %arg13[%get3A_1264, %get3A_1265] {strides = array<i32>} : memref<16x512xi32, #tpu.memory_space<vmem>>, vector<16xi32>,
              %bitcast3A_1267 = vector.bitcast %get3A_1266 : vector<16xi32> to vector<32xbf16>
              %unpack3A_1268 = tpu.unpack_subelements %bitcast3A_1267, 0 {pack_format = #tpu.pack_format<interleaved>} : vector<32xbf16> -> vector<16xf32>
              %unpack3A_1269 = tpu.unpack_subelements %bitcast3A_1267, 1 {pack_format = #tpu.pack_format<interleaved>} : vector<32xbf16> -> vector<16xf32>
              %mul3A_1270 = arith.mulf %exp3A_678, %unpack3A_1268 : vector<16xf32>
              %swap3A_1271 = arith.index_cast %sub3A_313 : i32 to index
              %swap3A_1272 = arith.constant 448 : index
              %swap3A_1273 = tpu.vector_load %arg7[%swap3A_1271, %swap3A_1272] {strides = array<i32>} : memref<64x1024xf32, #tpu.memory_space<vmem>>, vector<16xf32>,
              tpu.vector_store %arg7[%swap3A_1271, %swap3A_1272], %mul3A_1270 {add = true, strides = array<i32>} : memref<64x1024xf32, #tpu.memory_space<vmem>>, vector<16xf32>,
              %mul3A_1274 = arith.mulf %exp3A_678, %unpack3A_1269 : vector<16xf32>
              %swap3A_1275 = arith.index_cast %sub3A_313 : i32 to index
              %swap3A_1276 = arith.constant 464 : index
              %swap3A_1277 = tpu.vector_load %arg7[%swap3A_1275, %swap3A_1276] {strides = array<i32>} : memref<64x1024xf32, #tpu.memory_space<vmem>>, vector<16xf32>,
              tpu.vector_store %arg7[%swap3A_1275, %swap3A_1276], %mul3A_1274 {add = true, strides = array<i32>} : memref<64x1024xf32, #tpu.memory_space<vmem>>, vector<16xf32>,
              %get3A_1278 = arith.index_cast %add3A_310 : i32 to index
              %get3A_1279 = arith.constant 240 : index
              %get3A_1280 = tpu.vector_load %arg13[%get3A_1278, %get3A_1279] {strides = array<i32>} : memref<16x512xi32, #tpu.memory_space<vmem>>, vector<16xi32>,
              %bitcast3A_1281 = vector.bitcast %get3A_1280 : vector<16xi32> to vector<32xbf16>
              %unpack3A_1282 = tpu.unpack_subelements %bitcast3A_1281, 0 {pack_format = #tpu.pack_format<interleaved>} : vector<32xbf16> -> vector<16xf32>
              %unpack3A_1283 = tpu.unpack_subelements %bitcast3A_1281, 1 {pack_format = #tpu.pack_format<interleaved>} : vector<32xbf16> -> vector<16xf32>
              %mul3A_1284 = arith.mulf %exp3A_678, %unpack3A_1282 : vector<16xf32>
              %swap3A_1285 = arith.index_cast %sub3A_313 : i32 to index
              %swap3A_1286 = arith.constant 480 : index
              %swap3A_1287 = tpu.vector_load %arg7[%swap3A_1285, %swap3A_1286] {strides = array<i32>} : memref<64x1024xf32, #tpu.memory_space<vmem>>, vector<16xf32>,
              tpu.vector_store %arg7[%swap3A_1285, %swap3A_1286], %mul3A_1284 {add = true, strides = array<i32>} : memref<64x1024xf32, #tpu.memory_space<vmem>>, vector<16xf32>,
              %mul3A_1288 = arith.mulf %exp3A_678, %unpack3A_1283 : vector<16xf32>
              %swap3A_1289 = arith.index_cast %sub3A_313 : i32 to index
              %swap3A_1290 = arith.constant 496 : index
              %swap3A_1291 = tpu.vector_load %arg7[%swap3A_1289, %swap3A_1290] {strides = array<i32>} : memref<64x1024xf32, #tpu.memory_space<vmem>>, vector<16xf32>,
              tpu.vector_store %arg7[%swap3A_1289, %swap3A_1290], %mul3A_1288 {add = true, strides = array<i32>} : memref<64x1024xf32, #tpu.memory_space<vmem>>, vector<16xf32>,
              %get3A_1292 = arith.index_cast %add3A_310 : i32 to index
              %get3A_1293 = arith.constant 256 : index
              %get3A_1294 = tpu.vector_load %arg13[%get3A_1292, %get3A_1293] {strides = array<i32>} : memref<16x512xi32, #tpu.memory_space<vmem>>, vector<16xi32>,
              %bitcast3A_1295 = vector.bitcast %get3A_1294 : vector<16xi32> to vector<32xbf16>
              %unpack3A_1296 = tpu.unpack_subelements %bitcast3A_1295, 0 {pack_format = #tpu.pack_format<interleaved>} : vector<32xbf16> -> vector<16xf32>
              %unpack3A_1297 = tpu.unpack_subelements %bitcast3A_1295, 1 {pack_format = #tpu.pack_format<interleaved>} : vector<32xbf16> -> vector<16xf32>
              %mul3A_1298 = arith.mulf %exp3A_863, %unpack3A_1296 : vector<16xf32>
              %swap3A_1299 = arith.index_cast %sub3A_313 : i32 to index
              %swap3A_1300 = arith.constant 512 : index
              %swap3A_1301 = tpu.vector_load %arg7[%swap3A_1299, %swap3A_1300] {strides = array<i32>} : memref<64x1024xf32, #tpu.memory_space<vmem>>, vector<16xf32>,
              tpu.vector_store %arg7[%swap3A_1299, %swap3A_1300], %mul3A_1298 {add = true, strides = array<i32>} : memref<64x1024xf32, #tpu.memory_space<vmem>>, vector<16xf32>,
              %mul3A_1302 = arith.mulf %exp3A_863, %unpack3A_1297 : vector<16xf32>
              %swap3A_1303 = arith.index_cast %sub3A_313 : i32 to index
              %swap3A_1304 = arith.constant 528 : index
              %swap3A_1305 = tpu.vector_load %arg7[%swap3A_1303, %swap3A_1304] {strides = array<i32>} : memref<64x1024xf32, #tpu.memory_space<vmem>>, vector<16xf32>,
              tpu.vector_store %arg7[%swap3A_1303, %swap3A_1304], %mul3A_1302 {add = true, strides = array<i32>} : memref<64x1024xf32, #tpu.memory_space<vmem>>, vector<16xf32>,
              %get3A_1306 = arith.index_cast %add3A_310 : i32 to index
              %get3A_1307 = arith.constant 272 : index
              %get3A_1308 = tpu.vector_load %arg13[%get3A_1306, %get3A_1307] {strides = array<i32>} : memref<16x512xi32, #tpu.memory_space<vmem>>, vector<16xi32>,
              %bitcast3A_1309 = vector.bitcast %get3A_1308 : vector<16xi32> to vector<32xbf16>
              %unpack3A_1310 = tpu.unpack_subelements %bitcast3A_1309, 0 {pack_format = #tpu.pack_format<interleaved>} : vector<32xbf16> -> vector<16xf32>
              %unpack3A_1311 = tpu.unpack_subelements %bitcast3A_1309, 1 {pack_format = #tpu.pack_format<interleaved>} : vector<32xbf16> -> vector<16xf32>
              %mul3A_1312 = arith.mulf %exp3A_863, %unpack3A_1310 : vector<16xf32>
              %swap3A_1313 = arith.index_cast %sub3A_313 : i32 to index
              %swap3A_1314 = arith.constant 544 : index
              %swap3A_1315 = tpu.vector_load %arg7[%swap3A_1313, %swap3A_1314] {strides = array<i32>} : memref<64x1024xf32, #tpu.memory_space<vmem>>, vector<16xf32>,
              tpu.vector_store %arg7[%swap3A_1313, %swap3A_1314], %mul3A_1312 {add = true, strides = array<i32>} : memref<64x1024xf32, #tpu.memory_space<vmem>>, vector<16xf32>,
              %mul3A_1316 = arith.mulf %exp3A_863, %unpack3A_1311 : vector<16xf32>
              %swap3A_1317 = arith.index_cast %sub3A_313 : i32 to index
              %swap3A_1318 = arith.constant 560 : index
              %swap3A_1319 = tpu.vector_load %arg7[%swap3A_1317, %swap3A_1318] {strides = array<i32>} : memref<64x1024xf32, #tpu.memory_space<vmem>>, vector<16xf32>,
              tpu.vector_store %arg7[%swap3A_1317, %swap3A_1318], %mul3A_1316 {add = true, strides = array<i32>} : memref<64x1024xf32, #tpu.memory_space<vmem>>, vector<16xf32>,
              %get3A_1320 = arith.index_cast %add3A_310 : i32 to index
              %get3A_1321 = arith.constant 288 : index
              %get3A_1322 = tpu.vector_load %arg13[%get3A_1320, %get3A_1321] {strides = array<i32>} : memref<16x512xi32, #tpu.memory_space<vmem>>, vector<16xi32>,
              %bitcast3A_1323 = vector.bitcast %get3A_1322 : vector<16xi32> to vector<32xbf16>
              %unpack3A_1324 = tpu.unpack_subelements %bitcast3A_1323, 0 {pack_format = #tpu.pack_format<interleaved>} : vector<32xbf16> -> vector<16xf32>
              %unpack3A_1325 = tpu.unpack_subelements %bitcast3A_1323, 1 {pack_format = #tpu.pack_format<interleaved>} : vector<32xbf16> -> vector<16xf32>
              %mul3A_1326 = arith.mulf %exp3A_863, %unpack3A_1324 : vector<16xf32>
              %swap3A_1327 = arith.index_cast %sub3A_313 : i32 to index
              %swap3A_1328 = arith.constant 576 : index
              %swap3A_1329 = tpu.vector_load %arg7[%swap3A_1327, %swap3A_1328] {strides = array<i32>} : memref<64x1024xf32, #tpu.memory_space<vmem>>, vector<16xf32>,
              tpu.vector_store %arg7[%swap3A_1327, %swap3A_1328], %mul3A_1326 {add = true, strides = array<i32>} : memref<64x1024xf32, #tpu.memory_space<vmem>>, vector<16xf32>,
              %mul3A_1330 = arith.mulf %exp3A_863, %unpack3A_1325 : vector<16xf32>
              %swap3A_1331 = arith.index_cast %sub3A_313 : i32 to index
              %swap3A_1332 = arith.constant 592 : index
              %swap3A_1333 = tpu.vector_load %arg7[%swap3A_1331, %swap3A_1332] {strides = array<i32>} : memref<64x1024xf32, #tpu.memory_space<vmem>>, vector<16xf32>,
              tpu.vector_store %arg7[%swap3A_1331, %swap3A_1332], %mul3A_1330 {add = true, strides = array<i32>} : memref<64x1024xf32, #tpu.memory_space<vmem>>, vector<16xf32>,
              %get3A_1334 = arith.index_cast %add3A_310 : i32 to index
              %get3A_1335 = arith.constant 304 : index
              %get3A_1336 = tpu.vector_load %arg13[%get3A_1334, %get3A_1335] {strides = array<i32>} : memref<16x512xi32, #tpu.memory_space<vmem>>, vector<16xi32>,
              %bitcast3A_1337 = vector.bitcast %get3A_1336 : vector<16xi32> to vector<32xbf16>
              %unpack3A_1338 = tpu.unpack_subelements %bitcast3A_1337, 0 {pack_format = #tpu.pack_format<interleaved>} : vector<32xbf16> -> vector<16xf32>
              %unpack3A_1339 = tpu.unpack_subelements %bitcast3A_1337, 1 {pack_format = #tpu.pack_format<interleaved>} : vector<32xbf16> -> vector<16xf32>
              %mul3A_1340 = arith.mulf %exp3A_863, %unpack3A_1338 : vector<16xf32>
              %swap3A_1341 = arith.index_cast %sub3A_313 : i32 to index
              %swap3A_1342 = arith.constant 608 : index
              %swap3A_1343 = tpu.vector_load %arg7[%swap3A_1341, %swap3A_1342] {strides = array<i32>} : memref<64x1024xf32, #tpu.memory_space<vmem>>, vector<16xf32>,
              tpu.vector_store %arg7[%swap3A_1341, %swap3A_1342], %mul3A_1340 {add = true, strides = array<i32>} : memref<64x1024xf32, #tpu.memory_space<vmem>>, vector<16xf32>,
              %mul3A_1344 = arith.mulf %exp3A_863, %unpack3A_1339 : vector<16xf32>
              %swap3A_1345 = arith.index_cast %sub3A_313 : i32 to index
              %swap3A_1346 = arith.constant 624 : index
              %swap3A_1347 = tpu.vector_load %arg7[%swap3A_1345, %swap3A_1346] {strides = array<i32>} : memref<64x1024xf32, #tpu.memory_space<vmem>>, vector<16xf32>,
              tpu.vector_store %arg7[%swap3A_1345, %swap3A_1346], %mul3A_1344 {add = true, strides = array<i32>} : memref<64x1024xf32, #tpu.memory_space<vmem>>, vector<16xf32>,
              %get3A_1348 = arith.index_cast %add3A_310 : i32 to index
              %get3A_1349 = arith.constant 320 : index
              %get3A_1350 = tpu.vector_load %arg13[%get3A_1348, %get3A_1349] {strides = array<i32>} : memref<16x512xi32, #tpu.memory_space<vmem>>, vector<16xi32>,
              %bitcast3A_1351 = vector.bitcast %get3A_1350 : vector<16xi32> to vector<32xbf16>
              %unpack3A_1352 = tpu.unpack_subelements %bitcast3A_1351, 0 {pack_format = #tpu.pack_format<interleaved>} : vector<32xbf16> -> vector<16xf32>
              %unpack3A_1353 = tpu.unpack_subelements %bitcast3A_1351, 1 {pack_format = #tpu.pack_format<interleaved>} : vector<32xbf16> -> vector<16xf32>
              %mul3A_1354 = arith.mulf %exp3A_863, %unpack3A_1352 : vector<16xf32>
              %swap3A_1355 = arith.index_cast %sub3A_313 : i32 to index
              %swap3A_1356 = arith.constant 640 : index
              %swap3A_1357 = tpu.vector_load %arg7[%swap3A_1355, %swap3A_1356] {strides = array<i32>} : memref<64x1024xf32, #tpu.memory_space<vmem>>, vector<16xf32>,
              tpu.vector_store %arg7[%swap3A_1355, %swap3A_1356], %mul3A_1354 {add = true, strides = array<i32>} : memref<64x1024xf32, #tpu.memory_space<vmem>>, vector<16xf32>,
              %mul3A_1358 = arith.mulf %exp3A_863, %unpack3A_1353 : vector<16xf32>
              %swap3A_1359 = arith.index_cast %sub3A_313 : i32 to index
              %swap3A_1360 = arith.constant 656 : index
              %swap3A_1361 = tpu.vector_load %arg7[%swap3A_1359, %swap3A_1360] {strides = array<i32>} : memref<64x1024xf32, #tpu.memory_space<vmem>>, vector<16xf32>,
              tpu.vector_store %arg7[%swap3A_1359, %swap3A_1360], %mul3A_1358 {add = true, strides = array<i32>} : memref<64x1024xf32, #tpu.memory_space<vmem>>, vector<16xf32>,
              %get3A_1362 = arith.index_cast %add3A_310 : i32 to index
              %get3A_1363 = arith.constant 336 : index
              %get3A_1364 = tpu.vector_load %arg13[%get3A_1362, %get3A_1363] {strides = array<i32>} : memref<16x512xi32, #tpu.memory_space<vmem>>, vector<16xi32>,
              %bitcast3A_1365 = vector.bitcast %get3A_1364 : vector<16xi32> to vector<32xbf16>
              %unpack3A_1366 = tpu.unpack_subelements %bitcast3A_1365, 0 {pack_format = #tpu.pack_format<interleaved>} : vector<32xbf16> -> vector<16xf32>
              %unpack3A_1367 = tpu.unpack_subelements %bitcast3A_1365, 1 {pack_format = #tpu.pack_format<interleaved>} : vector<32xbf16> -> vector<16xf32>
              %mul3A_1368 = arith.mulf %exp3A_863, %unpack3A_1366 : vector<16xf32>
              %swap3A_1369 = arith.index_cast %sub3A_313 : i32 to index
              %swap3A_1370 = arith.constant 672 : index
              %swap3A_1371 = tpu.vector_load %arg7[%swap3A_1369, %swap3A_1370] {strides = array<i32>} : memref<64x1024xf32, #tpu.memory_space<vmem>>, vector<16xf32>,
              tpu.vector_store %arg7[%swap3A_1369, %swap3A_1370], %mul3A_1368 {add = true, strides = array<i32>} : memref<64x1024xf32, #tpu.memory_space<vmem>>, vector<16xf32>,
              %mul3A_1372 = arith.mulf %exp3A_863, %unpack3A_1367 : vector<16xf32>
              %swap3A_1373 = arith.index_cast %sub3A_313 : i32 to index
              %swap3A_1374 = arith.constant 688 : index
              %swap3A_1375 = tpu.vector_load %arg7[%swap3A_1373, %swap3A_1374] {strides = array<i32>} : memref<64x1024xf32, #tpu.memory_space<vmem>>, vector<16xf32>,
              tpu.vector_store %arg7[%swap3A_1373, %swap3A_1374], %mul3A_1372 {add = true, strides = array<i32>} : memref<64x1024xf32, #tpu.memory_space<vmem>>, vector<16xf32>,
              %get3A_1376 = arith.index_cast %add3A_310 : i32 to index
              %get3A_1377 = arith.constant 352 : index
              %get3A_1378 = tpu.vector_load %arg13[%get3A_1376, %get3A_1377] {strides = array<i32>} : memref<16x512xi32, #tpu.memory_space<vmem>>, vector<16xi32>,
              %bitcast3A_1379 = vector.bitcast %get3A_1378 : vector<16xi32> to vector<32xbf16>
              %unpack3A_1380 = tpu.unpack_subelements %bitcast3A_1379, 0 {pack_format = #tpu.pack_format<interleaved>} : vector<32xbf16> -> vector<16xf32>
              %unpack3A_1381 = tpu.unpack_subelements %bitcast3A_1379, 1 {pack_format = #tpu.pack_format<interleaved>} : vector<32xbf16> -> vector<16xf32>
              %mul3A_1382 = arith.mulf %exp3A_863, %unpack3A_1380 : vector<16xf32>
              %swap3A_1383 = arith.index_cast %sub3A_313 : i32 to index
              %swap3A_1384 = arith.constant 704 : index
              %swap3A_1385 = tpu.vector_load %arg7[%swap3A_1383, %swap3A_1384] {strides = array<i32>} : memref<64x1024xf32, #tpu.memory_space<vmem>>, vector<16xf32>,
              tpu.vector_store %arg7[%swap3A_1383, %swap3A_1384], %mul3A_1382 {add = true, strides = array<i32>} : memref<64x1024xf32, #tpu.memory_space<vmem>>, vector<16xf32>,
              %mul3A_1386 = arith.mulf %exp3A_863, %unpack3A_1381 : vector<16xf32>
              %swap3A_1387 = arith.index_cast %sub3A_313 : i32 to index
              %swap3A_1388 = arith.constant 720 : index
              %swap3A_1389 = tpu.vector_load %arg7[%swap3A_1387, %swap3A_1388] {strides = array<i32>} : memref<64x1024xf32, #tpu.memory_space<vmem>>, vector<16xf32>,
              tpu.vector_store %arg7[%swap3A_1387, %swap3A_1388], %mul3A_1386 {add = true, strides = array<i32>} : memref<64x1024xf32, #tpu.memory_space<vmem>>, vector<16xf32>,
              %get3A_1390 = arith.index_cast %add3A_310 : i32 to index
              %get3A_1391 = arith.constant 368 : index
              %get3A_1392 = tpu.vector_load %arg13[%get3A_1390, %get3A_1391] {strides = array<i32>} : memref<16x512xi32, #tpu.memory_space<vmem>>, vector<16xi32>,
              %bitcast3A_1393 = vector.bitcast %get3A_1392 : vector<16xi32> to vector<32xbf16>
              %unpack3A_1394 = tpu.unpack_subelements %bitcast3A_1393, 0 {pack_format = #tpu.pack_format<interleaved>} : vector<32xbf16> -> vector<16xf32>
              %unpack3A_1395 = tpu.unpack_subelements %bitcast3A_1393, 1 {pack_format = #tpu.pack_format<interleaved>} : vector<32xbf16> -> vector<16xf32>
              %mul3A_1396 = arith.mulf %exp3A_863, %unpack3A_1394 : vector<16xf32>
              %swap3A_1397 = arith.index_cast %sub3A_313 : i32 to index
              %swap3A_1398 = arith.constant 736 : index
              %swap3A_1399 = tpu.vector_load %arg7[%swap3A_1397, %swap3A_1398] {strides = array<i32>} : memref<64x1024xf32, #tpu.memory_space<vmem>>, vector<16xf32>,
              tpu.vector_store %arg7[%swap3A_1397, %swap3A_1398], %mul3A_1396 {add = true, strides = array<i32>} : memref<64x1024xf32, #tpu.memory_space<vmem>>, vector<16xf32>,
              %mul3A_1400 = arith.mulf %exp3A_863, %unpack3A_1395 : vector<16xf32>
              %swap3A_1401 = arith.index_cast %sub3A_313 : i32 to index
              %swap3A_1402 = arith.constant 752 : index
              %swap3A_1403 = tpu.vector_load %arg7[%swap3A_1401, %swap3A_1402] {strides = array<i32>} : memref<64x1024xf32, #tpu.memory_space<vmem>>, vector<16xf32>,
              tpu.vector_store %arg7[%swap3A_1401, %swap3A_1402], %mul3A_1400 {add = true, strides = array<i32>} : memref<64x1024xf32, #tpu.memory_space<vmem>>, vector<16xf32>,
              %get3A_1404 = arith.index_cast %add3A_310 : i32 to index
              %get3A_1405 = arith.constant 384 : index
              %get3A_1406 = tpu.vector_load %arg13[%get3A_1404, %get3A_1405] {strides = array<i32>} : memref<16x512xi32, #tpu.memory_space<vmem>>, vector<16xi32>,
              %bitcast3A_1407 = vector.bitcast %get3A_1406 : vector<16xi32> to vector<32xbf16>
              %unpack3A_1408 = tpu.unpack_subelements %bitcast3A_1407, 0 {pack_format = #tpu.pack_format<interleaved>} : vector<32xbf16> -> vector<16xf32>
              %unpack3A_1409 = tpu.unpack_subelements %bitcast3A_1407, 1 {pack_format = #tpu.pack_format<interleaved>} : vector<32xbf16> -> vector<16xf32>
              %mul3A_1410 = arith.mulf %exp3A_1048, %unpack3A_1408 : vector<16xf32>
              %swap3A_1411 = arith.index_cast %sub3A_313 : i32 to index
              %swap3A_1412 = arith.constant 768 : index
              %swap3A_1413 = tpu.vector_load %arg7[%swap3A_1411, %swap3A_1412] {strides = array<i32>} : memref<64x1024xf32, #tpu.memory_space<vmem>>, vector<16xf32>,
              tpu.vector_store %arg7[%swap3A_1411, %swap3A_1412], %mul3A_1410 {add = true, strides = array<i32>} : memref<64x1024xf32, #tpu.memory_space<vmem>>, vector<16xf32>,
              %mul3A_1414 = arith.mulf %exp3A_1048, %unpack3A_1409 : vector<16xf32>
              %swap3A_1415 = arith.index_cast %sub3A_313 : i32 to index
              %swap3A_1416 = arith.constant 784 : index
              %swap3A_1417 = tpu.vector_load %arg7[%swap3A_1415, %swap3A_1416] {strides = array<i32>} : memref<64x1024xf32, #tpu.memory_space<vmem>>, vector<16xf32>,
              tpu.vector_store %arg7[%swap3A_1415, %swap3A_1416], %mul3A_1414 {add = true, strides = array<i32>} : memref<64x1024xf32, #tpu.memory_space<vmem>>, vector<16xf32>,
              %get3A_1418 = arith.index_cast %add3A_310 : i32 to index
              %get3A_1419 = arith.constant 400 : index
              %get3A_1420 = tpu.vector_load %arg13[%get3A_1418, %get3A_1419] {strides = array<i32>} : memref<16x512xi32, #tpu.memory_space<vmem>>, vector<16xi32>,
              %bitcast3A_1421 = vector.bitcast %get3A_1420 : vector<16xi32> to vector<32xbf16>
              %unpack3A_1422 = tpu.unpack_subelements %bitcast3A_1421, 0 {pack_format = #tpu.pack_format<interleaved>} : vector<32xbf16> -> vector<16xf32>
              %unpack3A_1423 = tpu.unpack_subelements %bitcast3A_1421, 1 {pack_format = #tpu.pack_format<interleaved>} : vector<32xbf16> -> vector<16xf32>
              %mul3A_1424 = arith.mulf %exp3A_1048, %unpack3A_1422 : vector<16xf32>
              %swap3A_1425 = arith.index_cast %sub3A_313 : i32 to index
              %swap3A_1426 = arith.constant 800 : index
              %swap3A_1427 = tpu.vector_load %arg7[%swap3A_1425, %swap3A_1426] {strides = array<i32>} : memref<64x1024xf32, #tpu.memory_space<vmem>>, vector<16xf32>,
              tpu.vector_store %arg7[%swap3A_1425, %swap3A_1426], %mul3A_1424 {add = true, strides = array<i32>} : memref<64x1024xf32, #tpu.memory_space<vmem>>, vector<16xf32>,
              %mul3A_1428 = arith.mulf %exp3A_1048, %unpack3A_1423 : vector<16xf32>
              %swap3A_1429 = arith.index_cast %sub3A_313 : i32 to index
              %swap3A_1430 = arith.constant 816 : index
              %swap3A_1431 = tpu.vector_load %arg7[%swap3A_1429, %swap3A_1430] {strides = array<i32>} : memref<64x1024xf32, #tpu.memory_space<vmem>>, vector<16xf32>,
              tpu.vector_store %arg7[%swap3A_1429, %swap3A_1430], %mul3A_1428 {add = true, strides = array<i32>} : memref<64x1024xf32, #tpu.memory_space<vmem>>, vector<16xf32>,
              %get3A_1432 = arith.index_cast %add3A_310 : i32 to index
              %get3A_1433 = arith.constant 416 : index
              %get3A_1434 = tpu.vector_load %arg13[%get3A_1432, %get3A_1433] {strides = array<i32>} : memref<16x512xi32, #tpu.memory_space<vmem>>, vector<16xi32>,
              %bitcast3A_1435 = vector.bitcast %get3A_1434 : vector<16xi32> to vector<32xbf16>
              %unpack3A_1436 = tpu.unpack_subelements %bitcast3A_1435, 0 {pack_format = #tpu.pack_format<interleaved>} : vector<32xbf16> -> vector<16xf32>
              %unpack3A_1437 = tpu.unpack_subelements %bitcast3A_1435, 1 {pack_format = #tpu.pack_format<interleaved>} : vector<32xbf16> -> vector<16xf32>
              %mul3A_1438 = arith.mulf %exp3A_1048, %unpack3A_1436 : vector<16xf32>
              %swap3A_1439 = arith.index_cast %sub3A_313 : i32 to index
              %swap3A_1440 = arith.constant 832 : index
              %swap3A_1441 = tpu.vector_load %arg7[%swap3A_1439, %swap3A_1440] {strides = array<i32>} : memref<64x1024xf32, #tpu.memory_space<vmem>>, vector<16xf32>,
              tpu.vector_store %arg7[%swap3A_1439, %swap3A_1440], %mul3A_1438 {add = true, strides = array<i32>} : memref<64x1024xf32, #tpu.memory_space<vmem>>, vector<16xf32>,
              %mul3A_1442 = arith.mulf %exp3A_1048, %unpack3A_1437 : vector<16xf32>
              %swap3A_1443 = arith.index_cast %sub3A_313 : i32 to index
              %swap3A_1444 = arith.constant 848 : index
              %swap3A_1445 = tpu.vector_load %arg7[%swap3A_1443, %swap3A_1444] {strides = array<i32>} : memref<64x1024xf32, #tpu.memory_space<vmem>>, vector<16xf32>,
              tpu.vector_store %arg7[%swap3A_1443, %swap3A_1444], %mul3A_1442 {add = true, strides = array<i32>} : memref<64x1024xf32, #tpu.memory_space<vmem>>, vector<16xf32>,
              %get3A_1446 = arith.index_cast %add3A_310 : i32 to index
              %get3A_1447 = arith.constant 432 : index
              %get3A_1448 = tpu.vector_load %arg13[%get3A_1446, %get3A_1447] {strides = array<i32>} : memref<16x512xi32, #tpu.memory_space<vmem>>, vector<16xi32>,
              %bitcast3A_1449 = vector.bitcast %get3A_1448 : vector<16xi32> to vector<32xbf16>
              %unpack3A_1450 = tpu.unpack_subelements %bitcast3A_1449, 0 {pack_format = #tpu.pack_format<interleaved>} : vector<32xbf16> -> vector<16xf32>
              %unpack3A_1451 = tpu.unpack_subelements %bitcast3A_1449, 1 {pack_format = #tpu.pack_format<interleaved>} : vector<32xbf16> -> vector<16xf32>
              %mul3A_1452 = arith.mulf %exp3A_1048, %unpack3A_1450 : vector<16xf32>
              %swap3A_1453 = arith.index_cast %sub3A_313 : i32 to index
              %swap3A_1454 = arith.constant 864 : index
              %swap3A_1455 = tpu.vector_load %arg7[%swap3A_1453, %swap3A_1454] {strides = array<i32>} : memref<64x1024xf32, #tpu.memory_space<vmem>>, vector<16xf32>,
              tpu.vector_store %arg7[%swap3A_1453, %swap3A_1454], %mul3A_1452 {add = true, strides = array<i32>} : memref<64x1024xf32, #tpu.memory_space<vmem>>, vector<16xf32>,
              %mul3A_1456 = arith.mulf %exp3A_1048, %unpack3A_1451 : vector<16xf32>
              %swap3A_1457 = arith.index_cast %sub3A_313 : i32 to index
              %swap3A_1458 = arith.constant 880 : index
              %swap3A_1459 = tpu.vector_load %arg7[%swap3A_1457, %swap3A_1458] {strides = array<i32>} : memref<64x1024xf32, #tpu.memory_space<vmem>>, vector<16xf32>,
              tpu.vector_store %arg7[%swap3A_1457, %swap3A_1458], %mul3A_1456 {add = true, strides = array<i32>} : memref<64x1024xf32, #tpu.memory_space<vmem>>, vector<16xf32>,
              %get3A_1460 = arith.index_cast %add3A_310 : i32 to index
              %get3A_1461 = arith.constant 448 : index
              %get3A_1462 = tpu.vector_load %arg13[%get3A_1460, %get3A_1461] {strides = array<i32>} : memref<16x512xi32, #tpu.memory_space<vmem>>, vector<16xi32>,
              %bitcast3A_1463 = vector.bitcast %get3A_1462 : vector<16xi32> to vector<32xbf16>
              %unpack3A_1464 = tpu.unpack_subelements %bitcast3A_1463, 0 {pack_format = #tpu.pack_format<interleaved>} : vector<32xbf16> -> vector<16xf32>
              %unpack3A_1465 = tpu.unpack_subelements %bitcast3A_1463, 1 {pack_format = #tpu.pack_format<interleaved>} : vector<32xbf16> -> vector<16xf32>
              %mul3A_1466 = arith.mulf %exp3A_1048, %unpack3A_1464 : vector<16xf32>
              %swap3A_1467 = arith.index_cast %sub3A_313 : i32 to index
              %swap3A_1468 = arith.constant 896 : index
              %swap3A_1469 = tpu.vector_load %arg7[%swap3A_1467, %swap3A_1468] {strides = array<i32>} : memref<64x1024xf32, #tpu.memory_space<vmem>>, vector<16xf32>,
              tpu.vector_store %arg7[%swap3A_1467, %swap3A_1468], %mul3A_1466 {add = true, strides = array<i32>} : memref<64x1024xf32, #tpu.memory_space<vmem>>, vector<16xf32>,
              %mul3A_1470 = arith.mulf %exp3A_1048, %unpack3A_1465 : vector<16xf32>
              %swap3A_1471 = arith.index_cast %sub3A_313 : i32 to index
              %swap3A_1472 = arith.constant 912 : index
              %swap3A_1473 = tpu.vector_load %arg7[%swap3A_1471, %swap3A_1472] {strides = array<i32>} : memref<64x1024xf32, #tpu.memory_space<vmem>>, vector<16xf32>,
              tpu.vector_store %arg7[%swap3A_1471, %swap3A_1472], %mul3A_1470 {add = true, strides = array<i32>} : memref<64x1024xf32, #tpu.memory_space<vmem>>, vector<16xf32>,
              %get3A_1474 = arith.index_cast %add3A_310 : i32 to index
              %get3A_1475 = arith.constant 464 : index
              %get3A_1476 = tpu.vector_load %arg13[%get3A_1474, %get3A_1475] {strides = array<i32>} : memref<16x512xi32, #tpu.memory_space<vmem>>, vector<16xi32>,
              %bitcast3A_1477 = vector.bitcast %get3A_1476 : vector<16xi32> to vector<32xbf16>
              %unpack3A_1478 = tpu.unpack_subelements %bitcast3A_1477, 0 {pack_format = #tpu.pack_format<interleaved>} : vector<32xbf16> -> vector<16xf32>
              %unpack3A_1479 = tpu.unpack_subelements %bitcast3A_1477, 1 {pack_format = #tpu.pack_format<interleaved>} : vector<32xbf16> -> vector<16xf32>
              %mul3A_1480 = arith.mulf %exp3A_1048, %unpack3A_1478 : vector<16xf32>
              %swap3A_1481 = arith.index_cast %sub3A_313 : i32 to index
              %swap3A_1482 = arith.constant 928 : index
              %swap3A_1483 = tpu.vector_load %arg7[%swap3A_1481, %swap3A_1482] {strides = array<i32>} : memref<64x1024xf32, #tpu.memory_space<vmem>>, vector<16xf32>,
              tpu.vector_store %arg7[%swap3A_1481, %swap3A_1482], %mul3A_1480 {add = true, strides = array<i32>} : memref<64x1024xf32, #tpu.memory_space<vmem>>, vector<16xf32>,
              %mul3A_1484 = arith.mulf %exp3A_1048, %unpack3A_1479 : vector<16xf32>
              %swap3A_1485 = arith.index_cast %sub3A_313 : i32 to index
              %swap3A_1486 = arith.constant 944 : index
              %swap3A_1487 = tpu.vector_load %arg7[%swap3A_1485, %swap3A_1486] {strides = array<i32>} : memref<64x1024xf32, #tpu.memory_space<vmem>>, vector<16xf32>,
              tpu.vector_store %arg7[%swap3A_1485, %swap3A_1486], %mul3A_1484 {add = true, strides = array<i32>} : memref<64x1024xf32, #tpu.memory_space<vmem>>, vector<16xf32>,
              %get3A_1488 = arith.index_cast %add3A_310 : i32 to index
              %get3A_1489 = arith.constant 480 : index
              %get3A_1490 = tpu.vector_load %arg13[%get3A_1488, %get3A_1489] {strides = array<i32>} : memref<16x512xi32, #tpu.memory_space<vmem>>, vector<16xi32>,
              %bitcast3A_1491 = vector.bitcast %get3A_1490 : vector<16xi32> to vector<32xbf16>
              %unpack3A_1492 = tpu.unpack_subelements %bitcast3A_1491, 0 {pack_format = #tpu.pack_format<interleaved>} : vector<32xbf16> -> vector<16xf32>
              %unpack3A_1493 = tpu.unpack_subelements %bitcast3A_1491, 1 {pack_format = #tpu.pack_format<interleaved>} : vector<32xbf16> -> vector<16xf32>
              %mul3A_1494 = arith.mulf %exp3A_1048, %unpack3A_1492 : vector<16xf32>
              %swap3A_1495 = arith.index_cast %sub3A_313 : i32 to index
              %swap3A_1496 = arith.constant 960 : index
              %swap3A_1497 = tpu.vector_load %arg7[%swap3A_1495, %swap3A_1496] {strides = array<i32>} : memref<64x1024xf32, #tpu.memory_space<vmem>>, vector<16xf32>,
              tpu.vector_store %arg7[%swap3A_1495, %swap3A_1496], %mul3A_1494 {add = true, strides = array<i32>} : memref<64x1024xf32, #tpu.memory_space<vmem>>, vector<16xf32>,
              %mul3A_1498 = arith.mulf %exp3A_1048, %unpack3A_1493 : vector<16xf32>
              %swap3A_1499 = arith.index_cast %sub3A_313 : i32 to index
              %swap3A_1500 = arith.constant 976 : index
              %swap3A_1501 = tpu.vector_load %arg7[%swap3A_1499, %swap3A_1500] {strides = array<i32>} : memref<64x1024xf32, #tpu.memory_space<vmem>>, vector<16xf32>,
              tpu.vector_store %arg7[%swap3A_1499, %swap3A_1500], %mul3A_1498 {add = true, strides = array<i32>} : memref<64x1024xf32, #tpu.memory_space<vmem>>, vector<16xf32>,
              %get3A_1502 = arith.index_cast %add3A_310 : i32 to index
              %get3A_1503 = arith.constant 496 : index
              %get3A_1504 = tpu.vector_load %arg13[%get3A_1502, %get3A_1503] {strides = array<i32>} : memref<16x512xi32, #tpu.memory_space<vmem>>, vector<16xi32>,
              %bitcast3A_1505 = vector.bitcast %get3A_1504 : vector<16xi32> to vector<32xbf16>
              %unpack3A_1506 = tpu.unpack_subelements %bitcast3A_1505, 0 {pack_format = #tpu.pack_format<interleaved>} : vector<32xbf16> -> vector<16xf32>
              %unpack3A_1507 = tpu.unpack_subelements %bitcast3A_1505, 1 {pack_format = #tpu.pack_format<interleaved>} : vector<32xbf16> -> vector<16xf32>
              %mul3A_1508 = arith.mulf %exp3A_1048, %unpack3A_1506 : vector<16xf32>
              %swap3A_1509 = arith.index_cast %sub3A_313 : i32 to index
              %swap3A_1510 = arith.constant 992 : index
              %swap3A_1511 = tpu.vector_load %arg7[%swap3A_1509, %swap3A_1510] {strides = array<i32>} : memref<64x1024xf32, #tpu.memory_space<vmem>>, vector<16xf32>,
              tpu.vector_store %arg7[%swap3A_1509, %swap3A_1510], %mul3A_1508 {add = true, strides = array<i32>} : memref<64x1024xf32, #tpu.memory_space<vmem>>, vector<16xf32>,
              %mul3A_1512 = arith.mulf %exp3A_1048, %unpack3A_1507 : vector<16xf32>
              %swap3A_1513 = arith.index_cast %sub3A_313 : i32 to index
              %swap3A_1514 = arith.constant 1008 : index
              %swap3A_1515 = tpu.vector_load %arg7[%swap3A_1513, %swap3A_1514] {strides = array<i32>} : memref<64x1024xf32, #tpu.memory_space<vmem>>, vector<16xf32>,
              tpu.vector_store %arg7[%swap3A_1513, %swap3A_1514], %mul3A_1512 {add = true, strides = array<i32>} : memref<64x1024xf32, #tpu.memory_space<vmem>>, vector<16xf32>,
            } else {
            }
          }
          %scan3A_285 = arith.constant 8 : i32
          %add3A_286 = arith.constant 2 : i32
          %add3A_287 = arith.addi %while3A_263, %add3A_286 : i32
          %mul3A_288 = arith.constant 8 : i32
          %mul3A_289 = arith.muli %add3A_287, %mul3A_288 : i32
          %eq3A_290 = arith.constant 0 : i32
          %eq3A_291 = arith.cmpi eq, %and3A_266, %eq3A_290 : i32
          %convert_element_type3A_292 = arith.extui %eq3A_291 : i1 to i32
          %cond3A_293 = arith.constant 0 : i32
          %cond3A_294 = arith.cmpi ne, %convert_element_type3A_292, %cond3A_293 : i32
          scf.if %cond3A_294 {
            %dma_start3A_301 = arith.constant 0 : i32
            %dma_start3A_302 = arith.constant 0 : i32
            %dma_start3A_303 = tpu.memref_slice %arg13[%dma_start3A_301, %dma_start3A_302] : memref<16x512xi32, #tpu.memory_space<vmem>> -> memref<8x512xi32, #tpu.memory_space<vmem>>
            %dma_start3A_304 = tpu.memref_slice %arg11[%mul3A_289] : memref<4656xi32, #tpu.memory_space<vmem>> -> memref<8xi32, #tpu.memory_space<vmem>>
            %dma_start3A_305 = arith.constant 0 : i32
            %dma_start3A_306 = arith.constant 0 : i32
            %dma_start3A_307 = tpu.memref_slice %arg2[%dma_start3A_305, %dma_start3A_306] : memref<4096x512xi32, #tpu.memory_space<hbm>> -> memref<4096x512xi32, #tpu.memory_space<hbm>>
            tpu.enqueue_indirect_dma source(%dma_start3A_307 : memref<4096x512xi32, #tpu.memory_space<hbm>>) target(%dma_start3A_303 : memref<8x512xi32, #tpu.memory_space<vmem>>) offsets(%dma_start3A_304 : memref<8xi32, #tpu.memory_space<vmem>>) semaphore(%arg18 : memref<!tpu.dma_semaphore, #tpu.memory_space<semaphore_mem>>)
            %dma_start3A_308 = arith.constant 0 : i32
            %dma_start3A_309 = arith.constant 0 : i32
            %dma_start3A_310 = tpu.memref_slice %arg14[%dma_start3A_308, %dma_start3A_309] : memref<16x512xi32, #tpu.memory_space<vmem>> -> memref<8x512xi32, #tpu.memory_space<vmem>>
            %dma_start3A_311 = tpu.memref_slice %arg12[%mul3A_289] : memref<4656xi32, #tpu.memory_space<vmem>> -> memref<8xi32, #tpu.memory_space<vmem>>
            %dma_start3A_312 = arith.constant 0 : i32
            %dma_start3A_313 = arith.constant 0 : i32
            %dma_start3A_314 = tpu.memref_slice %arg3[%dma_start3A_312, %dma_start3A_313] : memref<4096x512xi32, #tpu.memory_space<hbm>> -> memref<4096x512xi32, #tpu.memory_space<hbm>>
            tpu.enqueue_indirect_dma source(%dma_start3A_314 : memref<4096x512xi32, #tpu.memory_space<hbm>>) target(%dma_start3A_310 : memref<8x512xi32, #tpu.memory_space<vmem>>) offsets(%dma_start3A_311 : memref<8xi32, #tpu.memory_space<vmem>>) semaphore(%arg20 : memref<!tpu.dma_semaphore, #tpu.memory_space<semaphore_mem>>)
          } else {
          }
          %eq3A_295 = arith.constant 1 : i32
          %eq3A_296 = arith.cmpi eq, %and3A_266, %eq3A_295 : i32
          %convert_element_type3A_297 = arith.extui %eq3A_296 : i1 to i32
          %cond3A_298 = arith.constant 0 : i32
          %cond3A_299 = arith.cmpi ne, %convert_element_type3A_297, %cond3A_298 : i32
          scf.if %cond3A_299 {
            %dma_start3A_301 = arith.constant 8 : i32
            %dma_start3A_302 = arith.constant 0 : i32
            %dma_start3A_303 = tpu.memref_slice %arg13[%dma_start3A_301, %dma_start3A_302] : memref<16x512xi32, #tpu.memory_space<vmem>> -> memref<8x512xi32, #tpu.memory_space<vmem>>
            %dma_start3A_304 = tpu.memref_slice %arg11[%mul3A_289] : memref<4656xi32, #tpu.memory_space<vmem>> -> memref<8xi32, #tpu.memory_space<vmem>>
            %dma_start3A_305 = arith.constant 0 : i32
            %dma_start3A_306 = arith.constant 0 : i32
            %dma_start3A_307 = tpu.memref_slice %arg2[%dma_start3A_305, %dma_start3A_306] : memref<4096x512xi32, #tpu.memory_space<hbm>> -> memref<4096x512xi32, #tpu.memory_space<hbm>>
            tpu.enqueue_indirect_dma source(%dma_start3A_307 : memref<4096x512xi32, #tpu.memory_space<hbm>>) target(%dma_start3A_303 : memref<8x512xi32, #tpu.memory_space<vmem>>) offsets(%dma_start3A_304 : memref<8xi32, #tpu.memory_space<vmem>>) semaphore(%arg19 : memref<!tpu.dma_semaphore, #tpu.memory_space<semaphore_mem>>)
            %dma_start3A_308 = arith.constant 8 : i32
            %dma_start3A_309 = arith.constant 0 : i32
            %dma_start3A_310 = tpu.memref_slice %arg14[%dma_start3A_308, %dma_start3A_309] : memref<16x512xi32, #tpu.memory_space<vmem>> -> memref<8x512xi32, #tpu.memory_space<vmem>>
            %dma_start3A_311 = tpu.memref_slice %arg12[%mul3A_289] : memref<4656xi32, #tpu.memory_space<vmem>> -> memref<8xi32, #tpu.memory_space<vmem>>
            %dma_start3A_312 = arith.constant 0 : i32
            %dma_start3A_313 = arith.constant 0 : i32
            %dma_start3A_314 = tpu.memref_slice %arg3[%dma_start3A_312, %dma_start3A_313] : memref<4096x512xi32, #tpu.memory_space<hbm>> -> memref<4096x512xi32, #tpu.memory_space<hbm>>
            tpu.enqueue_indirect_dma source(%dma_start3A_314 : memref<4096x512xi32, #tpu.memory_space<hbm>>) target(%dma_start3A_310 : memref<8x512xi32, #tpu.memory_space<vmem>>) offsets(%dma_start3A_311 : memref<8xi32, #tpu.memory_space<vmem>>) semaphore(%arg21 : memref<!tpu.dma_semaphore, #tpu.memory_space<semaphore_mem>>)
          } else {
          }
          %while3A_300 = arith.constant 0 : i32
          scf.yield %while3A_300 : i32
        }
        %while3A_229 = arith.constant 1 : i32
        %while3A_230 = scf.for %while3A_263 = %while3A_226 to %while3A_222 step %while3A_229 iter_args(%while3A_264 = %while3A_228) -> (i32)  : i32 {
          %and3A_265 = arith.constant 1 : i32
          %and3A_266 = arith.andi %while3A_263, %and3A_265 : i32
          %mul3A_267 = arith.constant 8 : i32
          %mul3A_268 = arith.muli %and3A_266, %mul3A_267 : i32
          %eq3A_269 = arith.constant 0 : i32
          %eq3A_270 = arith.cmpi eq, %and3A_266, %eq3A_269 : i32
          %convert_element_type3A_271 = arith.extui %eq3A_270 : i1 to i32
          %cond3A_272 = arith.constant 0 : i32
          %cond3A_273 = arith.cmpi ne, %convert_element_type3A_271, %cond3A_272 : i32
          scf.if %cond3A_273 {
            %dma_wait3A_301 = arith.constant 0 : i32
            %dma_wait3A_302 = arith.constant 0 : i32
            %dma_wait3A_303 = tpu.memref_slice %arg13[%dma_wait3A_301, %dma_wait3A_302] : memref<16x512xi32, #tpu.memory_space<vmem>> -> memref<8x512xi32, #tpu.memory_space<vmem>>
            %dma_wait3A_304 = arith.constant 0 : i32
            %dma_wait3A_305 = tpu.memref_slice %arg11[%dma_wait3A_304] : memref<4656xi32, #tpu.memory_space<vmem>> -> memref<8xi32, #tpu.memory_space<vmem>>
            %dma_wait3A_306 = arith.constant 0 : i32
            %dma_wait3A_307 = arith.constant 0 : i32
            %dma_wait3A_308 = tpu.memref_slice %arg2[%dma_wait3A_306, %dma_wait3A_307] : memref<4096x512xi32, #tpu.memory_space<hbm>> -> memref<4096x512xi32, #tpu.memory_space<hbm>>
            tpu.wait_indirect_dma semaphore(%arg18 : memref<!tpu.dma_semaphore, #tpu.memory_space<semaphore_mem>>) src(%dma_wait3A_308 : memref<4096x512xi32, #tpu.memory_space<hbm>>) dst(%dma_wait3A_303 : memref<8x512xi32, #tpu.memory_space<vmem>>)
            %dma_wait3A_309 = arith.constant 0 : i32
            %dma_wait3A_310 = arith.constant 0 : i32
            %dma_wait3A_311 = tpu.memref_slice %arg14[%dma_wait3A_309, %dma_wait3A_310] : memref<16x512xi32, #tpu.memory_space<vmem>> -> memref<8x512xi32, #tpu.memory_space<vmem>>
            %dma_wait3A_312 = arith.constant 0 : i32
            %dma_wait3A_313 = tpu.memref_slice %arg12[%dma_wait3A_312] : memref<4656xi32, #tpu.memory_space<vmem>> -> memref<8xi32, #tpu.memory_space<vmem>>
            %dma_wait3A_314 = arith.constant 0 : i32
            %dma_wait3A_315 = arith.constant 0 : i32
            %dma_wait3A_316 = tpu.memref_slice %arg3[%dma_wait3A_314, %dma_wait3A_315] : memref<4096x512xi32, #tpu.memory_space<hbm>> -> memref<4096x512xi32, #tpu.memory_space<hbm>>
            tpu.wait_indirect_dma semaphore(%arg20 : memref<!tpu.dma_semaphore, #tpu.memory_space<semaphore_mem>>) src(%dma_wait3A_316 : memref<4096x512xi32, #tpu.memory_space<hbm>>) dst(%dma_wait3A_311 : memref<8x512xi32, #tpu.memory_space<vmem>>)
          } else {
          }
          %eq3A_274 = arith.constant 1 : i32
          %eq3A_275 = arith.cmpi eq, %and3A_266, %eq3A_274 : i32
          %convert_element_type3A_276 = arith.extui %eq3A_275 : i1 to i32
          %cond3A_277 = arith.constant 0 : i32
          %cond3A_278 = arith.cmpi ne, %convert_element_type3A_276, %cond3A_277 : i32
          scf.if %cond3A_278 {
            %dma_wait3A_301 = arith.constant 8 : i32
            %dma_wait3A_302 = arith.constant 0 : i32
            %dma_wait3A_303 = tpu.memref_slice %arg13[%dma_wait3A_301, %dma_wait3A_302] : memref<16x512xi32, #tpu.memory_space<vmem>> -> memref<8x512xi32, #tpu.memory_space<vmem>>
            %dma_wait3A_304 = arith.constant 0 : i32
            %dma_wait3A_305 = tpu.memref_slice %arg11[%dma_wait3A_304] : memref<4656xi32, #tpu.memory_space<vmem>> -> memref<8xi32, #tpu.memory_space<vmem>>
            %dma_wait3A_306 = arith.constant 0 : i32
            %dma_wait3A_307 = arith.constant 0 : i32
            %dma_wait3A_308 = tpu.memref_slice %arg2[%dma_wait3A_306, %dma_wait3A_307] : memref<4096x512xi32, #tpu.memory_space<hbm>> -> memref<4096x512xi32, #tpu.memory_space<hbm>>
            tpu.wait_indirect_dma semaphore(%arg19 : memref<!tpu.dma_semaphore, #tpu.memory_space<semaphore_mem>>) src(%dma_wait3A_308 : memref<4096x512xi32, #tpu.memory_space<hbm>>) dst(%dma_wait3A_303 : memref<8x512xi32, #tpu.memory_space<vmem>>)
            %dma_wait3A_309 = arith.constant 8 : i32
            %dma_wait3A_310 = arith.constant 0 : i32
            %dma_wait3A_311 = tpu.memref_slice %arg14[%dma_wait3A_309, %dma_wait3A_310] : memref<16x512xi32, #tpu.memory_space<vmem>> -> memref<8x512xi32, #tpu.memory_space<vmem>>
            %dma_wait3A_312 = arith.constant 0 : i32
            %dma_wait3A_313 = tpu.memref_slice %arg12[%dma_wait3A_312] : memref<4656xi32, #tpu.memory_space<vmem>> -> memref<8xi32, #tpu.memory_space<vmem>>
            %dma_wait3A_314 = arith.constant 0 : i32
            %dma_wait3A_315 = arith.constant 0 : i32
            %dma_wait3A_316 = tpu.memref_slice %arg3[%dma_wait3A_314, %dma_wait3A_315] : memref<4096x512xi32, #tpu.memory_space<hbm>> -> memref<4096x512xi32, #tpu.memory_space<hbm>>
            tpu.wait_indirect_dma semaphore(%arg21 : memref<!tpu.dma_semaphore, #tpu.memory_space<semaphore_mem>>) src(%dma_wait3A_316 : memref<4096x512xi32, #tpu.memory_space<hbm>>) dst(%dma_wait3A_311 : memref<8x512xi32, #tpu.memory_space<vmem>>)
          } else {
          }
          %mul3A_279 = arith.constant 8 : i32
          %mul3A_280 = arith.muli %while3A_263, %mul3A_279 : i32
          %scan3A_281 = arith.constant 0 : i32
          %scan3A_282 = arith.constant 8 : i32
          %scan3A_283 = arith.addi %scan3A_281, %scan3A_282 : i32
          %scan3A_284 = arith.constant 1 : i32
          scf.for %scan3A_301 = %scan3A_281 to %scan3A_283 step %scan3A_284  : i32 {
            %mul3A_302 = arith.constant 1 : i32
            %mul3A_303 = arith.muli %scan3A_301, %mul3A_302 : i32
            %add3A_304 = arith.constant 0 : i32
            %add3A_305 = arith.addi %add3A_304, %mul3A_303 : i32
            %add3A_306 = arith.addi %mul3A_280, %add3A_305 : i32
            %lt3A = arith.cmpi slt, %add3A_306, %get3A_132 : i32
            %convert_element_type3A_307 = arith.extui %lt3A : i1 to i32
            %cond3A_308 = arith.constant 0 : i32
            %cond3A_309 = arith.cmpi ne, %convert_element_type3A_307, %cond3A_308 : i32
            scf.if %cond3A_309 {
              %add3A_310 = arith.addi %mul3A_268, %add3A_305 : i32
              %get3A_311 = arith.index_cast %add3A_306 : i32 to index
              %get3A_312 = tpu.vector_load %arg12[%get3A_311] {strides = array<i32>} : memref<4656xi32, #tpu.memory_space<vmem>>, vector<16xi32>,
              %slice3A = vector.extract_strided_slice %get3A_312 {offsets = [0], sizes = [1], strides = [1]} : vector<16xi32> to vector<1xi32>
              %squeeze3A = vector.extract %slice3A[0] : i32 from vector<1xi32>
              %sub3A_313 = arith.subi %squeeze3A, %add3A_19 : i32
              %get3A_314 = arith.index_cast %add3A_310 : i32 to index
              %get3A_315 = arith.constant 0 : index
              %get3A_316 = tpu.vector_load %arg13[%get3A_314, %get3A_315] {strides = array<i32>} : memref<16x512xi32, #tpu.memory_space<vmem>>, vector<16xi32>,
              %bitcast3A = vector.bitcast %get3A_316 : vector<16xi32> to vector<32xbf16>
              %get3A_317 = arith.index_cast %add3A_310 : i32 to index
              %get3A_318 = arith.constant 0 : index
              %get3A_319 = tpu.vector_load %arg14[%get3A_317, %get3A_318] {strides = array<i32>} : memref<16x512xi32, #tpu.memory_space<vmem>>, vector<16xi32>,
              %bitcast3A_320 = vector.bitcast %get3A_319 : vector<16xi32> to vector<32xbf16>
              %add3A_321 = arith.addf %bitcast3A, %bitcast3A_320 : vector<32xbf16>
              %gt3A = vector.broadcast %scan3A : bf16 to vector<32xbf16>
              %gt3A_322 = arith.cmpf ogt, %add3A_321, %gt3A : vector<32xbf16>
              %mul3A_323 = vector.broadcast %scan3A_4 : bf16 to vector<32xbf16>
              %mul3A_324 = arith.mulf %mul3A_323, %add3A_321 : vector<32xbf16>
              %select_n3A_325 = arith.select %gt3A_322, %add3A_321, %mul3A_324 : vector<32xi1>, vector<32xbf16>
              %get3A_326 = arith.constant 0 : index
              %get3A_327 = tpu.vector_load %arg9[%get3A_326] {strides = array<i32>} : memref<512xi32, #tpu.memory_space<vmem>>, vector<16xi32>,
              %bitcast3A_328 = vector.bitcast %get3A_327 : vector<16xi32> to vector<32xbf16>
              %mul3A_329 = arith.mulf %select_n3A_325, %bitcast3A_328 : vector<32xbf16>
              %unpack3A = tpu.unpack_subelements %mul3A_329, 0 {pack_format = #tpu.pack_format<interleaved>} : vector<32xbf16> -> vector<16xf32>
              %unpack3A_330 = tpu.unpack_subelements %mul3A_329, 1 {pack_format = #tpu.pack_format<interleaved>} : vector<32xbf16> -> vector<16xf32>
              %add3A_331 = arith.addf %broadcast_in_dim3A_1, %unpack3A : vector<16xf32>
              %add3A_332 = arith.addf %broadcast_in_dim3A_1, %unpack3A_330 : vector<16xf32>
              %get3A_333 = arith.index_cast %add3A_310 : i32 to index
              %get3A_334 = arith.constant 16 : index
              %get3A_335 = tpu.vector_load %arg13[%get3A_333, %get3A_334] {strides = array<i32>} : memref<16x512xi32, #tpu.memory_space<vmem>>, vector<16xi32>,
              %bitcast3A_336 = vector.bitcast %get3A_335 : vector<16xi32> to vector<32xbf16>
              %get3A_337 = arith.index_cast %add3A_310 : i32 to index
              %get3A_338 = arith.constant 16 : index
              %get3A_339 = tpu.vector_load %arg14[%get3A_337, %get3A_338] {strides = array<i32>} : memref<16x512xi32, #tpu.memory_space<vmem>>, vector<16xi32>,
              %bitcast3A_340 = vector.bitcast %get3A_339 : vector<16xi32> to vector<32xbf16>
              %add3A_341 = arith.addf %bitcast3A_336, %bitcast3A_340 : vector<32xbf16>
              %gt3A_342 = vector.broadcast %scan3A : bf16 to vector<32xbf16>
              %gt3A_343 = arith.cmpf ogt, %add3A_341, %gt3A_342 : vector<32xbf16>
              %mul3A_344 = vector.broadcast %scan3A_4 : bf16 to vector<32xbf16>
              %mul3A_345 = arith.mulf %mul3A_344, %add3A_341 : vector<32xbf16>
              %select_n3A_346 = arith.select %gt3A_343, %add3A_341, %mul3A_345 : vector<32xi1>, vector<32xbf16>
              %get3A_347 = arith.constant 16 : index
              %get3A_348 = tpu.vector_load %arg9[%get3A_347] {strides = array<i32>} : memref<512xi32, #tpu.memory_space<vmem>>, vector<16xi32>,
              %bitcast3A_349 = vector.bitcast %get3A_348 : vector<16xi32> to vector<32xbf16>
              %mul3A_350 = arith.mulf %select_n3A_346, %bitcast3A_349 : vector<32xbf16>
              %unpack3A_351 = tpu.unpack_subelements %mul3A_350, 0 {pack_format = #tpu.pack_format<interleaved>} : vector<32xbf16> -> vector<16xf32>
              %unpack3A_352 = tpu.unpack_subelements %mul3A_350, 1 {pack_format = #tpu.pack_format<interleaved>} : vector<32xbf16> -> vector<16xf32>
              %add3A_353 = arith.addf %broadcast_in_dim3A_1, %unpack3A_351 : vector<16xf32>
              %add3A_354 = arith.addf %broadcast_in_dim3A_1, %unpack3A_352 : vector<16xf32>
              %get3A_355 = arith.index_cast %add3A_310 : i32 to index
              %get3A_356 = arith.constant 32 : index
              %get3A_357 = tpu.vector_load %arg13[%get3A_355, %get3A_356] {strides = array<i32>} : memref<16x512xi32, #tpu.memory_space<vmem>>, vector<16xi32>,
              %bitcast3A_358 = vector.bitcast %get3A_357 : vector<16xi32> to vector<32xbf16>
              %get3A_359 = arith.index_cast %add3A_310 : i32 to index
              %get3A_360 = arith.constant 32 : index
              %get3A_361 = tpu.vector_load %arg14[%get3A_359, %get3A_360] {strides = array<i32>} : memref<16x512xi32, #tpu.memory_space<vmem>>, vector<16xi32>,
              %bitcast3A_362 = vector.bitcast %get3A_361 : vector<16xi32> to vector<32xbf16>
              %add3A_363 = arith.addf %bitcast3A_358, %bitcast3A_362 : vector<32xbf16>
              %gt3A_364 = vector.broadcast %scan3A : bf16 to vector<32xbf16>
              %gt3A_365 = arith.cmpf ogt, %add3A_363, %gt3A_364 : vector<32xbf16>
              %mul3A_366 = vector.broadcast %scan3A_4 : bf16 to vector<32xbf16>
              %mul3A_367 = arith.mulf %mul3A_366, %add3A_363 : vector<32xbf16>
              %select_n3A_368 = arith.select %gt3A_365, %add3A_363, %mul3A_367 : vector<32xi1>, vector<32xbf16>
              %get3A_369 = arith.constant 32 : index
              %get3A_370 = tpu.vector_load %arg9[%get3A_369] {strides = array<i32>} : memref<512xi32, #tpu.memory_space<vmem>>, vector<16xi32>,
              %bitcast3A_371 = vector.bitcast %get3A_370 : vector<16xi32> to vector<32xbf16>
              %mul3A_372 = arith.mulf %select_n3A_368, %bitcast3A_371 : vector<32xbf16>
              %unpack3A_373 = tpu.unpack_subelements %mul3A_372, 0 {pack_format = #tpu.pack_format<interleaved>} : vector<32xbf16> -> vector<16xf32>
              %unpack3A_374 = tpu.unpack_subelements %mul3A_372, 1 {pack_format = #tpu.pack_format<interleaved>} : vector<32xbf16> -> vector<16xf32>
              %add3A_375 = arith.addf %add3A_331, %unpack3A_373 : vector<16xf32>
              %add3A_376 = arith.addf %add3A_332, %unpack3A_374 : vector<16xf32>
              %get3A_377 = arith.index_cast %add3A_310 : i32 to index
              %get3A_378 = arith.constant 48 : index
              %get3A_379 = tpu.vector_load %arg13[%get3A_377, %get3A_378] {strides = array<i32>} : memref<16x512xi32, #tpu.memory_space<vmem>>, vector<16xi32>,
              %bitcast3A_380 = vector.bitcast %get3A_379 : vector<16xi32> to vector<32xbf16>
              %get3A_381 = arith.index_cast %add3A_310 : i32 to index
              %get3A_382 = arith.constant 48 : index
              %get3A_383 = tpu.vector_load %arg14[%get3A_381, %get3A_382] {strides = array<i32>} : memref<16x512xi32, #tpu.memory_space<vmem>>, vector<16xi32>,
              %bitcast3A_384 = vector.bitcast %get3A_383 : vector<16xi32> to vector<32xbf16>
              %add3A_385 = arith.addf %bitcast3A_380, %bitcast3A_384 : vector<32xbf16>
              %gt3A_386 = vector.broadcast %scan3A : bf16 to vector<32xbf16>
              %gt3A_387 = arith.cmpf ogt, %add3A_385, %gt3A_386 : vector<32xbf16>
              %mul3A_388 = vector.broadcast %scan3A_4 : bf16 to vector<32xbf16>
              %mul3A_389 = arith.mulf %mul3A_388, %add3A_385 : vector<32xbf16>
              %select_n3A_390 = arith.select %gt3A_387, %add3A_385, %mul3A_389 : vector<32xi1>, vector<32xbf16>
              %get3A_391 = arith.constant 48 : index
              %get3A_392 = tpu.vector_load %arg9[%get3A_391] {strides = array<i32>} : memref<512xi32, #tpu.memory_space<vmem>>, vector<16xi32>,
              %bitcast3A_393 = vector.bitcast %get3A_392 : vector<16xi32> to vector<32xbf16>
              %mul3A_394 = arith.mulf %select_n3A_390, %bitcast3A_393 : vector<32xbf16>
              %unpack3A_395 = tpu.unpack_subelements %mul3A_394, 0 {pack_format = #tpu.pack_format<interleaved>} : vector<32xbf16> -> vector<16xf32>
              %unpack3A_396 = tpu.unpack_subelements %mul3A_394, 1 {pack_format = #tpu.pack_format<interleaved>} : vector<32xbf16> -> vector<16xf32>
              %add3A_397 = arith.addf %add3A_353, %unpack3A_395 : vector<16xf32>
              %add3A_398 = arith.addf %add3A_354, %unpack3A_396 : vector<16xf32>
              %get3A_399 = arith.index_cast %add3A_310 : i32 to index
              %get3A_400 = arith.constant 64 : index
              %get3A_401 = tpu.vector_load %arg13[%get3A_399, %get3A_400] {strides = array<i32>} : memref<16x512xi32, #tpu.memory_space<vmem>>, vector<16xi32>,
              %bitcast3A_402 = vector.bitcast %get3A_401 : vector<16xi32> to vector<32xbf16>
              %get3A_403 = arith.index_cast %add3A_310 : i32 to index
              %get3A_404 = arith.constant 64 : index
              %get3A_405 = tpu.vector_load %arg14[%get3A_403, %get3A_404] {strides = array<i32>} : memref<16x512xi32, #tpu.memory_space<vmem>>, vector<16xi32>,
              %bitcast3A_406 = vector.bitcast %get3A_405 : vector<16xi32> to vector<32xbf16>
              %add3A_407 = arith.addf %bitcast3A_402, %bitcast3A_406 : vector<32xbf16>
              %gt3A_408 = vector.broadcast %scan3A : bf16 to vector<32xbf16>
              %gt3A_409 = arith.cmpf ogt, %add3A_407, %gt3A_408 : vector<32xbf16>
              %mul3A_410 = vector.broadcast %scan3A_4 : bf16 to vector<32xbf16>
              %mul3A_411 = arith.mulf %mul3A_410, %add3A_407 : vector<32xbf16>
              %select_n3A_412 = arith.select %gt3A_409, %add3A_407, %mul3A_411 : vector<32xi1>, vector<32xbf16>
              %get3A_413 = arith.constant 64 : index
              %get3A_414 = tpu.vector_load %arg9[%get3A_413] {strides = array<i32>} : memref<512xi32, #tpu.memory_space<vmem>>, vector<16xi32>,
              %bitcast3A_415 = vector.bitcast %get3A_414 : vector<16xi32> to vector<32xbf16>
              %mul3A_416 = arith.mulf %select_n3A_412, %bitcast3A_415 : vector<32xbf16>
              %unpack3A_417 = tpu.unpack_subelements %mul3A_416, 0 {pack_format = #tpu.pack_format<interleaved>} : vector<32xbf16> -> vector<16xf32>
              %unpack3A_418 = tpu.unpack_subelements %mul3A_416, 1 {pack_format = #tpu.pack_format<interleaved>} : vector<32xbf16> -> vector<16xf32>
              %add3A_419 = arith.addf %add3A_375, %unpack3A_417 : vector<16xf32>
              %add3A_420 = arith.addf %add3A_376, %unpack3A_418 : vector<16xf32>
              %get3A_421 = arith.index_cast %add3A_310 : i32 to index
              %get3A_422 = arith.constant 80 : index
              %get3A_423 = tpu.vector_load %arg13[%get3A_421, %get3A_422] {strides = array<i32>} : memref<16x512xi32, #tpu.memory_space<vmem>>, vector<16xi32>,
              %bitcast3A_424 = vector.bitcast %get3A_423 : vector<16xi32> to vector<32xbf16>
              %get3A_425 = arith.index_cast %add3A_310 : i32 to index
              %get3A_426 = arith.constant 80 : index
              %get3A_427 = tpu.vector_load %arg14[%get3A_425, %get3A_426] {strides = array<i32>} : memref<16x512xi32, #tpu.memory_space<vmem>>, vector<16xi32>,
              %bitcast3A_428 = vector.bitcast %get3A_427 : vector<16xi32> to vector<32xbf16>
              %add3A_429 = arith.addf %bitcast3A_424, %bitcast3A_428 : vector<32xbf16>
              %gt3A_430 = vector.broadcast %scan3A : bf16 to vector<32xbf16>
              %gt3A_431 = arith.cmpf ogt, %add3A_429, %gt3A_430 : vector<32xbf16>
              %mul3A_432 = vector.broadcast %scan3A_4 : bf16 to vector<32xbf16>
              %mul3A_433 = arith.mulf %mul3A_432, %add3A_429 : vector<32xbf16>
              %select_n3A_434 = arith.select %gt3A_431, %add3A_429, %mul3A_433 : vector<32xi1>, vector<32xbf16>
              %get3A_435 = arith.constant 80 : index
              %get3A_436 = tpu.vector_load %arg9[%get3A_435] {strides = array<i32>} : memref<512xi32, #tpu.memory_space<vmem>>, vector<16xi32>,
              %bitcast3A_437 = vector.bitcast %get3A_436 : vector<16xi32> to vector<32xbf16>
              %mul3A_438 = arith.mulf %select_n3A_434, %bitcast3A_437 : vector<32xbf16>
              %unpack3A_439 = tpu.unpack_subelements %mul3A_438, 0 {pack_format = #tpu.pack_format<interleaved>} : vector<32xbf16> -> vector<16xf32>
              %unpack3A_440 = tpu.unpack_subelements %mul3A_438, 1 {pack_format = #tpu.pack_format<interleaved>} : vector<32xbf16> -> vector<16xf32>
              %add3A_441 = arith.addf %add3A_397, %unpack3A_439 : vector<16xf32>
              %add3A_442 = arith.addf %add3A_398, %unpack3A_440 : vector<16xf32>
              %get3A_443 = arith.index_cast %add3A_310 : i32 to index
              %get3A_444 = arith.constant 96 : index
              %get3A_445 = tpu.vector_load %arg13[%get3A_443, %get3A_444] {strides = array<i32>} : memref<16x512xi32, #tpu.memory_space<vmem>>, vector<16xi32>,
              %bitcast3A_446 = vector.bitcast %get3A_445 : vector<16xi32> to vector<32xbf16>
              %get3A_447 = arith.index_cast %add3A_310 : i32 to index
              %get3A_448 = arith.constant 96 : index
              %get3A_449 = tpu.vector_load %arg14[%get3A_447, %get3A_448] {strides = array<i32>} : memref<16x512xi32, #tpu.memory_space<vmem>>, vector<16xi32>,
              %bitcast3A_450 = vector.bitcast %get3A_449 : vector<16xi32> to vector<32xbf16>
              %add3A_451 = arith.addf %bitcast3A_446, %bitcast3A_450 : vector<32xbf16>
              %gt3A_452 = vector.broadcast %scan3A : bf16 to vector<32xbf16>
              %gt3A_453 = arith.cmpf ogt, %add3A_451, %gt3A_452 : vector<32xbf16>
              %mul3A_454 = vector.broadcast %scan3A_4 : bf16 to vector<32xbf16>
              %mul3A_455 = arith.mulf %mul3A_454, %add3A_451 : vector<32xbf16>
              %select_n3A_456 = arith.select %gt3A_453, %add3A_451, %mul3A_455 : vector<32xi1>, vector<32xbf16>
              %get3A_457 = arith.constant 96 : index
              %get3A_458 = tpu.vector_load %arg9[%get3A_457] {strides = array<i32>} : memref<512xi32, #tpu.memory_space<vmem>>, vector<16xi32>,
              %bitcast3A_459 = vector.bitcast %get3A_458 : vector<16xi32> to vector<32xbf16>
              %mul3A_460 = arith.mulf %select_n3A_456, %bitcast3A_459 : vector<32xbf16>
              %unpack3A_461 = tpu.unpack_subelements %mul3A_460, 0 {pack_format = #tpu.pack_format<interleaved>} : vector<32xbf16> -> vector<16xf32>
              %unpack3A_462 = tpu.unpack_subelements %mul3A_460, 1 {pack_format = #tpu.pack_format<interleaved>} : vector<32xbf16> -> vector<16xf32>
              %add3A_463 = arith.addf %add3A_419, %unpack3A_461 : vector<16xf32>
              %add3A_464 = arith.addf %add3A_420, %unpack3A_462 : vector<16xf32>
              %get3A_465 = arith.index_cast %add3A_310 : i32 to index
              %get3A_466 = arith.constant 112 : index
              %get3A_467 = tpu.vector_load %arg13[%get3A_465, %get3A_466] {strides = array<i32>} : memref<16x512xi32, #tpu.memory_space<vmem>>, vector<16xi32>,
              %bitcast3A_468 = vector.bitcast %get3A_467 : vector<16xi32> to vector<32xbf16>
              %get3A_469 = arith.index_cast %add3A_310 : i32 to index
              %get3A_470 = arith.constant 112 : index
              %get3A_471 = tpu.vector_load %arg14[%get3A_469, %get3A_470] {strides = array<i32>} : memref<16x512xi32, #tpu.memory_space<vmem>>, vector<16xi32>,
              %bitcast3A_472 = vector.bitcast %get3A_471 : vector<16xi32> to vector<32xbf16>
              %add3A_473 = arith.addf %bitcast3A_468, %bitcast3A_472 : vector<32xbf16>
              %gt3A_474 = vector.broadcast %scan3A : bf16 to vector<32xbf16>
              %gt3A_475 = arith.cmpf ogt, %add3A_473, %gt3A_474 : vector<32xbf16>
              %mul3A_476 = vector.broadcast %scan3A_4 : bf16 to vector<32xbf16>
              %mul3A_477 = arith.mulf %mul3A_476, %add3A_473 : vector<32xbf16>
              %select_n3A_478 = arith.select %gt3A_475, %add3A_473, %mul3A_477 : vector<32xi1>, vector<32xbf16>
              %get3A_479 = arith.constant 112 : index
              %get3A_480 = tpu.vector_load %arg9[%get3A_479] {strides = array<i32>} : memref<512xi32, #tpu.memory_space<vmem>>, vector<16xi32>,
              %bitcast3A_481 = vector.bitcast %get3A_480 : vector<16xi32> to vector<32xbf16>
              %mul3A_482 = arith.mulf %select_n3A_478, %bitcast3A_481 : vector<32xbf16>
              %unpack3A_483 = tpu.unpack_subelements %mul3A_482, 0 {pack_format = #tpu.pack_format<interleaved>} : vector<32xbf16> -> vector<16xf32>
              %unpack3A_484 = tpu.unpack_subelements %mul3A_482, 1 {pack_format = #tpu.pack_format<interleaved>} : vector<32xbf16> -> vector<16xf32>
              %add3A_485 = arith.addf %add3A_441, %unpack3A_483 : vector<16xf32>
              %add3A_486 = arith.addf %add3A_442, %unpack3A_484 : vector<16xf32>
              %add3A_487 = arith.addf %add3A_463, %add3A_464 : vector<16xf32>
              %add3A_488 = arith.addf %add3A_485, %add3A_486 : vector<16xf32>
              %add3A_489 = arith.addf %add3A_487, %add3A_488 : vector<16xf32>
              %reduce_sum3A = arith.constant true
              %reduce_sum3A_490 = vector.broadcast %reduce_sum3A : i1 to vector<16xi1>
              %reduce_sum3A_491 = tpu.scan <sum>, %add3A_489 masked %reduce_sum3A_490 : vector<16xf32>, vector<16xi1> -> vector<16xf32>
              %reduce_sum3A_492 = vector.extract %reduce_sum3A_491[15] : f32 from vector<16xf32>
              %broadcast_in_dim3A_493 = vector.broadcast %reduce_sum3A_492 : f32 to vector<16xf32>
              %exp3A = math.exp %broadcast_in_dim3A_493 : vector<16xf32>
              %get3A_494 = arith.index_cast %add3A_310 : i32 to index
              %get3A_495 = arith.constant 128 : index
              %get3A_496 = tpu.vector_load %arg13[%get3A_494, %get3A_495] {strides = array<i32>} : memref<16x512xi32, #tpu.memory_space<vmem>>, vector<16xi32>,
              %bitcast3A_497 = vector.bitcast %get3A_496 : vector<16xi32> to vector<32xbf16>
              %get3A_498 = arith.index_cast %add3A_310 : i32 to index
              %get3A_499 = arith.constant 128 : index
              %get3A_500 = tpu.vector_load %arg14[%get3A_498, %get3A_499] {strides = array<i32>} : memref<16x512xi32, #tpu.memory_space<vmem>>, vector<16xi32>,
              %bitcast3A_501 = vector.bitcast %get3A_500 : vector<16xi32> to vector<32xbf16>
              %add3A_502 = arith.addf %bitcast3A_497, %bitcast3A_501 : vector<32xbf16>
              %gt3A_503 = vector.broadcast %scan3A : bf16 to vector<32xbf16>
              %gt3A_504 = arith.cmpf ogt, %add3A_502, %gt3A_503 : vector<32xbf16>
              %mul3A_505 = vector.broadcast %scan3A_4 : bf16 to vector<32xbf16>
              %mul3A_506 = arith.mulf %mul3A_505, %add3A_502 : vector<32xbf16>
              %select_n3A_507 = arith.select %gt3A_504, %add3A_502, %mul3A_506 : vector<32xi1>, vector<32xbf16>
              %get3A_508 = arith.constant 128 : index
              %get3A_509 = tpu.vector_load %arg9[%get3A_508] {strides = array<i32>} : memref<512xi32, #tpu.memory_space<vmem>>, vector<16xi32>,
              %bitcast3A_510 = vector.bitcast %get3A_509 : vector<16xi32> to vector<32xbf16>
              %mul3A_511 = arith.mulf %select_n3A_507, %bitcast3A_510 : vector<32xbf16>
              %unpack3A_512 = tpu.unpack_subelements %mul3A_511, 0 {pack_format = #tpu.pack_format<interleaved>} : vector<32xbf16> -> vector<16xf32>
              %unpack3A_513 = tpu.unpack_subelements %mul3A_511, 1 {pack_format = #tpu.pack_format<interleaved>} : vector<32xbf16> -> vector<16xf32>
              %add3A_514 = arith.addf %broadcast_in_dim3A_1, %unpack3A_512 : vector<16xf32>
              %add3A_515 = arith.addf %broadcast_in_dim3A_1, %unpack3A_513 : vector<16xf32>
              %get3A_516 = arith.index_cast %add3A_310 : i32 to index
              %get3A_517 = arith.constant 144 : index
              %get3A_518 = tpu.vector_load %arg13[%get3A_516, %get3A_517] {strides = array<i32>} : memref<16x512xi32, #tpu.memory_space<vmem>>, vector<16xi32>,
              %bitcast3A_519 = vector.bitcast %get3A_518 : vector<16xi32> to vector<32xbf16>
              %get3A_520 = arith.index_cast %add3A_310 : i32 to index
              %get3A_521 = arith.constant 144 : index
              %get3A_522 = tpu.vector_load %arg14[%get3A_520, %get3A_521] {strides = array<i32>} : memref<16x512xi32, #tpu.memory_space<vmem>>, vector<16xi32>,
              %bitcast3A_523 = vector.bitcast %get3A_522 : vector<16xi32> to vector<32xbf16>
              %add3A_524 = arith.addf %bitcast3A_519, %bitcast3A_523 : vector<32xbf16>
              %gt3A_525 = vector.broadcast %scan3A : bf16 to vector<32xbf16>
              %gt3A_526 = arith.cmpf ogt, %add3A_524, %gt3A_525 : vector<32xbf16>
              %mul3A_527 = vector.broadcast %scan3A_4 : bf16 to vector<32xbf16>
              %mul3A_528 = arith.mulf %mul3A_527, %add3A_524 : vector<32xbf16>
              %select_n3A_529 = arith.select %gt3A_526, %add3A_524, %mul3A_528 : vector<32xi1>, vector<32xbf16>
              %get3A_530 = arith.constant 144 : index
              %get3A_531 = tpu.vector_load %arg9[%get3A_530] {strides = array<i32>} : memref<512xi32, #tpu.memory_space<vmem>>, vector<16xi32>,
              %bitcast3A_532 = vector.bitcast %get3A_531 : vector<16xi32> to vector<32xbf16>
              %mul3A_533 = arith.mulf %select_n3A_529, %bitcast3A_532 : vector<32xbf16>
              %unpack3A_534 = tpu.unpack_subelements %mul3A_533, 0 {pack_format = #tpu.pack_format<interleaved>} : vector<32xbf16> -> vector<16xf32>
              %unpack3A_535 = tpu.unpack_subelements %mul3A_533, 1 {pack_format = #tpu.pack_format<interleaved>} : vector<32xbf16> -> vector<16xf32>
              %add3A_536 = arith.addf %broadcast_in_dim3A_1, %unpack3A_534 : vector<16xf32>
              %add3A_537 = arith.addf %broadcast_in_dim3A_1, %unpack3A_535 : vector<16xf32>
              %get3A_538 = arith.index_cast %add3A_310 : i32 to index
              %get3A_539 = arith.constant 160 : index
              %get3A_540 = tpu.vector_load %arg13[%get3A_538, %get3A_539] {strides = array<i32>} : memref<16x512xi32, #tpu.memory_space<vmem>>, vector<16xi32>,
              %bitcast3A_541 = vector.bitcast %get3A_540 : vector<16xi32> to vector<32xbf16>
              %get3A_542 = arith.index_cast %add3A_310 : i32 to index
              %get3A_543 = arith.constant 160 : index
              %get3A_544 = tpu.vector_load %arg14[%get3A_542, %get3A_543] {strides = array<i32>} : memref<16x512xi32, #tpu.memory_space<vmem>>, vector<16xi32>,
              %bitcast3A_545 = vector.bitcast %get3A_544 : vector<16xi32> to vector<32xbf16>
              %add3A_546 = arith.addf %bitcast3A_541, %bitcast3A_545 : vector<32xbf16>
              %gt3A_547 = vector.broadcast %scan3A : bf16 to vector<32xbf16>
              %gt3A_548 = arith.cmpf ogt, %add3A_546, %gt3A_547 : vector<32xbf16>
              %mul3A_549 = vector.broadcast %scan3A_4 : bf16 to vector<32xbf16>
              %mul3A_550 = arith.mulf %mul3A_549, %add3A_546 : vector<32xbf16>
              %select_n3A_551 = arith.select %gt3A_548, %add3A_546, %mul3A_550 : vector<32xi1>, vector<32xbf16>
              %get3A_552 = arith.constant 160 : index
              %get3A_553 = tpu.vector_load %arg9[%get3A_552] {strides = array<i32>} : memref<512xi32, #tpu.memory_space<vmem>>, vector<16xi32>,
              %bitcast3A_554 = vector.bitcast %get3A_553 : vector<16xi32> to vector<32xbf16>
              %mul3A_555 = arith.mulf %select_n3A_551, %bitcast3A_554 : vector<32xbf16>
              %unpack3A_556 = tpu.unpack_subelements %mul3A_555, 0 {pack_format = #tpu.pack_format<interleaved>} : vector<32xbf16> -> vector<16xf32>
              %unpack3A_557 = tpu.unpack_subelements %mul3A_555, 1 {pack_format = #tpu.pack_format<interleaved>} : vector<32xbf16> -> vector<16xf32>
              %add3A_558 = arith.addf %add3A_514, %unpack3A_556 : vector<16xf32>
              %add3A_559 = arith.addf %add3A_515, %unpack3A_557 : vector<16xf32>
              %get3A_560 = arith.index_cast %add3A_310 : i32 to index
              %get3A_561 = arith.constant 176 : index
              %get3A_562 = tpu.vector_load %arg13[%get3A_560, %get3A_561] {strides = array<i32>} : memref<16x512xi32, #tpu.memory_space<vmem>>, vector<16xi32>,
              %bitcast3A_563 = vector.bitcast %get3A_562 : vector<16xi32> to vector<32xbf16>
              %get3A_564 = arith.index_cast %add3A_310 : i32 to index
              %get3A_565 = arith.constant 176 : index
              %get3A_566 = tpu.vector_load %arg14[%get3A_564, %get3A_565] {strides = array<i32>} : memref<16x512xi32, #tpu.memory_space<vmem>>, vector<16xi32>,
              %bitcast3A_567 = vector.bitcast %get3A_566 : vector<16xi32> to vector<32xbf16>
              %add3A_568 = arith.addf %bitcast3A_563, %bitcast3A_567 : vector<32xbf16>
              %gt3A_569 = vector.broadcast %scan3A : bf16 to vector<32xbf16>
              %gt3A_570 = arith.cmpf ogt, %add3A_568, %gt3A_569 : vector<32xbf16>
              %mul3A_571 = vector.broadcast %scan3A_4 : bf16 to vector<32xbf16>
              %mul3A_572 = arith.mulf %mul3A_571, %add3A_568 : vector<32xbf16>
              %select_n3A_573 = arith.select %gt3A_570, %add3A_568, %mul3A_572 : vector<32xi1>, vector<32xbf16>
              %get3A_574 = arith.constant 176 : index
              %get3A_575 = tpu.vector_load %arg9[%get3A_574] {strides = array<i32>} : memref<512xi32, #tpu.memory_space<vmem>>, vector<16xi32>,
              %bitcast3A_576 = vector.bitcast %get3A_575 : vector<16xi32> to vector<32xbf16>
              %mul3A_577 = arith.mulf %select_n3A_573, %bitcast3A_576 : vector<32xbf16>
              %unpack3A_578 = tpu.unpack_subelements %mul3A_577, 0 {pack_format = #tpu.pack_format<interleaved>} : vector<32xbf16> -> vector<16xf32>
              %unpack3A_579 = tpu.unpack_subelements %mul3A_577, 1 {pack_format = #tpu.pack_format<interleaved>} : vector<32xbf16> -> vector<16xf32>
              %add3A_580 = arith.addf %add3A_536, %unpack3A_578 : vector<16xf32>
              %add3A_581 = arith.addf %add3A_537, %unpack3A_579 : vector<16xf32>
              %get3A_582 = arith.index_cast %add3A_310 : i32 to index
              %get3A_583 = arith.constant 192 : index
              %get3A_584 = tpu.vector_load %arg13[%get3A_582, %get3A_583] {strides = array<i32>} : memref<16x512xi32, #tpu.memory_space<vmem>>, vector<16xi32>,
              %bitcast3A_585 = vector.bitcast %get3A_584 : vector<16xi32> to vector<32xbf16>
              %get3A_586 = arith.index_cast %add3A_310 : i32 to index
              %get3A_587 = arith.constant 192 : index
              %get3A_588 = tpu.vector_load %arg14[%get3A_586, %get3A_587] {strides = array<i32>} : memref<16x512xi32, #tpu.memory_space<vmem>>, vector<16xi32>,
              %bitcast3A_589 = vector.bitcast %get3A_588 : vector<16xi32> to vector<32xbf16>
              %add3A_590 = arith.addf %bitcast3A_585, %bitcast3A_589 : vector<32xbf16>
              %gt3A_591 = vector.broadcast %scan3A : bf16 to vector<32xbf16>
              %gt3A_592 = arith.cmpf ogt, %add3A_590, %gt3A_591 : vector<32xbf16>
              %mul3A_593 = vector.broadcast %scan3A_4 : bf16 to vector<32xbf16>
              %mul3A_594 = arith.mulf %mul3A_593, %add3A_590 : vector<32xbf16>
              %select_n3A_595 = arith.select %gt3A_592, %add3A_590, %mul3A_594 : vector<32xi1>, vector<32xbf16>
              %get3A_596 = arith.constant 192 : index
              %get3A_597 = tpu.vector_load %arg9[%get3A_596] {strides = array<i32>} : memref<512xi32, #tpu.memory_space<vmem>>, vector<16xi32>,
              %bitcast3A_598 = vector.bitcast %get3A_597 : vector<16xi32> to vector<32xbf16>
              %mul3A_599 = arith.mulf %select_n3A_595, %bitcast3A_598 : vector<32xbf16>
              %unpack3A_600 = tpu.unpack_subelements %mul3A_599, 0 {pack_format = #tpu.pack_format<interleaved>} : vector<32xbf16> -> vector<16xf32>
              %unpack3A_601 = tpu.unpack_subelements %mul3A_599, 1 {pack_format = #tpu.pack_format<interleaved>} : vector<32xbf16> -> vector<16xf32>
              %add3A_602 = arith.addf %add3A_558, %unpack3A_600 : vector<16xf32>
              %add3A_603 = arith.addf %add3A_559, %unpack3A_601 : vector<16xf32>
              %get3A_604 = arith.index_cast %add3A_310 : i32 to index
              %get3A_605 = arith.constant 208 : index
              %get3A_606 = tpu.vector_load %arg13[%get3A_604, %get3A_605] {strides = array<i32>} : memref<16x512xi32, #tpu.memory_space<vmem>>, vector<16xi32>,
              %bitcast3A_607 = vector.bitcast %get3A_606 : vector<16xi32> to vector<32xbf16>
              %get3A_608 = arith.index_cast %add3A_310 : i32 to index
              %get3A_609 = arith.constant 208 : index
              %get3A_610 = tpu.vector_load %arg14[%get3A_608, %get3A_609] {strides = array<i32>} : memref<16x512xi32, #tpu.memory_space<vmem>>, vector<16xi32>,
              %bitcast3A_611 = vector.bitcast %get3A_610 : vector<16xi32> to vector<32xbf16>
              %add3A_612 = arith.addf %bitcast3A_607, %bitcast3A_611 : vector<32xbf16>
              %gt3A_613 = vector.broadcast %scan3A : bf16 to vector<32xbf16>
              %gt3A_614 = arith.cmpf ogt, %add3A_612, %gt3A_613 : vector<32xbf16>
              %mul3A_615 = vector.broadcast %scan3A_4 : bf16 to vector<32xbf16>
              %mul3A_616 = arith.mulf %mul3A_615, %add3A_612 : vector<32xbf16>
              %select_n3A_617 = arith.select %gt3A_614, %add3A_612, %mul3A_616 : vector<32xi1>, vector<32xbf16>
              %get3A_618 = arith.constant 208 : index
              %get3A_619 = tpu.vector_load %arg9[%get3A_618] {strides = array<i32>} : memref<512xi32, #tpu.memory_space<vmem>>, vector<16xi32>,
              %bitcast3A_620 = vector.bitcast %get3A_619 : vector<16xi32> to vector<32xbf16>
              %mul3A_621 = arith.mulf %select_n3A_617, %bitcast3A_620 : vector<32xbf16>
              %unpack3A_622 = tpu.unpack_subelements %mul3A_621, 0 {pack_format = #tpu.pack_format<interleaved>} : vector<32xbf16> -> vector<16xf32>
              %unpack3A_623 = tpu.unpack_subelements %mul3A_621, 1 {pack_format = #tpu.pack_format<interleaved>} : vector<32xbf16> -> vector<16xf32>
              %add3A_624 = arith.addf %add3A_580, %unpack3A_622 : vector<16xf32>
              %add3A_625 = arith.addf %add3A_581, %unpack3A_623 : vector<16xf32>
              %get3A_626 = arith.index_cast %add3A_310 : i32 to index
              %get3A_627 = arith.constant 224 : index
              %get3A_628 = tpu.vector_load %arg13[%get3A_626, %get3A_627] {strides = array<i32>} : memref<16x512xi32, #tpu.memory_space<vmem>>, vector<16xi32>,
              %bitcast3A_629 = vector.bitcast %get3A_628 : vector<16xi32> to vector<32xbf16>
              %get3A_630 = arith.index_cast %add3A_310 : i32 to index
              %get3A_631 = arith.constant 224 : index
              %get3A_632 = tpu.vector_load %arg14[%get3A_630, %get3A_631] {strides = array<i32>} : memref<16x512xi32, #tpu.memory_space<vmem>>, vector<16xi32>,
              %bitcast3A_633 = vector.bitcast %get3A_632 : vector<16xi32> to vector<32xbf16>
              %add3A_634 = arith.addf %bitcast3A_629, %bitcast3A_633 : vector<32xbf16>
              %gt3A_635 = vector.broadcast %scan3A : bf16 to vector<32xbf16>
              %gt3A_636 = arith.cmpf ogt, %add3A_634, %gt3A_635 : vector<32xbf16>
              %mul3A_637 = vector.broadcast %scan3A_4 : bf16 to vector<32xbf16>
              %mul3A_638 = arith.mulf %mul3A_637, %add3A_634 : vector<32xbf16>
              %select_n3A_639 = arith.select %gt3A_636, %add3A_634, %mul3A_638 : vector<32xi1>, vector<32xbf16>
              %get3A_640 = arith.constant 224 : index
              %get3A_641 = tpu.vector_load %arg9[%get3A_640] {strides = array<i32>} : memref<512xi32, #tpu.memory_space<vmem>>, vector<16xi32>,
              %bitcast3A_642 = vector.bitcast %get3A_641 : vector<16xi32> to vector<32xbf16>
              %mul3A_643 = arith.mulf %select_n3A_639, %bitcast3A_642 : vector<32xbf16>
              %unpack3A_644 = tpu.unpack_subelements %mul3A_643, 0 {pack_format = #tpu.pack_format<interleaved>} : vector<32xbf16> -> vector<16xf32>
              %unpack3A_645 = tpu.unpack_subelements %mul3A_643, 1 {pack_format = #tpu.pack_format<interleaved>} : vector<32xbf16> -> vector<16xf32>
              %add3A_646 = arith.addf %add3A_602, %unpack3A_644 : vector<16xf32>
              %add3A_647 = arith.addf %add3A_603, %unpack3A_645 : vector<16xf32>
              %get3A_648 = arith.index_cast %add3A_310 : i32 to index
              %get3A_649 = arith.constant 240 : index
              %get3A_650 = tpu.vector_load %arg13[%get3A_648, %get3A_649] {strides = array<i32>} : memref<16x512xi32, #tpu.memory_space<vmem>>, vector<16xi32>,
              %bitcast3A_651 = vector.bitcast %get3A_650 : vector<16xi32> to vector<32xbf16>
              %get3A_652 = arith.index_cast %add3A_310 : i32 to index
              %get3A_653 = arith.constant 240 : index
              %get3A_654 = tpu.vector_load %arg14[%get3A_652, %get3A_653] {strides = array<i32>} : memref<16x512xi32, #tpu.memory_space<vmem>>, vector<16xi32>,
              %bitcast3A_655 = vector.bitcast %get3A_654 : vector<16xi32> to vector<32xbf16>
              %add3A_656 = arith.addf %bitcast3A_651, %bitcast3A_655 : vector<32xbf16>
              %gt3A_657 = vector.broadcast %scan3A : bf16 to vector<32xbf16>
              %gt3A_658 = arith.cmpf ogt, %add3A_656, %gt3A_657 : vector<32xbf16>
              %mul3A_659 = vector.broadcast %scan3A_4 : bf16 to vector<32xbf16>
              %mul3A_660 = arith.mulf %mul3A_659, %add3A_656 : vector<32xbf16>
              %select_n3A_661 = arith.select %gt3A_658, %add3A_656, %mul3A_660 : vector<32xi1>, vector<32xbf16>
              %get3A_662 = arith.constant 240 : index
              %get3A_663 = tpu.vector_load %arg9[%get3A_662] {strides = array<i32>} : memref<512xi32, #tpu.memory_space<vmem>>, vector<16xi32>,
              %bitcast3A_664 = vector.bitcast %get3A_663 : vector<16xi32> to vector<32xbf16>
              %mul3A_665 = arith.mulf %select_n3A_661, %bitcast3A_664 : vector<32xbf16>
              %unpack3A_666 = tpu.unpack_subelements %mul3A_665, 0 {pack_format = #tpu.pack_format<interleaved>} : vector<32xbf16> -> vector<16xf32>
              %unpack3A_667 = tpu.unpack_subelements %mul3A_665, 1 {pack_format = #tpu.pack_format<interleaved>} : vector<32xbf16> -> vector<16xf32>
              %add3A_668 = arith.addf %add3A_624, %unpack3A_666 : vector<16xf32>
              %add3A_669 = arith.addf %add3A_625, %unpack3A_667 : vector<16xf32>
              %add3A_670 = arith.addf %add3A_646, %add3A_647 : vector<16xf32>
              %add3A_671 = arith.addf %add3A_668, %add3A_669 : vector<16xf32>
              %add3A_672 = arith.addf %add3A_670, %add3A_671 : vector<16xf32>
              %reduce_sum3A_673 = arith.constant true
              %reduce_sum3A_674 = vector.broadcast %reduce_sum3A_673 : i1 to vector<16xi1>
              %reduce_sum3A_675 = tpu.scan <sum>, %add3A_672 masked %reduce_sum3A_674 : vector<16xf32>, vector<16xi1> -> vector<16xf32>
              %reduce_sum3A_676 = vector.extract %reduce_sum3A_675[15] : f32 from vector<16xf32>
              %broadcast_in_dim3A_677 = vector.broadcast %reduce_sum3A_676 : f32 to vector<16xf32>
              %exp3A_678 = math.exp %broadcast_in_dim3A_677 : vector<16xf32>
              %get3A_679 = arith.index_cast %add3A_310 : i32 to index
              %get3A_680 = arith.constant 256 : index
              %get3A_681 = tpu.vector_load %arg13[%get3A_679, %get3A_680] {strides = array<i32>} : memref<16x512xi32, #tpu.memory_space<vmem>>, vector<16xi32>,
              %bitcast3A_682 = vector.bitcast %get3A_681 : vector<16xi32> to vector<32xbf16>
              %get3A_683 = arith.index_cast %add3A_310 : i32 to index
              %get3A_684 = arith.constant 256 : index
              %get3A_685 = tpu.vector_load %arg14[%get3A_683, %get3A_684] {strides = array<i32>} : memref<16x512xi32, #tpu.memory_space<vmem>>, vector<16xi32>,
              %bitcast3A_686 = vector.bitcast %get3A_685 : vector<16xi32> to vector<32xbf16>
              %add3A_687 = arith.addf %bitcast3A_682, %bitcast3A_686 : vector<32xbf16>
              %gt3A_688 = vector.broadcast %scan3A : bf16 to vector<32xbf16>
              %gt3A_689 = arith.cmpf ogt, %add3A_687, %gt3A_688 : vector<32xbf16>
              %mul3A_690 = vector.broadcast %scan3A_4 : bf16 to vector<32xbf16>
              %mul3A_691 = arith.mulf %mul3A_690, %add3A_687 : vector<32xbf16>
              %select_n3A_692 = arith.select %gt3A_689, %add3A_687, %mul3A_691 : vector<32xi1>, vector<32xbf16>
              %get3A_693 = arith.constant 256 : index
              %get3A_694 = tpu.vector_load %arg9[%get3A_693] {strides = array<i32>} : memref<512xi32, #tpu.memory_space<vmem>>, vector<16xi32>,
              %bitcast3A_695 = vector.bitcast %get3A_694 : vector<16xi32> to vector<32xbf16>
              %mul3A_696 = arith.mulf %select_n3A_692, %bitcast3A_695 : vector<32xbf16>
              %unpack3A_697 = tpu.unpack_subelements %mul3A_696, 0 {pack_format = #tpu.pack_format<interleaved>} : vector<32xbf16> -> vector<16xf32>
              %unpack3A_698 = tpu.unpack_subelements %mul3A_696, 1 {pack_format = #tpu.pack_format<interleaved>} : vector<32xbf16> -> vector<16xf32>
              %add3A_699 = arith.addf %broadcast_in_dim3A_1, %unpack3A_697 : vector<16xf32>
              %add3A_700 = arith.addf %broadcast_in_dim3A_1, %unpack3A_698 : vector<16xf32>
              %get3A_701 = arith.index_cast %add3A_310 : i32 to index
              %get3A_702 = arith.constant 272 : index
              %get3A_703 = tpu.vector_load %arg13[%get3A_701, %get3A_702] {strides = array<i32>} : memref<16x512xi32, #tpu.memory_space<vmem>>, vector<16xi32>,
              %bitcast3A_704 = vector.bitcast %get3A_703 : vector<16xi32> to vector<32xbf16>
              %get3A_705 = arith.index_cast %add3A_310 : i32 to index
              %get3A_706 = arith.constant 272 : index
              %get3A_707 = tpu.vector_load %arg14[%get3A_705, %get3A_706] {strides = array<i32>} : memref<16x512xi32, #tpu.memory_space<vmem>>, vector<16xi32>,
              %bitcast3A_708 = vector.bitcast %get3A_707 : vector<16xi32> to vector<32xbf16>
              %add3A_709 = arith.addf %bitcast3A_704, %bitcast3A_708 : vector<32xbf16>
              %gt3A_710 = vector.broadcast %scan3A : bf16 to vector<32xbf16>
              %gt3A_711 = arith.cmpf ogt, %add3A_709, %gt3A_710 : vector<32xbf16>
              %mul3A_712 = vector.broadcast %scan3A_4 : bf16 to vector<32xbf16>
              %mul3A_713 = arith.mulf %mul3A_712, %add3A_709 : vector<32xbf16>
              %select_n3A_714 = arith.select %gt3A_711, %add3A_709, %mul3A_713 : vector<32xi1>, vector<32xbf16>
              %get3A_715 = arith.constant 272 : index
              %get3A_716 = tpu.vector_load %arg9[%get3A_715] {strides = array<i32>} : memref<512xi32, #tpu.memory_space<vmem>>, vector<16xi32>,
              %bitcast3A_717 = vector.bitcast %get3A_716 : vector<16xi32> to vector<32xbf16>
              %mul3A_718 = arith.mulf %select_n3A_714, %bitcast3A_717 : vector<32xbf16>
              %unpack3A_719 = tpu.unpack_subelements %mul3A_718, 0 {pack_format = #tpu.pack_format<interleaved>} : vector<32xbf16> -> vector<16xf32>
              %unpack3A_720 = tpu.unpack_subelements %mul3A_718, 1 {pack_format = #tpu.pack_format<interleaved>} : vector<32xbf16> -> vector<16xf32>
              %add3A_721 = arith.addf %broadcast_in_dim3A_1, %unpack3A_719 : vector<16xf32>
              %add3A_722 = arith.addf %broadcast_in_dim3A_1, %unpack3A_720 : vector<16xf32>
              %get3A_723 = arith.index_cast %add3A_310 : i32 to index
              %get3A_724 = arith.constant 288 : index
              %get3A_725 = tpu.vector_load %arg13[%get3A_723, %get3A_724] {strides = array<i32>} : memref<16x512xi32, #tpu.memory_space<vmem>>, vector<16xi32>,
              %bitcast3A_726 = vector.bitcast %get3A_725 : vector<16xi32> to vector<32xbf16>
              %get3A_727 = arith.index_cast %add3A_310 : i32 to index
              %get3A_728 = arith.constant 288 : index
              %get3A_729 = tpu.vector_load %arg14[%get3A_727, %get3A_728] {strides = array<i32>} : memref<16x512xi32, #tpu.memory_space<vmem>>, vector<16xi32>,
              %bitcast3A_730 = vector.bitcast %get3A_729 : vector<16xi32> to vector<32xbf16>
              %add3A_731 = arith.addf %bitcast3A_726, %bitcast3A_730 : vector<32xbf16>
              %gt3A_732 = vector.broadcast %scan3A : bf16 to vector<32xbf16>
              %gt3A_733 = arith.cmpf ogt, %add3A_731, %gt3A_732 : vector<32xbf16>
              %mul3A_734 = vector.broadcast %scan3A_4 : bf16 to vector<32xbf16>
              %mul3A_735 = arith.mulf %mul3A_734, %add3A_731 : vector<32xbf16>
              %select_n3A_736 = arith.select %gt3A_733, %add3A_731, %mul3A_735 : vector<32xi1>, vector<32xbf16>
              %get3A_737 = arith.constant 288 : index
              %get3A_738 = tpu.vector_load %arg9[%get3A_737] {strides = array<i32>} : memref<512xi32, #tpu.memory_space<vmem>>, vector<16xi32>,
              %bitcast3A_739 = vector.bitcast %get3A_738 : vector<16xi32> to vector<32xbf16>
              %mul3A_740 = arith.mulf %select_n3A_736, %bitcast3A_739 : vector<32xbf16>
              %unpack3A_741 = tpu.unpack_subelements %mul3A_740, 0 {pack_format = #tpu.pack_format<interleaved>} : vector<32xbf16> -> vector<16xf32>
              %unpack3A_742 = tpu.unpack_subelements %mul3A_740, 1 {pack_format = #tpu.pack_format<interleaved>} : vector<32xbf16> -> vector<16xf32>
              %add3A_743 = arith.addf %add3A_699, %unpack3A_741 : vector<16xf32>
              %add3A_744 = arith.addf %add3A_700, %unpack3A_742 : vector<16xf32>
              %get3A_745 = arith.index_cast %add3A_310 : i32 to index
              %get3A_746 = arith.constant 304 : index
              %get3A_747 = tpu.vector_load %arg13[%get3A_745, %get3A_746] {strides = array<i32>} : memref<16x512xi32, #tpu.memory_space<vmem>>, vector<16xi32>,
              %bitcast3A_748 = vector.bitcast %get3A_747 : vector<16xi32> to vector<32xbf16>
              %get3A_749 = arith.index_cast %add3A_310 : i32 to index
              %get3A_750 = arith.constant 304 : index
              %get3A_751 = tpu.vector_load %arg14[%get3A_749, %get3A_750] {strides = array<i32>} : memref<16x512xi32, #tpu.memory_space<vmem>>, vector<16xi32>,
              %bitcast3A_752 = vector.bitcast %get3A_751 : vector<16xi32> to vector<32xbf16>
              %add3A_753 = arith.addf %bitcast3A_748, %bitcast3A_752 : vector<32xbf16>
              %gt3A_754 = vector.broadcast %scan3A : bf16 to vector<32xbf16>
              %gt3A_755 = arith.cmpf ogt, %add3A_753, %gt3A_754 : vector<32xbf16>
              %mul3A_756 = vector.broadcast %scan3A_4 : bf16 to vector<32xbf16>
              %mul3A_757 = arith.mulf %mul3A_756, %add3A_753 : vector<32xbf16>
              %select_n3A_758 = arith.select %gt3A_755, %add3A_753, %mul3A_757 : vector<32xi1>, vector<32xbf16>
              %get3A_759 = arith.constant 304 : index
              %get3A_760 = tpu.vector_load %arg9[%get3A_759] {strides = array<i32>} : memref<512xi32, #tpu.memory_space<vmem>>, vector<16xi32>,
              %bitcast3A_761 = vector.bitcast %get3A_760 : vector<16xi32> to vector<32xbf16>
              %mul3A_762 = arith.mulf %select_n3A_758, %bitcast3A_761 : vector<32xbf16>
              %unpack3A_763 = tpu.unpack_subelements %mul3A_762, 0 {pack_format = #tpu.pack_format<interleaved>} : vector<32xbf16> -> vector<16xf32>
              %unpack3A_764 = tpu.unpack_subelements %mul3A_762, 1 {pack_format = #tpu.pack_format<interleaved>} : vector<32xbf16> -> vector<16xf32>
              %add3A_765 = arith.addf %add3A_721, %unpack3A_763 : vector<16xf32>
              %add3A_766 = arith.addf %add3A_722, %unpack3A_764 : vector<16xf32>
              %get3A_767 = arith.index_cast %add3A_310 : i32 to index
              %get3A_768 = arith.constant 320 : index
              %get3A_769 = tpu.vector_load %arg13[%get3A_767, %get3A_768] {strides = array<i32>} : memref<16x512xi32, #tpu.memory_space<vmem>>, vector<16xi32>,
              %bitcast3A_770 = vector.bitcast %get3A_769 : vector<16xi32> to vector<32xbf16>
              %get3A_771 = arith.index_cast %add3A_310 : i32 to index
              %get3A_772 = arith.constant 320 : index
              %get3A_773 = tpu.vector_load %arg14[%get3A_771, %get3A_772] {strides = array<i32>} : memref<16x512xi32, #tpu.memory_space<vmem>>, vector<16xi32>,
              %bitcast3A_774 = vector.bitcast %get3A_773 : vector<16xi32> to vector<32xbf16>
              %add3A_775 = arith.addf %bitcast3A_770, %bitcast3A_774 : vector<32xbf16>
              %gt3A_776 = vector.broadcast %scan3A : bf16 to vector<32xbf16>
              %gt3A_777 = arith.cmpf ogt, %add3A_775, %gt3A_776 : vector<32xbf16>
              %mul3A_778 = vector.broadcast %scan3A_4 : bf16 to vector<32xbf16>
              %mul3A_779 = arith.mulf %mul3A_778, %add3A_775 : vector<32xbf16>
              %select_n3A_780 = arith.select %gt3A_777, %add3A_775, %mul3A_779 : vector<32xi1>, vector<32xbf16>
              %get3A_781 = arith.constant 320 : index
              %get3A_782 = tpu.vector_load %arg9[%get3A_781] {strides = array<i32>} : memref<512xi32, #tpu.memory_space<vmem>>, vector<16xi32>,
              %bitcast3A_783 = vector.bitcast %get3A_782 : vector<16xi32> to vector<32xbf16>
              %mul3A_784 = arith.mulf %select_n3A_780, %bitcast3A_783 : vector<32xbf16>
              %unpack3A_785 = tpu.unpack_subelements %mul3A_784, 0 {pack_format = #tpu.pack_format<interleaved>} : vector<32xbf16> -> vector<16xf32>
              %unpack3A_786 = tpu.unpack_subelements %mul3A_784, 1 {pack_format = #tpu.pack_format<interleaved>} : vector<32xbf16> -> vector<16xf32>
              %add3A_787 = arith.addf %add3A_743, %unpack3A_785 : vector<16xf32>
              %add3A_788 = arith.addf %add3A_744, %unpack3A_786 : vector<16xf32>
              %get3A_789 = arith.index_cast %add3A_310 : i32 to index
              %get3A_790 = arith.constant 336 : index
              %get3A_791 = tpu.vector_load %arg13[%get3A_789, %get3A_790] {strides = array<i32>} : memref<16x512xi32, #tpu.memory_space<vmem>>, vector<16xi32>,
              %bitcast3A_792 = vector.bitcast %get3A_791 : vector<16xi32> to vector<32xbf16>
              %get3A_793 = arith.index_cast %add3A_310 : i32 to index
              %get3A_794 = arith.constant 336 : index
              %get3A_795 = tpu.vector_load %arg14[%get3A_793, %get3A_794] {strides = array<i32>} : memref<16x512xi32, #tpu.memory_space<vmem>>, vector<16xi32>,
              %bitcast3A_796 = vector.bitcast %get3A_795 : vector<16xi32> to vector<32xbf16>
              %add3A_797 = arith.addf %bitcast3A_792, %bitcast3A_796 : vector<32xbf16>
              %gt3A_798 = vector.broadcast %scan3A : bf16 to vector<32xbf16>
              %gt3A_799 = arith.cmpf ogt, %add3A_797, %gt3A_798 : vector<32xbf16>
              %mul3A_800 = vector.broadcast %scan3A_4 : bf16 to vector<32xbf16>
              %mul3A_801 = arith.mulf %mul3A_800, %add3A_797 : vector<32xbf16>
              %select_n3A_802 = arith.select %gt3A_799, %add3A_797, %mul3A_801 : vector<32xi1>, vector<32xbf16>
              %get3A_803 = arith.constant 336 : index
              %get3A_804 = tpu.vector_load %arg9[%get3A_803] {strides = array<i32>} : memref<512xi32, #tpu.memory_space<vmem>>, vector<16xi32>,
              %bitcast3A_805 = vector.bitcast %get3A_804 : vector<16xi32> to vector<32xbf16>
              %mul3A_806 = arith.mulf %select_n3A_802, %bitcast3A_805 : vector<32xbf16>
              %unpack3A_807 = tpu.unpack_subelements %mul3A_806, 0 {pack_format = #tpu.pack_format<interleaved>} : vector<32xbf16> -> vector<16xf32>
              %unpack3A_808 = tpu.unpack_subelements %mul3A_806, 1 {pack_format = #tpu.pack_format<interleaved>} : vector<32xbf16> -> vector<16xf32>
              %add3A_809 = arith.addf %add3A_765, %unpack3A_807 : vector<16xf32>
              %add3A_810 = arith.addf %add3A_766, %unpack3A_808 : vector<16xf32>
              %get3A_811 = arith.index_cast %add3A_310 : i32 to index
              %get3A_812 = arith.constant 352 : index
              %get3A_813 = tpu.vector_load %arg13[%get3A_811, %get3A_812] {strides = array<i32>} : memref<16x512xi32, #tpu.memory_space<vmem>>, vector<16xi32>,
              %bitcast3A_814 = vector.bitcast %get3A_813 : vector<16xi32> to vector<32xbf16>
              %get3A_815 = arith.index_cast %add3A_310 : i32 to index
              %get3A_816 = arith.constant 352 : index
              %get3A_817 = tpu.vector_load %arg14[%get3A_815, %get3A_816] {strides = array<i32>} : memref<16x512xi32, #tpu.memory_space<vmem>>, vector<16xi32>,
              %bitcast3A_818 = vector.bitcast %get3A_817 : vector<16xi32> to vector<32xbf16>
              %add3A_819 = arith.addf %bitcast3A_814, %bitcast3A_818 : vector<32xbf16>
              %gt3A_820 = vector.broadcast %scan3A : bf16 to vector<32xbf16>
              %gt3A_821 = arith.cmpf ogt, %add3A_819, %gt3A_820 : vector<32xbf16>
              %mul3A_822 = vector.broadcast %scan3A_4 : bf16 to vector<32xbf16>
              %mul3A_823 = arith.mulf %mul3A_822, %add3A_819 : vector<32xbf16>
              %select_n3A_824 = arith.select %gt3A_821, %add3A_819, %mul3A_823 : vector<32xi1>, vector<32xbf16>
              %get3A_825 = arith.constant 352 : index
              %get3A_826 = tpu.vector_load %arg9[%get3A_825] {strides = array<i32>} : memref<512xi32, #tpu.memory_space<vmem>>, vector<16xi32>,
              %bitcast3A_827 = vector.bitcast %get3A_826 : vector<16xi32> to vector<32xbf16>
              %mul3A_828 = arith.mulf %select_n3A_824, %bitcast3A_827 : vector<32xbf16>
              %unpack3A_829 = tpu.unpack_subelements %mul3A_828, 0 {pack_format = #tpu.pack_format<interleaved>} : vector<32xbf16> -> vector<16xf32>
              %unpack3A_830 = tpu.unpack_subelements %mul3A_828, 1 {pack_format = #tpu.pack_format<interleaved>} : vector<32xbf16> -> vector<16xf32>
              %add3A_831 = arith.addf %add3A_787, %unpack3A_829 : vector<16xf32>
              %add3A_832 = arith.addf %add3A_788, %unpack3A_830 : vector<16xf32>
              %get3A_833 = arith.index_cast %add3A_310 : i32 to index
              %get3A_834 = arith.constant 368 : index
              %get3A_835 = tpu.vector_load %arg13[%get3A_833, %get3A_834] {strides = array<i32>} : memref<16x512xi32, #tpu.memory_space<vmem>>, vector<16xi32>,
              %bitcast3A_836 = vector.bitcast %get3A_835 : vector<16xi32> to vector<32xbf16>
              %get3A_837 = arith.index_cast %add3A_310 : i32 to index
              %get3A_838 = arith.constant 368 : index
              %get3A_839 = tpu.vector_load %arg14[%get3A_837, %get3A_838] {strides = array<i32>} : memref<16x512xi32, #tpu.memory_space<vmem>>, vector<16xi32>,
              %bitcast3A_840 = vector.bitcast %get3A_839 : vector<16xi32> to vector<32xbf16>
              %add3A_841 = arith.addf %bitcast3A_836, %bitcast3A_840 : vector<32xbf16>
              %gt3A_842 = vector.broadcast %scan3A : bf16 to vector<32xbf16>
              %gt3A_843 = arith.cmpf ogt, %add3A_841, %gt3A_842 : vector<32xbf16>
              %mul3A_844 = vector.broadcast %scan3A_4 : bf16 to vector<32xbf16>
              %mul3A_845 = arith.mulf %mul3A_844, %add3A_841 : vector<32xbf16>
              %select_n3A_846 = arith.select %gt3A_843, %add3A_841, %mul3A_845 : vector<32xi1>, vector<32xbf16>
              %get3A_847 = arith.constant 368 : index
              %get3A_848 = tpu.vector_load %arg9[%get3A_847] {strides = array<i32>} : memref<512xi32, #tpu.memory_space<vmem>>, vector<16xi32>,
              %bitcast3A_849 = vector.bitcast %get3A_848 : vector<16xi32> to vector<32xbf16>
              %mul3A_850 = arith.mulf %select_n3A_846, %bitcast3A_849 : vector<32xbf16>
              %unpack3A_851 = tpu.unpack_subelements %mul3A_850, 0 {pack_format = #tpu.pack_format<interleaved>} : vector<32xbf16> -> vector<16xf32>
              %unpack3A_852 = tpu.unpack_subelements %mul3A_850, 1 {pack_format = #tpu.pack_format<interleaved>} : vector<32xbf16> -> vector<16xf32>
              %add3A_853 = arith.addf %add3A_809, %unpack3A_851 : vector<16xf32>
              %add3A_854 = arith.addf %add3A_810, %unpack3A_852 : vector<16xf32>
              %add3A_855 = arith.addf %add3A_831, %add3A_832 : vector<16xf32>
              %add3A_856 = arith.addf %add3A_853, %add3A_854 : vector<16xf32>
              %add3A_857 = arith.addf %add3A_855, %add3A_856 : vector<16xf32>
              %reduce_sum3A_858 = arith.constant true
              %reduce_sum3A_859 = vector.broadcast %reduce_sum3A_858 : i1 to vector<16xi1>
              %reduce_sum3A_860 = tpu.scan <sum>, %add3A_857 masked %reduce_sum3A_859 : vector<16xf32>, vector<16xi1> -> vector<16xf32>
              %reduce_sum3A_861 = vector.extract %reduce_sum3A_860[15] : f32 from vector<16xf32>
              %broadcast_in_dim3A_862 = vector.broadcast %reduce_sum3A_861 : f32 to vector<16xf32>
              %exp3A_863 = math.exp %broadcast_in_dim3A_862 : vector<16xf32>
              %get3A_864 = arith.index_cast %add3A_310 : i32 to index
              %get3A_865 = arith.constant 384 : index
              %get3A_866 = tpu.vector_load %arg13[%get3A_864, %get3A_865] {strides = array<i32>} : memref<16x512xi32, #tpu.memory_space<vmem>>, vector<16xi32>,
              %bitcast3A_867 = vector.bitcast %get3A_866 : vector<16xi32> to vector<32xbf16>
              %get3A_868 = arith.index_cast %add3A_310 : i32 to index
              %get3A_869 = arith.constant 384 : index
              %get3A_870 = tpu.vector_load %arg14[%get3A_868, %get3A_869] {strides = array<i32>} : memref<16x512xi32, #tpu.memory_space<vmem>>, vector<16xi32>,
              %bitcast3A_871 = vector.bitcast %get3A_870 : vector<16xi32> to vector<32xbf16>
              %add3A_872 = arith.addf %bitcast3A_867, %bitcast3A_871 : vector<32xbf16>
              %gt3A_873 = vector.broadcast %scan3A : bf16 to vector<32xbf16>
              %gt3A_874 = arith.cmpf ogt, %add3A_872, %gt3A_873 : vector<32xbf16>
              %mul3A_875 = vector.broadcast %scan3A_4 : bf16 to vector<32xbf16>
              %mul3A_876 = arith.mulf %mul3A_875, %add3A_872 : vector<32xbf16>
              %select_n3A_877 = arith.select %gt3A_874, %add3A_872, %mul3A_876 : vector<32xi1>, vector<32xbf16>
              %get3A_878 = arith.constant 384 : index
              %get3A_879 = tpu.vector_load %arg9[%get3A_878] {strides = array<i32>} : memref<512xi32, #tpu.memory_space<vmem>>, vector<16xi32>,
              %bitcast3A_880 = vector.bitcast %get3A_879 : vector<16xi32> to vector<32xbf16>
              %mul3A_881 = arith.mulf %select_n3A_877, %bitcast3A_880 : vector<32xbf16>
              %unpack3A_882 = tpu.unpack_subelements %mul3A_881, 0 {pack_format = #tpu.pack_format<interleaved>} : vector<32xbf16> -> vector<16xf32>
              %unpack3A_883 = tpu.unpack_subelements %mul3A_881, 1 {pack_format = #tpu.pack_format<interleaved>} : vector<32xbf16> -> vector<16xf32>
              %add3A_884 = arith.addf %broadcast_in_dim3A_1, %unpack3A_882 : vector<16xf32>
              %add3A_885 = arith.addf %broadcast_in_dim3A_1, %unpack3A_883 : vector<16xf32>
              %get3A_886 = arith.index_cast %add3A_310 : i32 to index
              %get3A_887 = arith.constant 400 : index
              %get3A_888 = tpu.vector_load %arg13[%get3A_886, %get3A_887] {strides = array<i32>} : memref<16x512xi32, #tpu.memory_space<vmem>>, vector<16xi32>,
              %bitcast3A_889 = vector.bitcast %get3A_888 : vector<16xi32> to vector<32xbf16>
              %get3A_890 = arith.index_cast %add3A_310 : i32 to index
              %get3A_891 = arith.constant 400 : index
              %get3A_892 = tpu.vector_load %arg14[%get3A_890, %get3A_891] {strides = array<i32>} : memref<16x512xi32, #tpu.memory_space<vmem>>, vector<16xi32>,
              %bitcast3A_893 = vector.bitcast %get3A_892 : vector<16xi32> to vector<32xbf16>
              %add3A_894 = arith.addf %bitcast3A_889, %bitcast3A_893 : vector<32xbf16>
              %gt3A_895 = vector.broadcast %scan3A : bf16 to vector<32xbf16>
              %gt3A_896 = arith.cmpf ogt, %add3A_894, %gt3A_895 : vector<32xbf16>
              %mul3A_897 = vector.broadcast %scan3A_4 : bf16 to vector<32xbf16>
              %mul3A_898 = arith.mulf %mul3A_897, %add3A_894 : vector<32xbf16>
              %select_n3A_899 = arith.select %gt3A_896, %add3A_894, %mul3A_898 : vector<32xi1>, vector<32xbf16>
              %get3A_900 = arith.constant 400 : index
              %get3A_901 = tpu.vector_load %arg9[%get3A_900] {strides = array<i32>} : memref<512xi32, #tpu.memory_space<vmem>>, vector<16xi32>,
              %bitcast3A_902 = vector.bitcast %get3A_901 : vector<16xi32> to vector<32xbf16>
              %mul3A_903 = arith.mulf %select_n3A_899, %bitcast3A_902 : vector<32xbf16>
              %unpack3A_904 = tpu.unpack_subelements %mul3A_903, 0 {pack_format = #tpu.pack_format<interleaved>} : vector<32xbf16> -> vector<16xf32>
              %unpack3A_905 = tpu.unpack_subelements %mul3A_903, 1 {pack_format = #tpu.pack_format<interleaved>} : vector<32xbf16> -> vector<16xf32>
              %add3A_906 = arith.addf %broadcast_in_dim3A_1, %unpack3A_904 : vector<16xf32>
              %add3A_907 = arith.addf %broadcast_in_dim3A_1, %unpack3A_905 : vector<16xf32>
              %get3A_908 = arith.index_cast %add3A_310 : i32 to index
              %get3A_909 = arith.constant 416 : index
              %get3A_910 = tpu.vector_load %arg13[%get3A_908, %get3A_909] {strides = array<i32>} : memref<16x512xi32, #tpu.memory_space<vmem>>, vector<16xi32>,
              %bitcast3A_911 = vector.bitcast %get3A_910 : vector<16xi32> to vector<32xbf16>
              %get3A_912 = arith.index_cast %add3A_310 : i32 to index
              %get3A_913 = arith.constant 416 : index
              %get3A_914 = tpu.vector_load %arg14[%get3A_912, %get3A_913] {strides = array<i32>} : memref<16x512xi32, #tpu.memory_space<vmem>>, vector<16xi32>,
              %bitcast3A_915 = vector.bitcast %get3A_914 : vector<16xi32> to vector<32xbf16>
              %add3A_916 = arith.addf %bitcast3A_911, %bitcast3A_915 : vector<32xbf16>
              %gt3A_917 = vector.broadcast %scan3A : bf16 to vector<32xbf16>
              %gt3A_918 = arith.cmpf ogt, %add3A_916, %gt3A_917 : vector<32xbf16>
              %mul3A_919 = vector.broadcast %scan3A_4 : bf16 to vector<32xbf16>
              %mul3A_920 = arith.mulf %mul3A_919, %add3A_916 : vector<32xbf16>
              %select_n3A_921 = arith.select %gt3A_918, %add3A_916, %mul3A_920 : vector<32xi1>, vector<32xbf16>
              %get3A_922 = arith.constant 416 : index
              %get3A_923 = tpu.vector_load %arg9[%get3A_922] {strides = array<i32>} : memref<512xi32, #tpu.memory_space<vmem>>, vector<16xi32>,
              %bitcast3A_924 = vector.bitcast %get3A_923 : vector<16xi32> to vector<32xbf16>
              %mul3A_925 = arith.mulf %select_n3A_921, %bitcast3A_924 : vector<32xbf16>
              %unpack3A_926 = tpu.unpack_subelements %mul3A_925, 0 {pack_format = #tpu.pack_format<interleaved>} : vector<32xbf16> -> vector<16xf32>
              %unpack3A_927 = tpu.unpack_subelements %mul3A_925, 1 {pack_format = #tpu.pack_format<interleaved>} : vector<32xbf16> -> vector<16xf32>
              %add3A_928 = arith.addf %add3A_884, %unpack3A_926 : vector<16xf32>
              %add3A_929 = arith.addf %add3A_885, %unpack3A_927 : vector<16xf32>
              %get3A_930 = arith.index_cast %add3A_310 : i32 to index
              %get3A_931 = arith.constant 432 : index
              %get3A_932 = tpu.vector_load %arg13[%get3A_930, %get3A_931] {strides = array<i32>} : memref<16x512xi32, #tpu.memory_space<vmem>>, vector<16xi32>,
              %bitcast3A_933 = vector.bitcast %get3A_932 : vector<16xi32> to vector<32xbf16>
              %get3A_934 = arith.index_cast %add3A_310 : i32 to index
              %get3A_935 = arith.constant 432 : index
              %get3A_936 = tpu.vector_load %arg14[%get3A_934, %get3A_935] {strides = array<i32>} : memref<16x512xi32, #tpu.memory_space<vmem>>, vector<16xi32>,
              %bitcast3A_937 = vector.bitcast %get3A_936 : vector<16xi32> to vector<32xbf16>
              %add3A_938 = arith.addf %bitcast3A_933, %bitcast3A_937 : vector<32xbf16>
              %gt3A_939 = vector.broadcast %scan3A : bf16 to vector<32xbf16>
              %gt3A_940 = arith.cmpf ogt, %add3A_938, %gt3A_939 : vector<32xbf16>
              %mul3A_941 = vector.broadcast %scan3A_4 : bf16 to vector<32xbf16>
              %mul3A_942 = arith.mulf %mul3A_941, %add3A_938 : vector<32xbf16>
              %select_n3A_943 = arith.select %gt3A_940, %add3A_938, %mul3A_942 : vector<32xi1>, vector<32xbf16>
              %get3A_944 = arith.constant 432 : index
              %get3A_945 = tpu.vector_load %arg9[%get3A_944] {strides = array<i32>} : memref<512xi32, #tpu.memory_space<vmem>>, vector<16xi32>,
              %bitcast3A_946 = vector.bitcast %get3A_945 : vector<16xi32> to vector<32xbf16>
              %mul3A_947 = arith.mulf %select_n3A_943, %bitcast3A_946 : vector<32xbf16>
              %unpack3A_948 = tpu.unpack_subelements %mul3A_947, 0 {pack_format = #tpu.pack_format<interleaved>} : vector<32xbf16> -> vector<16xf32>
              %unpack3A_949 = tpu.unpack_subelements %mul3A_947, 1 {pack_format = #tpu.pack_format<interleaved>} : vector<32xbf16> -> vector<16xf32>
              %add3A_950 = arith.addf %add3A_906, %unpack3A_948 : vector<16xf32>
              %add3A_951 = arith.addf %add3A_907, %unpack3A_949 : vector<16xf32>
              %get3A_952 = arith.index_cast %add3A_310 : i32 to index
              %get3A_953 = arith.constant 448 : index
              %get3A_954 = tpu.vector_load %arg13[%get3A_952, %get3A_953] {strides = array<i32>} : memref<16x512xi32, #tpu.memory_space<vmem>>, vector<16xi32>,
              %bitcast3A_955 = vector.bitcast %get3A_954 : vector<16xi32> to vector<32xbf16>
              %get3A_956 = arith.index_cast %add3A_310 : i32 to index
              %get3A_957 = arith.constant 448 : index
              %get3A_958 = tpu.vector_load %arg14[%get3A_956, %get3A_957] {strides = array<i32>} : memref<16x512xi32, #tpu.memory_space<vmem>>, vector<16xi32>,
              %bitcast3A_959 = vector.bitcast %get3A_958 : vector<16xi32> to vector<32xbf16>
              %add3A_960 = arith.addf %bitcast3A_955, %bitcast3A_959 : vector<32xbf16>
              %gt3A_961 = vector.broadcast %scan3A : bf16 to vector<32xbf16>
              %gt3A_962 = arith.cmpf ogt, %add3A_960, %gt3A_961 : vector<32xbf16>
              %mul3A_963 = vector.broadcast %scan3A_4 : bf16 to vector<32xbf16>
              %mul3A_964 = arith.mulf %mul3A_963, %add3A_960 : vector<32xbf16>
              %select_n3A_965 = arith.select %gt3A_962, %add3A_960, %mul3A_964 : vector<32xi1>, vector<32xbf16>
              %get3A_966 = arith.constant 448 : index
              %get3A_967 = tpu.vector_load %arg9[%get3A_966] {strides = array<i32>} : memref<512xi32, #tpu.memory_space<vmem>>, vector<16xi32>,
              %bitcast3A_968 = vector.bitcast %get3A_967 : vector<16xi32> to vector<32xbf16>
              %mul3A_969 = arith.mulf %select_n3A_965, %bitcast3A_968 : vector<32xbf16>
              %unpack3A_970 = tpu.unpack_subelements %mul3A_969, 0 {pack_format = #tpu.pack_format<interleaved>} : vector<32xbf16> -> vector<16xf32>
              %unpack3A_971 = tpu.unpack_subelements %mul3A_969, 1 {pack_format = #tpu.pack_format<interleaved>} : vector<32xbf16> -> vector<16xf32>
              %add3A_972 = arith.addf %add3A_928, %unpack3A_970 : vector<16xf32>
              %add3A_973 = arith.addf %add3A_929, %unpack3A_971 : vector<16xf32>
              %get3A_974 = arith.index_cast %add3A_310 : i32 to index
              %get3A_975 = arith.constant 464 : index
              %get3A_976 = tpu.vector_load %arg13[%get3A_974, %get3A_975] {strides = array<i32>} : memref<16x512xi32, #tpu.memory_space<vmem>>, vector<16xi32>,
              %bitcast3A_977 = vector.bitcast %get3A_976 : vector<16xi32> to vector<32xbf16>
              %get3A_978 = arith.index_cast %add3A_310 : i32 to index
              %get3A_979 = arith.constant 464 : index
              %get3A_980 = tpu.vector_load %arg14[%get3A_978, %get3A_979] {strides = array<i32>} : memref<16x512xi32, #tpu.memory_space<vmem>>, vector<16xi32>,
              %bitcast3A_981 = vector.bitcast %get3A_980 : vector<16xi32> to vector<32xbf16>
              %add3A_982 = arith.addf %bitcast3A_977, %bitcast3A_981 : vector<32xbf16>
              %gt3A_983 = vector.broadcast %scan3A : bf16 to vector<32xbf16>
              %gt3A_984 = arith.cmpf ogt, %add3A_982, %gt3A_983 : vector<32xbf16>
              %mul3A_985 = vector.broadcast %scan3A_4 : bf16 to vector<32xbf16>
              %mul3A_986 = arith.mulf %mul3A_985, %add3A_982 : vector<32xbf16>
              %select_n3A_987 = arith.select %gt3A_984, %add3A_982, %mul3A_986 : vector<32xi1>, vector<32xbf16>
              %get3A_988 = arith.constant 464 : index
              %get3A_989 = tpu.vector_load %arg9[%get3A_988] {strides = array<i32>} : memref<512xi32, #tpu.memory_space<vmem>>, vector<16xi32>,
              %bitcast3A_990 = vector.bitcast %get3A_989 : vector<16xi32> to vector<32xbf16>
              %mul3A_991 = arith.mulf %select_n3A_987, %bitcast3A_990 : vector<32xbf16>
              %unpack3A_992 = tpu.unpack_subelements %mul3A_991, 0 {pack_format = #tpu.pack_format<interleaved>} : vector<32xbf16> -> vector<16xf32>
              %unpack3A_993 = tpu.unpack_subelements %mul3A_991, 1 {pack_format = #tpu.pack_format<interleaved>} : vector<32xbf16> -> vector<16xf32>
              %add3A_994 = arith.addf %add3A_950, %unpack3A_992 : vector<16xf32>
              %add3A_995 = arith.addf %add3A_951, %unpack3A_993 : vector<16xf32>
              %get3A_996 = arith.index_cast %add3A_310 : i32 to index
              %get3A_997 = arith.constant 480 : index
              %get3A_998 = tpu.vector_load %arg13[%get3A_996, %get3A_997] {strides = array<i32>} : memref<16x512xi32, #tpu.memory_space<vmem>>, vector<16xi32>,
              %bitcast3A_999 = vector.bitcast %get3A_998 : vector<16xi32> to vector<32xbf16>
              %get3A_1000 = arith.index_cast %add3A_310 : i32 to index
              %get3A_1001 = arith.constant 480 : index
              %get3A_1002 = tpu.vector_load %arg14[%get3A_1000, %get3A_1001] {strides = array<i32>} : memref<16x512xi32, #tpu.memory_space<vmem>>, vector<16xi32>,
              %bitcast3A_1003 = vector.bitcast %get3A_1002 : vector<16xi32> to vector<32xbf16>
              %add3A_1004 = arith.addf %bitcast3A_999, %bitcast3A_1003 : vector<32xbf16>
              %gt3A_1005 = vector.broadcast %scan3A : bf16 to vector<32xbf16>
              %gt3A_1006 = arith.cmpf ogt, %add3A_1004, %gt3A_1005 : vector<32xbf16>
              %mul3A_1007 = vector.broadcast %scan3A_4 : bf16 to vector<32xbf16>
              %mul3A_1008 = arith.mulf %mul3A_1007, %add3A_1004 : vector<32xbf16>
              %select_n3A_1009 = arith.select %gt3A_1006, %add3A_1004, %mul3A_1008 : vector<32xi1>, vector<32xbf16>
              %get3A_1010 = arith.constant 480 : index
              %get3A_1011 = tpu.vector_load %arg9[%get3A_1010] {strides = array<i32>} : memref<512xi32, #tpu.memory_space<vmem>>, vector<16xi32>,
              %bitcast3A_1012 = vector.bitcast %get3A_1011 : vector<16xi32> to vector<32xbf16>
              %mul3A_1013 = arith.mulf %select_n3A_1009, %bitcast3A_1012 : vector<32xbf16>
              %unpack3A_1014 = tpu.unpack_subelements %mul3A_1013, 0 {pack_format = #tpu.pack_format<interleaved>} : vector<32xbf16> -> vector<16xf32>
              %unpack3A_1015 = tpu.unpack_subelements %mul3A_1013, 1 {pack_format = #tpu.pack_format<interleaved>} : vector<32xbf16> -> vector<16xf32>
              %add3A_1016 = arith.addf %add3A_972, %unpack3A_1014 : vector<16xf32>
              %add3A_1017 = arith.addf %add3A_973, %unpack3A_1015 : vector<16xf32>
              %get3A_1018 = arith.index_cast %add3A_310 : i32 to index
              %get3A_1019 = arith.constant 496 : index
              %get3A_1020 = tpu.vector_load %arg13[%get3A_1018, %get3A_1019] {strides = array<i32>} : memref<16x512xi32, #tpu.memory_space<vmem>>, vector<16xi32>,
              %bitcast3A_1021 = vector.bitcast %get3A_1020 : vector<16xi32> to vector<32xbf16>
              %get3A_1022 = arith.index_cast %add3A_310 : i32 to index
              %get3A_1023 = arith.constant 496 : index
              %get3A_1024 = tpu.vector_load %arg14[%get3A_1022, %get3A_1023] {strides = array<i32>} : memref<16x512xi32, #tpu.memory_space<vmem>>, vector<16xi32>,
              %bitcast3A_1025 = vector.bitcast %get3A_1024 : vector<16xi32> to vector<32xbf16>
              %add3A_1026 = arith.addf %bitcast3A_1021, %bitcast3A_1025 : vector<32xbf16>
              %gt3A_1027 = vector.broadcast %scan3A : bf16 to vector<32xbf16>
              %gt3A_1028 = arith.cmpf ogt, %add3A_1026, %gt3A_1027 : vector<32xbf16>
              %mul3A_1029 = vector.broadcast %scan3A_4 : bf16 to vector<32xbf16>
              %mul3A_1030 = arith.mulf %mul3A_1029, %add3A_1026 : vector<32xbf16>
              %select_n3A_1031 = arith.select %gt3A_1028, %add3A_1026, %mul3A_1030 : vector<32xi1>, vector<32xbf16>
              %get3A_1032 = arith.constant 496 : index
              %get3A_1033 = tpu.vector_load %arg9[%get3A_1032] {strides = array<i32>} : memref<512xi32, #tpu.memory_space<vmem>>, vector<16xi32>,
              %bitcast3A_1034 = vector.bitcast %get3A_1033 : vector<16xi32> to vector<32xbf16>
              %mul3A_1035 = arith.mulf %select_n3A_1031, %bitcast3A_1034 : vector<32xbf16>
              %unpack3A_1036 = tpu.unpack_subelements %mul3A_1035, 0 {pack_format = #tpu.pack_format<interleaved>} : vector<32xbf16> -> vector<16xf32>
              %unpack3A_1037 = tpu.unpack_subelements %mul3A_1035, 1 {pack_format = #tpu.pack_format<interleaved>} : vector<32xbf16> -> vector<16xf32>
              %add3A_1038 = arith.addf %add3A_994, %unpack3A_1036 : vector<16xf32>
              %add3A_1039 = arith.addf %add3A_995, %unpack3A_1037 : vector<16xf32>
              %add3A_1040 = arith.addf %add3A_1016, %add3A_1017 : vector<16xf32>
              %add3A_1041 = arith.addf %add3A_1038, %add3A_1039 : vector<16xf32>
              %add3A_1042 = arith.addf %add3A_1040, %add3A_1041 : vector<16xf32>
              %reduce_sum3A_1043 = arith.constant true
              %reduce_sum3A_1044 = vector.broadcast %reduce_sum3A_1043 : i1 to vector<16xi1>
              %reduce_sum3A_1045 = tpu.scan <sum>, %add3A_1042 masked %reduce_sum3A_1044 : vector<16xf32>, vector<16xi1> -> vector<16xf32>
              %reduce_sum3A_1046 = vector.extract %reduce_sum3A_1045[15] : f32 from vector<16xf32>
              %broadcast_in_dim3A_1047 = vector.broadcast %reduce_sum3A_1046 : f32 to vector<16xf32>
              %exp3A_1048 = math.exp %broadcast_in_dim3A_1047 : vector<16xf32>
              %eq3A_1049 = arith.constant 0 : i32
              %eq3A_1050 = vector.broadcast %eq3A_1049 : i32 to vector<16xi32>
              %eq3A_1051 = arith.cmpi eq, %iota3A, %eq3A_1050 : vector<16xi32>
              %select_n3A_1052 = arith.select %eq3A_1051, %exp3A, %broadcast_in_dim3A_1 : vector<16xi1>, vector<16xf32>
              %eq3A_1053 = arith.constant 1 : i32
              %eq3A_1054 = vector.broadcast %eq3A_1053 : i32 to vector<16xi32>
              %eq3A_1055 = arith.cmpi eq, %iota3A, %eq3A_1054 : vector<16xi32>
              %select_n3A_1056 = arith.select %eq3A_1055, %exp3A_678, %select_n3A_1052 : vector<16xi1>, vector<16xf32>
              %eq3A_1057 = arith.constant 2 : i32
              %eq3A_1058 = vector.broadcast %eq3A_1057 : i32 to vector<16xi32>
              %eq3A_1059 = arith.cmpi eq, %iota3A, %eq3A_1058 : vector<16xi32>
              %select_n3A_1060 = arith.select %eq3A_1059, %exp3A_863, %select_n3A_1056 : vector<16xi1>, vector<16xf32>
              %eq3A_1061 = arith.constant 3 : i32
              %eq3A_1062 = vector.broadcast %eq3A_1061 : i32 to vector<16xi32>
              %eq3A_1063 = arith.cmpi eq, %iota3A, %eq3A_1062 : vector<16xi32>
              %select_n3A_1064 = arith.select %eq3A_1063, %exp3A_1048, %select_n3A_1060 : vector<16xi1>, vector<16xf32>
              %swap3A_1065 = arith.index_cast %sub3A_313 : i32 to index
              %swap3A_1066 = arith.constant 0 : index
              %swap3A_1067 = tpu.vector_load %arg8[%swap3A_1065, %swap3A_1066] {strides = array<i32>} : memref<64x16xf32, #tpu.memory_space<vmem>>, vector<16xf32>,
              tpu.vector_store %arg8[%swap3A_1065, %swap3A_1066], %select_n3A_1064 {add = true, strides = array<i32>} : memref<64x16xf32, #tpu.memory_space<vmem>>, vector<16xf32>,
              %get3A_1068 = arith.index_cast %add3A_310 : i32 to index
              %get3A_1069 = arith.constant 0 : index
              %get3A_1070 = tpu.vector_load %arg13[%get3A_1068, %get3A_1069] {strides = array<i32>} : memref<16x512xi32, #tpu.memory_space<vmem>>, vector<16xi32>,
              %bitcast3A_1071 = vector.bitcast %get3A_1070 : vector<16xi32> to vector<32xbf16>
              %unpack3A_1072 = tpu.unpack_subelements %bitcast3A_1071, 0 {pack_format = #tpu.pack_format<interleaved>} : vector<32xbf16> -> vector<16xf32>
              %unpack3A_1073 = tpu.unpack_subelements %bitcast3A_1071, 1 {pack_format = #tpu.pack_format<interleaved>} : vector<32xbf16> -> vector<16xf32>
              %mul3A_1074 = arith.mulf %exp3A, %unpack3A_1072 : vector<16xf32>
              %swap3A_1075 = arith.index_cast %sub3A_313 : i32 to index
              %swap3A_1076 = arith.constant 0 : index
              %swap3A_1077 = tpu.vector_load %arg7[%swap3A_1075, %swap3A_1076] {strides = array<i32>} : memref<64x1024xf32, #tpu.memory_space<vmem>>, vector<16xf32>,
              tpu.vector_store %arg7[%swap3A_1075, %swap3A_1076], %mul3A_1074 {add = true, strides = array<i32>} : memref<64x1024xf32, #tpu.memory_space<vmem>>, vector<16xf32>,
              %mul3A_1078 = arith.mulf %exp3A, %unpack3A_1073 : vector<16xf32>
              %swap3A_1079 = arith.index_cast %sub3A_313 : i32 to index
              %swap3A_1080 = arith.constant 16 : index
              %swap3A_1081 = tpu.vector_load %arg7[%swap3A_1079, %swap3A_1080] {strides = array<i32>} : memref<64x1024xf32, #tpu.memory_space<vmem>>, vector<16xf32>,
              tpu.vector_store %arg7[%swap3A_1079, %swap3A_1080], %mul3A_1078 {add = true, strides = array<i32>} : memref<64x1024xf32, #tpu.memory_space<vmem>>, vector<16xf32>,
              %get3A_1082 = arith.index_cast %add3A_310 : i32 to index
              %get3A_1083 = arith.constant 16 : index
              %get3A_1084 = tpu.vector_load %arg13[%get3A_1082, %get3A_1083] {strides = array<i32>} : memref<16x512xi32, #tpu.memory_space<vmem>>, vector<16xi32>,
              %bitcast3A_1085 = vector.bitcast %get3A_1084 : vector<16xi32> to vector<32xbf16>
              %unpack3A_1086 = tpu.unpack_subelements %bitcast3A_1085, 0 {pack_format = #tpu.pack_format<interleaved>} : vector<32xbf16> -> vector<16xf32>
              %unpack3A_1087 = tpu.unpack_subelements %bitcast3A_1085, 1 {pack_format = #tpu.pack_format<interleaved>} : vector<32xbf16> -> vector<16xf32>
              %mul3A_1088 = arith.mulf %exp3A, %unpack3A_1086 : vector<16xf32>
              %swap3A_1089 = arith.index_cast %sub3A_313 : i32 to index
              %swap3A_1090 = arith.constant 32 : index
              %swap3A_1091 = tpu.vector_load %arg7[%swap3A_1089, %swap3A_1090] {strides = array<i32>} : memref<64x1024xf32, #tpu.memory_space<vmem>>, vector<16xf32>,
              tpu.vector_store %arg7[%swap3A_1089, %swap3A_1090], %mul3A_1088 {add = true, strides = array<i32>} : memref<64x1024xf32, #tpu.memory_space<vmem>>, vector<16xf32>,
              %mul3A_1092 = arith.mulf %exp3A, %unpack3A_1087 : vector<16xf32>
              %swap3A_1093 = arith.index_cast %sub3A_313 : i32 to index
              %swap3A_1094 = arith.constant 48 : index
              %swap3A_1095 = tpu.vector_load %arg7[%swap3A_1093, %swap3A_1094] {strides = array<i32>} : memref<64x1024xf32, #tpu.memory_space<vmem>>, vector<16xf32>,
              tpu.vector_store %arg7[%swap3A_1093, %swap3A_1094], %mul3A_1092 {add = true, strides = array<i32>} : memref<64x1024xf32, #tpu.memory_space<vmem>>, vector<16xf32>,
              %get3A_1096 = arith.index_cast %add3A_310 : i32 to index
              %get3A_1097 = arith.constant 32 : index
              %get3A_1098 = tpu.vector_load %arg13[%get3A_1096, %get3A_1097] {strides = array<i32>} : memref<16x512xi32, #tpu.memory_space<vmem>>, vector<16xi32>,
              %bitcast3A_1099 = vector.bitcast %get3A_1098 : vector<16xi32> to vector<32xbf16>
              %unpack3A_1100 = tpu.unpack_subelements %bitcast3A_1099, 0 {pack_format = #tpu.pack_format<interleaved>} : vector<32xbf16> -> vector<16xf32>
              %unpack3A_1101 = tpu.unpack_subelements %bitcast3A_1099, 1 {pack_format = #tpu.pack_format<interleaved>} : vector<32xbf16> -> vector<16xf32>
              %mul3A_1102 = arith.mulf %exp3A, %unpack3A_1100 : vector<16xf32>
              %swap3A_1103 = arith.index_cast %sub3A_313 : i32 to index
              %swap3A_1104 = arith.constant 64 : index
              %swap3A_1105 = tpu.vector_load %arg7[%swap3A_1103, %swap3A_1104] {strides = array<i32>} : memref<64x1024xf32, #tpu.memory_space<vmem>>, vector<16xf32>,
              tpu.vector_store %arg7[%swap3A_1103, %swap3A_1104], %mul3A_1102 {add = true, strides = array<i32>} : memref<64x1024xf32, #tpu.memory_space<vmem>>, vector<16xf32>,
              %mul3A_1106 = arith.mulf %exp3A, %unpack3A_1101 : vector<16xf32>
              %swap3A_1107 = arith.index_cast %sub3A_313 : i32 to index
              %swap3A_1108 = arith.constant 80 : index
              %swap3A_1109 = tpu.vector_load %arg7[%swap3A_1107, %swap3A_1108] {strides = array<i32>} : memref<64x1024xf32, #tpu.memory_space<vmem>>, vector<16xf32>,
              tpu.vector_store %arg7[%swap3A_1107, %swap3A_1108], %mul3A_1106 {add = true, strides = array<i32>} : memref<64x1024xf32, #tpu.memory_space<vmem>>, vector<16xf32>,
              %get3A_1110 = arith.index_cast %add3A_310 : i32 to index
              %get3A_1111 = arith.constant 48 : index
              %get3A_1112 = tpu.vector_load %arg13[%get3A_1110, %get3A_1111] {strides = array<i32>} : memref<16x512xi32, #tpu.memory_space<vmem>>, vector<16xi32>,
              %bitcast3A_1113 = vector.bitcast %get3A_1112 : vector<16xi32> to vector<32xbf16>
              %unpack3A_1114 = tpu.unpack_subelements %bitcast3A_1113, 0 {pack_format = #tpu.pack_format<interleaved>} : vector<32xbf16> -> vector<16xf32>
              %unpack3A_1115 = tpu.unpack_subelements %bitcast3A_1113, 1 {pack_format = #tpu.pack_format<interleaved>} : vector<32xbf16> -> vector<16xf32>
              %mul3A_1116 = arith.mulf %exp3A, %unpack3A_1114 : vector<16xf32>
              %swap3A_1117 = arith.index_cast %sub3A_313 : i32 to index
              %swap3A_1118 = arith.constant 96 : index
              %swap3A_1119 = tpu.vector_load %arg7[%swap3A_1117, %swap3A_1118] {strides = array<i32>} : memref<64x1024xf32, #tpu.memory_space<vmem>>, vector<16xf32>,
              tpu.vector_store %arg7[%swap3A_1117, %swap3A_1118], %mul3A_1116 {add = true, strides = array<i32>} : memref<64x1024xf32, #tpu.memory_space<vmem>>, vector<16xf32>,
              %mul3A_1120 = arith.mulf %exp3A, %unpack3A_1115 : vector<16xf32>
              %swap3A_1121 = arith.index_cast %sub3A_313 : i32 to index
              %swap3A_1122 = arith.constant 112 : index
              %swap3A_1123 = tpu.vector_load %arg7[%swap3A_1121, %swap3A_1122] {strides = array<i32>} : memref<64x1024xf32, #tpu.memory_space<vmem>>, vector<16xf32>,
              tpu.vector_store %arg7[%swap3A_1121, %swap3A_1122], %mul3A_1120 {add = true, strides = array<i32>} : memref<64x1024xf32, #tpu.memory_space<vmem>>, vector<16xf32>,
              %get3A_1124 = arith.index_cast %add3A_310 : i32 to index
              %get3A_1125 = arith.constant 64 : index
              %get3A_1126 = tpu.vector_load %arg13[%get3A_1124, %get3A_1125] {strides = array<i32>} : memref<16x512xi32, #tpu.memory_space<vmem>>, vector<16xi32>,
              %bitcast3A_1127 = vector.bitcast %get3A_1126 : vector<16xi32> to vector<32xbf16>
              %unpack3A_1128 = tpu.unpack_subelements %bitcast3A_1127, 0 {pack_format = #tpu.pack_format<interleaved>} : vector<32xbf16> -> vector<16xf32>
              %unpack3A_1129 = tpu.unpack_subelements %bitcast3A_1127, 1 {pack_format = #tpu.pack_format<interleaved>} : vector<32xbf16> -> vector<16xf32>
              %mul3A_1130 = arith.mulf %exp3A, %unpack3A_1128 : vector<16xf32>
              %swap3A_1131 = arith.index_cast %sub3A_313 : i32 to index
              %swap3A_1132 = arith.constant 128 : index
              %swap3A_1133 = tpu.vector_load %arg7[%swap3A_1131, %swap3A_1132] {strides = array<i32>} : memref<64x1024xf32, #tpu.memory_space<vmem>>, vector<16xf32>,
              tpu.vector_store %arg7[%swap3A_1131, %swap3A_1132], %mul3A_1130 {add = true, strides = array<i32>} : memref<64x1024xf32, #tpu.memory_space<vmem>>, vector<16xf32>,
              %mul3A_1134 = arith.mulf %exp3A, %unpack3A_1129 : vector<16xf32>
              %swap3A_1135 = arith.index_cast %sub3A_313 : i32 to index
              %swap3A_1136 = arith.constant 144 : index
              %swap3A_1137 = tpu.vector_load %arg7[%swap3A_1135, %swap3A_1136] {strides = array<i32>} : memref<64x1024xf32, #tpu.memory_space<vmem>>, vector<16xf32>,
              tpu.vector_store %arg7[%swap3A_1135, %swap3A_1136], %mul3A_1134 {add = true, strides = array<i32>} : memref<64x1024xf32, #tpu.memory_space<vmem>>, vector<16xf32>,
              %get3A_1138 = arith.index_cast %add3A_310 : i32 to index
              %get3A_1139 = arith.constant 80 : index
              %get3A_1140 = tpu.vector_load %arg13[%get3A_1138, %get3A_1139] {strides = array<i32>} : memref<16x512xi32, #tpu.memory_space<vmem>>, vector<16xi32>,
              %bitcast3A_1141 = vector.bitcast %get3A_1140 : vector<16xi32> to vector<32xbf16>
              %unpack3A_1142 = tpu.unpack_subelements %bitcast3A_1141, 0 {pack_format = #tpu.pack_format<interleaved>} : vector<32xbf16> -> vector<16xf32>
              %unpack3A_1143 = tpu.unpack_subelements %bitcast3A_1141, 1 {pack_format = #tpu.pack_format<interleaved>} : vector<32xbf16> -> vector<16xf32>
              %mul3A_1144 = arith.mulf %exp3A, %unpack3A_1142 : vector<16xf32>
              %swap3A_1145 = arith.index_cast %sub3A_313 : i32 to index
              %swap3A_1146 = arith.constant 160 : index
              %swap3A_1147 = tpu.vector_load %arg7[%swap3A_1145, %swap3A_1146] {strides = array<i32>} : memref<64x1024xf32, #tpu.memory_space<vmem>>, vector<16xf32>,
              tpu.vector_store %arg7[%swap3A_1145, %swap3A_1146], %mul3A_1144 {add = true, strides = array<i32>} : memref<64x1024xf32, #tpu.memory_space<vmem>>, vector<16xf32>,
              %mul3A_1148 = arith.mulf %exp3A, %unpack3A_1143 : vector<16xf32>
              %swap3A_1149 = arith.index_cast %sub3A_313 : i32 to index
              %swap3A_1150 = arith.constant 176 : index
              %swap3A_1151 = tpu.vector_load %arg7[%swap3A_1149, %swap3A_1150] {strides = array<i32>} : memref<64x1024xf32, #tpu.memory_space<vmem>>, vector<16xf32>,
              tpu.vector_store %arg7[%swap3A_1149, %swap3A_1150], %mul3A_1148 {add = true, strides = array<i32>} : memref<64x1024xf32, #tpu.memory_space<vmem>>, vector<16xf32>,
              %get3A_1152 = arith.index_cast %add3A_310 : i32 to index
              %get3A_1153 = arith.constant 96 : index
              %get3A_1154 = tpu.vector_load %arg13[%get3A_1152, %get3A_1153] {strides = array<i32>} : memref<16x512xi32, #tpu.memory_space<vmem>>, vector<16xi32>,
              %bitcast3A_1155 = vector.bitcast %get3A_1154 : vector<16xi32> to vector<32xbf16>
              %unpack3A_1156 = tpu.unpack_subelements %bitcast3A_1155, 0 {pack_format = #tpu.pack_format<interleaved>} : vector<32xbf16> -> vector<16xf32>
              %unpack3A_1157 = tpu.unpack_subelements %bitcast3A_1155, 1 {pack_format = #tpu.pack_format<interleaved>} : vector<32xbf16> -> vector<16xf32>
              %mul3A_1158 = arith.mulf %exp3A, %unpack3A_1156 : vector<16xf32>
              %swap3A_1159 = arith.index_cast %sub3A_313 : i32 to index
              %swap3A_1160 = arith.constant 192 : index
              %swap3A_1161 = tpu.vector_load %arg7[%swap3A_1159, %swap3A_1160] {strides = array<i32>} : memref<64x1024xf32, #tpu.memory_space<vmem>>, vector<16xf32>,
              tpu.vector_store %arg7[%swap3A_1159, %swap3A_1160], %mul3A_1158 {add = true, strides = array<i32>} : memref<64x1024xf32, #tpu.memory_space<vmem>>, vector<16xf32>,
              %mul3A_1162 = arith.mulf %exp3A, %unpack3A_1157 : vector<16xf32>
              %swap3A_1163 = arith.index_cast %sub3A_313 : i32 to index
              %swap3A_1164 = arith.constant 208 : index
              %swap3A_1165 = tpu.vector_load %arg7[%swap3A_1163, %swap3A_1164] {strides = array<i32>} : memref<64x1024xf32, #tpu.memory_space<vmem>>, vector<16xf32>,
              tpu.vector_store %arg7[%swap3A_1163, %swap3A_1164], %mul3A_1162 {add = true, strides = array<i32>} : memref<64x1024xf32, #tpu.memory_space<vmem>>, vector<16xf32>,
              %get3A_1166 = arith.index_cast %add3A_310 : i32 to index
              %get3A_1167 = arith.constant 112 : index
              %get3A_1168 = tpu.vector_load %arg13[%get3A_1166, %get3A_1167] {strides = array<i32>} : memref<16x512xi32, #tpu.memory_space<vmem>>, vector<16xi32>,
              %bitcast3A_1169 = vector.bitcast %get3A_1168 : vector<16xi32> to vector<32xbf16>
              %unpack3A_1170 = tpu.unpack_subelements %bitcast3A_1169, 0 {pack_format = #tpu.pack_format<interleaved>} : vector<32xbf16> -> vector<16xf32>
              %unpack3A_1171 = tpu.unpack_subelements %bitcast3A_1169, 1 {pack_format = #tpu.pack_format<interleaved>} : vector<32xbf16> -> vector<16xf32>
              %mul3A_1172 = arith.mulf %exp3A, %unpack3A_1170 : vector<16xf32>
              %swap3A_1173 = arith.index_cast %sub3A_313 : i32 to index
              %swap3A_1174 = arith.constant 224 : index
              %swap3A_1175 = tpu.vector_load %arg7[%swap3A_1173, %swap3A_1174] {strides = array<i32>} : memref<64x1024xf32, #tpu.memory_space<vmem>>, vector<16xf32>,
              tpu.vector_store %arg7[%swap3A_1173, %swap3A_1174], %mul3A_1172 {add = true, strides = array<i32>} : memref<64x1024xf32, #tpu.memory_space<vmem>>, vector<16xf32>,
              %mul3A_1176 = arith.mulf %exp3A, %unpack3A_1171 : vector<16xf32>
              %swap3A_1177 = arith.index_cast %sub3A_313 : i32 to index
              %swap3A_1178 = arith.constant 240 : index
              %swap3A_1179 = tpu.vector_load %arg7[%swap3A_1177, %swap3A_1178] {strides = array<i32>} : memref<64x1024xf32, #tpu.memory_space<vmem>>, vector<16xf32>,
              tpu.vector_store %arg7[%swap3A_1177, %swap3A_1178], %mul3A_1176 {add = true, strides = array<i32>} : memref<64x1024xf32, #tpu.memory_space<vmem>>, vector<16xf32>,
              %get3A_1180 = arith.index_cast %add3A_310 : i32 to index
              %get3A_1181 = arith.constant 128 : index
              %get3A_1182 = tpu.vector_load %arg13[%get3A_1180, %get3A_1181] {strides = array<i32>} : memref<16x512xi32, #tpu.memory_space<vmem>>, vector<16xi32>,
              %bitcast3A_1183 = vector.bitcast %get3A_1182 : vector<16xi32> to vector<32xbf16>
              %unpack3A_1184 = tpu.unpack_subelements %bitcast3A_1183, 0 {pack_format = #tpu.pack_format<interleaved>} : vector<32xbf16> -> vector<16xf32>
              %unpack3A_1185 = tpu.unpack_subelements %bitcast3A_1183, 1 {pack_format = #tpu.pack_format<interleaved>} : vector<32xbf16> -> vector<16xf32>
              %mul3A_1186 = arith.mulf %exp3A_678, %unpack3A_1184 : vector<16xf32>
              %swap3A_1187 = arith.index_cast %sub3A_313 : i32 to index
              %swap3A_1188 = arith.constant 256 : index
              %swap3A_1189 = tpu.vector_load %arg7[%swap3A_1187, %swap3A_1188] {strides = array<i32>} : memref<64x1024xf32, #tpu.memory_space<vmem>>, vector<16xf32>,
              tpu.vector_store %arg7[%swap3A_1187, %swap3A_1188], %mul3A_1186 {add = true, strides = array<i32>} : memref<64x1024xf32, #tpu.memory_space<vmem>>, vector<16xf32>,
              %mul3A_1190 = arith.mulf %exp3A_678, %unpack3A_1185 : vector<16xf32>
              %swap3A_1191 = arith.index_cast %sub3A_313 : i32 to index
              %swap3A_1192 = arith.constant 272 : index
              %swap3A_1193 = tpu.vector_load %arg7[%swap3A_1191, %swap3A_1192] {strides = array<i32>} : memref<64x1024xf32, #tpu.memory_space<vmem>>, vector<16xf32>,
              tpu.vector_store %arg7[%swap3A_1191, %swap3A_1192], %mul3A_1190 {add = true, strides = array<i32>} : memref<64x1024xf32, #tpu.memory_space<vmem>>, vector<16xf32>,
              %get3A_1194 = arith.index_cast %add3A_310 : i32 to index
              %get3A_1195 = arith.constant 144 : index
              %get3A_1196 = tpu.vector_load %arg13[%get3A_1194, %get3A_1195] {strides = array<i32>} : memref<16x512xi32, #tpu.memory_space<vmem>>, vector<16xi32>,
              %bitcast3A_1197 = vector.bitcast %get3A_1196 : vector<16xi32> to vector<32xbf16>
              %unpack3A_1198 = tpu.unpack_subelements %bitcast3A_1197, 0 {pack_format = #tpu.pack_format<interleaved>} : vector<32xbf16> -> vector<16xf32>
              %unpack3A_1199 = tpu.unpack_subelements %bitcast3A_1197, 1 {pack_format = #tpu.pack_format<interleaved>} : vector<32xbf16> -> vector<16xf32>
              %mul3A_1200 = arith.mulf %exp3A_678, %unpack3A_1198 : vector<16xf32>
              %swap3A_1201 = arith.index_cast %sub3A_313 : i32 to index
              %swap3A_1202 = arith.constant 288 : index
              %swap3A_1203 = tpu.vector_load %arg7[%swap3A_1201, %swap3A_1202] {strides = array<i32>} : memref<64x1024xf32, #tpu.memory_space<vmem>>, vector<16xf32>,
              tpu.vector_store %arg7[%swap3A_1201, %swap3A_1202], %mul3A_1200 {add = true, strides = array<i32>} : memref<64x1024xf32, #tpu.memory_space<vmem>>, vector<16xf32>,
              %mul3A_1204 = arith.mulf %exp3A_678, %unpack3A_1199 : vector<16xf32>
              %swap3A_1205 = arith.index_cast %sub3A_313 : i32 to index
              %swap3A_1206 = arith.constant 304 : index
              %swap3A_1207 = tpu.vector_load %arg7[%swap3A_1205, %swap3A_1206] {strides = array<i32>} : memref<64x1024xf32, #tpu.memory_space<vmem>>, vector<16xf32>,
              tpu.vector_store %arg7[%swap3A_1205, %swap3A_1206], %mul3A_1204 {add = true, strides = array<i32>} : memref<64x1024xf32, #tpu.memory_space<vmem>>, vector<16xf32>,
              %get3A_1208 = arith.index_cast %add3A_310 : i32 to index
              %get3A_1209 = arith.constant 160 : index
              %get3A_1210 = tpu.vector_load %arg13[%get3A_1208, %get3A_1209] {strides = array<i32>} : memref<16x512xi32, #tpu.memory_space<vmem>>, vector<16xi32>,
              %bitcast3A_1211 = vector.bitcast %get3A_1210 : vector<16xi32> to vector<32xbf16>
              %unpack3A_1212 = tpu.unpack_subelements %bitcast3A_1211, 0 {pack_format = #tpu.pack_format<interleaved>} : vector<32xbf16> -> vector<16xf32>
              %unpack3A_1213 = tpu.unpack_subelements %bitcast3A_1211, 1 {pack_format = #tpu.pack_format<interleaved>} : vector<32xbf16> -> vector<16xf32>
              %mul3A_1214 = arith.mulf %exp3A_678, %unpack3A_1212 : vector<16xf32>
              %swap3A_1215 = arith.index_cast %sub3A_313 : i32 to index
              %swap3A_1216 = arith.constant 320 : index
              %swap3A_1217 = tpu.vector_load %arg7[%swap3A_1215, %swap3A_1216] {strides = array<i32>} : memref<64x1024xf32, #tpu.memory_space<vmem>>, vector<16xf32>,
              tpu.vector_store %arg7[%swap3A_1215, %swap3A_1216], %mul3A_1214 {add = true, strides = array<i32>} : memref<64x1024xf32, #tpu.memory_space<vmem>>, vector<16xf32>,
              %mul3A_1218 = arith.mulf %exp3A_678, %unpack3A_1213 : vector<16xf32>
              %swap3A_1219 = arith.index_cast %sub3A_313 : i32 to index
              %swap3A_1220 = arith.constant 336 : index
              %swap3A_1221 = tpu.vector_load %arg7[%swap3A_1219, %swap3A_1220] {strides = array<i32>} : memref<64x1024xf32, #tpu.memory_space<vmem>>, vector<16xf32>,
              tpu.vector_store %arg7[%swap3A_1219, %swap3A_1220], %mul3A_1218 {add = true, strides = array<i32>} : memref<64x1024xf32, #tpu.memory_space<vmem>>, vector<16xf32>,
              %get3A_1222 = arith.index_cast %add3A_310 : i32 to index
              %get3A_1223 = arith.constant 176 : index
              %get3A_1224 = tpu.vector_load %arg13[%get3A_1222, %get3A_1223] {strides = array<i32>} : memref<16x512xi32, #tpu.memory_space<vmem>>, vector<16xi32>,
              %bitcast3A_1225 = vector.bitcast %get3A_1224 : vector<16xi32> to vector<32xbf16>
              %unpack3A_1226 = tpu.unpack_subelements %bitcast3A_1225, 0 {pack_format = #tpu.pack_format<interleaved>} : vector<32xbf16> -> vector<16xf32>
              %unpack3A_1227 = tpu.unpack_subelements %bitcast3A_1225, 1 {pack_format = #tpu.pack_format<interleaved>} : vector<32xbf16> -> vector<16xf32>
              %mul3A_1228 = arith.mulf %exp3A_678, %unpack3A_1226 : vector<16xf32>
              %swap3A_1229 = arith.index_cast %sub3A_313 : i32 to index
              %swap3A_1230 = arith.constant 352 : index
              %swap3A_1231 = tpu.vector_load %arg7[%swap3A_1229, %swap3A_1230] {strides = array<i32>} : memref<64x1024xf32, #tpu.memory_space<vmem>>, vector<16xf32>,
              tpu.vector_store %arg7[%swap3A_1229, %swap3A_1230], %mul3A_1228 {add = true, strides = array<i32>} : memref<64x1024xf32, #tpu.memory_space<vmem>>, vector<16xf32>,
              %mul3A_1232 = arith.mulf %exp3A_678, %unpack3A_1227 : vector<16xf32>
              %swap3A_1233 = arith.index_cast %sub3A_313 : i32 to index
              %swap3A_1234 = arith.constant 368 : index
              %swap3A_1235 = tpu.vector_load %arg7[%swap3A_1233, %swap3A_1234] {strides = array<i32>} : memref<64x1024xf32, #tpu.memory_space<vmem>>, vector<16xf32>,
              tpu.vector_store %arg7[%swap3A_1233, %swap3A_1234], %mul3A_1232 {add = true, strides = array<i32>} : memref<64x1024xf32, #tpu.memory_space<vmem>>, vector<16xf32>,
              %get3A_1236 = arith.index_cast %add3A_310 : i32 to index
              %get3A_1237 = arith.constant 192 : index
              %get3A_1238 = tpu.vector_load %arg13[%get3A_1236, %get3A_1237] {strides = array<i32>} : memref<16x512xi32, #tpu.memory_space<vmem>>, vector<16xi32>,
              %bitcast3A_1239 = vector.bitcast %get3A_1238 : vector<16xi32> to vector<32xbf16>
              %unpack3A_1240 = tpu.unpack_subelements %bitcast3A_1239, 0 {pack_format = #tpu.pack_format<interleaved>} : vector<32xbf16> -> vector<16xf32>
              %unpack3A_1241 = tpu.unpack_subelements %bitcast3A_1239, 1 {pack_format = #tpu.pack_format<interleaved>} : vector<32xbf16> -> vector<16xf32>
              %mul3A_1242 = arith.mulf %exp3A_678, %unpack3A_1240 : vector<16xf32>
              %swap3A_1243 = arith.index_cast %sub3A_313 : i32 to index
              %swap3A_1244 = arith.constant 384 : index
              %swap3A_1245 = tpu.vector_load %arg7[%swap3A_1243, %swap3A_1244] {strides = array<i32>} : memref<64x1024xf32, #tpu.memory_space<vmem>>, vector<16xf32>,
              tpu.vector_store %arg7[%swap3A_1243, %swap3A_1244], %mul3A_1242 {add = true, strides = array<i32>} : memref<64x1024xf32, #tpu.memory_space<vmem>>, vector<16xf32>,
              %mul3A_1246 = arith.mulf %exp3A_678, %unpack3A_1241 : vector<16xf32>
              %swap3A_1247 = arith.index_cast %sub3A_313 : i32 to index
              %swap3A_1248 = arith.constant 400 : index
              %swap3A_1249 = tpu.vector_load %arg7[%swap3A_1247, %swap3A_1248] {strides = array<i32>} : memref<64x1024xf32, #tpu.memory_space<vmem>>, vector<16xf32>,
              tpu.vector_store %arg7[%swap3A_1247, %swap3A_1248], %mul3A_1246 {add = true, strides = array<i32>} : memref<64x1024xf32, #tpu.memory_space<vmem>>, vector<16xf32>,
              %get3A_1250 = arith.index_cast %add3A_310 : i32 to index
              %get3A_1251 = arith.constant 208 : index
              %get3A_1252 = tpu.vector_load %arg13[%get3A_1250, %get3A_1251] {strides = array<i32>} : memref<16x512xi32, #tpu.memory_space<vmem>>, vector<16xi32>,
              %bitcast3A_1253 = vector.bitcast %get3A_1252 : vector<16xi32> to vector<32xbf16>
              %unpack3A_1254 = tpu.unpack_subelements %bitcast3A_1253, 0 {pack_format = #tpu.pack_format<interleaved>} : vector<32xbf16> -> vector<16xf32>
              %unpack3A_1255 = tpu.unpack_subelements %bitcast3A_1253, 1 {pack_format = #tpu.pack_format<interleaved>} : vector<32xbf16> -> vector<16xf32>
              %mul3A_1256 = arith.mulf %exp3A_678, %unpack3A_1254 : vector<16xf32>
              %swap3A_1257 = arith.index_cast %sub3A_313 : i32 to index
              %swap3A_1258 = arith.constant 416 : index
              %swap3A_1259 = tpu.vector_load %arg7[%swap3A_1257, %swap3A_1258] {strides = array<i32>} : memref<64x1024xf32, #tpu.memory_space<vmem>>, vector<16xf32>,
              tpu.vector_store %arg7[%swap3A_1257, %swap3A_1258], %mul3A_1256 {add = true, strides = array<i32>} : memref<64x1024xf32, #tpu.memory_space<vmem>>, vector<16xf32>,
              %mul3A_1260 = arith.mulf %exp3A_678, %unpack3A_1255 : vector<16xf32>
              %swap3A_1261 = arith.index_cast %sub3A_313 : i32 to index
              %swap3A_1262 = arith.constant 432 : index
              %swap3A_1263 = tpu.vector_load %arg7[%swap3A_1261, %swap3A_1262] {strides = array<i32>} : memref<64x1024xf32, #tpu.memory_space<vmem>>, vector<16xf32>,
              tpu.vector_store %arg7[%swap3A_1261, %swap3A_1262], %mul3A_1260 {add = true, strides = array<i32>} : memref<64x1024xf32, #tpu.memory_space<vmem>>, vector<16xf32>,
              %get3A_1264 = arith.index_cast %add3A_310 : i32 to index
              %get3A_1265 = arith.constant 224 : index
              %get3A_1266 = tpu.vector_load %arg13[%get3A_1264, %get3A_1265] {strides = array<i32>} : memref<16x512xi32, #tpu.memory_space<vmem>>, vector<16xi32>,
              %bitcast3A_1267 = vector.bitcast %get3A_1266 : vector<16xi32> to vector<32xbf16>
              %unpack3A_1268 = tpu.unpack_subelements %bitcast3A_1267, 0 {pack_format = #tpu.pack_format<interleaved>} : vector<32xbf16> -> vector<16xf32>
              %unpack3A_1269 = tpu.unpack_subelements %bitcast3A_1267, 1 {pack_format = #tpu.pack_format<interleaved>} : vector<32xbf16> -> vector<16xf32>
              %mul3A_1270 = arith.mulf %exp3A_678, %unpack3A_1268 : vector<16xf32>
              %swap3A_1271 = arith.index_cast %sub3A_313 : i32 to index
              %swap3A_1272 = arith.constant 448 : index
              %swap3A_1273 = tpu.vector_load %arg7[%swap3A_1271, %swap3A_1272] {strides = array<i32>} : memref<64x1024xf32, #tpu.memory_space<vmem>>, vector<16xf32>,
              tpu.vector_store %arg7[%swap3A_1271, %swap3A_1272], %mul3A_1270 {add = true, strides = array<i32>} : memref<64x1024xf32, #tpu.memory_space<vmem>>, vector<16xf32>,
              %mul3A_1274 = arith.mulf %exp3A_678, %unpack3A_1269 : vector<16xf32>
              %swap3A_1275 = arith.index_cast %sub3A_313 : i32 to index
              %swap3A_1276 = arith.constant 464 : index
              %swap3A_1277 = tpu.vector_load %arg7[%swap3A_1275, %swap3A_1276] {strides = array<i32>} : memref<64x1024xf32, #tpu.memory_space<vmem>>, vector<16xf32>,
              tpu.vector_store %arg7[%swap3A_1275, %swap3A_1276], %mul3A_1274 {add = true, strides = array<i32>} : memref<64x1024xf32, #tpu.memory_space<vmem>>, vector<16xf32>,
              %get3A_1278 = arith.index_cast %add3A_310 : i32 to index
              %get3A_1279 = arith.constant 240 : index
              %get3A_1280 = tpu.vector_load %arg13[%get3A_1278, %get3A_1279] {strides = array<i32>} : memref<16x512xi32, #tpu.memory_space<vmem>>, vector<16xi32>,
              %bitcast3A_1281 = vector.bitcast %get3A_1280 : vector<16xi32> to vector<32xbf16>
              %unpack3A_1282 = tpu.unpack_subelements %bitcast3A_1281, 0 {pack_format = #tpu.pack_format<interleaved>} : vector<32xbf16> -> vector<16xf32>
              %unpack3A_1283 = tpu.unpack_subelements %bitcast3A_1281, 1 {pack_format = #tpu.pack_format<interleaved>} : vector<32xbf16> -> vector<16xf32>
              %mul3A_1284 = arith.mulf %exp3A_678, %unpack3A_1282 : vector<16xf32>
              %swap3A_1285 = arith.index_cast %sub3A_313 : i32 to index
              %swap3A_1286 = arith.constant 480 : index
              %swap3A_1287 = tpu.vector_load %arg7[%swap3A_1285, %swap3A_1286] {strides = array<i32>} : memref<64x1024xf32, #tpu.memory_space<vmem>>, vector<16xf32>,
              tpu.vector_store %arg7[%swap3A_1285, %swap3A_1286], %mul3A_1284 {add = true, strides = array<i32>} : memref<64x1024xf32, #tpu.memory_space<vmem>>, vector<16xf32>,
              %mul3A_1288 = arith.mulf %exp3A_678, %unpack3A_1283 : vector<16xf32>
              %swap3A_1289 = arith.index_cast %sub3A_313 : i32 to index
              %swap3A_1290 = arith.constant 496 : index
              %swap3A_1291 = tpu.vector_load %arg7[%swap3A_1289, %swap3A_1290] {strides = array<i32>} : memref<64x1024xf32, #tpu.memory_space<vmem>>, vector<16xf32>,
              tpu.vector_store %arg7[%swap3A_1289, %swap3A_1290], %mul3A_1288 {add = true, strides = array<i32>} : memref<64x1024xf32, #tpu.memory_space<vmem>>, vector<16xf32>,
              %get3A_1292 = arith.index_cast %add3A_310 : i32 to index
              %get3A_1293 = arith.constant 256 : index
              %get3A_1294 = tpu.vector_load %arg13[%get3A_1292, %get3A_1293] {strides = array<i32>} : memref<16x512xi32, #tpu.memory_space<vmem>>, vector<16xi32>,
              %bitcast3A_1295 = vector.bitcast %get3A_1294 : vector<16xi32> to vector<32xbf16>
              %unpack3A_1296 = tpu.unpack_subelements %bitcast3A_1295, 0 {pack_format = #tpu.pack_format<interleaved>} : vector<32xbf16> -> vector<16xf32>
              %unpack3A_1297 = tpu.unpack_subelements %bitcast3A_1295, 1 {pack_format = #tpu.pack_format<interleaved>} : vector<32xbf16> -> vector<16xf32>
              %mul3A_1298 = arith.mulf %exp3A_863, %unpack3A_1296 : vector<16xf32>
              %swap3A_1299 = arith.index_cast %sub3A_313 : i32 to index
              %swap3A_1300 = arith.constant 512 : index
              %swap3A_1301 = tpu.vector_load %arg7[%swap3A_1299, %swap3A_1300] {strides = array<i32>} : memref<64x1024xf32, #tpu.memory_space<vmem>>, vector<16xf32>,
              tpu.vector_store %arg7[%swap3A_1299, %swap3A_1300], %mul3A_1298 {add = true, strides = array<i32>} : memref<64x1024xf32, #tpu.memory_space<vmem>>, vector<16xf32>,
              %mul3A_1302 = arith.mulf %exp3A_863, %unpack3A_1297 : vector<16xf32>
              %swap3A_1303 = arith.index_cast %sub3A_313 : i32 to index
              %swap3A_1304 = arith.constant 528 : index
              %swap3A_1305 = tpu.vector_load %arg7[%swap3A_1303, %swap3A_1304] {strides = array<i32>} : memref<64x1024xf32, #tpu.memory_space<vmem>>, vector<16xf32>,
              tpu.vector_store %arg7[%swap3A_1303, %swap3A_1304], %mul3A_1302 {add = true, strides = array<i32>} : memref<64x1024xf32, #tpu.memory_space<vmem>>, vector<16xf32>,
              %get3A_1306 = arith.index_cast %add3A_310 : i32 to index
              %get3A_1307 = arith.constant 272 : index
              %get3A_1308 = tpu.vector_load %arg13[%get3A_1306, %get3A_1307] {strides = array<i32>} : memref<16x512xi32, #tpu.memory_space<vmem>>, vector<16xi32>,
              %bitcast3A_1309 = vector.bitcast %get3A_1308 : vector<16xi32> to vector<32xbf16>
              %unpack3A_1310 = tpu.unpack_subelements %bitcast3A_1309, 0 {pack_format = #tpu.pack_format<interleaved>} : vector<32xbf16> -> vector<16xf32>
              %unpack3A_1311 = tpu.unpack_subelements %bitcast3A_1309, 1 {pack_format = #tpu.pack_format<interleaved>} : vector<32xbf16> -> vector<16xf32>
              %mul3A_1312 = arith.mulf %exp3A_863, %unpack3A_1310 : vector<16xf32>
              %swap3A_1313 = arith.index_cast %sub3A_313 : i32 to index
              %swap3A_1314 = arith.constant 544 : index
              %swap3A_1315 = tpu.vector_load %arg7[%swap3A_1313, %swap3A_1314] {strides = array<i32>} : memref<64x1024xf32, #tpu.memory_space<vmem>>, vector<16xf32>,
              tpu.vector_store %arg7[%swap3A_1313, %swap3A_1314], %mul3A_1312 {add = true, strides = array<i32>} : memref<64x1024xf32, #tpu.memory_space<vmem>>, vector<16xf32>,
              %mul3A_1316 = arith.mulf %exp3A_863, %unpack3A_1311 : vector<16xf32>
              %swap3A_1317 = arith.index_cast %sub3A_313 : i32 to index
              %swap3A_1318 = arith.constant 560 : index
              %swap3A_1319 = tpu.vector_load %arg7[%swap3A_1317, %swap3A_1318] {strides = array<i32>} : memref<64x1024xf32, #tpu.memory_space<vmem>>, vector<16xf32>,
              tpu.vector_store %arg7[%swap3A_1317, %swap3A_1318], %mul3A_1316 {add = true, strides = array<i32>} : memref<64x1024xf32, #tpu.memory_space<vmem>>, vector<16xf32>,
              %get3A_1320 = arith.index_cast %add3A_310 : i32 to index
              %get3A_1321 = arith.constant 288 : index
              %get3A_1322 = tpu.vector_load %arg13[%get3A_1320, %get3A_1321] {strides = array<i32>} : memref<16x512xi32, #tpu.memory_space<vmem>>, vector<16xi32>,
              %bitcast3A_1323 = vector.bitcast %get3A_1322 : vector<16xi32> to vector<32xbf16>
              %unpack3A_1324 = tpu.unpack_subelements %bitcast3A_1323, 0 {pack_format = #tpu.pack_format<interleaved>} : vector<32xbf16> -> vector<16xf32>
              %unpack3A_1325 = tpu.unpack_subelements %bitcast3A_1323, 1 {pack_format = #tpu.pack_format<interleaved>} : vector<32xbf16> -> vector<16xf32>
              %mul3A_1326 = arith.mulf %exp3A_863, %unpack3A_1324 : vector<16xf32>
              %swap3A_1327 = arith.index_cast %sub3A_313 : i32 to index
              %swap3A_1328 = arith.constant 576 : index
              %swap3A_1329 = tpu.vector_load %arg7[%swap3A_1327, %swap3A_1328] {strides = array<i32>} : memref<64x1024xf32, #tpu.memory_space<vmem>>, vector<16xf32>,
              tpu.vector_store %arg7[%swap3A_1327, %swap3A_1328], %mul3A_1326 {add = true, strides = array<i32>} : memref<64x1024xf32, #tpu.memory_space<vmem>>, vector<16xf32>,
              %mul3A_1330 = arith.mulf %exp3A_863, %unpack3A_1325 : vector<16xf32>
              %swap3A_1331 = arith.index_cast %sub3A_313 : i32 to index
              %swap3A_1332 = arith.constant 592 : index
              %swap3A_1333 = tpu.vector_load %arg7[%swap3A_1331, %swap3A_1332] {strides = array<i32>} : memref<64x1024xf32, #tpu.memory_space<vmem>>, vector<16xf32>,
              tpu.vector_store %arg7[%swap3A_1331, %swap3A_1332], %mul3A_1330 {add = true, strides = array<i32>} : memref<64x1024xf32, #tpu.memory_space<vmem>>, vector<16xf32>,
              %get3A_1334 = arith.index_cast %add3A_310 : i32 to index
              %get3A_1335 = arith.constant 304 : index
              %get3A_1336 = tpu.vector_load %arg13[%get3A_1334, %get3A_1335] {strides = array<i32>} : memref<16x512xi32, #tpu.memory_space<vmem>>, vector<16xi32>,
              %bitcast3A_1337 = vector.bitcast %get3A_1336 : vector<16xi32> to vector<32xbf16>
              %unpack3A_1338 = tpu.unpack_subelements %bitcast3A_1337, 0 {pack_format = #tpu.pack_format<interleaved>} : vector<32xbf16> -> vector<16xf32>
              %unpack3A_1339 = tpu.unpack_subelements %bitcast3A_1337, 1 {pack_format = #tpu.pack_format<interleaved>} : vector<32xbf16> -> vector<16xf32>
              %mul3A_1340 = arith.mulf %exp3A_863, %unpack3A_1338 : vector<16xf32>
              %swap3A_1341 = arith.index_cast %sub3A_313 : i32 to index
              %swap3A_1342 = arith.constant 608 : index
              %swap3A_1343 = tpu.vector_load %arg7[%swap3A_1341, %swap3A_1342] {strides = array<i32>} : memref<64x1024xf32, #tpu.memory_space<vmem>>, vector<16xf32>,
              tpu.vector_store %arg7[%swap3A_1341, %swap3A_1342], %mul3A_1340 {add = true, strides = array<i32>} : memref<64x1024xf32, #tpu.memory_space<vmem>>, vector<16xf32>,
              %mul3A_1344 = arith.mulf %exp3A_863, %unpack3A_1339 : vector<16xf32>
              %swap3A_1345 = arith.index_cast %sub3A_313 : i32 to index
              %swap3A_1346 = arith.constant 624 : index
              %swap3A_1347 = tpu.vector_load %arg7[%swap3A_1345, %swap3A_1346] {strides = array<i32>} : memref<64x1024xf32, #tpu.memory_space<vmem>>, vector<16xf32>,
              tpu.vector_store %arg7[%swap3A_1345, %swap3A_1346], %mul3A_1344 {add = true, strides = array<i32>} : memref<64x1024xf32, #tpu.memory_space<vmem>>, vector<16xf32>,
              %get3A_1348 = arith.index_cast %add3A_310 : i32 to index
              %get3A_1349 = arith.constant 320 : index
              %get3A_1350 = tpu.vector_load %arg13[%get3A_1348, %get3A_1349] {strides = array<i32>} : memref<16x512xi32, #tpu.memory_space<vmem>>, vector<16xi32>,
              %bitcast3A_1351 = vector.bitcast %get3A_1350 : vector<16xi32> to vector<32xbf16>
              %unpack3A_1352 = tpu.unpack_subelements %bitcast3A_1351, 0 {pack_format = #tpu.pack_format<interleaved>} : vector<32xbf16> -> vector<16xf32>
              %unpack3A_1353 = tpu.unpack_subelements %bitcast3A_1351, 1 {pack_format = #tpu.pack_format<interleaved>} : vector<32xbf16> -> vector<16xf32>
              %mul3A_1354 = arith.mulf %exp3A_863, %unpack3A_1352 : vector<16xf32>
              %swap3A_1355 = arith.index_cast %sub3A_313 : i32 to index
              %swap3A_1356 = arith.constant 640 : index
              %swap3A_1357 = tpu.vector_load %arg7[%swap3A_1355, %swap3A_1356] {strides = array<i32>} : memref<64x1024xf32, #tpu.memory_space<vmem>>, vector<16xf32>,
              tpu.vector_store %arg7[%swap3A_1355, %swap3A_1356], %mul3A_1354 {add = true, strides = array<i32>} : memref<64x1024xf32, #tpu.memory_space<vmem>>, vector<16xf32>,
              %mul3A_1358 = arith.mulf %exp3A_863, %unpack3A_1353 : vector<16xf32>
              %swap3A_1359 = arith.index_cast %sub3A_313 : i32 to index
              %swap3A_1360 = arith.constant 656 : index
              %swap3A_1361 = tpu.vector_load %arg7[%swap3A_1359, %swap3A_1360] {strides = array<i32>} : memref<64x1024xf32, #tpu.memory_space<vmem>>, vector<16xf32>,
              tpu.vector_store %arg7[%swap3A_1359, %swap3A_1360], %mul3A_1358 {add = true, strides = array<i32>} : memref<64x1024xf32, #tpu.memory_space<vmem>>, vector<16xf32>,
              %get3A_1362 = arith.index_cast %add3A_310 : i32 to index
              %get3A_1363 = arith.constant 336 : index
              %get3A_1364 = tpu.vector_load %arg13[%get3A_1362, %get3A_1363] {strides = array<i32>} : memref<16x512xi32, #tpu.memory_space<vmem>>, vector<16xi32>,
              %bitcast3A_1365 = vector.bitcast %get3A_1364 : vector<16xi32> to vector<32xbf16>
              %unpack3A_1366 = tpu.unpack_subelements %bitcast3A_1365, 0 {pack_format = #tpu.pack_format<interleaved>} : vector<32xbf16> -> vector<16xf32>
              %unpack3A_1367 = tpu.unpack_subelements %bitcast3A_1365, 1 {pack_format = #tpu.pack_format<interleaved>} : vector<32xbf16> -> vector<16xf32>
              %mul3A_1368 = arith.mulf %exp3A_863, %unpack3A_1366 : vector<16xf32>
              %swap3A_1369 = arith.index_cast %sub3A_313 : i32 to index
              %swap3A_1370 = arith.constant 672 : index
              %swap3A_1371 = tpu.vector_load %arg7[%swap3A_1369, %swap3A_1370] {strides = array<i32>} : memref<64x1024xf32, #tpu.memory_space<vmem>>, vector<16xf32>,
              tpu.vector_store %arg7[%swap3A_1369, %swap3A_1370], %mul3A_1368 {add = true, strides = array<i32>} : memref<64x1024xf32, #tpu.memory_space<vmem>>, vector<16xf32>,
              %mul3A_1372 = arith.mulf %exp3A_863, %unpack3A_1367 : vector<16xf32>
              %swap3A_1373 = arith.index_cast %sub3A_313 : i32 to index
              %swap3A_1374 = arith.constant 688 : index
              %swap3A_1375 = tpu.vector_load %arg7[%swap3A_1373, %swap3A_1374] {strides = array<i32>} : memref<64x1024xf32, #tpu.memory_space<vmem>>, vector<16xf32>,
              tpu.vector_store %arg7[%swap3A_1373, %swap3A_1374], %mul3A_1372 {add = true, strides = array<i32>} : memref<64x1024xf32, #tpu.memory_space<vmem>>, vector<16xf32>,
              %get3A_1376 = arith.index_cast %add3A_310 : i32 to index
              %get3A_1377 = arith.constant 352 : index
              %get3A_1378 = tpu.vector_load %arg13[%get3A_1376, %get3A_1377] {strides = array<i32>} : memref<16x512xi32, #tpu.memory_space<vmem>>, vector<16xi32>,
              %bitcast3A_1379 = vector.bitcast %get3A_1378 : vector<16xi32> to vector<32xbf16>
              %unpack3A_1380 = tpu.unpack_subelements %bitcast3A_1379, 0 {pack_format = #tpu.pack_format<interleaved>} : vector<32xbf16> -> vector<16xf32>
              %unpack3A_1381 = tpu.unpack_subelements %bitcast3A_1379, 1 {pack_format = #tpu.pack_format<interleaved>} : vector<32xbf16> -> vector<16xf32>
              %mul3A_1382 = arith.mulf %exp3A_863, %unpack3A_1380 : vector<16xf32>
              %swap3A_1383 = arith.index_cast %sub3A_313 : i32 to index
              %swap3A_1384 = arith.constant 704 : index
              %swap3A_1385 = tpu.vector_load %arg7[%swap3A_1383, %swap3A_1384] {strides = array<i32>} : memref<64x1024xf32, #tpu.memory_space<vmem>>, vector<16xf32>,
              tpu.vector_store %arg7[%swap3A_1383, %swap3A_1384], %mul3A_1382 {add = true, strides = array<i32>} : memref<64x1024xf32, #tpu.memory_space<vmem>>, vector<16xf32>,
              %mul3A_1386 = arith.mulf %exp3A_863, %unpack3A_1381 : vector<16xf32>
              %swap3A_1387 = arith.index_cast %sub3A_313 : i32 to index
              %swap3A_1388 = arith.constant 720 : index
              %swap3A_1389 = tpu.vector_load %arg7[%swap3A_1387, %swap3A_1388] {strides = array<i32>} : memref<64x1024xf32, #tpu.memory_space<vmem>>, vector<16xf32>,
              tpu.vector_store %arg7[%swap3A_1387, %swap3A_1388], %mul3A_1386 {add = true, strides = array<i32>} : memref<64x1024xf32, #tpu.memory_space<vmem>>, vector<16xf32>,
              %get3A_1390 = arith.index_cast %add3A_310 : i32 to index
              %get3A_1391 = arith.constant 368 : index
              %get3A_1392 = tpu.vector_load %arg13[%get3A_1390, %get3A_1391] {strides = array<i32>} : memref<16x512xi32, #tpu.memory_space<vmem>>, vector<16xi32>,
              %bitcast3A_1393 = vector.bitcast %get3A_1392 : vector<16xi32> to vector<32xbf16>
              %unpack3A_1394 = tpu.unpack_subelements %bitcast3A_1393, 0 {pack_format = #tpu.pack_format<interleaved>} : vector<32xbf16> -> vector<16xf32>
              %unpack3A_1395 = tpu.unpack_subelements %bitcast3A_1393, 1 {pack_format = #tpu.pack_format<interleaved>} : vector<32xbf16> -> vector<16xf32>
              %mul3A_1396 = arith.mulf %exp3A_863, %unpack3A_1394 : vector<16xf32>
              %swap3A_1397 = arith.index_cast %sub3A_313 : i32 to index
              %swap3A_1398 = arith.constant 736 : index
              %swap3A_1399 = tpu.vector_load %arg7[%swap3A_1397, %swap3A_1398] {strides = array<i32>} : memref<64x1024xf32, #tpu.memory_space<vmem>>, vector<16xf32>,
              tpu.vector_store %arg7[%swap3A_1397, %swap3A_1398], %mul3A_1396 {add = true, strides = array<i32>} : memref<64x1024xf32, #tpu.memory_space<vmem>>, vector<16xf32>,
              %mul3A_1400 = arith.mulf %exp3A_863, %unpack3A_1395 : vector<16xf32>
              %swap3A_1401 = arith.index_cast %sub3A_313 : i32 to index
              %swap3A_1402 = arith.constant 752 : index
              %swap3A_1403 = tpu.vector_load %arg7[%swap3A_1401, %swap3A_1402] {strides = array<i32>} : memref<64x1024xf32, #tpu.memory_space<vmem>>, vector<16xf32>,
              tpu.vector_store %arg7[%swap3A_1401, %swap3A_1402], %mul3A_1400 {add = true, strides = array<i32>} : memref<64x1024xf32, #tpu.memory_space<vmem>>, vector<16xf32>,
              %get3A_1404 = arith.index_cast %add3A_310 : i32 to index
              %get3A_1405 = arith.constant 384 : index
              %get3A_1406 = tpu.vector_load %arg13[%get3A_1404, %get3A_1405] {strides = array<i32>} : memref<16x512xi32, #tpu.memory_space<vmem>>, vector<16xi32>,
              %bitcast3A_1407 = vector.bitcast %get3A_1406 : vector<16xi32> to vector<32xbf16>
              %unpack3A_1408 = tpu.unpack_subelements %bitcast3A_1407, 0 {pack_format = #tpu.pack_format<interleaved>} : vector<32xbf16> -> vector<16xf32>
              %unpack3A_1409 = tpu.unpack_subelements %bitcast3A_1407, 1 {pack_format = #tpu.pack_format<interleaved>} : vector<32xbf16> -> vector<16xf32>
              %mul3A_1410 = arith.mulf %exp3A_1048, %unpack3A_1408 : vector<16xf32>
              %swap3A_1411 = arith.index_cast %sub3A_313 : i32 to index
              %swap3A_1412 = arith.constant 768 : index
              %swap3A_1413 = tpu.vector_load %arg7[%swap3A_1411, %swap3A_1412] {strides = array<i32>} : memref<64x1024xf32, #tpu.memory_space<vmem>>, vector<16xf32>,
              tpu.vector_store %arg7[%swap3A_1411, %swap3A_1412], %mul3A_1410 {add = true, strides = array<i32>} : memref<64x1024xf32, #tpu.memory_space<vmem>>, vector<16xf32>,
              %mul3A_1414 = arith.mulf %exp3A_1048, %unpack3A_1409 : vector<16xf32>
              %swap3A_1415 = arith.index_cast %sub3A_313 : i32 to index
              %swap3A_1416 = arith.constant 784 : index
              %swap3A_1417 = tpu.vector_load %arg7[%swap3A_1415, %swap3A_1416] {strides = array<i32>} : memref<64x1024xf32, #tpu.memory_space<vmem>>, vector<16xf32>,
              tpu.vector_store %arg7[%swap3A_1415, %swap3A_1416], %mul3A_1414 {add = true, strides = array<i32>} : memref<64x1024xf32, #tpu.memory_space<vmem>>, vector<16xf32>,
              %get3A_1418 = arith.index_cast %add3A_310 : i32 to index
              %get3A_1419 = arith.constant 400 : index
              %get3A_1420 = tpu.vector_load %arg13[%get3A_1418, %get3A_1419] {strides = array<i32>} : memref<16x512xi32, #tpu.memory_space<vmem>>, vector<16xi32>,
              %bitcast3A_1421 = vector.bitcast %get3A_1420 : vector<16xi32> to vector<32xbf16>
              %unpack3A_1422 = tpu.unpack_subelements %bitcast3A_1421, 0 {pack_format = #tpu.pack_format<interleaved>} : vector<32xbf16> -> vector<16xf32>
              %unpack3A_1423 = tpu.unpack_subelements %bitcast3A_1421, 1 {pack_format = #tpu.pack_format<interleaved>} : vector<32xbf16> -> vector<16xf32>
              %mul3A_1424 = arith.mulf %exp3A_1048, %unpack3A_1422 : vector<16xf32>
              %swap3A_1425 = arith.index_cast %sub3A_313 : i32 to index
              %swap3A_1426 = arith.constant 800 : index
              %swap3A_1427 = tpu.vector_load %arg7[%swap3A_1425, %swap3A_1426] {strides = array<i32>} : memref<64x1024xf32, #tpu.memory_space<vmem>>, vector<16xf32>,
              tpu.vector_store %arg7[%swap3A_1425, %swap3A_1426], %mul3A_1424 {add = true, strides = array<i32>} : memref<64x1024xf32, #tpu.memory_space<vmem>>, vector<16xf32>,
              %mul3A_1428 = arith.mulf %exp3A_1048, %unpack3A_1423 : vector<16xf32>
              %swap3A_1429 = arith.index_cast %sub3A_313 : i32 to index
              %swap3A_1430 = arith.constant 816 : index
              %swap3A_1431 = tpu.vector_load %arg7[%swap3A_1429, %swap3A_1430] {strides = array<i32>} : memref<64x1024xf32, #tpu.memory_space<vmem>>, vector<16xf32>,
              tpu.vector_store %arg7[%swap3A_1429, %swap3A_1430], %mul3A_1428 {add = true, strides = array<i32>} : memref<64x1024xf32, #tpu.memory_space<vmem>>, vector<16xf32>,
              %get3A_1432 = arith.index_cast %add3A_310 : i32 to index
              %get3A_1433 = arith.constant 416 : index
              %get3A_1434 = tpu.vector_load %arg13[%get3A_1432, %get3A_1433] {strides = array<i32>} : memref<16x512xi32, #tpu.memory_space<vmem>>, vector<16xi32>,
              %bitcast3A_1435 = vector.bitcast %get3A_1434 : vector<16xi32> to vector<32xbf16>
              %unpack3A_1436 = tpu.unpack_subelements %bitcast3A_1435, 0 {pack_format = #tpu.pack_format<interleaved>} : vector<32xbf16> -> vector<16xf32>
              %unpack3A_1437 = tpu.unpack_subelements %bitcast3A_1435, 1 {pack_format = #tpu.pack_format<interleaved>} : vector<32xbf16> -> vector<16xf32>
              %mul3A_1438 = arith.mulf %exp3A_1048, %unpack3A_1436 : vector<16xf32>
              %swap3A_1439 = arith.index_cast %sub3A_313 : i32 to index
              %swap3A_1440 = arith.constant 832 : index
              %swap3A_1441 = tpu.vector_load %arg7[%swap3A_1439, %swap3A_1440] {strides = array<i32>} : memref<64x1024xf32, #tpu.memory_space<vmem>>, vector<16xf32>,
              tpu.vector_store %arg7[%swap3A_1439, %swap3A_1440], %mul3A_1438 {add = true, strides = array<i32>} : memref<64x1024xf32, #tpu.memory_space<vmem>>, vector<16xf32>,
              %mul3A_1442 = arith.mulf %exp3A_1048, %unpack3A_1437 : vector<16xf32>
              %swap3A_1443 = arith.index_cast %sub3A_313 : i32 to index
              %swap3A_1444 = arith.constant 848 : index
              %swap3A_1445 = tpu.vector_load %arg7[%swap3A_1443, %swap3A_1444] {strides = array<i32>} : memref<64x1024xf32, #tpu.memory_space<vmem>>, vector<16xf32>,
              tpu.vector_store %arg7[%swap3A_1443, %swap3A_1444], %mul3A_1442 {add = true, strides = array<i32>} : memref<64x1024xf32, #tpu.memory_space<vmem>>, vector<16xf32>,
              %get3A_1446 = arith.index_cast %add3A_310 : i32 to index
              %get3A_1447 = arith.constant 432 : index
              %get3A_1448 = tpu.vector_load %arg13[%get3A_1446, %get3A_1447] {strides = array<i32>} : memref<16x512xi32, #tpu.memory_space<vmem>>, vector<16xi32>,
              %bitcast3A_1449 = vector.bitcast %get3A_1448 : vector<16xi32> to vector<32xbf16>
              %unpack3A_1450 = tpu.unpack_subelements %bitcast3A_1449, 0 {pack_format = #tpu.pack_format<interleaved>} : vector<32xbf16> -> vector<16xf32>
              %unpack3A_1451 = tpu.unpack_subelements %bitcast3A_1449, 1 {pack_format = #tpu.pack_format<interleaved>} : vector<32xbf16> -> vector<16xf32>
              %mul3A_1452 = arith.mulf %exp3A_1048, %unpack3A_1450 : vector<16xf32>
              %swap3A_1453 = arith.index_cast %sub3A_313 : i32 to index
              %swap3A_1454 = arith.constant 864 : index
              %swap3A_1455 = tpu.vector_load %arg7[%swap3A_1453, %swap3A_1454] {strides = array<i32>} : memref<64x1024xf32, #tpu.memory_space<vmem>>, vector<16xf32>,
              tpu.vector_store %arg7[%swap3A_1453, %swap3A_1454], %mul3A_1452 {add = true, strides = array<i32>} : memref<64x1024xf32, #tpu.memory_space<vmem>>, vector<16xf32>,
              %mul3A_1456 = arith.mulf %exp3A_1048, %unpack3A_1451 : vector<16xf32>
              %swap3A_1457 = arith.index_cast %sub3A_313 : i32 to index
              %swap3A_1458 = arith.constant 880 : index
              %swap3A_1459 = tpu.vector_load %arg7[%swap3A_1457, %swap3A_1458] {strides = array<i32>} : memref<64x1024xf32, #tpu.memory_space<vmem>>, vector<16xf32>,
              tpu.vector_store %arg7[%swap3A_1457, %swap3A_1458], %mul3A_1456 {add = true, strides = array<i32>} : memref<64x1024xf32, #tpu.memory_space<vmem>>, vector<16xf32>,
              %get3A_1460 = arith.index_cast %add3A_310 : i32 to index
              %get3A_1461 = arith.constant 448 : index
              %get3A_1462 = tpu.vector_load %arg13[%get3A_1460, %get3A_1461] {strides = array<i32>} : memref<16x512xi32, #tpu.memory_space<vmem>>, vector<16xi32>,
              %bitcast3A_1463 = vector.bitcast %get3A_1462 : vector<16xi32> to vector<32xbf16>
              %unpack3A_1464 = tpu.unpack_subelements %bitcast3A_1463, 0 {pack_format = #tpu.pack_format<interleaved>} : vector<32xbf16> -> vector<16xf32>
              %unpack3A_1465 = tpu.unpack_subelements %bitcast3A_1463, 1 {pack_format = #tpu.pack_format<interleaved>} : vector<32xbf16> -> vector<16xf32>
              %mul3A_1466 = arith.mulf %exp3A_1048, %unpack3A_1464 : vector<16xf32>
              %swap3A_1467 = arith.index_cast %sub3A_313 : i32 to index
              %swap3A_1468 = arith.constant 896 : index
              %swap3A_1469 = tpu.vector_load %arg7[%swap3A_1467, %swap3A_1468] {strides = array<i32>} : memref<64x1024xf32, #tpu.memory_space<vmem>>, vector<16xf32>,
              tpu.vector_store %arg7[%swap3A_1467, %swap3A_1468], %mul3A_1466 {add = true, strides = array<i32>} : memref<64x1024xf32, #tpu.memory_space<vmem>>, vector<16xf32>,
              %mul3A_1470 = arith.mulf %exp3A_1048, %unpack3A_1465 : vector<16xf32>
              %swap3A_1471 = arith.index_cast %sub3A_313 : i32 to index
              %swap3A_1472 = arith.constant 912 : index
              %swap3A_1473 = tpu.vector_load %arg7[%swap3A_1471, %swap3A_1472] {strides = array<i32>} : memref<64x1024xf32, #tpu.memory_space<vmem>>, vector<16xf32>,
              tpu.vector_store %arg7[%swap3A_1471, %swap3A_1472], %mul3A_1470 {add = true, strides = array<i32>} : memref<64x1024xf32, #tpu.memory_space<vmem>>, vector<16xf32>,
              %get3A_1474 = arith.index_cast %add3A_310 : i32 to index
              %get3A_1475 = arith.constant 464 : index
              %get3A_1476 = tpu.vector_load %arg13[%get3A_1474, %get3A_1475] {strides = array<i32>} : memref<16x512xi32, #tpu.memory_space<vmem>>, vector<16xi32>,
              %bitcast3A_1477 = vector.bitcast %get3A_1476 : vector<16xi32> to vector<32xbf16>
              %unpack3A_1478 = tpu.unpack_subelements %bitcast3A_1477, 0 {pack_format = #tpu.pack_format<interleaved>} : vector<32xbf16> -> vector<16xf32>
              %unpack3A_1479 = tpu.unpack_subelements %bitcast3A_1477, 1 {pack_format = #tpu.pack_format<interleaved>} : vector<32xbf16> -> vector<16xf32>
              %mul3A_1480 = arith.mulf %exp3A_1048, %unpack3A_1478 : vector<16xf32>
              %swap3A_1481 = arith.index_cast %sub3A_313 : i32 to index
              %swap3A_1482 = arith.constant 928 : index
              %swap3A_1483 = tpu.vector_load %arg7[%swap3A_1481, %swap3A_1482] {strides = array<i32>} : memref<64x1024xf32, #tpu.memory_space<vmem>>, vector<16xf32>,
              tpu.vector_store %arg7[%swap3A_1481, %swap3A_1482], %mul3A_1480 {add = true, strides = array<i32>} : memref<64x1024xf32, #tpu.memory_space<vmem>>, vector<16xf32>,
              %mul3A_1484 = arith.mulf %exp3A_1048, %unpack3A_1479 : vector<16xf32>
              %swap3A_1485 = arith.index_cast %sub3A_313 : i32 to index
              %swap3A_1486 = arith.constant 944 : index
              %swap3A_1487 = tpu.vector_load %arg7[%swap3A_1485, %swap3A_1486] {strides = array<i32>} : memref<64x1024xf32, #tpu.memory_space<vmem>>, vector<16xf32>,
              tpu.vector_store %arg7[%swap3A_1485, %swap3A_1486], %mul3A_1484 {add = true, strides = array<i32>} : memref<64x1024xf32, #tpu.memory_space<vmem>>, vector<16xf32>,
              %get3A_1488 = arith.index_cast %add3A_310 : i32 to index
              %get3A_1489 = arith.constant 480 : index
              %get3A_1490 = tpu.vector_load %arg13[%get3A_1488, %get3A_1489] {strides = array<i32>} : memref<16x512xi32, #tpu.memory_space<vmem>>, vector<16xi32>,
              %bitcast3A_1491 = vector.bitcast %get3A_1490 : vector<16xi32> to vector<32xbf16>
              %unpack3A_1492 = tpu.unpack_subelements %bitcast3A_1491, 0 {pack_format = #tpu.pack_format<interleaved>} : vector<32xbf16> -> vector<16xf32>
              %unpack3A_1493 = tpu.unpack_subelements %bitcast3A_1491, 1 {pack_format = #tpu.pack_format<interleaved>} : vector<32xbf16> -> vector<16xf32>
              %mul3A_1494 = arith.mulf %exp3A_1048, %unpack3A_1492 : vector<16xf32>
              %swap3A_1495 = arith.index_cast %sub3A_313 : i32 to index
              %swap3A_1496 = arith.constant 960 : index
              %swap3A_1497 = tpu.vector_load %arg7[%swap3A_1495, %swap3A_1496] {strides = array<i32>} : memref<64x1024xf32, #tpu.memory_space<vmem>>, vector<16xf32>,
              tpu.vector_store %arg7[%swap3A_1495, %swap3A_1496], %mul3A_1494 {add = true, strides = array<i32>} : memref<64x1024xf32, #tpu.memory_space<vmem>>, vector<16xf32>,
              %mul3A_1498 = arith.mulf %exp3A_1048, %unpack3A_1493 : vector<16xf32>
              %swap3A_1499 = arith.index_cast %sub3A_313 : i32 to index
              %swap3A_1500 = arith.constant 976 : index
              %swap3A_1501 = tpu.vector_load %arg7[%swap3A_1499, %swap3A_1500] {strides = array<i32>} : memref<64x1024xf32, #tpu.memory_space<vmem>>, vector<16xf32>,
              tpu.vector_store %arg7[%swap3A_1499, %swap3A_1500], %mul3A_1498 {add = true, strides = array<i32>} : memref<64x1024xf32, #tpu.memory_space<vmem>>, vector<16xf32>,
              %get3A_1502 = arith.index_cast %add3A_310 : i32 to index
              %get3A_1503 = arith.constant 496 : index
              %get3A_1504 = tpu.vector_load %arg13[%get3A_1502, %get3A_1503] {strides = array<i32>} : memref<16x512xi32, #tpu.memory_space<vmem>>, vector<16xi32>,
              %bitcast3A_1505 = vector.bitcast %get3A_1504 : vector<16xi32> to vector<32xbf16>
              %unpack3A_1506 = tpu.unpack_subelements %bitcast3A_1505, 0 {pack_format = #tpu.pack_format<interleaved>} : vector<32xbf16> -> vector<16xf32>
              %unpack3A_1507 = tpu.unpack_subelements %bitcast3A_1505, 1 {pack_format = #tpu.pack_format<interleaved>} : vector<32xbf16> -> vector<16xf32>
              %mul3A_1508 = arith.mulf %exp3A_1048, %unpack3A_1506 : vector<16xf32>
              %swap3A_1509 = arith.index_cast %sub3A_313 : i32 to index
              %swap3A_1510 = arith.constant 992 : index
              %swap3A_1511 = tpu.vector_load %arg7[%swap3A_1509, %swap3A_1510] {strides = array<i32>} : memref<64x1024xf32, #tpu.memory_space<vmem>>, vector<16xf32>,
              tpu.vector_store %arg7[%swap3A_1509, %swap3A_1510], %mul3A_1508 {add = true, strides = array<i32>} : memref<64x1024xf32, #tpu.memory_space<vmem>>, vector<16xf32>,
              %mul3A_1512 = arith.mulf %exp3A_1048, %unpack3A_1507 : vector<16xf32>
              %swap3A_1513 = arith.index_cast %sub3A_313 : i32 to index
              %swap3A_1514 = arith.constant 1008 : index
              %swap3A_1515 = tpu.vector_load %arg7[%swap3A_1513, %swap3A_1514] {strides = array<i32>} : memref<64x1024xf32, #tpu.memory_space<vmem>>, vector<16xf32>,
              tpu.vector_store %arg7[%swap3A_1513, %swap3A_1514], %mul3A_1512 {add = true, strides = array<i32>} : memref<64x1024xf32, #tpu.memory_space<vmem>>, vector<16xf32>,
            } else {
            }
          }
          %scan3A_285 = arith.constant 8 : i32
          %add3A_286 = arith.constant 2 : i32
          %add3A_287 = arith.addi %while3A_263, %add3A_286 : i32
          %mul3A_288 = arith.constant 8 : i32
          %mul3A_289 = arith.muli %add3A_287, %mul3A_288 : i32
          %eq3A_290 = arith.constant 0 : i32
          %eq3A_291 = arith.cmpi eq, %and3A_266, %eq3A_290 : i32
          %convert_element_type3A_292 = arith.extui %eq3A_291 : i1 to i32
          %cond3A_293 = arith.constant 0 : i32
          %cond3A_294 = arith.cmpi ne, %convert_element_type3A_292, %cond3A_293 : i32
          scf.if %cond3A_294 {
            %dma_start3A_301 = arith.constant 0 : i32
            %dma_start3A_302 = arith.constant 0 : i32
            %dma_start3A_303 = tpu.memref_slice %arg13[%dma_start3A_301, %dma_start3A_302] : memref<16x512xi32, #tpu.memory_space<vmem>> -> memref<8x512xi32, #tpu.memory_space<vmem>>
            %dma_start3A_304 = tpu.memref_slice %arg11[%mul3A_289] : memref<4656xi32, #tpu.memory_space<vmem>> -> memref<8xi32, #tpu.memory_space<vmem>>
            %dma_start3A_305 = arith.constant 0 : i32
            %dma_start3A_306 = arith.constant 0 : i32
            %dma_start3A_307 = tpu.memref_slice %arg2[%dma_start3A_305, %dma_start3A_306] : memref<4096x512xi32, #tpu.memory_space<hbm>> -> memref<4096x512xi32, #tpu.memory_space<hbm>>
            tpu.enqueue_indirect_dma source(%dma_start3A_307 : memref<4096x512xi32, #tpu.memory_space<hbm>>) target(%dma_start3A_303 : memref<8x512xi32, #tpu.memory_space<vmem>>) offsets(%dma_start3A_304 : memref<8xi32, #tpu.memory_space<vmem>>) semaphore(%arg18 : memref<!tpu.dma_semaphore, #tpu.memory_space<semaphore_mem>>)
            %dma_start3A_308 = arith.constant 0 : i32
            %dma_start3A_309 = arith.constant 0 : i32
            %dma_start3A_310 = tpu.memref_slice %arg14[%dma_start3A_308, %dma_start3A_309] : memref<16x512xi32, #tpu.memory_space<vmem>> -> memref<8x512xi32, #tpu.memory_space<vmem>>
            %dma_start3A_311 = tpu.memref_slice %arg12[%mul3A_289] : memref<4656xi32, #tpu.memory_space<vmem>> -> memref<8xi32, #tpu.memory_space<vmem>>
            %dma_start3A_312 = arith.constant 0 : i32
            %dma_start3A_313 = arith.constant 0 : i32
            %dma_start3A_314 = tpu.memref_slice %arg3[%dma_start3A_312, %dma_start3A_313] : memref<4096x512xi32, #tpu.memory_space<hbm>> -> memref<4096x512xi32, #tpu.memory_space<hbm>>
            tpu.enqueue_indirect_dma source(%dma_start3A_314 : memref<4096x512xi32, #tpu.memory_space<hbm>>) target(%dma_start3A_310 : memref<8x512xi32, #tpu.memory_space<vmem>>) offsets(%dma_start3A_311 : memref<8xi32, #tpu.memory_space<vmem>>) semaphore(%arg20 : memref<!tpu.dma_semaphore, #tpu.memory_space<semaphore_mem>>)
          } else {
          }
          %eq3A_295 = arith.constant 1 : i32
          %eq3A_296 = arith.cmpi eq, %and3A_266, %eq3A_295 : i32
          %convert_element_type3A_297 = arith.extui %eq3A_296 : i1 to i32
          %cond3A_298 = arith.constant 0 : i32
          %cond3A_299 = arith.cmpi ne, %convert_element_type3A_297, %cond3A_298 : i32
          scf.if %cond3A_299 {
            %dma_start3A_301 = arith.constant 8 : i32
            %dma_start3A_302 = arith.constant 0 : i32
            %dma_start3A_303 = tpu.memref_slice %arg13[%dma_start3A_301, %dma_start3A_302] : memref<16x512xi32, #tpu.memory_space<vmem>> -> memref<8x512xi32, #tpu.memory_space<vmem>>
            %dma_start3A_304 = tpu.memref_slice %arg11[%mul3A_289] : memref<4656xi32, #tpu.memory_space<vmem>> -> memref<8xi32, #tpu.memory_space<vmem>>
            %dma_start3A_305 = arith.constant 0 : i32
            %dma_start3A_306 = arith.constant 0 : i32
            %dma_start3A_307 = tpu.memref_slice %arg2[%dma_start3A_305, %dma_start3A_306] : memref<4096x512xi32, #tpu.memory_space<hbm>> -> memref<4096x512xi32, #tpu.memory_space<hbm>>
            tpu.enqueue_indirect_dma source(%dma_start3A_307 : memref<4096x512xi32, #tpu.memory_space<hbm>>) target(%dma_start3A_303 : memref<8x512xi32, #tpu.memory_space<vmem>>) offsets(%dma_start3A_304 : memref<8xi32, #tpu.memory_space<vmem>>) semaphore(%arg19 : memref<!tpu.dma_semaphore, #tpu.memory_space<semaphore_mem>>)
            %dma_start3A_308 = arith.constant 8 : i32
            %dma_start3A_309 = arith.constant 0 : i32
            %dma_start3A_310 = tpu.memref_slice %arg14[%dma_start3A_308, %dma_start3A_309] : memref<16x512xi32, #tpu.memory_space<vmem>> -> memref<8x512xi32, #tpu.memory_space<vmem>>
            %dma_start3A_311 = tpu.memref_slice %arg12[%mul3A_289] : memref<4656xi32, #tpu.memory_space<vmem>> -> memref<8xi32, #tpu.memory_space<vmem>>
            %dma_start3A_312 = arith.constant 0 : i32
            %dma_start3A_313 = arith.constant 0 : i32
            %dma_start3A_314 = tpu.memref_slice %arg3[%dma_start3A_312, %dma_start3A_313] : memref<4096x512xi32, #tpu.memory_space<hbm>> -> memref<4096x512xi32, #tpu.memory_space<hbm>>
            tpu.enqueue_indirect_dma source(%dma_start3A_314 : memref<4096x512xi32, #tpu.memory_space<hbm>>) target(%dma_start3A_310 : memref<8x512xi32, #tpu.memory_space<vmem>>) offsets(%dma_start3A_311 : memref<8xi32, #tpu.memory_space<vmem>>) semaphore(%arg21 : memref<!tpu.dma_semaphore, #tpu.memory_space<semaphore_mem>>)
          } else {
          }
          %while3A_300 = arith.constant 0 : i32
          scf.yield %while3A_300 : i32
        }
        %dma_wait3A_231 = arith.constant 0 : i32
        %dma_wait3A_232 = arith.constant 0 : i32
        %dma_wait3A_233 = tpu.memref_slice %arg13[%dma_wait3A_231, %dma_wait3A_232] : memref<16x512xi32, #tpu.memory_space<vmem>> -> memref<8x512xi32, #tpu.memory_space<vmem>>
        %dma_wait3A_234 = arith.constant 0 : i32
        %dma_wait3A_235 = tpu.memref_slice %arg11[%dma_wait3A_234] : memref<4656xi32, #tpu.memory_space<vmem>> -> memref<8xi32, #tpu.memory_space<vmem>>
        %dma_wait3A_236 = arith.constant 0 : i32
        %dma_wait3A_237 = arith.constant 0 : i32
        %dma_wait3A_238 = tpu.memref_slice %arg2[%dma_wait3A_236, %dma_wait3A_237] : memref<4096x512xi32, #tpu.memory_space<hbm>> -> memref<4096x512xi32, #tpu.memory_space<hbm>>
        tpu.wait_indirect_dma semaphore(%arg18 : memref<!tpu.dma_semaphore, #tpu.memory_space<semaphore_mem>>) src(%dma_wait3A_238 : memref<4096x512xi32, #tpu.memory_space<hbm>>) dst(%dma_wait3A_233 : memref<8x512xi32, #tpu.memory_space<vmem>>)
        %dma_wait3A_239 = arith.constant 0 : i32
        %dma_wait3A_240 = arith.constant 0 : i32
        %dma_wait3A_241 = tpu.memref_slice %arg14[%dma_wait3A_239, %dma_wait3A_240] : memref<16x512xi32, #tpu.memory_space<vmem>> -> memref<8x512xi32, #tpu.memory_space<vmem>>
        %dma_wait3A_242 = arith.constant 0 : i32
        %dma_wait3A_243 = tpu.memref_slice %arg12[%dma_wait3A_242] : memref<4656xi32, #tpu.memory_space<vmem>> -> memref<8xi32, #tpu.memory_space<vmem>>
        %dma_wait3A_244 = arith.constant 0 : i32
        %dma_wait3A_245 = arith.constant 0 : i32
        %dma_wait3A_246 = tpu.memref_slice %arg3[%dma_wait3A_244, %dma_wait3A_245] : memref<4096x512xi32, #tpu.memory_space<hbm>> -> memref<4096x512xi32, #tpu.memory_space<hbm>>
        tpu.wait_indirect_dma semaphore(%arg20 : memref<!tpu.dma_semaphore, #tpu.memory_space<semaphore_mem>>) src(%dma_wait3A_246 : memref<4096x512xi32, #tpu.memory_space<hbm>>) dst(%dma_wait3A_241 : memref<8x512xi32, #tpu.memory_space<vmem>>)
        %dma_wait3A_247 = arith.constant 8 : i32
        %dma_wait3A_248 = arith.constant 0 : i32
        %dma_wait3A_249 = tpu.memref_slice %arg13[%dma_wait3A_247, %dma_wait3A_248] : memref<16x512xi32, #tpu.memory_space<vmem>> -> memref<8x512xi32, #tpu.memory_space<vmem>>
        %dma_wait3A_250 = arith.constant 0 : i32
        %dma_wait3A_251 = tpu.memref_slice %arg11[%dma_wait3A_250] : memref<4656xi32, #tpu.memory_space<vmem>> -> memref<8xi32, #tpu.memory_space<vmem>>
        %dma_wait3A_252 = arith.constant 0 : i32
        %dma_wait3A_253 = arith.constant 0 : i32
        %dma_wait3A_254 = tpu.memref_slice %arg2[%dma_wait3A_252, %dma_wait3A_253] : memref<4096x512xi32, #tpu.memory_space<hbm>> -> memref<4096x512xi32, #tpu.memory_space<hbm>>
        tpu.wait_indirect_dma semaphore(%arg19 : memref<!tpu.dma_semaphore, #tpu.memory_space<semaphore_mem>>) src(%dma_wait3A_254 : memref<4096x512xi32, #tpu.memory_space<hbm>>) dst(%dma_wait3A_249 : memref<8x512xi32, #tpu.memory_space<vmem>>)
        %dma_wait3A_255 = arith.constant 8 : i32
        %dma_wait3A_256 = arith.constant 0 : i32
        %dma_wait3A_257 = tpu.memref_slice %arg14[%dma_wait3A_255, %dma_wait3A_256] : memref<16x512xi32, #tpu.memory_space<vmem>> -> memref<8x512xi32, #tpu.memory_space<vmem>>
        %dma_wait3A_258 = arith.constant 0 : i32
        %dma_wait3A_259 = tpu.memref_slice %arg12[%dma_wait3A_258] : memref<4656xi32, #tpu.memory_space<vmem>> -> memref<8xi32, #tpu.memory_space<vmem>>
        %dma_wait3A_260 = arith.constant 0 : i32
        %dma_wait3A_261 = arith.constant 0 : i32
        %dma_wait3A_262 = tpu.memref_slice %arg3[%dma_wait3A_260, %dma_wait3A_261] : memref<4096x512xi32, #tpu.memory_space<hbm>> -> memref<4096x512xi32, #tpu.memory_space<hbm>>
        tpu.wait_indirect_dma semaphore(%arg21 : memref<!tpu.dma_semaphore, #tpu.memory_space<semaphore_mem>>) src(%dma_wait3A_262 : memref<4096x512xi32, #tpu.memory_space<hbm>>) dst(%dma_wait3A_257 : memref<8x512xi32, #tpu.memory_space<vmem>>)
      }
      %scan3A_65 = arith.constant 8 : i32
      %dma_wait3A = arith.constant 0 : i32
      %dma_wait3A_66 = arith.constant 0 : i32
      %dma_wait3A_67 = arith.constant 0 : i32
      %dma_wait3A_68 = arith.constant 0 : i32
      %dma_wait3A_69 = tpu.memref_slice %arg10[%dma_wait3A_66, %dma_wait3A_67, %dma_wait3A_68] : memref<2x2x4608xi32, #tpu.memory_space<vmem>> -> memref<1x2x4608xi32, #tpu.memory_space<vmem>>
      %dma_wait3A_70 = tpu.memref_squeeze %dma_wait3A_69 : memref<1x2x4608xi32, #tpu.memory_space<vmem>> -> memref<2x4608xi32, #tpu.memory_space<vmem>>
      %dma_wait3A_71 = arith.constant 0 : i32
      %dma_wait3A_72 = arith.constant 0 : i32
      %dma_wait3A_73 = tpu.memref_slice %arg4[%dma_wait3A, %dma_wait3A_71, %dma_wait3A_72] : memref<8x2x4608xi32, #tpu.memory_space<hbm>> -> memref<1x2x4608xi32, #tpu.memory_space<hbm>>
      %dma_wait3A_74 = tpu.memref_squeeze %dma_wait3A_73 : memref<1x2x4608xi32, #tpu.memory_space<hbm>> -> memref<2x4608xi32, #tpu.memory_space<hbm>>
      %dma_wait3A_75 = arith.constant 0 : i32
      %dma_wait3A_76 = arith.constant 0 : i32
      %dma_wait3A_77 = tpu.memref_slice %arg10[%dma_wait3A_66, %dma_wait3A_75, %dma_wait3A_76] : memref<2x2x4608xi32, #tpu.memory_space<vmem>> -> memref<1x2x4608xi32, #tpu.memory_space<vmem>>
      %dma_wait3A_78 = tpu.memref_squeeze %dma_wait3A_77 : memref<1x2x4608xi32, #tpu.memory_space<vmem>> -> memref<2x4608xi32, #tpu.memory_space<vmem>>
      %dma_wait3A_79 = arith.constant 0 : i32
      %dma_wait3A_80 = arith.constant 0 : i32
      %dma_wait3A_81 = tpu.memref_slice %arg4[%dma_wait3A, %dma_wait3A_79, %dma_wait3A_80] : memref<8x2x4608xi32, #tpu.memory_space<hbm>> -> memref<1x2x4608xi32, #tpu.memory_space<hbm>>
      %dma_wait3A_82 = tpu.memref_squeeze %dma_wait3A_81 : memref<1x2x4608xi32, #tpu.memory_space<hbm>> -> memref<2x4608xi32, #tpu.memory_space<hbm>>
      tpu.wait_dma2 semaphore(%arg16 : memref<!tpu.dma_semaphore, #tpu.memory_space<semaphore_mem>>) src(%dma_wait3A_82 : memref<2x4608xi32, #tpu.memory_space<hbm>>) dst(%dma_wait3A_78 : memref<2x4608xi32, #tpu.memory_space<vmem>>)
      %dma_wait3A_83 = arith.constant 0 : i32
      %dma_wait3A_84 = arith.constant 1 : i32
      %dma_wait3A_85 = arith.constant 0 : i32
      %dma_wait3A_86 = arith.constant 0 : i32
      %dma_wait3A_87 = tpu.memref_slice %arg10[%dma_wait3A_84, %dma_wait3A_85, %dma_wait3A_86] : memref<2x2x4608xi32, #tpu.memory_space<vmem>> -> memref<1x2x4608xi32, #tpu.memory_space<vmem>>
      %dma_wait3A_88 = tpu.memref_squeeze %dma_wait3A_87 : memref<1x2x4608xi32, #tpu.memory_space<vmem>> -> memref<2x4608xi32, #tpu.memory_space<vmem>>
      %dma_wait3A_89 = arith.constant 0 : i32
      %dma_wait3A_90 = arith.constant 0 : i32
      %dma_wait3A_91 = tpu.memref_slice %arg4[%dma_wait3A_83, %dma_wait3A_89, %dma_wait3A_90] : memref<8x2x4608xi32, #tpu.memory_space<hbm>> -> memref<1x2x4608xi32, #tpu.memory_space<hbm>>
      %dma_wait3A_92 = tpu.memref_squeeze %dma_wait3A_91 : memref<1x2x4608xi32, #tpu.memory_space<hbm>> -> memref<2x4608xi32, #tpu.memory_space<hbm>>
      %dma_wait3A_93 = arith.constant 0 : i32
      %dma_wait3A_94 = arith.constant 0 : i32
      %dma_wait3A_95 = tpu.memref_slice %arg10[%dma_wait3A_84, %dma_wait3A_93, %dma_wait3A_94] : memref<2x2x4608xi32, #tpu.memory_space<vmem>> -> memref<1x2x4608xi32, #tpu.memory_space<vmem>>
      %dma_wait3A_96 = tpu.memref_squeeze %dma_wait3A_95 : memref<1x2x4608xi32, #tpu.memory_space<vmem>> -> memref<2x4608xi32, #tpu.memory_space<vmem>>
      %dma_wait3A_97 = arith.constant 0 : i32
      %dma_wait3A_98 = arith.constant 0 : i32
      %dma_wait3A_99 = tpu.memref_slice %arg4[%dma_wait3A_83, %dma_wait3A_97, %dma_wait3A_98] : memref<8x2x4608xi32, #tpu.memory_space<hbm>> -> memref<1x2x4608xi32, #tpu.memory_space<hbm>>
      %dma_wait3A_100 = tpu.memref_squeeze %dma_wait3A_99 : memref<1x2x4608xi32, #tpu.memory_space<hbm>> -> memref<2x4608xi32, #tpu.memory_space<hbm>>
      tpu.wait_dma2 semaphore(%arg17 : memref<!tpu.dma_semaphore, #tpu.memory_space<semaphore_mem>>) src(%dma_wait3A_100 : memref<2x4608xi32, #tpu.memory_space<hbm>>) dst(%dma_wait3A_96 : memref<2x4608xi32, #tpu.memory_space<vmem>>)
      %scan3A_101 = arith.constant 0 : i32
      %scan3A_102 = arith.constant 64 : i32
      %scan3A_103 = arith.addi %scan3A_101, %scan3A_102 : i32
      %scan3A_104 = arith.constant 1 : i32
      scf.for %scan3A_106 = %scan3A_101 to %scan3A_103 step %scan3A_104  : i32 {
        %mul3A_107 = arith.constant 1 : i32
        %mul3A_108 = arith.muli %scan3A_106, %mul3A_107 : i32
        %add3A_109 = arith.constant 0 : i32
        %add3A_110 = arith.addi %add3A_109, %mul3A_108 : i32
        %get3A = arith.index_cast %add3A_110 : i32 to index
        %get3A_111 = arith.constant 0 : index
        %get3A_112 = tpu.vector_load %arg8[%get3A, %get3A_111] {strides = array<i32>} : memref<64x16xf32, #tpu.memory_space<vmem>>, vector<16xf32>,
        %broadcast_in_dim3A_113 = arith.constant 1.000000e+00 : f32
        %broadcast_in_dim3A_114 = vector.broadcast %broadcast_in_dim3A_113 : f32 to vector<16xf32>
        %slice3A = vector.extract_strided_slice %get3A_112 {offsets = [0], sizes = [1], strides = [1]} : vector<16xf32> to vector<1xf32>
        %squeeze3A = vector.extract %slice3A[0] : f32 from vector<1xf32>
        %broadcast_in_dim3A_115 = vector.broadcast %squeeze3A : f32 to vector<16xf32>
        %add3A_116 = arith.constant 1.000000e-16 : f32
        %add3A_117 = vector.broadcast %add3A_116 : f32 to vector<16xf32>
        %add3A_118 = arith.addf %broadcast_in_dim3A_115, %add3A_117 : vector<16xf32>
        %div3A = arith.divf %broadcast_in_dim3A_114, %add3A_118 : vector<16xf32>
        %get3A_119 = arith.index_cast %add3A_110 : i32 to index
        %get3A_120 = arith.constant 0 : index
        %get3A_121 = tpu.vector_load %arg7[%get3A_119, %get3A_120] {strides = array<i32>} : memref<64x1024xf32, #tpu.memory_space<vmem>>, vector<16xf32>,
        %mul3A_122 = arith.mulf %get3A_121, %div3A : vector<16xf32>
        %swap3A = arith.index_cast %add3A_110 : i32 to index
        %swap3A_123 = arith.constant 0 : index
        %swap3A_124 = tpu.vector_load %arg7[%swap3A, %swap3A_123] {strides = array<i32>} : memref<64x1024xf32, #tpu.memory_space<vmem>>, vector<16xf32>,
        tpu.vector_store %arg7[%swap3A, %swap3A_123], %mul3A_122 {strides = array<i32>} : memref<64x1024xf32, #tpu.memory_space<vmem>>, vector<16xf32>,
        %get3A_125 = arith.index_cast %add3A_110 : i32 to index
        %get3A_126 = arith.constant 16 : index
        %get3A_127 = tpu.vector_load %arg7[%get3A_125, %get3A_126] {strides = array<i32>} : memref<64x1024xf32, #tpu.memory_space<vmem>>, vector<16xf32>,
        %mul3A_128 = arith.mulf %get3A_127, %div3A : vector<16xf32>
        %swap3A_129 = arith.index_cast %add3A_110 : i32 to index
        %swap3A_130 = arith.constant 16 : index
        %swap3A_131 = tpu.vector_load %arg7[%swap3A_129, %swap3A_130] {strides = array<i32>} : memref<64x1024xf32, #tpu.memory_space<vmem>>, vector<16xf32>,
        tpu.vector_store %arg7[%swap3A_129, %swap3A_130], %mul3A_128 {strides = array<i32>} : memref<64x1024xf32, #tpu.memory_space<vmem>>, vector<16xf32>,
        %get3A_132 = arith.index_cast %add3A_110 : i32 to index
        %get3A_133 = arith.constant 32 : index
        %get3A_134 = tpu.vector_load %arg7[%get3A_132, %get3A_133] {strides = array<i32>} : memref<64x1024xf32, #tpu.memory_space<vmem>>, vector<16xf32>,
        %mul3A_135 = arith.mulf %get3A_134, %div3A : vector<16xf32>
        %swap3A_136 = arith.index_cast %add3A_110 : i32 to index
        %swap3A_137 = arith.constant 32 : index
        %swap3A_138 = tpu.vector_load %arg7[%swap3A_136, %swap3A_137] {strides = array<i32>} : memref<64x1024xf32, #tpu.memory_space<vmem>>, vector<16xf32>,
        tpu.vector_store %arg7[%swap3A_136, %swap3A_137], %mul3A_135 {strides = array<i32>} : memref<64x1024xf32, #tpu.memory_space<vmem>>, vector<16xf32>,
        %get3A_139 = arith.index_cast %add3A_110 : i32 to index
        %get3A_140 = arith.constant 48 : index
        %get3A_141 = tpu.vector_load %arg7[%get3A_139, %get3A_140] {strides = array<i32>} : memref<64x1024xf32, #tpu.memory_space<vmem>>, vector<16xf32>,
        %mul3A_142 = arith.mulf %get3A_141, %div3A : vector<16xf32>
        %swap3A_143 = arith.index_cast %add3A_110 : i32 to index
        %swap3A_144 = arith.constant 48 : index
        %swap3A_145 = tpu.vector_load %arg7[%swap3A_143, %swap3A_144] {strides = array<i32>} : memref<64x1024xf32, #tpu.memory_space<vmem>>, vector<16xf32>,
        tpu.vector_store %arg7[%swap3A_143, %swap3A_144], %mul3A_142 {strides = array<i32>} : memref<64x1024xf32, #tpu.memory_space<vmem>>, vector<16xf32>,
        %get3A_146 = arith.index_cast %add3A_110 : i32 to index
        %get3A_147 = arith.constant 64 : index
        %get3A_148 = tpu.vector_load %arg7[%get3A_146, %get3A_147] {strides = array<i32>} : memref<64x1024xf32, #tpu.memory_space<vmem>>, vector<16xf32>,
        %mul3A_149 = arith.mulf %get3A_148, %div3A : vector<16xf32>
        %swap3A_150 = arith.index_cast %add3A_110 : i32 to index
        %swap3A_151 = arith.constant 64 : index
        %swap3A_152 = tpu.vector_load %arg7[%swap3A_150, %swap3A_151] {strides = array<i32>} : memref<64x1024xf32, #tpu.memory_space<vmem>>, vector<16xf32>,
        tpu.vector_store %arg7[%swap3A_150, %swap3A_151], %mul3A_149 {strides = array<i32>} : memref<64x1024xf32, #tpu.memory_space<vmem>>, vector<16xf32>,
        %get3A_153 = arith.index_cast %add3A_110 : i32 to index
        %get3A_154 = arith.constant 80 : index
        %get3A_155 = tpu.vector_load %arg7[%get3A_153, %get3A_154] {strides = array<i32>} : memref<64x1024xf32, #tpu.memory_space<vmem>>, vector<16xf32>,
        %mul3A_156 = arith.mulf %get3A_155, %div3A : vector<16xf32>
        %swap3A_157 = arith.index_cast %add3A_110 : i32 to index
        %swap3A_158 = arith.constant 80 : index
        %swap3A_159 = tpu.vector_load %arg7[%swap3A_157, %swap3A_158] {strides = array<i32>} : memref<64x1024xf32, #tpu.memory_space<vmem>>, vector<16xf32>,
        tpu.vector_store %arg7[%swap3A_157, %swap3A_158], %mul3A_156 {strides = array<i32>} : memref<64x1024xf32, #tpu.memory_space<vmem>>, vector<16xf32>,
        %get3A_160 = arith.index_cast %add3A_110 : i32 to index
        %get3A_161 = arith.constant 96 : index
        %get3A_162 = tpu.vector_load %arg7[%get3A_160, %get3A_161] {strides = array<i32>} : memref<64x1024xf32, #tpu.memory_space<vmem>>, vector<16xf32>,
        %mul3A_163 = arith.mulf %get3A_162, %div3A : vector<16xf32>
        %swap3A_164 = arith.index_cast %add3A_110 : i32 to index
        %swap3A_165 = arith.constant 96 : index
        %swap3A_166 = tpu.vector_load %arg7[%swap3A_164, %swap3A_165] {strides = array<i32>} : memref<64x1024xf32, #tpu.memory_space<vmem>>, vector<16xf32>,
        tpu.vector_store %arg7[%swap3A_164, %swap3A_165], %mul3A_163 {strides = array<i32>} : memref<64x1024xf32, #tpu.memory_space<vmem>>, vector<16xf32>,
        %get3A_167 = arith.index_cast %add3A_110 : i32 to index
        %get3A_168 = arith.constant 112 : index
        %get3A_169 = tpu.vector_load %arg7[%get3A_167, %get3A_168] {strides = array<i32>} : memref<64x1024xf32, #tpu.memory_space<vmem>>, vector<16xf32>,
        %mul3A_170 = arith.mulf %get3A_169, %div3A : vector<16xf32>
        %swap3A_171 = arith.index_cast %add3A_110 : i32 to index
        %swap3A_172 = arith.constant 112 : index
        %swap3A_173 = tpu.vector_load %arg7[%swap3A_171, %swap3A_172] {strides = array<i32>} : memref<64x1024xf32, #tpu.memory_space<vmem>>, vector<16xf32>,
        tpu.vector_store %arg7[%swap3A_171, %swap3A_172], %mul3A_170 {strides = array<i32>} : memref<64x1024xf32, #tpu.memory_space<vmem>>, vector<16xf32>,
        %get3A_174 = arith.index_cast %add3A_110 : i32 to index
        %get3A_175 = arith.constant 128 : index
        %get3A_176 = tpu.vector_load %arg7[%get3A_174, %get3A_175] {strides = array<i32>} : memref<64x1024xf32, #tpu.memory_space<vmem>>, vector<16xf32>,
        %mul3A_177 = arith.mulf %get3A_176, %div3A : vector<16xf32>
        %swap3A_178 = arith.index_cast %add3A_110 : i32 to index
        %swap3A_179 = arith.constant 128 : index
        %swap3A_180 = tpu.vector_load %arg7[%swap3A_178, %swap3A_179] {strides = array<i32>} : memref<64x1024xf32, #tpu.memory_space<vmem>>, vector<16xf32>,
        tpu.vector_store %arg7[%swap3A_178, %swap3A_179], %mul3A_177 {strides = array<i32>} : memref<64x1024xf32, #tpu.memory_space<vmem>>, vector<16xf32>,
        %get3A_181 = arith.index_cast %add3A_110 : i32 to index
        %get3A_182 = arith.constant 144 : index
        %get3A_183 = tpu.vector_load %arg7[%get3A_181, %get3A_182] {strides = array<i32>} : memref<64x1024xf32, #tpu.memory_space<vmem>>, vector<16xf32>,
        %mul3A_184 = arith.mulf %get3A_183, %div3A : vector<16xf32>
        %swap3A_185 = arith.index_cast %add3A_110 : i32 to index
        %swap3A_186 = arith.constant 144 : index
        %swap3A_187 = tpu.vector_load %arg7[%swap3A_185, %swap3A_186] {strides = array<i32>} : memref<64x1024xf32, #tpu.memory_space<vmem>>, vector<16xf32>,
        tpu.vector_store %arg7[%swap3A_185, %swap3A_186], %mul3A_184 {strides = array<i32>} : memref<64x1024xf32, #tpu.memory_space<vmem>>, vector<16xf32>,
        %get3A_188 = arith.index_cast %add3A_110 : i32 to index
        %get3A_189 = arith.constant 160 : index
        %get3A_190 = tpu.vector_load %arg7[%get3A_188, %get3A_189] {strides = array<i32>} : memref<64x1024xf32, #tpu.memory_space<vmem>>, vector<16xf32>,
        %mul3A_191 = arith.mulf %get3A_190, %div3A : vector<16xf32>
        %swap3A_192 = arith.index_cast %add3A_110 : i32 to index
        %swap3A_193 = arith.constant 160 : index
        %swap3A_194 = tpu.vector_load %arg7[%swap3A_192, %swap3A_193] {strides = array<i32>} : memref<64x1024xf32, #tpu.memory_space<vmem>>, vector<16xf32>,
        tpu.vector_store %arg7[%swap3A_192, %swap3A_193], %mul3A_191 {strides = array<i32>} : memref<64x1024xf32, #tpu.memory_space<vmem>>, vector<16xf32>,
        %get3A_195 = arith.index_cast %add3A_110 : i32 to index
        %get3A_196 = arith.constant 176 : index
        %get3A_197 = tpu.vector_load %arg7[%get3A_195, %get3A_196] {strides = array<i32>} : memref<64x1024xf32, #tpu.memory_space<vmem>>, vector<16xf32>,
        %mul3A_198 = arith.mulf %get3A_197, %div3A : vector<16xf32>
        %swap3A_199 = arith.index_cast %add3A_110 : i32 to index
        %swap3A_200 = arith.constant 176 : index
        %swap3A_201 = tpu.vector_load %arg7[%swap3A_199, %swap3A_200] {strides = array<i32>} : memref<64x1024xf32, #tpu.memory_space<vmem>>, vector<16xf32>,
        tpu.vector_store %arg7[%swap3A_199, %swap3A_200], %mul3A_198 {strides = array<i32>} : memref<64x1024xf32, #tpu.memory_space<vmem>>, vector<16xf32>,
        %get3A_202 = arith.index_cast %add3A_110 : i32 to index
        %get3A_203 = arith.constant 192 : index
        %get3A_204 = tpu.vector_load %arg7[%get3A_202, %get3A_203] {strides = array<i32>} : memref<64x1024xf32, #tpu.memory_space<vmem>>, vector<16xf32>,
        %mul3A_205 = arith.mulf %get3A_204, %div3A : vector<16xf32>
        %swap3A_206 = arith.index_cast %add3A_110 : i32 to index
        %swap3A_207 = arith.constant 192 : index
        %swap3A_208 = tpu.vector_load %arg7[%swap3A_206, %swap3A_207] {strides = array<i32>} : memref<64x1024xf32, #tpu.memory_space<vmem>>, vector<16xf32>,
        tpu.vector_store %arg7[%swap3A_206, %swap3A_207], %mul3A_205 {strides = array<i32>} : memref<64x1024xf32, #tpu.memory_space<vmem>>, vector<16xf32>,
        %get3A_209 = arith.index_cast %add3A_110 : i32 to index
        %get3A_210 = arith.constant 208 : index
        %get3A_211 = tpu.vector_load %arg7[%get3A_209, %get3A_210] {strides = array<i32>} : memref<64x1024xf32, #tpu.memory_space<vmem>>, vector<16xf32>,
        %mul3A_212 = arith.mulf %get3A_211, %div3A : vector<16xf32>
        %swap3A_213 = arith.index_cast %add3A_110 : i32 to index
        %swap3A_214 = arith.constant 208 : index
        %swap3A_215 = tpu.vector_load %arg7[%swap3A_213, %swap3A_214] {strides = array<i32>} : memref<64x1024xf32, #tpu.memory_space<vmem>>, vector<16xf32>,
        tpu.vector_store %arg7[%swap3A_213, %swap3A_214], %mul3A_212 {strides = array<i32>} : memref<64x1024xf32, #tpu.memory_space<vmem>>, vector<16xf32>,
        %get3A_216 = arith.index_cast %add3A_110 : i32 to index
        %get3A_217 = arith.constant 224 : index
        %get3A_218 = tpu.vector_load %arg7[%get3A_216, %get3A_217] {strides = array<i32>} : memref<64x1024xf32, #tpu.memory_space<vmem>>, vector<16xf32>,
        %mul3A_219 = arith.mulf %get3A_218, %div3A : vector<16xf32>
        %swap3A_220 = arith.index_cast %add3A_110 : i32 to index
        %swap3A_221 = arith.constant 224 : index
        %swap3A_222 = tpu.vector_load %arg7[%swap3A_220, %swap3A_221] {strides = array<i32>} : memref<64x1024xf32, #tpu.memory_space<vmem>>, vector<16xf32>,
        tpu.vector_store %arg7[%swap3A_220, %swap3A_221], %mul3A_219 {strides = array<i32>} : memref<64x1024xf32, #tpu.memory_space<vmem>>, vector<16xf32>,
        %get3A_223 = arith.index_cast %add3A_110 : i32 to index
        %get3A_224 = arith.constant 240 : index
        %get3A_225 = tpu.vector_load %arg7[%get3A_223, %get3A_224] {strides = array<i32>} : memref<64x1024xf32, #tpu.memory_space<vmem>>, vector<16xf32>,
        %mul3A_226 = arith.mulf %get3A_225, %div3A : vector<16xf32>
        %swap3A_227 = arith.index_cast %add3A_110 : i32 to index
        %swap3A_228 = arith.constant 240 : index
        %swap3A_229 = tpu.vector_load %arg7[%swap3A_227, %swap3A_228] {strides = array<i32>} : memref<64x1024xf32, #tpu.memory_space<vmem>>, vector<16xf32>,
        tpu.vector_store %arg7[%swap3A_227, %swap3A_228], %mul3A_226 {strides = array<i32>} : memref<64x1024xf32, #tpu.memory_space<vmem>>, vector<16xf32>,
        %slice3A_230 = vector.extract_strided_slice %get3A_112 {offsets = [1], sizes = [1], strides = [1]} : vector<16xf32> to vector<1xf32>
        %squeeze3A_231 = vector.extract %slice3A_230[0] : f32 from vector<1xf32>
        %broadcast_in_dim3A_232 = vector.broadcast %squeeze3A_231 : f32 to vector<16xf32>
        %add3A_233 = arith.constant 1.000000e-16 : f32
        %add3A_234 = vector.broadcast %add3A_233 : f32 to vector<16xf32>
        %add3A_235 = arith.addf %broadcast_in_dim3A_232, %add3A_234 : vector<16xf32>
        %div3A_236 = arith.divf %broadcast_in_dim3A_114, %add3A_235 : vector<16xf32>
        %get3A_237 = arith.index_cast %add3A_110 : i32 to index
        %get3A_238 = arith.constant 256 : index
        %get3A_239 = tpu.vector_load %arg7[%get3A_237, %get3A_238] {strides = array<i32>} : memref<64x1024xf32, #tpu.memory_space<vmem>>, vector<16xf32>,
        %mul3A_240 = arith.mulf %get3A_239, %div3A_236 : vector<16xf32>
        %swap3A_241 = arith.index_cast %add3A_110 : i32 to index
        %swap3A_242 = arith.constant 256 : index
        %swap3A_243 = tpu.vector_load %arg7[%swap3A_241, %swap3A_242] {strides = array<i32>} : memref<64x1024xf32, #tpu.memory_space<vmem>>, vector<16xf32>,
        tpu.vector_store %arg7[%swap3A_241, %swap3A_242], %mul3A_240 {strides = array<i32>} : memref<64x1024xf32, #tpu.memory_space<vmem>>, vector<16xf32>,
        %get3A_244 = arith.index_cast %add3A_110 : i32 to index
        %get3A_245 = arith.constant 272 : index
        %get3A_246 = tpu.vector_load %arg7[%get3A_244, %get3A_245] {strides = array<i32>} : memref<64x1024xf32, #tpu.memory_space<vmem>>, vector<16xf32>,
        %mul3A_247 = arith.mulf %get3A_246, %div3A_236 : vector<16xf32>
        %swap3A_248 = arith.index_cast %add3A_110 : i32 to index
        %swap3A_249 = arith.constant 272 : index
        %swap3A_250 = tpu.vector_load %arg7[%swap3A_248, %swap3A_249] {strides = array<i32>} : memref<64x1024xf32, #tpu.memory_space<vmem>>, vector<16xf32>,
        tpu.vector_store %arg7[%swap3A_248, %swap3A_249], %mul3A_247 {strides = array<i32>} : memref<64x1024xf32, #tpu.memory_space<vmem>>, vector<16xf32>,
        %get3A_251 = arith.index_cast %add3A_110 : i32 to index
        %get3A_252 = arith.constant 288 : index
        %get3A_253 = tpu.vector_load %arg7[%get3A_251, %get3A_252] {strides = array<i32>} : memref<64x1024xf32, #tpu.memory_space<vmem>>, vector<16xf32>,
        %mul3A_254 = arith.mulf %get3A_253, %div3A_236 : vector<16xf32>
        %swap3A_255 = arith.index_cast %add3A_110 : i32 to index
        %swap3A_256 = arith.constant 288 : index
        %swap3A_257 = tpu.vector_load %arg7[%swap3A_255, %swap3A_256] {strides = array<i32>} : memref<64x1024xf32, #tpu.memory_space<vmem>>, vector<16xf32>,
        tpu.vector_store %arg7[%swap3A_255, %swap3A_256], %mul3A_254 {strides = array<i32>} : memref<64x1024xf32, #tpu.memory_space<vmem>>, vector<16xf32>,
        %get3A_258 = arith.index_cast %add3A_110 : i32 to index
        %get3A_259 = arith.constant 304 : index
        %get3A_260 = tpu.vector_load %arg7[%get3A_258, %get3A_259] {strides = array<i32>} : memref<64x1024xf32, #tpu.memory_space<vmem>>, vector<16xf32>,
        %mul3A_261 = arith.mulf %get3A_260, %div3A_236 : vector<16xf32>
        %swap3A_262 = arith.index_cast %add3A_110 : i32 to index
        %swap3A_263 = arith.constant 304 : index
        %swap3A_264 = tpu.vector_load %arg7[%swap3A_262, %swap3A_263] {strides = array<i32>} : memref<64x1024xf32, #tpu.memory_space<vmem>>, vector<16xf32>,
        tpu.vector_store %arg7[%swap3A_262, %swap3A_263], %mul3A_261 {strides = array<i32>} : memref<64x1024xf32, #tpu.memory_space<vmem>>, vector<16xf32>,
        %get3A_265 = arith.index_cast %add3A_110 : i32 to index
        %get3A_266 = arith.constant 320 : index
        %get3A_267 = tpu.vector_load %arg7[%get3A_265, %get3A_266] {strides = array<i32>} : memref<64x1024xf32, #tpu.memory_space<vmem>>, vector<16xf32>,
        %mul3A_268 = arith.mulf %get3A_267, %div3A_236 : vector<16xf32>
        %swap3A_269 = arith.index_cast %add3A_110 : i32 to index
        %swap3A_270 = arith.constant 320 : index
        %swap3A_271 = tpu.vector_load %arg7[%swap3A_269, %swap3A_270] {strides = array<i32>} : memref<64x1024xf32, #tpu.memory_space<vmem>>, vector<16xf32>,
        tpu.vector_store %arg7[%swap3A_269, %swap3A_270], %mul3A_268 {strides = array<i32>} : memref<64x1024xf32, #tpu.memory_space<vmem>>, vector<16xf32>,
        %get3A_272 = arith.index_cast %add3A_110 : i32 to index
        %get3A_273 = arith.constant 336 : index
        %get3A_274 = tpu.vector_load %arg7[%get3A_272, %get3A_273] {strides = array<i32>} : memref<64x1024xf32, #tpu.memory_space<vmem>>, vector<16xf32>,
        %mul3A_275 = arith.mulf %get3A_274, %div3A_236 : vector<16xf32>
        %swap3A_276 = arith.index_cast %add3A_110 : i32 to index
        %swap3A_277 = arith.constant 336 : index
        %swap3A_278 = tpu.vector_load %arg7[%swap3A_276, %swap3A_277] {strides = array<i32>} : memref<64x1024xf32, #tpu.memory_space<vmem>>, vector<16xf32>,
        tpu.vector_store %arg7[%swap3A_276, %swap3A_277], %mul3A_275 {strides = array<i32>} : memref<64x1024xf32, #tpu.memory_space<vmem>>, vector<16xf32>,
        %get3A_279 = arith.index_cast %add3A_110 : i32 to index
        %get3A_280 = arith.constant 352 : index
        %get3A_281 = tpu.vector_load %arg7[%get3A_279, %get3A_280] {strides = array<i32>} : memref<64x1024xf32, #tpu.memory_space<vmem>>, vector<16xf32>,
        %mul3A_282 = arith.mulf %get3A_281, %div3A_236 : vector<16xf32>
        %swap3A_283 = arith.index_cast %add3A_110 : i32 to index
        %swap3A_284 = arith.constant 352 : index
        %swap3A_285 = tpu.vector_load %arg7[%swap3A_283, %swap3A_284] {strides = array<i32>} : memref<64x1024xf32, #tpu.memory_space<vmem>>, vector<16xf32>,
        tpu.vector_store %arg7[%swap3A_283, %swap3A_284], %mul3A_282 {strides = array<i32>} : memref<64x1024xf32, #tpu.memory_space<vmem>>, vector<16xf32>,
        %get3A_286 = arith.index_cast %add3A_110 : i32 to index
        %get3A_287 = arith.constant 368 : index
        %get3A_288 = tpu.vector_load %arg7[%get3A_286, %get3A_287] {strides = array<i32>} : memref<64x1024xf32, #tpu.memory_space<vmem>>, vector<16xf32>,
        %mul3A_289 = arith.mulf %get3A_288, %div3A_236 : vector<16xf32>
        %swap3A_290 = arith.index_cast %add3A_110 : i32 to index
        %swap3A_291 = arith.constant 368 : index
        %swap3A_292 = tpu.vector_load %arg7[%swap3A_290, %swap3A_291] {strides = array<i32>} : memref<64x1024xf32, #tpu.memory_space<vmem>>, vector<16xf32>,
        tpu.vector_store %arg7[%swap3A_290, %swap3A_291], %mul3A_289 {strides = array<i32>} : memref<64x1024xf32, #tpu.memory_space<vmem>>, vector<16xf32>,
        %get3A_293 = arith.index_cast %add3A_110 : i32 to index
        %get3A_294 = arith.constant 384 : index
        %get3A_295 = tpu.vector_load %arg7[%get3A_293, %get3A_294] {strides = array<i32>} : memref<64x1024xf32, #tpu.memory_space<vmem>>, vector<16xf32>,
        %mul3A_296 = arith.mulf %get3A_295, %div3A_236 : vector<16xf32>
        %swap3A_297 = arith.index_cast %add3A_110 : i32 to index
        %swap3A_298 = arith.constant 384 : index
        %swap3A_299 = tpu.vector_load %arg7[%swap3A_297, %swap3A_298] {strides = array<i32>} : memref<64x1024xf32, #tpu.memory_space<vmem>>, vector<16xf32>,
        tpu.vector_store %arg7[%swap3A_297, %swap3A_298], %mul3A_296 {strides = array<i32>} : memref<64x1024xf32, #tpu.memory_space<vmem>>, vector<16xf32>,
        %get3A_300 = arith.index_cast %add3A_110 : i32 to index
        %get3A_301 = arith.constant 400 : index
        %get3A_302 = tpu.vector_load %arg7[%get3A_300, %get3A_301] {strides = array<i32>} : memref<64x1024xf32, #tpu.memory_space<vmem>>, vector<16xf32>,
        %mul3A_303 = arith.mulf %get3A_302, %div3A_236 : vector<16xf32>
        %swap3A_304 = arith.index_cast %add3A_110 : i32 to index
        %swap3A_305 = arith.constant 400 : index
        %swap3A_306 = tpu.vector_load %arg7[%swap3A_304, %swap3A_305] {strides = array<i32>} : memref<64x1024xf32, #tpu.memory_space<vmem>>, vector<16xf32>,
        tpu.vector_store %arg7[%swap3A_304, %swap3A_305], %mul3A_303 {strides = array<i32>} : memref<64x1024xf32, #tpu.memory_space<vmem>>, vector<16xf32>,
        %get3A_307 = arith.index_cast %add3A_110 : i32 to index
        %get3A_308 = arith.constant 416 : index
        %get3A_309 = tpu.vector_load %arg7[%get3A_307, %get3A_308] {strides = array<i32>} : memref<64x1024xf32, #tpu.memory_space<vmem>>, vector<16xf32>,
        %mul3A_310 = arith.mulf %get3A_309, %div3A_236 : vector<16xf32>
        %swap3A_311 = arith.index_cast %add3A_110 : i32 to index
        %swap3A_312 = arith.constant 416 : index
        %swap3A_313 = tpu.vector_load %arg7[%swap3A_311, %swap3A_312] {strides = array<i32>} : memref<64x1024xf32, #tpu.memory_space<vmem>>, vector<16xf32>,
        tpu.vector_store %arg7[%swap3A_311, %swap3A_312], %mul3A_310 {strides = array<i32>} : memref<64x1024xf32, #tpu.memory_space<vmem>>, vector<16xf32>,
        %get3A_314 = arith.index_cast %add3A_110 : i32 to index
        %get3A_315 = arith.constant 432 : index
        %get3A_316 = tpu.vector_load %arg7[%get3A_314, %get3A_315] {strides = array<i32>} : memref<64x1024xf32, #tpu.memory_space<vmem>>, vector<16xf32>,
        %mul3A_317 = arith.mulf %get3A_316, %div3A_236 : vector<16xf32>
        %swap3A_318 = arith.index_cast %add3A_110 : i32 to index
        %swap3A_319 = arith.constant 432 : index
        %swap3A_320 = tpu.vector_load %arg7[%swap3A_318, %swap3A_319] {strides = array<i32>} : memref<64x1024xf32, #tpu.memory_space<vmem>>, vector<16xf32>,
        tpu.vector_store %arg7[%swap3A_318, %swap3A_319], %mul3A_317 {strides = array<i32>} : memref<64x1024xf32, #tpu.memory_space<vmem>>, vector<16xf32>,
        %get3A_321 = arith.index_cast %add3A_110 : i32 to index
        %get3A_322 = arith.constant 448 : index
        %get3A_323 = tpu.vector_load %arg7[%get3A_321, %get3A_322] {strides = array<i32>} : memref<64x1024xf32, #tpu.memory_space<vmem>>, vector<16xf32>,
        %mul3A_324 = arith.mulf %get3A_323, %div3A_236 : vector<16xf32>
        %swap3A_325 = arith.index_cast %add3A_110 : i32 to index
        %swap3A_326 = arith.constant 448 : index
        %swap3A_327 = tpu.vector_load %arg7[%swap3A_325, %swap3A_326] {strides = array<i32>} : memref<64x1024xf32, #tpu.memory_space<vmem>>, vector<16xf32>,
        tpu.vector_store %arg7[%swap3A_325, %swap3A_326], %mul3A_324 {strides = array<i32>} : memref<64x1024xf32, #tpu.memory_space<vmem>>, vector<16xf32>,
        %get3A_328 = arith.index_cast %add3A_110 : i32 to index
        %get3A_329 = arith.constant 464 : index
        %get3A_330 = tpu.vector_load %arg7[%get3A_328, %get3A_329] {strides = array<i32>} : memref<64x1024xf32, #tpu.memory_space<vmem>>, vector<16xf32>,
        %mul3A_331 = arith.mulf %get3A_330, %div3A_236 : vector<16xf32>
        %swap3A_332 = arith.index_cast %add3A_110 : i32 to index
        %swap3A_333 = arith.constant 464 : index
        %swap3A_334 = tpu.vector_load %arg7[%swap3A_332, %swap3A_333] {strides = array<i32>} : memref<64x1024xf32, #tpu.memory_space<vmem>>, vector<16xf32>,
        tpu.vector_store %arg7[%swap3A_332, %swap3A_333], %mul3A_331 {strides = array<i32>} : memref<64x1024xf32, #tpu.memory_space<vmem>>, vector<16xf32>,
        %get3A_335 = arith.index_cast %add3A_110 : i32 to index
        %get3A_336 = arith.constant 480 : index
        %get3A_337 = tpu.vector_load %arg7[%get3A_335, %get3A_336] {strides = array<i32>} : memref<64x1024xf32, #tpu.memory_space<vmem>>, vector<16xf32>,
        %mul3A_338 = arith.mulf %get3A_337, %div3A_236 : vector<16xf32>
        %swap3A_339 = arith.index_cast %add3A_110 : i32 to index
        %swap3A_340 = arith.constant 480 : index
        %swap3A_341 = tpu.vector_load %arg7[%swap3A_339, %swap3A_340] {strides = array<i32>} : memref<64x1024xf32, #tpu.memory_space<vmem>>, vector<16xf32>,
        tpu.vector_store %arg7[%swap3A_339, %swap3A_340], %mul3A_338 {strides = array<i32>} : memref<64x1024xf32, #tpu.memory_space<vmem>>, vector<16xf32>,
        %get3A_342 = arith.index_cast %add3A_110 : i32 to index
        %get3A_343 = arith.constant 496 : index
        %get3A_344 = tpu.vector_load %arg7[%get3A_342, %get3A_343] {strides = array<i32>} : memref<64x1024xf32, #tpu.memory_space<vmem>>, vector<16xf32>,
        %mul3A_345 = arith.mulf %get3A_344, %div3A_236 : vector<16xf32>
        %swap3A_346 = arith.index_cast %add3A_110 : i32 to index
        %swap3A_347 = arith.constant 496 : index
        %swap3A_348 = tpu.vector_load %arg7[%swap3A_346, %swap3A_347] {strides = array<i32>} : memref<64x1024xf32, #tpu.memory_space<vmem>>, vector<16xf32>,
        tpu.vector_store %arg7[%swap3A_346, %swap3A_347], %mul3A_345 {strides = array<i32>} : memref<64x1024xf32, #tpu.memory_space<vmem>>, vector<16xf32>,
        %slice3A_349 = vector.extract_strided_slice %get3A_112 {offsets = [2], sizes = [1], strides = [1]} : vector<16xf32> to vector<1xf32>
        %squeeze3A_350 = vector.extract %slice3A_349[0] : f32 from vector<1xf32>
        %broadcast_in_dim3A_351 = vector.broadcast %squeeze3A_350 : f32 to vector<16xf32>
        %add3A_352 = arith.constant 1.000000e-16 : f32
        %add3A_353 = vector.broadcast %add3A_352 : f32 to vector<16xf32>
        %add3A_354 = arith.addf %broadcast_in_dim3A_351, %add3A_353 : vector<16xf32>
        %div3A_355 = arith.divf %broadcast_in_dim3A_114, %add3A_354 : vector<16xf32>
        %get3A_356 = arith.index_cast %add3A_110 : i32 to index
        %get3A_357 = arith.constant 512 : index
        %get3A_358 = tpu.vector_load %arg7[%get3A_356, %get3A_357] {strides = array<i32>} : memref<64x1024xf32, #tpu.memory_space<vmem>>, vector<16xf32>,
        %mul3A_359 = arith.mulf %get3A_358, %div3A_355 : vector<16xf32>
        %swap3A_360 = arith.index_cast %add3A_110 : i32 to index
        %swap3A_361 = arith.constant 512 : index
        %swap3A_362 = tpu.vector_load %arg7[%swap3A_360, %swap3A_361] {strides = array<i32>} : memref<64x1024xf32, #tpu.memory_space<vmem>>, vector<16xf32>,
        tpu.vector_store %arg7[%swap3A_360, %swap3A_361], %mul3A_359 {strides = array<i32>} : memref<64x1024xf32, #tpu.memory_space<vmem>>, vector<16xf32>,
        %get3A_363 = arith.index_cast %add3A_110 : i32 to index
        %get3A_364 = arith.constant 528 : index
        %get3A_365 = tpu.vector_load %arg7[%get3A_363, %get3A_364] {strides = array<i32>} : memref<64x1024xf32, #tpu.memory_space<vmem>>, vector<16xf32>,
        %mul3A_366 = arith.mulf %get3A_365, %div3A_355 : vector<16xf32>
        %swap3A_367 = arith.index_cast %add3A_110 : i32 to index
        %swap3A_368 = arith.constant 528 : index
        %swap3A_369 = tpu.vector_load %arg7[%swap3A_367, %swap3A_368] {strides = array<i32>} : memref<64x1024xf32, #tpu.memory_space<vmem>>, vector<16xf32>,
        tpu.vector_store %arg7[%swap3A_367, %swap3A_368], %mul3A_366 {strides = array<i32>} : memref<64x1024xf32, #tpu.memory_space<vmem>>, vector<16xf32>,
        %get3A_370 = arith.index_cast %add3A_110 : i32 to index
        %get3A_371 = arith.constant 544 : index
        %get3A_372 = tpu.vector_load %arg7[%get3A_370, %get3A_371] {strides = array<i32>} : memref<64x1024xf32, #tpu.memory_space<vmem>>, vector<16xf32>,
        %mul3A_373 = arith.mulf %get3A_372, %div3A_355 : vector<16xf32>
        %swap3A_374 = arith.index_cast %add3A_110 : i32 to index
        %swap3A_375 = arith.constant 544 : index
        %swap3A_376 = tpu.vector_load %arg7[%swap3A_374, %swap3A_375] {strides = array<i32>} : memref<64x1024xf32, #tpu.memory_space<vmem>>, vector<16xf32>,
        tpu.vector_store %arg7[%swap3A_374, %swap3A_375], %mul3A_373 {strides = array<i32>} : memref<64x1024xf32, #tpu.memory_space<vmem>>, vector<16xf32>,
        %get3A_377 = arith.index_cast %add3A_110 : i32 to index
        %get3A_378 = arith.constant 560 : index
        %get3A_379 = tpu.vector_load %arg7[%get3A_377, %get3A_378] {strides = array<i32>} : memref<64x1024xf32, #tpu.memory_space<vmem>>, vector<16xf32>,
        %mul3A_380 = arith.mulf %get3A_379, %div3A_355 : vector<16xf32>
        %swap3A_381 = arith.index_cast %add3A_110 : i32 to index
        %swap3A_382 = arith.constant 560 : index
        %swap3A_383 = tpu.vector_load %arg7[%swap3A_381, %swap3A_382] {strides = array<i32>} : memref<64x1024xf32, #tpu.memory_space<vmem>>, vector<16xf32>,
        tpu.vector_store %arg7[%swap3A_381, %swap3A_382], %mul3A_380 {strides = array<i32>} : memref<64x1024xf32, #tpu.memory_space<vmem>>, vector<16xf32>,
        %get3A_384 = arith.index_cast %add3A_110 : i32 to index
        %get3A_385 = arith.constant 576 : index
        %get3A_386 = tpu.vector_load %arg7[%get3A_384, %get3A_385] {strides = array<i32>} : memref<64x1024xf32, #tpu.memory_space<vmem>>, vector<16xf32>,
        %mul3A_387 = arith.mulf %get3A_386, %div3A_355 : vector<16xf32>
        %swap3A_388 = arith.index_cast %add3A_110 : i32 to index
        %swap3A_389 = arith.constant 576 : index
        %swap3A_390 = tpu.vector_load %arg7[%swap3A_388, %swap3A_389] {strides = array<i32>} : memref<64x1024xf32, #tpu.memory_space<vmem>>, vector<16xf32>,
        tpu.vector_store %arg7[%swap3A_388, %swap3A_389], %mul3A_387 {strides = array<i32>} : memref<64x1024xf32, #tpu.memory_space<vmem>>, vector<16xf32>,
        %get3A_391 = arith.index_cast %add3A_110 : i32 to index
        %get3A_392 = arith.constant 592 : index
        %get3A_393 = tpu.vector_load %arg7[%get3A_391, %get3A_392] {strides = array<i32>} : memref<64x1024xf32, #tpu.memory_space<vmem>>, vector<16xf32>,
        %mul3A_394 = arith.mulf %get3A_393, %div3A_355 : vector<16xf32>
        %swap3A_395 = arith.index_cast %add3A_110 : i32 to index
        %swap3A_396 = arith.constant 592 : index
        %swap3A_397 = tpu.vector_load %arg7[%swap3A_395, %swap3A_396] {strides = array<i32>} : memref<64x1024xf32, #tpu.memory_space<vmem>>, vector<16xf32>,
        tpu.vector_store %arg7[%swap3A_395, %swap3A_396], %mul3A_394 {strides = array<i32>} : memref<64x1024xf32, #tpu.memory_space<vmem>>, vector<16xf32>,
        %get3A_398 = arith.index_cast %add3A_110 : i32 to index
        %get3A_399 = arith.constant 608 : index
        %get3A_400 = tpu.vector_load %arg7[%get3A_398, %get3A_399] {strides = array<i32>} : memref<64x1024xf32, #tpu.memory_space<vmem>>, vector<16xf32>,
        %mul3A_401 = arith.mulf %get3A_400, %div3A_355 : vector<16xf32>
        %swap3A_402 = arith.index_cast %add3A_110 : i32 to index
        %swap3A_403 = arith.constant 608 : index
        %swap3A_404 = tpu.vector_load %arg7[%swap3A_402, %swap3A_403] {strides = array<i32>} : memref<64x1024xf32, #tpu.memory_space<vmem>>, vector<16xf32>,
        tpu.vector_store %arg7[%swap3A_402, %swap3A_403], %mul3A_401 {strides = array<i32>} : memref<64x1024xf32, #tpu.memory_space<vmem>>, vector<16xf32>,
        %get3A_405 = arith.index_cast %add3A_110 : i32 to index
        %get3A_406 = arith.constant 624 : index
        %get3A_407 = tpu.vector_load %arg7[%get3A_405, %get3A_406] {strides = array<i32>} : memref<64x1024xf32, #tpu.memory_space<vmem>>, vector<16xf32>,
        %mul3A_408 = arith.mulf %get3A_407, %div3A_355 : vector<16xf32>
        %swap3A_409 = arith.index_cast %add3A_110 : i32 to index
        %swap3A_410 = arith.constant 624 : index
        %swap3A_411 = tpu.vector_load %arg7[%swap3A_409, %swap3A_410] {strides = array<i32>} : memref<64x1024xf32, #tpu.memory_space<vmem>>, vector<16xf32>,
        tpu.vector_store %arg7[%swap3A_409, %swap3A_410], %mul3A_408 {strides = array<i32>} : memref<64x1024xf32, #tpu.memory_space<vmem>>, vector<16xf32>,
        %get3A_412 = arith.index_cast %add3A_110 : i32 to index
        %get3A_413 = arith.constant 640 : index
        %get3A_414 = tpu.vector_load %arg7[%get3A_412, %get3A_413] {strides = array<i32>} : memref<64x1024xf32, #tpu.memory_space<vmem>>, vector<16xf32>,
        %mul3A_415 = arith.mulf %get3A_414, %div3A_355 : vector<16xf32>
        %swap3A_416 = arith.index_cast %add3A_110 : i32 to index
        %swap3A_417 = arith.constant 640 : index
        %swap3A_418 = tpu.vector_load %arg7[%swap3A_416, %swap3A_417] {strides = array<i32>} : memref<64x1024xf32, #tpu.memory_space<vmem>>, vector<16xf32>,
        tpu.vector_store %arg7[%swap3A_416, %swap3A_417], %mul3A_415 {strides = array<i32>} : memref<64x1024xf32, #tpu.memory_space<vmem>>, vector<16xf32>,
        %get3A_419 = arith.index_cast %add3A_110 : i32 to index
        %get3A_420 = arith.constant 656 : index
        %get3A_421 = tpu.vector_load %arg7[%get3A_419, %get3A_420] {strides = array<i32>} : memref<64x1024xf32, #tpu.memory_space<vmem>>, vector<16xf32>,
        %mul3A_422 = arith.mulf %get3A_421, %div3A_355 : vector<16xf32>
        %swap3A_423 = arith.index_cast %add3A_110 : i32 to index
        %swap3A_424 = arith.constant 656 : index
        %swap3A_425 = tpu.vector_load %arg7[%swap3A_423, %swap3A_424] {strides = array<i32>} : memref<64x1024xf32, #tpu.memory_space<vmem>>, vector<16xf32>,
        tpu.vector_store %arg7[%swap3A_423, %swap3A_424], %mul3A_422 {strides = array<i32>} : memref<64x1024xf32, #tpu.memory_space<vmem>>, vector<16xf32>,
        %get3A_426 = arith.index_cast %add3A_110 : i32 to index
        %get3A_427 = arith.constant 672 : index
        %get3A_428 = tpu.vector_load %arg7[%get3A_426, %get3A_427] {strides = array<i32>} : memref<64x1024xf32, #tpu.memory_space<vmem>>, vector<16xf32>,
        %mul3A_429 = arith.mulf %get3A_428, %div3A_355 : vector<16xf32>
        %swap3A_430 = arith.index_cast %add3A_110 : i32 to index
        %swap3A_431 = arith.constant 672 : index
        %swap3A_432 = tpu.vector_load %arg7[%swap3A_430, %swap3A_431] {strides = array<i32>} : memref<64x1024xf32, #tpu.memory_space<vmem>>, vector<16xf32>,
        tpu.vector_store %arg7[%swap3A_430, %swap3A_431], %mul3A_429 {strides = array<i32>} : memref<64x1024xf32, #tpu.memory_space<vmem>>, vector<16xf32>,
        %get3A_433 = arith.index_cast %add3A_110 : i32 to index
        %get3A_434 = arith.constant 688 : index
        %get3A_435 = tpu.vector_load %arg7[%get3A_433, %get3A_434] {strides = array<i32>} : memref<64x1024xf32, #tpu.memory_space<vmem>>, vector<16xf32>,
        %mul3A_436 = arith.mulf %get3A_435, %div3A_355 : vector<16xf32>
        %swap3A_437 = arith.index_cast %add3A_110 : i32 to index
        %swap3A_438 = arith.constant 688 : index
        %swap3A_439 = tpu.vector_load %arg7[%swap3A_437, %swap3A_438] {strides = array<i32>} : memref<64x1024xf32, #tpu.memory_space<vmem>>, vector<16xf32>,
        tpu.vector_store %arg7[%swap3A_437, %swap3A_438], %mul3A_436 {strides = array<i32>} : memref<64x1024xf32, #tpu.memory_space<vmem>>, vector<16xf32>,
        %get3A_440 = arith.index_cast %add3A_110 : i32 to index
        %get3A_441 = arith.constant 704 : index
        %get3A_442 = tpu.vector_load %arg7[%get3A_440, %get3A_441] {strides = array<i32>} : memref<64x1024xf32, #tpu.memory_space<vmem>>, vector<16xf32>,
        %mul3A_443 = arith.mulf %get3A_442, %div3A_355 : vector<16xf32>
        %swap3A_444 = arith.index_cast %add3A_110 : i32 to index
        %swap3A_445 = arith.constant 704 : index
        %swap3A_446 = tpu.vector_load %arg7[%swap3A_444, %swap3A_445] {strides = array<i32>} : memref<64x1024xf32, #tpu.memory_space<vmem>>, vector<16xf32>,
        tpu.vector_store %arg7[%swap3A_444, %swap3A_445], %mul3A_443 {strides = array<i32>} : memref<64x1024xf32, #tpu.memory_space<vmem>>, vector<16xf32>,
        %get3A_447 = arith.index_cast %add3A_110 : i32 to index
        %get3A_448 = arith.constant 720 : index
        %get3A_449 = tpu.vector_load %arg7[%get3A_447, %get3A_448] {strides = array<i32>} : memref<64x1024xf32, #tpu.memory_space<vmem>>, vector<16xf32>,
        %mul3A_450 = arith.mulf %get3A_449, %div3A_355 : vector<16xf32>
        %swap3A_451 = arith.index_cast %add3A_110 : i32 to index
        %swap3A_452 = arith.constant 720 : index
        %swap3A_453 = tpu.vector_load %arg7[%swap3A_451, %swap3A_452] {strides = array<i32>} : memref<64x1024xf32, #tpu.memory_space<vmem>>, vector<16xf32>,
        tpu.vector_store %arg7[%swap3A_451, %swap3A_452], %mul3A_450 {strides = array<i32>} : memref<64x1024xf32, #tpu.memory_space<vmem>>, vector<16xf32>,
        %get3A_454 = arith.index_cast %add3A_110 : i32 to index
        %get3A_455 = arith.constant 736 : index
        %get3A_456 = tpu.vector_load %arg7[%get3A_454, %get3A_455] {strides = array<i32>} : memref<64x1024xf32, #tpu.memory_space<vmem>>, vector<16xf32>,
        %mul3A_457 = arith.mulf %get3A_456, %div3A_355 : vector<16xf32>
        %swap3A_458 = arith.index_cast %add3A_110 : i32 to index
        %swap3A_459 = arith.constant 736 : index
        %swap3A_460 = tpu.vector_load %arg7[%swap3A_458, %swap3A_459] {strides = array<i32>} : memref<64x1024xf32, #tpu.memory_space<vmem>>, vector<16xf32>,
        tpu.vector_store %arg7[%swap3A_458, %swap3A_459], %mul3A_457 {strides = array<i32>} : memref<64x1024xf32, #tpu.memory_space<vmem>>, vector<16xf32>,
        %get3A_461 = arith.index_cast %add3A_110 : i32 to index
        %get3A_462 = arith.constant 752 : index
        %get3A_463 = tpu.vector_load %arg7[%get3A_461, %get3A_462] {strides = array<i32>} : memref<64x1024xf32, #tpu.memory_space<vmem>>, vector<16xf32>,
        %mul3A_464 = arith.mulf %get3A_463, %div3A_355 : vector<16xf32>
        %swap3A_465 = arith.index_cast %add3A_110 : i32 to index
        %swap3A_466 = arith.constant 752 : index
        %swap3A_467 = tpu.vector_load %arg7[%swap3A_465, %swap3A_466] {strides = array<i32>} : memref<64x1024xf32, #tpu.memory_space<vmem>>, vector<16xf32>,
        tpu.vector_store %arg7[%swap3A_465, %swap3A_466], %mul3A_464 {strides = array<i32>} : memref<64x1024xf32, #tpu.memory_space<vmem>>, vector<16xf32>,
        %slice3A_468 = vector.extract_strided_slice %get3A_112 {offsets = [3], sizes = [1], strides = [1]} : vector<16xf32> to vector<1xf32>
        %squeeze3A_469 = vector.extract %slice3A_468[0] : f32 from vector<1xf32>
        %broadcast_in_dim3A_470 = vector.broadcast %squeeze3A_469 : f32 to vector<16xf32>
        %add3A_471 = arith.constant 1.000000e-16 : f32
        %add3A_472 = vector.broadcast %add3A_471 : f32 to vector<16xf32>
        %add3A_473 = arith.addf %broadcast_in_dim3A_470, %add3A_472 : vector<16xf32>
        %div3A_474 = arith.divf %broadcast_in_dim3A_114, %add3A_473 : vector<16xf32>
        %get3A_475 = arith.index_cast %add3A_110 : i32 to index
        %get3A_476 = arith.constant 768 : index
        %get3A_477 = tpu.vector_load %arg7[%get3A_475, %get3A_476] {strides = array<i32>} : memref<64x1024xf32, #tpu.memory_space<vmem>>, vector<16xf32>,
        %mul3A_478 = arith.mulf %get3A_477, %div3A_474 : vector<16xf32>
        %swap3A_479 = arith.index_cast %add3A_110 : i32 to index
        %swap3A_480 = arith.constant 768 : index
        %swap3A_481 = tpu.vector_load %arg7[%swap3A_479, %swap3A_480] {strides = array<i32>} : memref<64x1024xf32, #tpu.memory_space<vmem>>, vector<16xf32>,
        tpu.vector_store %arg7[%swap3A_479, %swap3A_480], %mul3A_478 {strides = array<i32>} : memref<64x1024xf32, #tpu.memory_space<vmem>>, vector<16xf32>,
        %get3A_482 = arith.index_cast %add3A_110 : i32 to index
        %get3A_483 = arith.constant 784 : index
        %get3A_484 = tpu.vector_load %arg7[%get3A_482, %get3A_483] {strides = array<i32>} : memref<64x1024xf32, #tpu.memory_space<vmem>>, vector<16xf32>,
        %mul3A_485 = arith.mulf %get3A_484, %div3A_474 : vector<16xf32>
        %swap3A_486 = arith.index_cast %add3A_110 : i32 to index
        %swap3A_487 = arith.constant 784 : index
        %swap3A_488 = tpu.vector_load %arg7[%swap3A_486, %swap3A_487] {strides = array<i32>} : memref<64x1024xf32, #tpu.memory_space<vmem>>, vector<16xf32>,
        tpu.vector_store %arg7[%swap3A_486, %swap3A_487], %mul3A_485 {strides = array<i32>} : memref<64x1024xf32, #tpu.memory_space<vmem>>, vector<16xf32>,
        %get3A_489 = arith.index_cast %add3A_110 : i32 to index
        %get3A_490 = arith.constant 800 : index
        %get3A_491 = tpu.vector_load %arg7[%get3A_489, %get3A_490] {strides = array<i32>} : memref<64x1024xf32, #tpu.memory_space<vmem>>, vector<16xf32>,
        %mul3A_492 = arith.mulf %get3A_491, %div3A_474 : vector<16xf32>
        %swap3A_493 = arith.index_cast %add3A_110 : i32 to index
        %swap3A_494 = arith.constant 800 : index
        %swap3A_495 = tpu.vector_load %arg7[%swap3A_493, %swap3A_494] {strides = array<i32>} : memref<64x1024xf32, #tpu.memory_space<vmem>>, vector<16xf32>,
        tpu.vector_store %arg7[%swap3A_493, %swap3A_494], %mul3A_492 {strides = array<i32>} : memref<64x1024xf32, #tpu.memory_space<vmem>>, vector<16xf32>,
        %get3A_496 = arith.index_cast %add3A_110 : i32 to index
        %get3A_497 = arith.constant 816 : index
        %get3A_498 = tpu.vector_load %arg7[%get3A_496, %get3A_497] {strides = array<i32>} : memref<64x1024xf32, #tpu.memory_space<vmem>>, vector<16xf32>,
        %mul3A_499 = arith.mulf %get3A_498, %div3A_474 : vector<16xf32>
        %swap3A_500 = arith.index_cast %add3A_110 : i32 to index
        %swap3A_501 = arith.constant 816 : index
        %swap3A_502 = tpu.vector_load %arg7[%swap3A_500, %swap3A_501] {strides = array<i32>} : memref<64x1024xf32, #tpu.memory_space<vmem>>, vector<16xf32>,
        tpu.vector_store %arg7[%swap3A_500, %swap3A_501], %mul3A_499 {strides = array<i32>} : memref<64x1024xf32, #tpu.memory_space<vmem>>, vector<16xf32>,
        %get3A_503 = arith.index_cast %add3A_110 : i32 to index
        %get3A_504 = arith.constant 832 : index
        %get3A_505 = tpu.vector_load %arg7[%get3A_503, %get3A_504] {strides = array<i32>} : memref<64x1024xf32, #tpu.memory_space<vmem>>, vector<16xf32>,
        %mul3A_506 = arith.mulf %get3A_505, %div3A_474 : vector<16xf32>
        %swap3A_507 = arith.index_cast %add3A_110 : i32 to index
        %swap3A_508 = arith.constant 832 : index
        %swap3A_509 = tpu.vector_load %arg7[%swap3A_507, %swap3A_508] {strides = array<i32>} : memref<64x1024xf32, #tpu.memory_space<vmem>>, vector<16xf32>,
        tpu.vector_store %arg7[%swap3A_507, %swap3A_508], %mul3A_506 {strides = array<i32>} : memref<64x1024xf32, #tpu.memory_space<vmem>>, vector<16xf32>,
        %get3A_510 = arith.index_cast %add3A_110 : i32 to index
        %get3A_511 = arith.constant 848 : index
        %get3A_512 = tpu.vector_load %arg7[%get3A_510, %get3A_511] {strides = array<i32>} : memref<64x1024xf32, #tpu.memory_space<vmem>>, vector<16xf32>,
        %mul3A_513 = arith.mulf %get3A_512, %div3A_474 : vector<16xf32>
        %swap3A_514 = arith.index_cast %add3A_110 : i32 to index
        %swap3A_515 = arith.constant 848 : index
        %swap3A_516 = tpu.vector_load %arg7[%swap3A_514, %swap3A_515] {strides = array<i32>} : memref<64x1024xf32, #tpu.memory_space<vmem>>, vector<16xf32>,
        tpu.vector_store %arg7[%swap3A_514, %swap3A_515], %mul3A_513 {strides = array<i32>} : memref<64x1024xf32, #tpu.memory_space<vmem>>, vector<16xf32>,
        %get3A_517 = arith.index_cast %add3A_110 : i32 to index
        %get3A_518 = arith.constant 864 : index
        %get3A_519 = tpu.vector_load %arg7[%get3A_517, %get3A_518] {strides = array<i32>} : memref<64x1024xf32, #tpu.memory_space<vmem>>, vector<16xf32>,
        %mul3A_520 = arith.mulf %get3A_519, %div3A_474 : vector<16xf32>
        %swap3A_521 = arith.index_cast %add3A_110 : i32 to index
        %swap3A_522 = arith.constant 864 : index
        %swap3A_523 = tpu.vector_load %arg7[%swap3A_521, %swap3A_522] {strides = array<i32>} : memref<64x1024xf32, #tpu.memory_space<vmem>>, vector<16xf32>,
        tpu.vector_store %arg7[%swap3A_521, %swap3A_522], %mul3A_520 {strides = array<i32>} : memref<64x1024xf32, #tpu.memory_space<vmem>>, vector<16xf32>,
        %get3A_524 = arith.index_cast %add3A_110 : i32 to index
        %get3A_525 = arith.constant 880 : index
        %get3A_526 = tpu.vector_load %arg7[%get3A_524, %get3A_525] {strides = array<i32>} : memref<64x1024xf32, #tpu.memory_space<vmem>>, vector<16xf32>,
        %mul3A_527 = arith.mulf %get3A_526, %div3A_474 : vector<16xf32>
        %swap3A_528 = arith.index_cast %add3A_110 : i32 to index
        %swap3A_529 = arith.constant 880 : index
        %swap3A_530 = tpu.vector_load %arg7[%swap3A_528, %swap3A_529] {strides = array<i32>} : memref<64x1024xf32, #tpu.memory_space<vmem>>, vector<16xf32>,
        tpu.vector_store %arg7[%swap3A_528, %swap3A_529], %mul3A_527 {strides = array<i32>} : memref<64x1024xf32, #tpu.memory_space<vmem>>, vector<16xf32>,
        %get3A_531 = arith.index_cast %add3A_110 : i32 to index
        %get3A_532 = arith.constant 896 : index
        %get3A_533 = tpu.vector_load %arg7[%get3A_531, %get3A_532] {strides = array<i32>} : memref<64x1024xf32, #tpu.memory_space<vmem>>, vector<16xf32>,
        %mul3A_534 = arith.mulf %get3A_533, %div3A_474 : vector<16xf32>
        %swap3A_535 = arith.index_cast %add3A_110 : i32 to index
        %swap3A_536 = arith.constant 896 : index
        %swap3A_537 = tpu.vector_load %arg7[%swap3A_535, %swap3A_536] {strides = array<i32>} : memref<64x1024xf32, #tpu.memory_space<vmem>>, vector<16xf32>,
        tpu.vector_store %arg7[%swap3A_535, %swap3A_536], %mul3A_534 {strides = array<i32>} : memref<64x1024xf32, #tpu.memory_space<vmem>>, vector<16xf32>,
        %get3A_538 = arith.index_cast %add3A_110 : i32 to index
        %get3A_539 = arith.constant 912 : index
        %get3A_540 = tpu.vector_load %arg7[%get3A_538, %get3A_539] {strides = array<i32>} : memref<64x1024xf32, #tpu.memory_space<vmem>>, vector<16xf32>,
        %mul3A_541 = arith.mulf %get3A_540, %div3A_474 : vector<16xf32>
        %swap3A_542 = arith.index_cast %add3A_110 : i32 to index
        %swap3A_543 = arith.constant 912 : index
        %swap3A_544 = tpu.vector_load %arg7[%swap3A_542, %swap3A_543] {strides = array<i32>} : memref<64x1024xf32, #tpu.memory_space<vmem>>, vector<16xf32>,
        tpu.vector_store %arg7[%swap3A_542, %swap3A_543], %mul3A_541 {strides = array<i32>} : memref<64x1024xf32, #tpu.memory_space<vmem>>, vector<16xf32>,
        %get3A_545 = arith.index_cast %add3A_110 : i32 to index
        %get3A_546 = arith.constant 928 : index
        %get3A_547 = tpu.vector_load %arg7[%get3A_545, %get3A_546] {strides = array<i32>} : memref<64x1024xf32, #tpu.memory_space<vmem>>, vector<16xf32>,
        %mul3A_548 = arith.mulf %get3A_547, %div3A_474 : vector<16xf32>
        %swap3A_549 = arith.index_cast %add3A_110 : i32 to index
        %swap3A_550 = arith.constant 928 : index
        %swap3A_551 = tpu.vector_load %arg7[%swap3A_549, %swap3A_550] {strides = array<i32>} : memref<64x1024xf32, #tpu.memory_space<vmem>>, vector<16xf32>,
        tpu.vector_store %arg7[%swap3A_549, %swap3A_550], %mul3A_548 {strides = array<i32>} : memref<64x1024xf32, #tpu.memory_space<vmem>>, vector<16xf32>,
        %get3A_552 = arith.index_cast %add3A_110 : i32 to index
        %get3A_553 = arith.constant 944 : index
        %get3A_554 = tpu.vector_load %arg7[%get3A_552, %get3A_553] {strides = array<i32>} : memref<64x1024xf32, #tpu.memory_space<vmem>>, vector<16xf32>,
        %mul3A_555 = arith.mulf %get3A_554, %div3A_474 : vector<16xf32>
        %swap3A_556 = arith.index_cast %add3A_110 : i32 to index
        %swap3A_557 = arith.constant 944 : index
        %swap3A_558 = tpu.vector_load %arg7[%swap3A_556, %swap3A_557] {strides = array<i32>} : memref<64x1024xf32, #tpu.memory_space<vmem>>, vector<16xf32>,
        tpu.vector_store %arg7[%swap3A_556, %swap3A_557], %mul3A_555 {strides = array<i32>} : memref<64x1024xf32, #tpu.memory_space<vmem>>, vector<16xf32>,
        %get3A_559 = arith.index_cast %add3A_110 : i32 to index
        %get3A_560 = arith.constant 960 : index
        %get3A_561 = tpu.vector_load %arg7[%get3A_559, %get3A_560] {strides = array<i32>} : memref<64x1024xf32, #tpu.memory_space<vmem>>, vector<16xf32>,
        %mul3A_562 = arith.mulf %get3A_561, %div3A_474 : vector<16xf32>
        %swap3A_563 = arith.index_cast %add3A_110 : i32 to index
        %swap3A_564 = arith.constant 960 : index
        %swap3A_565 = tpu.vector_load %arg7[%swap3A_563, %swap3A_564] {strides = array<i32>} : memref<64x1024xf32, #tpu.memory_space<vmem>>, vector<16xf32>,
        tpu.vector_store %arg7[%swap3A_563, %swap3A_564], %mul3A_562 {strides = array<i32>} : memref<64x1024xf32, #tpu.memory_space<vmem>>, vector<16xf32>,
        %get3A_566 = arith.index_cast %add3A_110 : i32 to index
        %get3A_567 = arith.constant 976 : index
        %get3A_568 = tpu.vector_load %arg7[%get3A_566, %get3A_567] {strides = array<i32>} : memref<64x1024xf32, #tpu.memory_space<vmem>>, vector<16xf32>,
        %mul3A_569 = arith.mulf %get3A_568, %div3A_474 : vector<16xf32>
        %swap3A_570 = arith.index_cast %add3A_110 : i32 to index
        %swap3A_571 = arith.constant 976 : index
        %swap3A_572 = tpu.vector_load %arg7[%swap3A_570, %swap3A_571] {strides = array<i32>} : memref<64x1024xf32, #tpu.memory_space<vmem>>, vector<16xf32>,
        tpu.vector_store %arg7[%swap3A_570, %swap3A_571], %mul3A_569 {strides = array<i32>} : memref<64x1024xf32, #tpu.memory_space<vmem>>, vector<16xf32>,
        %get3A_573 = arith.index_cast %add3A_110 : i32 to index
        %get3A_574 = arith.constant 992 : index
        %get3A_575 = tpu.vector_load %arg7[%get3A_573, %get3A_574] {strides = array<i32>} : memref<64x1024xf32, #tpu.memory_space<vmem>>, vector<16xf32>,
        %mul3A_576 = arith.mulf %get3A_575, %div3A_474 : vector<16xf32>
        %swap3A_577 = arith.index_cast %add3A_110 : i32 to index
        %swap3A_578 = arith.constant 992 : index
        %swap3A_579 = tpu.vector_load %arg7[%swap3A_577, %swap3A_578] {strides = array<i32>} : memref<64x1024xf32, #tpu.memory_space<vmem>>, vector<16xf32>,
        tpu.vector_store %arg7[%swap3A_577, %swap3A_578], %mul3A_576 {strides = array<i32>} : memref<64x1024xf32, #tpu.memory_space<vmem>>, vector<16xf32>,
        %get3A_580 = arith.index_cast %add3A_110 : i32 to index
        %get3A_581 = arith.constant 1008 : index
        %get3A_582 = tpu.vector_load %arg7[%get3A_580, %get3A_581] {strides = array<i32>} : memref<64x1024xf32, #tpu.memory_space<vmem>>, vector<16xf32>,
        %mul3A_583 = arith.mulf %get3A_582, %div3A_474 : vector<16xf32>
        %swap3A_584 = arith.index_cast %add3A_110 : i32 to index
        %swap3A_585 = arith.constant 1008 : index
        %swap3A_586 = tpu.vector_load %arg7[%swap3A_584, %swap3A_585] {strides = array<i32>} : memref<64x1024xf32, #tpu.memory_space<vmem>>, vector<16xf32>,
        tpu.vector_store %arg7[%swap3A_584, %swap3A_585], %mul3A_583 {strides = array<i32>} : memref<64x1024xf32, #tpu.memory_space<vmem>>, vector<16xf32>,
      }
      %scan3A_105 = arith.constant 64 : i32
      "tpu.region"() ({
        %run_scoped3A = tpu.sem_alloc : memref<!tpu.dma_semaphore, #tpu.memory_space<semaphore_mem>>
        %dma_start3A_106 = arith.constant 0 : i32
        %dma_start3A_107 = tpu.memref_slice %arg6[%add3A_19, %dma_start3A_106] : memref<4096x1024xf32, #tpu.memory_space<hbm>> -> memref<64x1024xf32, #tpu.memory_space<hbm>>
        %dma_start3A_108 = arith.constant 0 : i32
        %dma_start3A_109 = tpu.memref_slice %arg6[%add3A_19, %dma_start3A_108] : memref<4096x1024xf32, #tpu.memory_space<hbm>> -> memref<64x1024xf32, #tpu.memory_space<hbm>>
        tpu.enqueue_dma source(%arg7 : memref<64x1024xf32, #tpu.memory_space<vmem>>) target(%dma_start3A_109 : memref<64x1024xf32, #tpu.memory_space<hbm>>) target_semaphore(%run_scoped3A : memref<!tpu.dma_semaphore, #tpu.memory_space<semaphore_mem>>)
        %dma_wait3A_110 = arith.constant 0 : i32
        %dma_wait3A_111 = tpu.memref_slice %arg6[%add3A_19, %dma_wait3A_110] : memref<4096x1024xf32, #tpu.memory_space<hbm>> -> memref<64x1024xf32, #tpu.memory_space<hbm>>
        %dma_wait3A_112 = arith.constant 0 : i32
        %dma_wait3A_113 = tpu.memref_slice %arg6[%add3A_19, %dma_wait3A_112] : memref<4096x1024xf32, #tpu.memory_space<hbm>> -> memref<64x1024xf32, #tpu.memory_space<hbm>>
        tpu.wait_dma2 semaphore(%run_scoped3A : memref<!tpu.dma_semaphore, #tpu.memory_space<semaphore_mem>>) src(%arg7 : memref<64x1024xf32, #tpu.memory_space<vmem>>) dst(%dma_wait3A_113 : memref<64x1024xf32, #tpu.memory_space<hbm>>)
        tpu.yield
      }) : () -> ()
    }
    %scan3A_9 = arith.constant 2 : i32
    return
  }
}

module attributes {stable_mosaic.version = 14 : i64} {
  func.func @_front_body(%arg0: memref<4096x256xf32, #tpu.memory_space<vmem>>, %arg1: memref<256x256xf32, #tpu.memory_space<vmem>>, %arg2: memref<256x8xf32, #tpu.memory_space<vmem>>, %arg3: memref<8x256xf32, #tpu.memory_space<vmem>>, %arg4: memref<2x8xf32, #tpu.memory_space<vmem>>, %arg5: memref<256x1024xf32, #tpu.memory_space<vmem>>, %arg6: memref<256x1024xf32, #tpu.memory_space<vmem>>, %arg7: memref<2x1024xf32, #tpu.memory_space<vmem>>, %arg8: memref<4096x1024xbf16, #tpu.memory_space<vmem>>, %arg9: memref<4096x1024xbf16, #tpu.memory_space<vmem>>) attributes {dimension_semantics = [], scalar_prefetch = 0 : i64, scratch_operands = 0 : i64, tpu.core_type = #tpu.core_type<tc>} {
    %get3A = arith.constant 0 : index
    %get3A_0 = arith.constant 0 : index
    %get3A_1 = vector.load %arg0[%get3A, %get3A_0] : memref<4096x256xf32, #tpu.memory_space<vmem>>, vector<4096x256xf32>
    %get3A_2 = arith.constant 0 : index
    %get3A_3 = arith.constant 0 : index
    %get3A_4 = vector.load %arg1[%get3A_2, %get3A_3] : memref<256x256xf32, #tpu.memory_space<vmem>>, vector<256x256xf32>
    %dot_general3A = arith.constant dense<0.000000e+00> : vector<4096x256xf32>
    %dot_general3A_5 = tpu.matmul %get3A_1, %get3A_4, %dot_general3A {dimension_numbers = #tpu.dot_dimension_numbers<[1], [0], [0], [1], [0, 0, 1, 1], [], []>, transpose_lhs_hint = false} : vector<4096x256xf32>, vector<256x256xf32>, vector<4096x256xf32> -> vector<4096x256xf32>
    %reduce_sum3A = arith.constant dense<0.000000e+00> : vector<256xf32>
    %reduce_sum3A_6 = vector.multi_reduction <add>, %dot_general3A_5, %reduce_sum3A [0] : vector<4096x256xf32> to vector<256xf32>
    %broadcast_in_dim3A = vector.shape_cast %reduce_sum3A_6 : vector<256xf32> to vector<1x256xf32>
    %mul3A = arith.mulf %dot_general3A_5, %dot_general3A_5 : vector<4096x256xf32>
    %reduce_sum3A_7 = arith.constant dense<0.000000e+00> : vector<256xf32>
    %reduce_sum3A_8 = vector.multi_reduction <add>, %mul3A, %reduce_sum3A_7 [0] : vector<4096x256xf32> to vector<256xf32>
    %broadcast_in_dim3A_9 = vector.shape_cast %reduce_sum3A_8 : vector<256xf32> to vector<1x256xf32>
    %get3A_10 = arith.constant 0 : index
    %get3A_11 = arith.constant 0 : index
    %get3A_12 = vector.load %arg2[%get3A_10, %get3A_11] : memref<256x8xf32, #tpu.memory_space<vmem>>, vector<256x8xf32>
    %dot_general3A_13 = arith.constant dense<0.000000e+00> : vector<1x8xf32>
    %dot_general3A_14 = tpu.matmul %broadcast_in_dim3A, %get3A_12, %dot_general3A_13 {dimension_numbers = #tpu.dot_dimension_numbers<[1], [0], [0], [1], [0, 0, 1, 1], [], []>, transpose_lhs_hint = false} : vector<1x256xf32>, vector<256x8xf32>, vector<1x8xf32> -> vector<1x8xf32>
    %get3A_15 = arith.constant 0 : index
    %get3A_16 = arith.constant 0 : index
    %get3A_17 = vector.load %arg2[%get3A_15, %get3A_16] : memref<256x8xf32, #tpu.memory_space<vmem>>, vector<256x8xf32>
    %dot_general3A_18 = arith.constant dense<0.000000e+00> : vector<1x8xf32>
    %dot_general3A_19 = tpu.matmul %broadcast_in_dim3A_9, %get3A_17, %dot_general3A_18 {dimension_numbers = #tpu.dot_dimension_numbers<[1], [0], [0], [1], [0, 0, 1, 1], [], []>, transpose_lhs_hint = false} : vector<1x256xf32>, vector<256x8xf32>, vector<1x8xf32> -> vector<1x8xf32>
    %div3A = arith.constant 2.621440e+05 : f32
    %div3A_20 = vector.broadcast %div3A : f32 to vector<1x8xf32>
    %div3A_21 = arith.divf %dot_general3A_14, %div3A_20 : vector<1x8xf32>
    %div3A_22 = arith.constant 2.621440e+05 : f32
    %div3A_23 = vector.broadcast %div3A_22 : f32 to vector<1x8xf32>
    %div3A_24 = arith.divf %dot_general3A_19, %div3A_23 : vector<1x8xf32>
    %mul3A_25 = arith.mulf %div3A_21, %div3A_21 : vector<1x8xf32>
    %sub3A = arith.subf %div3A_24, %mul3A_25 : vector<1x8xf32>
    %get3A_26 = arith.constant 0 : index
    %get3A_27 = arith.constant 0 : index
    %get3A_28 = vector.load %arg4[%get3A_26, %get3A_27] : memref<2x8xf32, #tpu.memory_space<vmem>>, vector<1x8xf32>
    %add3A = arith.constant 9.99999974E-6 : f32
    %add3A_29 = vector.broadcast %add3A : f32 to vector<1x8xf32>
    %add3A_30 = arith.addf %sub3A, %add3A_29 : vector<1x8xf32>
    %rsqrt3A = math.rsqrt %add3A_30 : vector<1x8xf32>
    %mul3A_31 = arith.mulf %get3A_28, %rsqrt3A : vector<1x8xf32>
    %get3A_32 = arith.constant 1 : index
    %get3A_33 = arith.constant 0 : index
    %get3A_34 = vector.load %arg4[%get3A_32, %get3A_33] : memref<2x8xf32, #tpu.memory_space<vmem>>, vector<1x8xf32>
    %mul3A_35 = arith.mulf %div3A_21, %mul3A_31 : vector<1x8xf32>
    %sub3A_36 = arith.subf %get3A_34, %mul3A_35 : vector<1x8xf32>
    %get3A_37 = arith.constant 0 : index
    %get3A_38 = arith.constant 0 : index
    %get3A_39 = vector.load %arg3[%get3A_37, %get3A_38] : memref<8x256xf32, #tpu.memory_space<vmem>>, vector<8x256xf32>
    %dot_general3A_40 = arith.constant dense<0.000000e+00> : vector<1x256xf32>
    %dot_general3A_41 = tpu.matmul %mul3A_31, %get3A_39, %dot_general3A_40 {dimension_numbers = #tpu.dot_dimension_numbers<[1], [0], [0], [1], [0, 0, 1, 1], [], []>, transpose_lhs_hint = false} : vector<1x8xf32>, vector<8x256xf32>, vector<1x256xf32> -> vector<1x256xf32>
    %mul3A_42 = vector.broadcast %dot_general3A_41 : vector<1x256xf32> to vector<4096x256xf32>
    %mul3A_43 = arith.mulf %dot_general3A_5, %mul3A_42 : vector<4096x256xf32>
    %get3A_44 = arith.constant 0 : index
    %get3A_45 = arith.constant 0 : index
    %get3A_46 = vector.load %arg3[%get3A_44, %get3A_45] : memref<8x256xf32, #tpu.memory_space<vmem>>, vector<8x256xf32>
    %dot_general3A_47 = arith.constant dense<0.000000e+00> : vector<1x256xf32>
    %dot_general3A_48 = tpu.matmul %sub3A_36, %get3A_46, %dot_general3A_47 {dimension_numbers = #tpu.dot_dimension_numbers<[1], [0], [0], [1], [0, 0, 1, 1], [], []>, transpose_lhs_hint = false} : vector<1x8xf32>, vector<8x256xf32>, vector<1x256xf32> -> vector<1x256xf32>
    %add3A_49 = vector.broadcast %dot_general3A_48 : vector<1x256xf32> to vector<4096x256xf32>
    %add3A_50 = arith.addf %mul3A_43, %add3A_49 : vector<4096x256xf32>
    %get3A_51 = arith.constant 0 : index
    %get3A_52 = arith.constant 0 : index
    %get3A_53 = vector.load %arg5[%get3A_51, %get3A_52] : memref<256x1024xf32, #tpu.memory_space<vmem>>, vector<256x1024xf32>
    %dot_general3A_54 = arith.constant dense<0.000000e+00> : vector<4096x1024xf32>
    %dot_general3A_55 = tpu.matmul %add3A_50, %get3A_53, %dot_general3A_54 {dimension_numbers = #tpu.dot_dimension_numbers<[1], [0], [0], [1], [0, 0, 1, 1], [], []>, transpose_lhs_hint = false} : vector<4096x256xf32>, vector<256x1024xf32>, vector<4096x1024xf32> -> vector<4096x1024xf32>
    %get3A_56 = arith.constant 0 : index
    %get3A_57 = arith.constant 0 : index
    %get3A_58 = vector.load %arg7[%get3A_56, %get3A_57] : memref<2x1024xf32, #tpu.memory_space<vmem>>, vector<1x1024xf32>
    %add3A_59 = vector.broadcast %get3A_58 : vector<1x1024xf32> to vector<4096x1024xf32>
    %add3A_60 = arith.addf %dot_general3A_55, %add3A_59 : vector<4096x1024xf32>
    %get3A_61 = arith.constant 0 : index
    %get3A_62 = arith.constant 0 : index
    %get3A_63 = vector.load %arg6[%get3A_61, %get3A_62] : memref<256x1024xf32, #tpu.memory_space<vmem>>, vector<256x1024xf32>
    %dot_general3A_64 = arith.constant dense<0.000000e+00> : vector<4096x1024xf32>
    %dot_general3A_65 = tpu.matmul %add3A_50, %get3A_63, %dot_general3A_64 {dimension_numbers = #tpu.dot_dimension_numbers<[1], [0], [0], [1], [0, 0, 1, 1], [], []>, transpose_lhs_hint = false} : vector<4096x256xf32>, vector<256x1024xf32>, vector<4096x1024xf32> -> vector<4096x1024xf32>
    %get3A_66 = arith.constant 1 : index
    %get3A_67 = arith.constant 0 : index
    %get3A_68 = vector.load %arg7[%get3A_66, %get3A_67] : memref<2x1024xf32, #tpu.memory_space<vmem>>, vector<1x1024xf32>
    %add3A_69 = vector.broadcast %get3A_68 : vector<1x1024xf32> to vector<4096x1024xf32>
    %add3A_70 = arith.addf %dot_general3A_65, %add3A_69 : vector<4096x1024xf32>
    %convert_element_type3A = arith.truncf %add3A_60 : vector<4096x1024xf32> to vector<4096x1024xbf16>
    %swap3A = arith.constant 0 : index
    %swap3A_71 = arith.constant 0 : index
    %swap3A_72 = vector.load %arg8[%swap3A, %swap3A_71] : memref<4096x1024xbf16, #tpu.memory_space<vmem>>, vector<4096x1024xbf16>
    tpu.vector_store %arg8[%swap3A, %swap3A_71], %convert_element_type3A {strides = array<i32>} : memref<4096x1024xbf16, #tpu.memory_space<vmem>>, vector<4096x1024xbf16>,
    %convert_element_type3A_73 = arith.truncf %add3A_70 : vector<4096x1024xf32> to vector<4096x1024xbf16>
    %swap3A_74 = arith.constant 0 : index
    %swap3A_75 = arith.constant 0 : index
    %swap3A_76 = vector.load %arg9[%swap3A_74, %swap3A_75] : memref<4096x1024xbf16, #tpu.memory_space<vmem>>, vector<4096x1024xbf16>
    tpu.vector_store %arg9[%swap3A_74, %swap3A_75], %convert_element_type3A_73 {strides = array<i32>} : memref<4096x1024xbf16, #tpu.memory_space<vmem>>, vector<4096x1024xbf16>,
    return
  }
}

module attributes {stable_mosaic.version = 14 : i64} {
  func.func @_tail_body(%arg0: memref<4096x1024xf32, #tpu.memory_space<vmem>>, %arg1: memref<4096x256xf32, #tpu.memory_space<vmem>>, %arg2: memref<1024x256xf32, #tpu.memory_space<vmem>>, %arg3: memref<1x256xf32, #tpu.memory_space<vmem>>, %arg4: memref<256x256xf32, #tpu.memory_space<vmem>>, %arg5: memref<256x256xf32, #tpu.memory_space<vmem>>, %arg6: memref<2x8xf32, #tpu.memory_space<vmem>>, %arg7: memref<2x8xf32, #tpu.memory_space<vmem>>, %arg8: memref<2x8xf32, #tpu.memory_space<vmem>>, %arg9: memref<256x8xf32, #tpu.memory_space<vmem>>, %arg10: memref<8x256xf32, #tpu.memory_space<vmem>>, %arg11: memref<4096x256xf32, #tpu.memory_space<vmem>>) attributes {dimension_semantics = [], scalar_prefetch = 0 : i64, scratch_operands = 0 : i64, tpu.core_type = #tpu.core_type<tc>} {
    %get3A = arith.constant 0 : index
    %get3A_0 = arith.constant 0 : index
    %get3A_1 = vector.load %arg0[%get3A, %get3A_0] : memref<4096x1024xf32, #tpu.memory_space<vmem>>, vector<4096x1024xf32>
    %get3A_2 = arith.constant 0 : index
    %get3A_3 = arith.constant 0 : index
    %get3A_4 = vector.load %arg2[%get3A_2, %get3A_3] : memref<1024x256xf32, #tpu.memory_space<vmem>>, vector<1024x256xf32>
    %dot_general3A = arith.constant dense<0.000000e+00> : vector<4096x256xf32>
    %dot_general3A_5 = tpu.matmul %get3A_1, %get3A_4, %dot_general3A {dimension_numbers = #tpu.dot_dimension_numbers<[1], [0], [0], [1], [0, 0, 1, 1], [], []>, transpose_lhs_hint = false} : vector<4096x1024xf32>, vector<1024x256xf32>, vector<4096x256xf32> -> vector<4096x256xf32>
    %get3A_6 = arith.constant 0 : index
    %get3A_7 = arith.constant 0 : index
    %get3A_8 = vector.load %arg3[%get3A_6, %get3A_7] : memref<1x256xf32, #tpu.memory_space<vmem>>, vector<1x256xf32>
    %add3A = vector.broadcast %get3A_8 : vector<1x256xf32> to vector<4096x256xf32>
    %add3A_9 = arith.addf %dot_general3A_5, %add3A : vector<4096x256xf32>
    %reduce_sum3A = arith.constant dense<0.000000e+00> : vector<256xf32>
    %reduce_sum3A_10 = vector.multi_reduction <add>, %add3A_9, %reduce_sum3A [0] : vector<4096x256xf32> to vector<256xf32>
    %broadcast_in_dim3A = vector.shape_cast %reduce_sum3A_10 : vector<256xf32> to vector<1x256xf32>
    %mul3A = arith.mulf %add3A_9, %add3A_9 : vector<4096x256xf32>
    %reduce_sum3A_11 = arith.constant dense<0.000000e+00> : vector<256xf32>
    %reduce_sum3A_12 = vector.multi_reduction <add>, %mul3A, %reduce_sum3A_11 [0] : vector<4096x256xf32> to vector<256xf32>
    %broadcast_in_dim3A_13 = vector.shape_cast %reduce_sum3A_12 : vector<256xf32> to vector<1x256xf32>
    %get3A_14 = arith.constant 0 : index
    %get3A_15 = arith.constant 0 : index
    %get3A_16 = vector.load %arg9[%get3A_14, %get3A_15] : memref<256x8xf32, #tpu.memory_space<vmem>>, vector<256x8xf32>
    %dot_general3A_17 = arith.constant dense<0.000000e+00> : vector<1x8xf32>
    %dot_general3A_18 = tpu.matmul %broadcast_in_dim3A, %get3A_16, %dot_general3A_17 {dimension_numbers = #tpu.dot_dimension_numbers<[1], [0], [0], [1], [0, 0, 1, 1], [], []>, transpose_lhs_hint = false} : vector<1x256xf32>, vector<256x8xf32>, vector<1x8xf32> -> vector<1x8xf32>
    %get3A_19 = arith.constant 0 : index
    %get3A_20 = arith.constant 0 : index
    %get3A_21 = vector.load %arg9[%get3A_19, %get3A_20] : memref<256x8xf32, #tpu.memory_space<vmem>>, vector<256x8xf32>
    %dot_general3A_22 = arith.constant dense<0.000000e+00> : vector<1x8xf32>
    %dot_general3A_23 = tpu.matmul %broadcast_in_dim3A_13, %get3A_21, %dot_general3A_22 {dimension_numbers = #tpu.dot_dimension_numbers<[1], [0], [0], [1], [0, 0, 1, 1], [], []>, transpose_lhs_hint = false} : vector<1x256xf32>, vector<256x8xf32>, vector<1x8xf32> -> vector<1x8xf32>
    %div3A = arith.constant 2.621440e+05 : f32
    %div3A_24 = vector.broadcast %div3A : f32 to vector<1x8xf32>
    %div3A_25 = arith.divf %dot_general3A_18, %div3A_24 : vector<1x8xf32>
    %div3A_26 = arith.constant 2.621440e+05 : f32
    %div3A_27 = vector.broadcast %div3A_26 : f32 to vector<1x8xf32>
    %div3A_28 = arith.divf %dot_general3A_23, %div3A_27 : vector<1x8xf32>
    %mul3A_29 = arith.mulf %div3A_25, %div3A_25 : vector<1x8xf32>
    %sub3A = arith.subf %div3A_28, %mul3A_29 : vector<1x8xf32>
    %get3A_30 = arith.constant 0 : index
    %get3A_31 = arith.constant 0 : index
    %get3A_32 = vector.load %arg6[%get3A_30, %get3A_31] : memref<2x8xf32, #tpu.memory_space<vmem>>, vector<1x8xf32>
    %add3A_33 = arith.constant 9.99999974E-6 : f32
    %add3A_34 = vector.broadcast %add3A_33 : f32 to vector<1x8xf32>
    %add3A_35 = arith.addf %sub3A, %add3A_34 : vector<1x8xf32>
    %rsqrt3A = math.rsqrt %add3A_35 : vector<1x8xf32>
    %mul3A_36 = arith.mulf %get3A_32, %rsqrt3A : vector<1x8xf32>
    %get3A_37 = arith.constant 1 : index
    %get3A_38 = arith.constant 0 : index
    %get3A_39 = vector.load %arg6[%get3A_37, %get3A_38] : memref<2x8xf32, #tpu.memory_space<vmem>>, vector<1x8xf32>
    %mul3A_40 = arith.mulf %div3A_25, %mul3A_36 : vector<1x8xf32>
    %sub3A_41 = arith.subf %get3A_39, %mul3A_40 : vector<1x8xf32>
    %get3A_42 = arith.constant 0 : index
    %get3A_43 = arith.constant 0 : index
    %get3A_44 = vector.load %arg10[%get3A_42, %get3A_43] : memref<8x256xf32, #tpu.memory_space<vmem>>, vector<8x256xf32>
    %dot_general3A_45 = arith.constant dense<0.000000e+00> : vector<1x256xf32>
    %dot_general3A_46 = tpu.matmul %mul3A_36, %get3A_44, %dot_general3A_45 {dimension_numbers = #tpu.dot_dimension_numbers<[1], [0], [0], [1], [0, 0, 1, 1], [], []>, transpose_lhs_hint = false} : vector<1x8xf32>, vector<8x256xf32>, vector<1x256xf32> -> vector<1x256xf32>
    %mul3A_47 = vector.broadcast %dot_general3A_46 : vector<1x256xf32> to vector<4096x256xf32>
    %mul3A_48 = arith.mulf %add3A_9, %mul3A_47 : vector<4096x256xf32>
    %get3A_49 = arith.constant 0 : index
    %get3A_50 = arith.constant 0 : index
    %get3A_51 = vector.load %arg10[%get3A_49, %get3A_50] : memref<8x256xf32, #tpu.memory_space<vmem>>, vector<8x256xf32>
    %dot_general3A_52 = arith.constant dense<0.000000e+00> : vector<1x256xf32>
    %dot_general3A_53 = tpu.matmul %sub3A_41, %get3A_51, %dot_general3A_52 {dimension_numbers = #tpu.dot_dimension_numbers<[1], [0], [0], [1], [0, 0, 1, 1], [], []>, transpose_lhs_hint = false} : vector<1x8xf32>, vector<8x256xf32>, vector<1x256xf32> -> vector<1x256xf32>
    %add3A_54 = vector.broadcast %dot_general3A_53 : vector<1x256xf32> to vector<4096x256xf32>
    %add3A_55 = arith.addf %mul3A_48, %add3A_54 : vector<4096x256xf32>
    %get3A_56 = arith.constant 0 : index
    %get3A_57 = arith.constant 0 : index
    %get3A_58 = vector.load %arg1[%get3A_56, %get3A_57] : memref<4096x256xf32, #tpu.memory_space<vmem>>, vector<4096x256xf32>
    %add3A_59 = arith.addf %add3A_55, %get3A_58 : vector<4096x256xf32>
    %get3A_60 = arith.constant 0 : index
    %get3A_61 = arith.constant 0 : index
    %get3A_62 = vector.load %arg4[%get3A_60, %get3A_61] : memref<256x256xf32, #tpu.memory_space<vmem>>, vector<256x256xf32>
    %dot_general3A_63 = arith.constant dense<0.000000e+00> : vector<4096x256xf32>
    %dot_general3A_64 = tpu.matmul %add3A_59, %get3A_62, %dot_general3A_63 {dimension_numbers = #tpu.dot_dimension_numbers<[1], [0], [0], [1], [0, 0, 1, 1], [], []>, transpose_lhs_hint = false} : vector<4096x256xf32>, vector<256x256xf32>, vector<4096x256xf32> -> vector<4096x256xf32>
    %reduce_sum3A_65 = arith.constant dense<0.000000e+00> : vector<256xf32>
    %reduce_sum3A_66 = vector.multi_reduction <add>, %dot_general3A_64, %reduce_sum3A_65 [0] : vector<4096x256xf32> to vector<256xf32>
    %broadcast_in_dim3A_67 = vector.shape_cast %reduce_sum3A_66 : vector<256xf32> to vector<1x256xf32>
    %mul3A_68 = arith.mulf %dot_general3A_64, %dot_general3A_64 : vector<4096x256xf32>
    %reduce_sum3A_69 = arith.constant dense<0.000000e+00> : vector<256xf32>
    %reduce_sum3A_70 = vector.multi_reduction <add>, %mul3A_68, %reduce_sum3A_69 [0] : vector<4096x256xf32> to vector<256xf32>
    %broadcast_in_dim3A_71 = vector.shape_cast %reduce_sum3A_70 : vector<256xf32> to vector<1x256xf32>
    %get3A_72 = arith.constant 0 : index
    %get3A_73 = arith.constant 0 : index
    %get3A_74 = vector.load %arg9[%get3A_72, %get3A_73] : memref<256x8xf32, #tpu.memory_space<vmem>>, vector<256x8xf32>
    %dot_general3A_75 = arith.constant dense<0.000000e+00> : vector<1x8xf32>
    %dot_general3A_76 = tpu.matmul %broadcast_in_dim3A_67, %get3A_74, %dot_general3A_75 {dimension_numbers = #tpu.dot_dimension_numbers<[1], [0], [0], [1], [0, 0, 1, 1], [], []>, transpose_lhs_hint = false} : vector<1x256xf32>, vector<256x8xf32>, vector<1x8xf32> -> vector<1x8xf32>
    %get3A_77 = arith.constant 0 : index
    %get3A_78 = arith.constant 0 : index
    %get3A_79 = vector.load %arg9[%get3A_77, %get3A_78] : memref<256x8xf32, #tpu.memory_space<vmem>>, vector<256x8xf32>
    %dot_general3A_80 = arith.constant dense<0.000000e+00> : vector<1x8xf32>
    %dot_general3A_81 = tpu.matmul %broadcast_in_dim3A_71, %get3A_79, %dot_general3A_80 {dimension_numbers = #tpu.dot_dimension_numbers<[1], [0], [0], [1], [0, 0, 1, 1], [], []>, transpose_lhs_hint = false} : vector<1x256xf32>, vector<256x8xf32>, vector<1x8xf32> -> vector<1x8xf32>
    %div3A_82 = arith.constant 2.621440e+05 : f32
    %div3A_83 = vector.broadcast %div3A_82 : f32 to vector<1x8xf32>
    %div3A_84 = arith.divf %dot_general3A_76, %div3A_83 : vector<1x8xf32>
    %div3A_85 = arith.constant 2.621440e+05 : f32
    %div3A_86 = vector.broadcast %div3A_85 : f32 to vector<1x8xf32>
    %div3A_87 = arith.divf %dot_general3A_81, %div3A_86 : vector<1x8xf32>
    %mul3A_88 = arith.mulf %div3A_84, %div3A_84 : vector<1x8xf32>
    %sub3A_89 = arith.subf %div3A_87, %mul3A_88 : vector<1x8xf32>
    %get3A_90 = arith.constant 0 : index
    %get3A_91 = arith.constant 0 : index
    %get3A_92 = vector.load %arg7[%get3A_90, %get3A_91] : memref<2x8xf32, #tpu.memory_space<vmem>>, vector<1x8xf32>
    %add3A_93 = arith.constant 9.99999974E-6 : f32
    %add3A_94 = vector.broadcast %add3A_93 : f32 to vector<1x8xf32>
    %add3A_95 = arith.addf %sub3A_89, %add3A_94 : vector<1x8xf32>
    %rsqrt3A_96 = math.rsqrt %add3A_95 : vector<1x8xf32>
    %mul3A_97 = arith.mulf %get3A_92, %rsqrt3A_96 : vector<1x8xf32>
    %get3A_98 = arith.constant 1 : index
    %get3A_99 = arith.constant 0 : index
    %get3A_100 = vector.load %arg7[%get3A_98, %get3A_99] : memref<2x8xf32, #tpu.memory_space<vmem>>, vector<1x8xf32>
    %mul3A_101 = arith.mulf %div3A_84, %mul3A_97 : vector<1x8xf32>
    %sub3A_102 = arith.subf %get3A_100, %mul3A_101 : vector<1x8xf32>
    %get3A_103 = arith.constant 0 : index
    %get3A_104 = arith.constant 0 : index
    %get3A_105 = vector.load %arg10[%get3A_103, %get3A_104] : memref<8x256xf32, #tpu.memory_space<vmem>>, vector<8x256xf32>
    %dot_general3A_106 = arith.constant dense<0.000000e+00> : vector<1x256xf32>
    %dot_general3A_107 = tpu.matmul %mul3A_97, %get3A_105, %dot_general3A_106 {dimension_numbers = #tpu.dot_dimension_numbers<[1], [0], [0], [1], [0, 0, 1, 1], [], []>, transpose_lhs_hint = false} : vector<1x8xf32>, vector<8x256xf32>, vector<1x256xf32> -> vector<1x256xf32>
    %mul3A_108 = vector.broadcast %dot_general3A_107 : vector<1x256xf32> to vector<4096x256xf32>
    %mul3A_109 = arith.mulf %dot_general3A_64, %mul3A_108 : vector<4096x256xf32>
    %get3A_110 = arith.constant 0 : index
    %get3A_111 = arith.constant 0 : index
    %get3A_112 = vector.load %arg10[%get3A_110, %get3A_111] : memref<8x256xf32, #tpu.memory_space<vmem>>, vector<8x256xf32>
    %dot_general3A_113 = arith.constant dense<0.000000e+00> : vector<1x256xf32>
    %dot_general3A_114 = tpu.matmul %sub3A_102, %get3A_112, %dot_general3A_113 {dimension_numbers = #tpu.dot_dimension_numbers<[1], [0], [0], [1], [0, 0, 1, 1], [], []>, transpose_lhs_hint = false} : vector<1x8xf32>, vector<8x256xf32>, vector<1x256xf32> -> vector<1x256xf32>
    %add3A_115 = vector.broadcast %dot_general3A_114 : vector<1x256xf32> to vector<4096x256xf32>
    %add3A_116 = arith.addf %mul3A_109, %add3A_115 : vector<4096x256xf32>
    %max3A = arith.constant 0.000000e+00 : f32
    %max3A_117 = vector.broadcast %max3A : f32 to vector<4096x256xf32>
    %max3A_118 = arith.maximumf %add3A_116, %max3A_117 : vector<4096x256xf32>
    %get3A_119 = arith.constant 0 : index
    %get3A_120 = arith.constant 0 : index
    %get3A_121 = vector.load %arg5[%get3A_119, %get3A_120] : memref<256x256xf32, #tpu.memory_space<vmem>>, vector<256x256xf32>
    %dot_general3A_122 = arith.constant dense<0.000000e+00> : vector<4096x256xf32>
    %dot_general3A_123 = tpu.matmul %max3A_118, %get3A_121, %dot_general3A_122 {dimension_numbers = #tpu.dot_dimension_numbers<[1], [0], [0], [1], [0, 0, 1, 1], [], []>, transpose_lhs_hint = false} : vector<4096x256xf32>, vector<256x256xf32>, vector<4096x256xf32> -> vector<4096x256xf32>
    %reduce_sum3A_124 = arith.constant dense<0.000000e+00> : vector<256xf32>
    %reduce_sum3A_125 = vector.multi_reduction <add>, %dot_general3A_123, %reduce_sum3A_124 [0] : vector<4096x256xf32> to vector<256xf32>
    %broadcast_in_dim3A_126 = vector.shape_cast %reduce_sum3A_125 : vector<256xf32> to vector<1x256xf32>
    %mul3A_127 = arith.mulf %dot_general3A_123, %dot_general3A_123 : vector<4096x256xf32>
    %reduce_sum3A_128 = arith.constant dense<0.000000e+00> : vector<256xf32>
    %reduce_sum3A_129 = vector.multi_reduction <add>, %mul3A_127, %reduce_sum3A_128 [0] : vector<4096x256xf32> to vector<256xf32>
    %broadcast_in_dim3A_130 = vector.shape_cast %reduce_sum3A_129 : vector<256xf32> to vector<1x256xf32>
    %get3A_131 = arith.constant 0 : index
    %get3A_132 = arith.constant 0 : index
    %get3A_133 = vector.load %arg9[%get3A_131, %get3A_132] : memref<256x8xf32, #tpu.memory_space<vmem>>, vector<256x8xf32>
    %dot_general3A_134 = arith.constant dense<0.000000e+00> : vector<1x8xf32>
    %dot_general3A_135 = tpu.matmul %broadcast_in_dim3A_126, %get3A_133, %dot_general3A_134 {dimension_numbers = #tpu.dot_dimension_numbers<[1], [0], [0], [1], [0, 0, 1, 1], [], []>, transpose_lhs_hint = false} : vector<1x256xf32>, vector<256x8xf32>, vector<1x8xf32> -> vector<1x8xf32>
    %get3A_136 = arith.constant 0 : index
    %get3A_137 = arith.constant 0 : index
    %get3A_138 = vector.load %arg9[%get3A_136, %get3A_137] : memref<256x8xf32, #tpu.memory_space<vmem>>, vector<256x8xf32>
    %dot_general3A_139 = arith.constant dense<0.000000e+00> : vector<1x8xf32>
    %dot_general3A_140 = tpu.matmul %broadcast_in_dim3A_130, %get3A_138, %dot_general3A_139 {dimension_numbers = #tpu.dot_dimension_numbers<[1], [0], [0], [1], [0, 0, 1, 1], [], []>, transpose_lhs_hint = false} : vector<1x256xf32>, vector<256x8xf32>, vector<1x8xf32> -> vector<1x8xf32>
    %div3A_141 = arith.constant 2.621440e+05 : f32
    %div3A_142 = vector.broadcast %div3A_141 : f32 to vector<1x8xf32>
    %div3A_143 = arith.divf %dot_general3A_135, %div3A_142 : vector<1x8xf32>
    %div3A_144 = arith.constant 2.621440e+05 : f32
    %div3A_145 = vector.broadcast %div3A_144 : f32 to vector<1x8xf32>
    %div3A_146 = arith.divf %dot_general3A_140, %div3A_145 : vector<1x8xf32>
    %mul3A_147 = arith.mulf %div3A_143, %div3A_143 : vector<1x8xf32>
    %sub3A_148 = arith.subf %div3A_146, %mul3A_147 : vector<1x8xf32>
    %get3A_149 = arith.constant 0 : index
    %get3A_150 = arith.constant 0 : index
    %get3A_151 = vector.load %arg8[%get3A_149, %get3A_150] : memref<2x8xf32, #tpu.memory_space<vmem>>, vector<1x8xf32>
    %add3A_152 = arith.constant 9.99999974E-6 : f32
    %add3A_153 = vector.broadcast %add3A_152 : f32 to vector<1x8xf32>
    %add3A_154 = arith.addf %sub3A_148, %add3A_153 : vector<1x8xf32>
    %rsqrt3A_155 = math.rsqrt %add3A_154 : vector<1x8xf32>
    %mul3A_156 = arith.mulf %get3A_151, %rsqrt3A_155 : vector<1x8xf32>
    %get3A_157 = arith.constant 1 : index
    %get3A_158 = arith.constant 0 : index
    %get3A_159 = vector.load %arg8[%get3A_157, %get3A_158] : memref<2x8xf32, #tpu.memory_space<vmem>>, vector<1x8xf32>
    %mul3A_160 = arith.mulf %div3A_143, %mul3A_156 : vector<1x8xf32>
    %sub3A_161 = arith.subf %get3A_159, %mul3A_160 : vector<1x8xf32>
    %get3A_162 = arith.constant 0 : index
    %get3A_163 = arith.constant 0 : index
    %get3A_164 = vector.load %arg10[%get3A_162, %get3A_163] : memref<8x256xf32, #tpu.memory_space<vmem>>, vector<8x256xf32>
    %dot_general3A_165 = arith.constant dense<0.000000e+00> : vector<1x256xf32>
    %dot_general3A_166 = tpu.matmul %mul3A_156, %get3A_164, %dot_general3A_165 {dimension_numbers = #tpu.dot_dimension_numbers<[1], [0], [0], [1], [0, 0, 1, 1], [], []>, transpose_lhs_hint = false} : vector<1x8xf32>, vector<8x256xf32>, vector<1x256xf32> -> vector<1x256xf32>
    %mul3A_167 = vector.broadcast %dot_general3A_166 : vector<1x256xf32> to vector<4096x256xf32>
    %mul3A_168 = arith.mulf %dot_general3A_123, %mul3A_167 : vector<4096x256xf32>
    %get3A_169 = arith.constant 0 : index
    %get3A_170 = arith.constant 0 : index
    %get3A_171 = vector.load %arg10[%get3A_169, %get3A_170] : memref<8x256xf32, #tpu.memory_space<vmem>>, vector<8x256xf32>
    %dot_general3A_172 = arith.constant dense<0.000000e+00> : vector<1x256xf32>
    %dot_general3A_173 = tpu.matmul %sub3A_161, %get3A_171, %dot_general3A_172 {dimension_numbers = #tpu.dot_dimension_numbers<[1], [0], [0], [1], [0, 0, 1, 1], [], []>, transpose_lhs_hint = false} : vector<1x8xf32>, vector<8x256xf32>, vector<1x256xf32> -> vector<1x256xf32>
    %add3A_174 = vector.broadcast %dot_general3A_173 : vector<1x256xf32> to vector<4096x256xf32>
    %add3A_175 = arith.addf %mul3A_168, %add3A_174 : vector<4096x256xf32>
    %add3A_176 = arith.addf %add3A_175, %add3A_59 : vector<4096x256xf32>
    %swap3A = arith.constant 0 : index
    %swap3A_177 = arith.constant 0 : index
    %swap3A_178 = vector.load %arg11[%swap3A, %swap3A_177] : memref<4096x256xf32, #tpu.memory_space<vmem>>, vector<4096x256xf32>
    tpu.vector_store %arg11[%swap3A, %swap3A_177], %add3A_176 {strides = array<i32>} : memref<4096x256xf32, #tpu.memory_space<vmem>>, vector<4096x256xf32>,
    return
  }
}

</mosaic_0001>

<sc_bundles>
// kernel: kernel.5.cloned.1.call-start
scs
__scs_entry_jumppad:
0x0: {  	(pc) =	sbr.rel $0x88, $3  }
0x1: {  	(tag) =	ssettag $0x0;
	lr =	simm.s32 $0x1  }
0x2: {  	[smem:$0x3F8D] =	sst lr;
	_ =	strace $0xD0000000  }
0x3: {  	_ = 	snop  }
0x4: {  	_ = 	snop  }
0x5: {  	_ = 	snop  }
0x6: {  	_ = 	snop  }
0x7: {  	_ = 	snop  }
__scs_overlays_trampoline_lowered:
0x8: {  	[smem:$0x3F9C] =	sst s0  }
0x9: {  	[smem:$0x3F9D] =	sst s1  }
0xa: {  	[smem:$0x3F9E] =	sst s2  }
0xb: {  	[smem:$0x3F9F] =	sst s3  }
0xc: {  	[smem:$0x3FA0] =	sst s4  }
0xd: {  	[smem:$0x3FA1] =	sst s5  }
0xe: {  	[smem:$0x3FA2] =	sst s6  }
0xf: {  	[smem:$0x3FA3] =	sst s7  }
0x10: {  	[smem:$0x3FA4] =	sst s8  }
0x11: {  	[smem:$0x3FA5] =	sst s9;
	s0 =	simm.s32 @!p0 $0x0  }
0x12: {  	s1 =	sld [smem:$0x3F8B];
	s0 =	simm.s32 @p0 $0x1  }
0x13: {  	[smem:$0x3FA6] =	sst s0;
	s0 =	simm.s32 @!p1 $0x0  }
0x14: {  	s2 =	sld [smem:$0x3F8A];
	s0 =	simm.s32 @p1 $0x1  }
0x15: {  	[smem:$0x3FA7] =	sst s0;
	s0 =	simm.s32 @!p2 $0x0  }
0x16: {  	s3 =	sld [smem:$0x3FDB];
	s0 =	simm.s32 @p2 $0x1  }
0x17: {  	s4 =	simm.s32 $0x1BF5;
	[smem:$0x3FA9] =	sst s0  }
0x18: {  	s0 =	sld [smem:$0x3F8C];
	_ =	swait.ge [sflag:s4], $0x0  }
0x19: {  	s7 =	sld [smem:$0x3F8D]  }
0x1a: {  	s8 =	sadd.s32 $0xFFFFE003, lr  }
0x1b: {  	s9 =	sadd.s32 $0xFFFFFEF7, lr;
	s5 =	simm.s32 $0xFFFFFFFF;
	p2 =	slt.u32 s8, $0xFFFFF086  }
0x1c: {  	p1 =	slt.u32 s9, $0xF7A;
	s5 =	simm.s32 @!p2 $0x0  }
0x1d: {  	s5 =	simm.s32 @p1 $0x1;
	p0 =	seq.s32 s7, s2  }
0x1e: {  	s7 =	smul.u32 @!p0 $0xF7A, s2;
	p2 =	seq.s32 @!p0 s5, $0x0  }
0x1f: {  	s9 =	smul.u32 $0xF7A, s1;
	s8 =	simm.s32 @!p0 $0x1BF5;
	p2 =	por !p2, p0  }
0x20: {  	[sflag:s8] =	ssyncset.s32 @!p0 $0xFFFFF086;
	s6 =	sadd.s32 @!p0 s3, s7;
	s7 =	simm.s32 @!p0 $0x108  }
0x21: {  	s3 =	sadd.s32 s3, s9;
	s6 =	sadd.s32 @!p0 $0x88, s6;
	s7 =	simm.s32 @p2 $0x1082  }
0x22: {  	[simem:s7], [sflag:s8] =	dma.local @!p0 [hbm:s6], $0xF7A  }
0x23: {  	s9 =	sor.u32 $0xD0000000, s2;
	s6 =	simm.s32 $0x108;
	_ =	swait.ge @!p0 [sflag:s8], $0x0  }
0x24: {  	s3 =	sadd.s32 $0x88, s3;
	s6 =	simm.s32 @!p1 $0x1082;
	[sflag:s4] =	ssyncset.s32 $0xFFFFF086  }
0x25: {  	[simem:s6], [sflag:s4] =	dma.local [hbm:s3], $0xF7A  }
0x26: {  	[smem:$0x3F8D] =	sst s1;
	(tag) =	ssettag s2;
	_ =	strace s9  }
0x27: {  	s1 =	sld [smem:$0x3F9D]  }
0x28: {  	s2 =	sld [smem:$0x3F9E]  }
0x29: {  	s4 =	sld [smem:$0x3FA0]  }
0x2a: {  	p0 =	seq.s32 s5, $0x0;
	s5 =	sld [smem:$0x3FA1]  }
0x2b: {  	s6 =	sld [smem:$0x3FA2]  }
0x2c: {  	s7 =	sld [smem:$0x3FA3]  }
0x2d: {  	s3 =	simm.s32 $0x108;
	s8 =	sld [smem:$0x3FA4]  }
0x2e: {  	s3 =	simm.s32 @!p0 $0x1082;
	s9 =	sld [smem:$0x3FA5]  }
0x2f: {  	lr =	sadd.s32 s0, s3;
	s0 =	sld [smem:$0x3F9C]  }
0x30: {  	s3 =	sld [smem:$0x3F9F]  }
0x31: {  	[smem:$0x3FA8] =	sst s10  }
0x32: {  	s10 =	sld [smem:$0x3FA6];
	_ =	sdelay $0x3  }
0x33: {  	p0 =	seq.s32 s10, $0x1;
	s10 =	sld [smem:$0x3FA8];
	_ =	sdelay $0x3  }
0x34: {  	[smem:$0x3FA8] =	sst s10  }
0x35: {  	s10 =	sld [smem:$0x3FA7];
	_ =	sdelay $0x3  }
0x36: {  	p1 =	seq.s32 s10, $0x1;
	s10 =	sld [smem:$0x3FA8];
	_ =	sdelay $0x3  }
0x37: {  	[smem:$0x3FA8] =	sst s10  }
0x38: {  	s10 =	sld [smem:$0x3FA9]  }
0x39: {  	_ = 	snop;
	(pc) =	sbr.ind lr, $3  }
0x3a: {  	_ = 	snop  }
0x3b: {  	_ = 	snop  }
0x3c: {  	p2 =	seq.s32 s10, $0x1;
	s10 =	sld [smem:$0x3FA8]  }
0x3d: {  	_ =	shalt  }
0x3e: {  	_ =	shalt  }
0x3f: {  	_ =	shalt  }
0x40: {  	_ =	shalt  }
0x41: {  	_ =	shalt  }
0x42: {  	_ =	shalt  }
0x43: {  	_ =	shalt  }
0x44: {  	_ =	shalt  }
0x45: {  	_ =	shalt  }
0x46: {  	_ =	shalt  }
0x47: {  	_ =	shalt  }
0x48: {  	_ =	shalt  }
0x49: {  	_ =	shalt  }
0x4a: {  	_ =	shalt  }
0x4b: {  	_ =	shalt  }
0x4c: {  	_ =	shalt  }
0x4d: {  	_ =	shalt  }
0x4e: {  	_ =	shalt  }
0x4f: {  	_ =	shalt  }
0x50: {  	_ =	shalt  }
0x51: {  	_ =	shalt  }
0x52: {  	_ =	shalt  }
0x53: {  	_ =	shalt  }
0x54: {  	_ =	shalt  }
0x55: {  	_ =	shalt  }
0x56: {  	_ =	shalt  }
0x57: {  	_ =	shalt  }
0x58: {  	_ =	shalt  }
0x59: {  	_ =	shalt  }
0x5a: {  	_ =	shalt  }
0x5b: {  	_ =	shalt  }
0x5c: {  	_ =	shalt  }
0x5d: {  	_ =	shalt  }
0x5e: {  	_ =	shalt  }
0x5f: {  	_ =	shalt  }
0x60: {  	_ =	shalt  }
0x61: {  	_ =	shalt  }
0x62: {  	_ =	shalt  }
0x63: {  	_ =	shalt  }
0x64: {  	_ =	shalt  }
0x65: {  	_ =	shalt  }
0x66: {  	_ =	shalt  }
0x67: {  	_ =	shalt  }
0x68: {  	_ =	shalt  }
0x69: {  	_ =	shalt  }
0x6a: {  	_ =	shalt  }
0x6b: {  	_ =	shalt  }
0x6c: {  	_ =	shalt  }
0x6d: {  	_ =	shalt  }
0x6e: {  	_ =	shalt  }
0x6f: {  	_ =	shalt  }
0x70: {  	_ =	shalt  }
0x71: {  	_ =	shalt  }
0x72: {  	_ =	shalt  }
0x73: {  	_ =	shalt  }
0x74: {  	_ =	shalt  }
0x75: {  	_ =	shalt  }
0x76: {  	_ =	shalt  }
0x77: {  	_ =	shalt  }
0x78: {  	_ =	shalt  }
0x79: {  	_ =	shalt  }
0x7a: {  	_ =	shalt  }
0x7b: {  	_ =	shalt  }
0x7c: {  	_ =	shalt  }
0x7d: {  	_ =	shalt  }
0x7e: {  	_ =	shalt  }
0x7f: {  	_ =	shalt  }
0x80: {  	_ =	shalt  }
0x81: {  	_ =	shalt  }
0x82: {  	_ =	shalt  }
0x83: {  	_ =	shalt  }
0x84: {  	_ =	shalt  }
0x85: {  	_ =	shalt  }
0x86: {  	_ =	shalt  }
0x87: {  	_ =	shalt  }
.Lfunc_end0:
.L_simem_size_0:
called_computation_lowered:
.L_overlay_start_0:
0x88: {  	s2 =	sld [smem:$0x3FD9]  }
0x89: {  	s3 =	sld [smem:$0x3FFE];
	_ =	sdelay $0x1  }
0x8a: {  	s1 =	srdreg.scid  }
0x8b: {  	s0 =	sand.u32 $0x1, s1  }
0x8c: {  	s17 =	sshll.u32 s0, $0xA;
	s2 =	sadd.s32 s3, s2  }
0x8d: {  	s2 =	sadd.s32 s2, s17  }
0x8e: {  	[smem:$0x3FB4] =	sst s2  }
0x8f: {  	_ = 	snop  }
0x90: {  	s2 =	sld [smem:$0x3FD0];
	(tm) =	ssettm $0x1  }
0x91: {  	s18 =	sld [smem:$0x3FFB];
	_ =	sdelay $0x3  }
0x92: {  	_ =	strace s18  }
0x93: {  	s3 =	sld [smem:$0x3FFC];
	_ =	sdelay $0x3  }
0x94: {  	_ =	strace s3  }
0x95: {  	s3 =	sld [smem:$0x3FFD];
	_ =	sdelay $0x3  }
0x96: {  	_ =	strace s3  }
0x97: {  	_ =	strace $0x8FFFFFFF  }
0x98: {  	s19 =	sld [smem:$0x3FDB];
	_ =	sdelay $0x1  }
0x99: {  	s4 =	simm.s32 $_scs_section_size  }
0x9a: {  	s5 =	simm.s32 $_size__tile_overlayer_lowered;
	s6 =	simm.s32 $_tile_overlayer_lowered  }
0x9b: {  	s22 =	simm.s32 $0x1BFF;
	s21 =	sshll.u32 s6, $0x1;
	s3 =	sadd.s32 s4, s19  }
0x9c: {  	s7 =	simm.s32 $0x0;
	s20 =	sshll.u32 s5, $0x1;
	s5 =	sadd.s32 s21, s3  }
0x9d: {  	[timem:s7], [sflag:s22] =	dma.local [hbm:s5], s20  }
0x9e: {  	_ =	swait.ge [sflag:s22], s20  }
0x9f: {  	s4 =	ssub.s32 $0x0, s20;
	[sflag:s22] =	ssyncset.done $0x0  }
0xa0: {  	[sflag:s22] =	ssyncadd.s32 s4;
	_ =	sdelay $0x1  }
0xa1: {  	s23 =	simm.s32 $0x1B8B  }
0xa2: {  	_ =	swait.ge [sflag:s23], $0x1  }
0xa3: {  	[sflag:s23] =	ssyncset.done $0x0  }
0xa4: {  	s25 =	simm.s32 $0x1B8E;
	s24 =	sld [smem:$0x3FFE];
	[sflag:s23] =	ssyncadd.s32 $0xFFFFFFFF  }
0xa5: {  	s26 =	simm.s32 $execute0_lowered;
	[smem:$0x3FD2] =	sst s25  }
0xa6: {  	s5 =	sshll.u32 s26, $0x1;
	_ =	strace $0x80000046;
	[dreg:$0x1] =	wrdreg $0xFFFFFFFF  }
0xa7: {  	s28 =	simm.s32 $_size_execute0_lowered;
	s3 =	sadd.s32 s3, s5;
	[dreg:$0x0] =	wrdreg $0x0  }
0xa8: {  	s5 =	sshll.u32 s28, $0x1;
	[dreg:$0x2] =	wrdreg s3  }
0xa9: {  	[dreg:$0x3] =	wrdreg s5  }
0xaa: {  	[dreg:$0x4] =	wrdreg $0xC0  }
0xab: {  	_ =	task [dreg:s7], $0x5FFFF  }
0xac: {  	[dreg:$0x1] =	wrdreg $0xFFFFFFFF  }
0xad: {  	[dreg:$0x0] =	wrdreg $0x60  }
0xae: {  	[dreg:$0x2] =	wrdreg s24  }
0xaf: {  	[dreg:$0x3] =	wrdreg s2  }
0xb0: {  	[dreg:$0x4] =	wrdreg $0x9  }
0xb1: {  	_ =	task.clear_ibuf [dreg:s7], $0x5FFFF;
	_ =	strace $0x90000046  }
0xb2: {  	s29 =	simm.s32 $0x9;
	_ =	strace $0x80000048  }
0xb3: {  	_ =	swait.ge [sflag:s29], $0x1  }
0xb4: {  	[sflag:s29] =	ssyncadd.s32 $0xFFFFFFFF  }
0xb5: {  	_ =	strace $0x90000048  }
0xb6: {  	_ =	sfence  }
0xb7: {  	s30 =	sld [smem:$0x0];
	_ =	sdelay $0x2  }
0xb8: {  	s31 =	sshll.u32 s1, $0xD;
	s1 =	sshrl.u32 s1, $0x2  }
0xb9: {  	s3 =	sand.u32 $0x4000, s31;
	s1 =	sadd.s32 s1, s30  }
0xba: {  	s0 =	sor.u32 s3, s0;
	s1 =	sshll.u32 s1, $0x11  }
0xbb: {  	s0 =	sor.u32 s1, s0  }
0xbc: {  	s0 =	sadd.s32 $0x8F2B, s0  }
0xbd: {  	[sflag:s0] =	ssyncadd.remote.s32 $0x1  }
0xbe: {  	_ =	sfence.sel $0xFFFF  }
0xbf: {  	[dreg:$0x0] =	wrdreg $0xFFFFFFFF;
	(pc) =	sbr.abs _section_cstart, $3  }
0xc0: {  	[dreg:$0x1] =	wrdreg $0xFFFFFFFF  }
0xc1: {  	_ =	task.clear_ibuf [dreg:s7], $0x2FFFF;
	_ =	strace $0x9FFFFFFF  }
0xc2: {  	(tm) =	ssettm $0x7FFFFFFF  }
0xc3: {  	_ =	shalt  }
tec
execute0_lowered:
.L_overlay_start_1:
0x0: {  	(tag) =	ssettag $0x1  }
0x1: {  	s1 =	rddreg [dreg:$0x0]  }
0x2: {  	s7 =	rddreg [dreg:$0x1]  }
0x3: {  	s3 =	simm.s32 $0x0;
	s0 =	srdreg.scid;
	s6 =	stileid.u32  }
0x4: {  	s18 =	simm.s32 $0x1;
	s28 =	simm.s32 $0x3;
	s29 =	simm.s32 $0x5  }
0x5: {  	s30 =	simm.s32 $0x4;
	s31 =	simm.s32 $0x6;
	[smem:$0x7FF] =	sst s3  }
0x6: {  	s5 =	sadd.s32 $0x40000, s1;
	s0 =	sand.u32 $0x1, s0;
	s2 =	sadd.s32 $0x80000, s1  }
0x7: {  	s6 =	sshll.u32 s6, $0x8;
	s8 =	sadd.s32 $0x80200, s1;
	s25 =	sadd.s32 $0x480, s7  }
0x8: {  	s10 =	sadd.s32 $0x900, s7;
	s11 =	sadd.s32 $0x40100, s1;
	s12 =	sadd.s32 $0x100, s1  }
0x9: {  	v2 =	vlaneseq.u32;
	_ =	strace $0x80000047;
	[dreg:$0x3] =	wrdreg s2;
	s24 =	ssub.s32 $0x2, s0  }
0xa: {  	v0 =	vimm.f32 $0.0e+00;
	vm0 =	vmxor vm0, vm0;
	v1 =	vimm.s32 $0x0;
	s0 =	sshll.u32 s0, $0x7;
	[dreg:$0x4] =	wrdreg s8;
	s4 =	sshrl.u32 s24, $0x1  }
0xb: {  	vm1 =	vmmov $0xffff;
	v4 =	vimm.bf16 $2.0020e-01;
	vm2 =	vmmov $0x1;
	[dreg:$0x6] =	wrdreg s25;
	s0 =	sor.u32 s0, s6;
	s2 =	ssub.s32 s24, s4  }
0xc: {  	vm3 =	vcmask $0x310;
	vm4 =	vcmask $0x710;
	v3 =	vshrl.u32 v2, $0x3;
	[dreg:$0x5] =	wrdreg s0;
	s0 =	simm.s32 $0x2;
	s26 =	smax.u32 s2, $0x1  }
0xd: {  	vm5 =	vcmask $0xB10;
	v2 =	vand.u32 $0x7, v2;
	v3 =	vmul.u32 $0x8, v3;
	s4 =	simm.s32 $0x0;
	[dreg:$0x7] =	wrdreg s26;
	s26 =	simm.s32 $0x1C700  }
.LBB2_1:
0xe: {  	[dreg:$0x8] =	wrdreg s4  }
0xf: {  	s2 =	rddreg [dreg:$0x3];
	s24 =	simm.s32 $0x12000;
	s25 =	simm.s32 $0x7  }
0x10: {  	[tilespmem:s24], [sflag:$0x7] =	stream.linear.gather [hbm4b:s2+s3], $0x200, $0x38;
	[tilespmem:$0x1CF00] =	vst v63  }
0x11: {  	_ =	swait.ge [sflag:s25], $0x200  }
0x12: {  	[sflag:s25] =	ssyncset.done $0x0  }
0x13: {  	p1 =	por $0x1, $0x1;
	s2 =	simm.s32 $0x0;
	[sflag:s25] =	ssyncadd.s32 $0xFFFFFE00  }
.LBB2_2:
0x14: {  	s4 =	simm.s32 $0x0;
	s6 =	simm.s32 $0xFFFF0000;
	p0 =	por p1, p1  }
0x15: {  	s7 =	simm.s32 $0x10000;
	s8 =	simm.s32 $0x0;
	s9 =	simm.s32 $0x0  }
.LBB2_3:
0x16: {  	s13 =	sadd.s32 $0x10000, s6  }
0x17: {  	s14 =	sand.u32 $0x380, s9;
	s13 =	sand.u32 $0xE000, s13  }
0x18: {  	[tilespmem:s7+$0x0] =	vst v0;
	s13 =	sor.u32 s14, s13  }
0x19: {  	[tilespmem:s13+$0x0] =	vst v0  }
0x1a: {  	[tilespmem:s13+$0x10] =	vst v0  }
0x1b: {  	[tilespmem:s13+$0x20] =	vst v0  }
0x1c: {  	[tilespmem:s13+$0x30] =	vst v0  }
0x1d: {  	[tilespmem:s13+$0x40] =	vst v0  }
0x1e: {  	[tilespmem:s13+$0x50] =	vst v0  }
0x1f: {  	[tilespmem:s13+$0x60] =	vst v0  }
0x20: {  	[tilespmem:s13+$0x70] =	vst v0  }
0x21: {  	[tilespmem:s13+$0x400] =	vst v0  }
0x22: {  	[tilespmem:s13+$0x410] =	vst v0  }
0x23: {  	[tilespmem:s13+$0x420] =	vst v0  }
0x24: {  	[tilespmem:s13+$0x430] =	vst v0  }
0x25: {  	[tilespmem:s13+$0x440] =	vst v0  }
0x26: {  	[tilespmem:s13+$0x450] =	vst v0  }
0x27: {  	[tilespmem:s13+$0x460] =	vst v0  }
0x28: {  	[tilespmem:s13+$0x470] =	vst v0  }
0x29: {  	[tilespmem:s13+$0x800] =	vst v0  }
0x2a: {  	[tilespmem:s13+$0x810] =	vst v0  }
0x2b: {  	[tilespmem:s13+$0x820] =	vst v0  }
0x2c: {  	[tilespmem:s13+$0x830] =	vst v0  }
0x2d: {  	[tilespmem:s13+$0x840] =	vst v0  }
0x2e: {  	[tilespmem:s13+$0x850] =	vst v0  }
0x2f: {  	[tilespmem:s13+$0x860] =	vst v0  }
0x30: {  	[tilespmem:s13+$0x870] =	vst v0  }
0x31: {  	[tilespmem:s13+$0xC00] =	vst v0  }
0x32: {  	[tilespmem:s13+$0xC10] =	vst v0  }
0x33: {  	[tilespmem:s13+$0xC20] =	vst v0  }
0x34: {  	[tilespmem:s13+$0xC30] =	vst v0  }
0x35: {  	[tilespmem:s13+$0xC40] =	vst v0  }
0x36: {  	[tilespmem:s13+$0xC50] =	vst v0  }
0x37: {  	[tilespmem:s13+$0xC60] =	vst v0  }
0x38: {  	[tilespmem:s13+$0xC70] =	vst v0  }
0x39: {  	[tilespmem:s13+$0x1000] =	vst v0  }
0x3a: {  	[tilespmem:s13+$0x1010] =	vst v0  }
0x3b: {  	[tilespmem:s13+$0x1020] =	vst v0  }
0x3c: {  	[tilespmem:s13+$0x1030] =	vst v0  }
0x3d: {  	[tilespmem:s13+$0x1040] =	vst v0  }
0x3e: {  	[tilespmem:s13+$0x1050] =	vst v0  }
0x3f: {  	[tilespmem:s13+$0x1060] =	vst v0  }
0x40: {  	[tilespmem:s13+$0x1070] =	vst v0  }
0x41: {  	[tilespmem:s13+$0x1400] =	vst v0  }
0x42: {  	[tilespmem:s13+$0x1410] =	vst v0  }
0x43: {  	[tilespmem:s13+$0x1420] =	vst v0  }
0x44: {  	[tilespmem:s13+$0x1430] =	vst v0  }
0x45: {  	[tilespmem:s13+$0x1440] =	vst v0  }
0x46: {  	[tilespmem:s13+$0x1450] =	vst v0  }
0x47: {  	[tilespmem:s13+$0x1460] =	vst v0  }
0x48: {  	[tilespmem:s13+$0x1470] =	vst v0  }
0x49: {  	[tilespmem:s13+$0x1800] =	vst v0  }
0x4a: {  	[tilespmem:s13+$0x1810] =	vst v0  }
0x4b: {  	[tilespmem:s13+$0x1820] =	vst v0  }
0x4c: {  	[tilespmem:s13+$0x1830] =	vst v0  }
0x4d: {  	s17 =	sand.u32 $0x7, s4;
	[tilespmem:s13+$0x1840] =	vst v0  }
0x4e: {  	s14 =	sshll.u32 s17, $0x7;
	[tilespmem:s13+$0x1850] =	vst v0  }
0x4f: {  	s14 =	sadd.s32 s14, s8;
	[tilespmem:s13+$0x1860] =	vst v0  }
0x50: {  	[tilespmem:s13+$0x1870] =	vst v0;
	s19 =	sor.u32 $0x1C00, s14  }
0x51: {  	s20 =	sor.u32 $0x1C10, s14;
	[tilespmem:s19+$0x0] =	vst v0  }
0x52: {  	s21 =	sor.u32 $0x1C20, s14;
	[tilespmem:s20+$0x0] =	vst v0  }
0x53: {  	p1 =	sne.s32 s9, $0x1F80;
	s22 =	sor.u32 $0x1C30, s14;
	[tilespmem:s21+$0x0] =	vst v0  }
.Ltmp0:
0x54: {  	s23 =	sor.u32 $0x1C40, s14;
	[tilespmem:s22+$0x0] =	vst v0;
	(pc) =	sbr.rel @p1 .LBB2_3-.Ltmp0, $4  }
0x55: {  	s24 =	sor.u32 $0x1C50, s14;
	[tilespmem:s23+$0x0] =	vst v0  }
0x56: {  	s25 =	sor.u32 $0x1C60, s14;
	[tilespmem:s24+$0x0] =	vst v0  }
0x57: {  	s4 =	sadd.s32 $0x1, s4;
	s6 =	sadd.s32 $0x400, s6;
	s14 =	sor.u32 $0x1C70, s14;
	[tilespmem:s25+$0x0] =	vst v0  }
0x58: {  	s7 =	sadd.s32 $0x80, s7;
	s9 =	sadd.s32 $0x80, s9;
	s8 =	sadd.s32 $0x400, s8;
	[tilespmem:s14+$0x0] =	vst v0  }
0x59: {  	s6 =	simm.s32 $0x0;
	s4 =	rddreg [dreg:$0x1]  }
.Ltmp1:
0x5a: {  	s7 =	simm.s32 $0x12200;
	s22 =	rddreg [dreg:$0x5];
	(pc) =	sbr.rel .LBB2_5-.Ltmp1, $4  }
0x5b: {  	[tilespmem:s7], [sflag:$0x1] =	stream.linear.gather [hbm4b:s4+s6], $0x2400, $0x38;
	[tilespmem:$0x1CF00] =	vst v63  }
0x5c: {  	s23 =	rddreg [dreg:$0x6];
	s14 =	sor.u32 s22, s2  }
0x5d: {  	s24 =	simm.s32 $0x14600;
	s13 =	simm.s32 $0x0;
	s25 =	sadd.s32 $0x40, s14  }
0x5e: {  	v5 =	vmov s14;
	[tilespmem:s24], [sflag:$0x2] =	stream.linear.gather [hbm4b:s23+s6], $0x2400, $0x38;
	v6 =	vmov s25;
	[tilespmem:$0x1CF00] =	vst v63  }
.LBB2_19:
0x5f: {  	_ =	swait.ge [sflag:s28], $0x1000  }
0x60: {  	[sflag:s28] =	ssyncset.done $0x0  }
0x61: {  	[sflag:s28] =	ssyncadd.s32 $0xFFFFF000  }
0x62: {  	_ =	swait.ge [sflag:s29], $0x1000  }
0x63: {  	[sflag:s29] =	ssyncset.done $0x0  }
0x64: {  	s6 =	sadd.s32 $0x1, s6;
	[sflag:s29] =	ssyncadd.s32 $0xFFFFF000  }
0x65: {  	p1 =	sne.s32 s6, $0x8;
	_ =	swait.ge [sflag:s30], $0x1000  }
.Ltmp2:
0x66: {  	[sflag:s30] =	ssyncset.done $0x0;
	(pc) =	sbr.rel @!p1 .LBB2_20-.Ltmp2, $4  }
0x67: {  	[sflag:s30] =	ssyncadd.s32 $0xFFFFF000  }
0x68: {  	_ =	swait.ge [sflag:s31], $0x1000  }
0x69: {  	[sflag:s31] =	ssyncset.done $0x0  }
0x6a: {  	s13 =	sadd.s32 $0x1200, s13;
	[sflag:s31] =	ssyncadd.s32 $0xFFFFF000  }
.LBB2_5:
0x6b: {  	s2 =	sand.u32 $0x1, s6  }
0x6c: {  	p1 =	seq.s32 s2, $0x1  }
.Ltmp3:
0x6d: {  	_ = 	snop;
	(pc) =	sbr.rel @p1 .LBB2_9-.Ltmp3, $1  }
0x6e: {  	_ =	sdelay $0x3  }
0x6f: {  	_ =	swait.ge [sflag:s18], $0x2400;
	s2 =	simm.s32 $0x0  }
0x70: {  	[sflag:s18] =	ssyncset.done $0x0;
	s4 =	sand.u32 $0x70, s2;
	s7 =	sand.u32 $0x3F00, s2  }
0x71: {  	[sflag:s18] =	ssyncadd.s32 $0xFFFFDC00;
	s4 =	sor.u32 s4, s7  }
0x72: {  	s7 =	sadd.s32 $0x12200, s4;
	v7 =	vld [tilespmem:s4+$0x12200]  }
0x73: {  	v8 =	vld [tilespmem:s7+$0x80];
	_ =	sdelay $0x1  }
0x74: {  	s25 =	sadd.s32 $0x0, s13  }
0x75: {  	vm6 =	vmmov vm0;
	p1 =	sgt.u32 s25, $0x7FFF  }
0x76: {  	vm6 =	vmneg @p1 vm6  }
0x77: {  	vm7 =	vne.s32 v7, v8;
	vm8 =	vge.s32 v8, v5;
	vm9 =	vlt.s32 v8, v6  }
0x78: {  	vm6 =	vmor vm6, vm7;
	vm7 =	vmand vm8, vm9  }
0x79: {  	vm6 =	vmand vm6, vm7  }
0x7a: {  	v9 =	vmpcnt.ones.xlane vm6;
	_ =	sdelay $0x1  }
0x7b: {  	v9 =	vxor.u32 $0x80000000, v9  }
0x7c: {  	(xrf0) =	vmax.scan.msk.u32 $0xffff, v9;
	_ =	sdelay $0x4  }
0x7d: {  	s4 =	simm.s32 $0x10;
	s7 =	simm.s32 $0x20;
	[tilespmem:s2+$0x16A00] =	vst.msk vm6, v7  }
0x7e: {  	s8 =	simm.s32 $0x20;
	s9 =	sand.u32 $0x70, s4;
	s15 =	sand.u32 $0x3F00, s7;
	[tilespmem:s2+$0x17C80] =	vst.msk vm6, v8;
	v7, _, _ =	vpop (xrf0)  }
.LBB2_7:
0x7f: {  	p1 =	seq.s32 s8, $0x11F0;
	s9 =	sor.u32 s9, s15;
	(v2sf) =	vpush v7, $0xF  }
0x80: {  	s15 =	sadd.s32 $0x12200, s9;
	v7 =	vld [tilespmem:s9+$0x12200]  }
0x81: {  	v8 =	vld [tilespmem:s15+$0x80];
	_ =	sdelay $0x1  }
0x82: {  	s9 =	sadd.s32 s4, s13;
	s4 =	smov.u32 s8  }
0x83: {  	vm6 =	vmmov vm0;
	p2 =	sgt.u32 s9, $0x7FFF  }
0x84: {  	vm6 =	vmneg @p2 vm6  }
0x85: {  	vm7 =	vne.s32 v7, v8;
	vm8 =	vge.s32 v8, v5;
	vm9 =	vlt.s32 v8, v6  }
0x86: {  	vm6 =	vmor vm6, vm7;
	vm7 =	vmand vm8, vm9  }
0x87: {  	vm6 =	vmand vm6, vm7  }
0x88: {  	v9 =	vmpcnt.ones.xlane vm6;
	_ =	sdelay $0x1  }
0x89: {  	v9 =	vxor.u32 $0x80000000, v9  }
0x8a: {  	(xrf0) =	vmax.scan.msk.u32 $0xffff, v9;
	_ =	sdelay $0x1  }
.Ltmp4:
0x8b: {  	s9 =	spop (v2sf);
	(pc) =	sbr.rel @!p1 .LBB2_7-.Ltmp4, $4  }
0x8c: {  	s2 =	sadd.s32 s9, s2  }
0x8d: {  	s2 =	sadd.s32 $0x80000000, s2  }
0x8e: {  	s7 =	sadd.s32 $0x20, s7;
	[tilespmem:s2+$0x16A00] =	vst.msk vm6, v7  }
0x8f: {  	s8 =	sadd.s32 $0x10, s8;
	s15 =	sand.u32 $0x3F00, s7;
	s9 =	sand.u32 $0x70, s4;
	[tilespmem:s2+$0x17C80] =	vst.msk vm6, v8;
	v7, _, _ =	vpop (xrf0)  }
0x90: {  	s7 =	sor.u32 s9, s15  }
0x91: {  	s8 =	sadd.s32 $0x12200, s7;
	v8 =	vld [tilespmem:s7+$0x12200]  }
0x92: {  	v9 =	vld [tilespmem:s8+$0x80];
	_ =	sdelay $0x1  }
0x93: {  	s4 =	sadd.s32 s4, s13  }
0x94: {  	vm6 =	vmmov vm0;
	p1 =	sgt.u32 s4, $0x7FFF  }
0x95: {  	vm6 =	vmneg @p1 vm6  }
0x96: {  	vm7 =	vne.s32 v8, v9;
	vm8 =	vge.s32 v9, v5;
	vm9 =	vlt.s32 v9, v6  }
0x97: {  	vm6 =	vmor vm6, vm7;
	vm7 =	vmand vm8, vm9  }
0x98: {  	vm6 =	vmand vm6, vm7  }
0x99: {  	v10 =	vmpcnt.ones.xlane vm6;
	_ =	sdelay $0x1  }
0x9a: {  	v10 =	vxor.u32 $0x80000000, v10  }
0x9b: {  	(xrf0) =	vmax.scan.msk.u32 $0xffff, v10;
	_ =	sdelay $0x3  }
0x9c: {  	(v2sf) =	vpush v7, $0xF;
	_ =	sdelay $0x1  }
0x9d: {  	v7, _, _ =	vpop (xrf0)  }
0x9e: {  	(v2sf) =	vpush v7, $0xF;
	_ =	sdelay $0xb  }
0x9f: {  	s23 =	spop (v2sf)  }
0xa0: {  	s2 =	sadd.s32 s23, s2  }
0xa1: {  	s2 =	sadd.s32 $0x80000000, s2  }
0xa2: {  	[tilespmem:s2+$0x16A00] =	vst.msk vm6, v8;
	s24 =	spop (v2sf)  }
0xa3: {  	p1 =	slt.s32 s6, $0x5;
	[tilespmem:s2+$0x17C80] =	vst.msk vm6, v9;
	s4 =	sadd.s32 s24, s2;
	s2 =	smov.u32 s6  }
.Ltmp5:
0xa4: {  	s2 =	simm.s32 @!p1 $0x5;
	(pc) =	sbr.rel .LBB2_12-.Ltmp5, $4  }
0xa5: {  	s2 =	smul.u32 $0x480, s2  }
0xa6: {  	s4 =	sadd.s32 $0x80000000, s4  }
0xa7: {  	s25 =	simm.s32 $0x12200;
	[smem:$0x0] =	sst s4;
	s2 =	sadd.s32 s2, s10  }
0xa8: {  	[tilespmem:s25], [sflag:$0x1] =	stream.linear.gather [hbm4b:s2+s3], $0x2400, $0x38;
	[tilespmem:$0x1CF00] =	vst v63  }
.LBB2_9:
0xa9: {  	_ =	swait.ge [sflag:s0], $0x2400;
	s2 =	simm.s32 $0x0  }
0xaa: {  	[sflag:s0] =	ssyncset.done $0x0;
	s4 =	sand.u32 $0x70, s2;
	s7 =	sand.u32 $0x3F00, s2  }
0xab: {  	[sflag:s0] =	ssyncadd.s32 $0xFFFFDC00;
	s4 =	sor.u32 s4, s7  }
0xac: {  	v7 =	vld [tilespmem:s4+$0x14600]  }
0xad: {  	v8 =	vld [tilespmem:s4+$0x14680];
	_ =	sdelay $0x1  }
0xae: {  	s25 =	sadd.s32 $0x0, s13  }
0xaf: {  	vm6 =	vmmov vm0;
	p1 =	sgt.u32 s25, $0x7FFF  }
0xb0: {  	vm6 =	vmneg @p1 vm6  }
0xb1: {  	vm7 =	vne.s32 v7, v8;
	vm8 =	vge.s32 v8, v5;
	vm9 =	vlt.s32 v8, v6  }
0xb2: {  	vm6 =	vmor vm6, vm7;
	vm7 =	vmand vm8, vm9  }
0xb3: {  	vm6 =	vmand vm6, vm7  }
0xb4: {  	v9 =	vmpcnt.ones.xlane vm6;
	_ =	sdelay $0x1  }
0xb5: {  	v9 =	vxor.u32 $0x80000000, v9  }
0xb6: {  	(xrf0) =	vmax.scan.msk.u32 $0xffff, v9;
	_ =	sdelay $0x4  }
0xb7: {  	s7 =	simm.s32 $0x20;
	s4 =	simm.s32 $0x10  }
0xb8: {  	s9 =	sand.u32 $0x3F00, s7;
	s8 =	sand.u32 $0x70, s4;
	[tilespmem:s2+$0x16A00] =	vst.msk vm6, v7;
	v7, _, _ =	vpop (xrf0)  }
0xb9: {  	s9 =	sor.u32 s8, s9;
	s8 =	simm.s32 $0x20;
	[tilespmem:s2+$0x17C80] =	vst.msk vm6, v8;
	(v2sf) =	vpush v7, $0xF  }
.LBB2_10:
0xba: {  	p1 =	sne.s32 s8, $0x11F0;
	v7 =	vld [tilespmem:s9+$0x14600]  }
0xbb: {  	v8 =	vld [tilespmem:s9+$0x14680];
	_ =	sdelay $0x1  }
0xbc: {  	s9 =	sadd.s32 s4, s13;
	s4 =	smov.u32 s8  }
0xbd: {  	vm6 =	vmmov vm0;
	p2 =	sgt.u32 s9, $0x7FFF  }
0xbe: {  	vm6 =	vmneg @p2 vm6  }
0xbf: {  	vm7 =	vne.s32 v7, v8;
	vm8 =	vge.s32 v8, v5;
	vm9 =	vlt.s32 v8, v6  }
0xc0: {  	vm6 =	vmor vm6, vm7;
	vm7 =	vmand vm8, vm9  }
0xc1: {  	vm6 =	vmand vm6, vm7  }
0xc2: {  	v9 =	vmpcnt.ones.xlane vm6;
	_ =	sdelay $0x1  }
0xc3: {  	v9 =	vxor.u32 $0x80000000, v9  }
0xc4: {  	(xrf0) =	vmax.scan.msk.u32 $0xffff, v9;
	_ =	sdelay $0x1  }
0xc5: {  	s9 =	spop (v2sf)  }
.Ltmp6:
0xc6: {  	s2 =	sadd.s32 s9, s2;
	(pc) =	sbr.rel @p1 .LBB2_10-.Ltmp6, $4  }
0xc7: {  	s2 =	sadd.s32 $0x80000000, s2  }
0xc8: {  	s7 =	sadd.s32 $0x20, s7;
	[tilespmem:s2+$0x16A00] =	vst.msk vm6, v7  }
0xc9: {  	s15 =	sand.u32 $0x3F00, s7;
	s9 =	sand.u32 $0x70, s8;
	[tilespmem:s2+$0x17C80] =	vst.msk vm6, v8;
	v7, _, _ =	vpop (xrf0)  }
0xca: {  	s8 =	sadd.s32 $0x10, s8;
	s9 =	sor.u32 s9, s15;
	(v2sf) =	vpush v7, $0xF  }
0xcb: {  	v7 =	vld [tilespmem:s9+$0x14600]  }
0xcc: {  	v8 =	vld [tilespmem:s9+$0x14680];
	_ =	sdelay $0x1  }
0xcd: {  	s4 =	sadd.s32 s4, s13  }
0xce: {  	vm6 =	vmmov vm0;
	p1 =	sgt.u32 s4, $0x7FFF  }
0xcf: {  	vm6 =	vmneg @p1 vm6  }
0xd0: {  	vm7 =	vne.s32 v7, v8;
	vm8 =	vge.s32 v8, v5;
	vm9 =	vlt.s32 v8, v6  }
0xd1: {  	vm6 =	vmor vm6, vm7;
	vm7 =	vmand vm8, vm9  }
0xd2: {  	vm6 =	vmand vm6, vm7  }
0xd3: {  	v9 =	vmpcnt.ones.xlane vm6;
	_ =	sdelay $0x1  }
0xd4: {  	v9 =	vxor.u32 $0x80000000, v9  }
0xd5: {  	(xrf0) =	vmax.scan.msk.u32 $0xffff, v9;
	_ =	sdelay $0x5  }
0xd6: {  	v9, _, _ =	vpop (xrf0)  }
0xd7: {  	(v2sf) =	vpush v9, $0xF;
	_ =	sdelay $0x8  }
0xd8: {  	s7 =	smov.u32 s6;
	p1 =	slt.s32 s6, $0x5;
	s22 =	spop (v2sf)  }
0xd9: {  	s7 =	simm.s32 @!p1 $0x5;
	s2 =	sadd.s32 s22, s2  }
0xda: {  	s23 =	smul.u32 $0x480, s7;
	s2 =	sadd.s32 $0x80000000, s2  }
0xdb: {  	[tilespmem:s2+$0x16A00] =	vst.msk vm6, v7  }
0xdc: {  	s25 =	simm.s32 $0x14600;
	s4 =	sadd.s32 s23, s10;
	[tilespmem:s2+$0x17C80] =	vst.msk vm6, v8  }
0xdd: {  	[tilespmem:s25], [sflag:$0x2] =	stream.linear.gather [hbm4b:s4+s3], $0x2400, $0x38;
	[tilespmem:$0x1CF00] =	vst v63  }
0xde: {  	s24 =	spop (v2sf)  }
0xdf: {  	s2 =	sadd.s32 s24, s2  }
0xe0: {  	s4 =	sadd.s32 $0x80000000, s2  }
0xe1: {  	[smem:$0x0] =	sst s4  }
.LBB2_12:
0xe2: {  	[tilespmem:s4+$0x16A00] =	vst v1  }
0xe3: {  	[tilespmem:s4+$0x16A10] =	vst v1  }
0xe4: {  	[tilespmem:s4+$0x16A20] =	vst v1  }
0xe5: {  	[tilespmem:s4+$0x17C80] =	vst v5  }
0xe6: {  	[tilespmem:s4+$0x17C90] =	vst v5  }
0xe7: {  	[tilespmem:s4+$0x17CA0] =	vst v5  }
0xe8: {  	v7 =	vld.msk [tilespmem:$0x16A00], $0xff;
	_ =	sdelay $0x4  }
0xe9: {  	v8 =	vshll.u32 v7, $0x2  }
0xea: {  	v7 =	vand.u32 $0x7, v7;
	v8 =	vand.u32 $0xFFFFFFE0, v8  }
0xeb: {  	v7 =	vor.u32 v7, v8  }
0xec: {  	v7 =	vperm.xlane v7, v2;
	_ =	sdelay $0x1  }
0xed: {  	v7 =	vadd.s32 v3, v7;
	_ =	sdelay $0x3  }
0xee: {  	s19 =	simm.s32 $0x0;
	s2 =	simm.s32 $0x18F00  }
0xef: {  	[tilespmem:s2], [sflag:$0x3] =	stream.indirect_vreg.gather [hbm4b:s5+s19], $0x80, v7, vm1, $0xb8;
	[tilespmem:$0x1CF00] =	vst v63  }
0xf0: {  	s16 =	simm.s32 $0x19700  }
0xf1: {  	[tilespmem:s16], [sflag:$0x3] =	stream.indirect_vreg.gather [hbm4b:s11+s19], $0x80, v7, vm1, $0xb8;
	[tilespmem:$0x1CF00] =	vst v63  }
0xf2: {  	v7 =	vld.msk [tilespmem:$0x17C80], $0xff;
	_ =	sdelay $0x4  }
0xf3: {  	v8 =	vshll.u32 v7, $0x2  }
0xf4: {  	v7 =	vand.u32 $0x7, v7;
	v8 =	vand.u32 $0xFFFFFFE0, v8  }
0xf5: {  	v7 =	vor.u32 v7, v8  }
0xf6: {  	v7 =	vperm.xlane v7, v2;
	_ =	sdelay $0x1  }
0xf7: {  	v7 =	vadd.s32 v3, v7;
	_ =	sdelay $0x3  }
0xf8: {  	s17 =	simm.s32 $0x1AF00  }
0xf9: {  	[tilespmem:s17], [sflag:$0x5] =	stream.indirect_vreg.gather [hbm4b:s1+s19], $0x80, v7, vm1, $0xb8;
	[tilespmem:$0x1CF00] =	vst v63  }
0xfa: {  	s20 =	simm.s32 $0x1B700  }
0xfb: {  	[tilespmem:s20], [sflag:$0x5] =	stream.indirect_vreg.gather [hbm4b:s12+s19], $0x80, v7, vm1, $0xb8;
	[tilespmem:$0x1CF00] =	vst v63  }
0xfc: {  	v7 =	vld.msk [tilespmem:$0x16A08], $0xff;
	_ =	sdelay $0x4  }
0xfd: {  	v8 =	vshll.u32 v7, $0x2  }
0xfe: {  	v7 =	vand.u32 $0x7, v7;
	v8 =	vand.u32 $0xFFFFFFE0, v8  }
0xff: {  	v7 =	vor.u32 v7, v8  }
0x100: {  	v7 =	vperm.xlane v7, v2;
	_ =	sdelay $0x1  }
0x101: {  	v7 =	vadd.s32 v3, v7;
	_ =	sdelay $0x3  }
0x102: {  	s21 =	simm.s32 $0x19F00  }
0x103: {  	[tilespmem:s21], [sflag:$0x4] =	stream.indirect_vreg.gather [hbm4b:s5+s19], $0x80, v7, vm1, $0xb8;
	[tilespmem:$0x1CF00] =	vst v63  }
0x104: {  	s22 =	simm.s32 $0x1A700  }
0x105: {  	[tilespmem:s22], [sflag:$0x4] =	stream.indirect_vreg.gather [hbm4b:s11+s19], $0x80, v7, vm1, $0xb8;
	[tilespmem:$0x1CF00] =	vst v63  }
0x106: {  	v7 =	vld.msk [tilespmem:$0x17C88], $0xff;
	_ =	sdelay $0x4  }
0x107: {  	s24 =	sadd.s32 $0x7, s4;
	v8 =	vshll.u32 v7, $0x2  }
0x108: {  	s7 =	sand.u32 $0x7, s24;
	v7 =	vand.u32 $0x7, v7;
	v8 =	vand.u32 $0xFFFFFFE0, v8  }
0x109: {  	s25 =	sshra.s32 s24, $0x1F;
	p2 =	slt.s32 s24, $0x1;
	p1 =	sne.s32 s7, $0x0;
	v7 =	vor.u32 v7, v8  }
0x10a: {  	s7 =	sshrl.u32 s25, $0x1D;
	p1 =	por !p2, !p1;
	v7 =	vperm.xlane v7, v2  }
0x10b: {  	p1 =	por !p1, !p1;
	s2 =	sadd.s32 s7, s24;
	s7 =	simm.s32 $0x1  }
0x10c: {  	s2 =	sshra.s32 s2, $0x3;
	s7 =	simm.s32 @!p1 $0x0;
	v7 =	vadd.s32 v3, v7  }
0x10d: {  	s7 =	ssub.s32 s2, s7  }
0x10e: {  	p1 =	slt.s32 s7, $0x1  }
.Ltmp7:
0x10f: {  	_ = 	snop;
	(pc) =	sbr.rel @p1 .LBB2_19-.Ltmp7, $4  }
0x110: {  	s23 =	simm.s32 $0x1BF00  }
0x111: {  	[tilespmem:s23], [sflag:$0x6] =	stream.indirect_vreg.gather [hbm4b:s1+s19], $0x80, v7, vm1, $0xb8;
	[tilespmem:$0x1CF00] =	vst v63  }
0x112: {  	_ = 	snop  }
0x113: {  	[tilespmem:s26], [sflag:$0x6] =	stream.indirect_vreg.gather [hbm4b:s12+s19], $0x80, v7, vm1, $0xb8;
	[tilespmem:$0x1CF00] =	vst v63  }
.Ltmp8:
0x114: {  	(pc) =	sbr.rel .LBB2_14-.Ltmp8, $2  }
0x115: {  	_ =	sdelay $0x2  }
0x116: {  	s17 =	simm.s32 $0x17C80;
	p1 =	por $0x0, $0x0;
	s9 =	simm.s32 $0x0  }
.LBB2_18:
0x117: {  	v7 =	vld.msk [tilespmem:s15+$0x16A10], $0xff;
	_ =	sdelay $0x4  }
0x118: {  	v8 =	vshll.u32 v7, $0x2  }
0x119: {  	v7 =	vand.u32 $0x7, v7;
	v8 =	vand.u32 $0xFFFFFFE0, v8  }
0x11a: {  	v7 =	vor.u32 v7, v8  }
0x11b: {  	v7 =	vperm.xlane v7, v2;
	_ =	sdelay $0x1  }
0x11c: {  	v7 =	vadd.s32 v3, v7;
	_ =	sdelay $0x2  }
0x11d: {  	p2 =	sne.s32 s16, $0x0  }
0x11e: {  	vm6 =	vmmov @p2 $0xffff;
	s2 =	simm.s32 @p2 $0x0;
	s8 =	simm.s32 @p2 $0x19F00  }
0x11f: {  	[tilespmem:s8], [sflag:$0x4] =	stream.indirect_vreg.gather @p2 [hbm4b:s5+s2], $0x80, v7, vm6, $0xb8;
	[tilespmem:$0x1CF00] =	vst v63  }
0x120: {  	s8 =	simm.s32 @p2 $0x1A700  }
0x121: {  	[tilespmem:s8], [sflag:$0x4] =	stream.indirect_vreg.gather @p2 [hbm4b:s11+s2], $0x80, v7, vm6, $0xb8;
	[tilespmem:$0x1CF00] =	vst v63  }
0x122: {  	v8 =	vld.msk @p2 [tilespmem:s15+$0x17C90], $0xff;
	_ =	sdelay $0x4  }
0x123: {  	v9 =	vshll.u32 @p2 v8, $0x2  }
0x124: {  	v10 =	vlaneseq.u32 @p2;
	v8 =	vand.u32 @p2 $0x7, v8;
	v9 =	vand.u32 @p2 $0xFFFFFFE0, v9  }
0x125: {  	v8 =	vor.u32 @p2 v8, v9;
	v9 =	vand.u32 @p2 $0x7, v10;
	v10 =	vshrl.u32 @p2 v10, $0x3  }
0x126: {  	v8 =	vperm.xlane @p2 v8, v9;
	v9 =	vmul.u32 @p2 $0x8, v10;
	_ =	sdelay $0x1  }
0x127: {  	v8 =	vadd.s32 @p2 v9, v8;
	_ =	sdelay $0x3  }
0x128: {  	s8 =	simm.s32 @p2 $0x1BF00  }
0x129: {  	[tilespmem:s8], [sflag:$0x6] =	stream.indirect_vreg.gather @p2 [hbm4b:s1+s2], $0x80, v8, vm6, $0xb8;
	[tilespmem:$0x1CF00] =	vst v63  }
0x12a: {  	s8 =	simm.s32 @p2 $0x1C700  }
0x12b: {  	[tilespmem:s8], [sflag:$0x6] =	stream.indirect_vreg.gather @p2 [hbm4b:s12+s2], $0x80, v8, vm6, $0xb8;
	[tilespmem:$0x1CF00] =	vst v63  }
0x12c: {  	vm6 =	vmmov @!p2 $0xffff;
	s2 =	simm.s32 @!p2 $0x0;
	s8 =	simm.s32 @!p2 $0x18F00  }
0x12d: {  	[tilespmem:s8], [sflag:$0x3] =	stream.indirect_vreg.gather @!p2 [hbm4b:s5+s2], $0x80, v7, vm6, $0xb8;
	[tilespmem:$0x1CF00] =	vst v63  }
0x12e: {  	s8 =	simm.s32 @!p2 $0x19700  }
0x12f: {  	[tilespmem:s8], [sflag:$0x3] =	stream.indirect_vreg.gather @!p2 [hbm4b:s11+s2], $0x80, v7, vm6, $0xb8;
	[tilespmem:$0x1CF00] =	vst v63  }
0x130: {  	v7 =	vld.msk @!p2 [tilespmem:s15+$0x17C90], $0xff;
	_ =	sdelay $0x4  }
0x131: {  	v8 =	vshll.u32 @!p2 v7, $0x2  }
0x132: {  	v9 =	vlaneseq.u32 @!p2;
	v7 =	vand.u32 @!p2 $0x7, v7;
	v8 =	vand.u32 @!p2 $0xFFFFFFE0, v8  }
0x133: {  	v7 =	vor.u32 @!p2 v7, v8;
	v8 =	vand.u32 @!p2 $0x7, v9;
	v9 =	vshrl.u32 @!p2 v9, $0x3  }
0x134: {  	v7 =	vperm.xlane @!p2 v7, v8;
	v8 =	vmul.u32 @!p2 $0x8, v9;
	_ =	sdelay $0x1  }
0x135: {  	v7 =	vadd.s32 @!p2 v8, v7;
	_ =	sdelay $0x3  }
0x136: {  	s8 =	simm.s32 @!p2 $0x1AF00  }
0x137: {  	[tilespmem:s8], [sflag:$0x5] =	stream.indirect_vreg.gather @!p2 [hbm4b:s1+s2], $0x80, v7, vm6, $0xb8;
	[tilespmem:$0x1CF00] =	vst v63  }
0x138: {  	s9 =	sadd.s32 $0x1, s9;
	s8 =	simm.s32 @!p2 $0x1B700  }
0x139: {  	[tilespmem:s8], [sflag:$0x5] =	stream.indirect_vreg.gather @!p2 [hbm4b:s12+s2], $0x80, v7, vm6, $0xb8;
	[tilespmem:$0x1CF00] =	vst v63  }
0x13a: {  	p2 =	sne.s32 s9, s7  }
.Ltmp9:
0x13b: {  	_ = 	snop;
	(pc) =	sbr.rel @!p2 .LBB2_19-.Ltmp9, $2  }
0x13c: {  	_ =	sdelay $0x2  }
0x13d: {  	s19 =	sadd.s32 $0x8, s19;
	s17 =	sadd.s32 $0x8, s17;
	p1 =	por !p1, !p1  }
.LBB2_14:
0x13e: {  	s16 =	sand.u32 $0x1, s9  }
0x13f: {  	s2 =	simm.s32 $0x3;
	p2 =	seq.s32 s16, $0x0  }
0x140: {  	s2 =	simm.s32 @!p2 $0x4  }
0x141: {  	s8 =	simm.s32 $0x1;
	s15 =	simm.s32 $0x5;
	_ =	swait.ge [sflag:s2], $0x1000  }
.Ltmp10:
0x142: {  	s8 =	simm.s32 @!p1 $0x0;
	[sflag:s2] =	ssyncset.done $0x0;
	(pc) =	sbr.rel .LBB2_15-.Ltmp10, $4  }
0x143: {  	s15 =	simm.s32 @!p2 $0x6;
	s25 =	sshll.u32 s8, $0xC;
	[sflag:s2] =	ssyncadd.s32 $0xFFFFF000  }
0x144: {  	s20 =	simm.s32 $0x0;
	s8 =	sadd.s32 $0x19700, s25;
	_ =	swait.ge [sflag:s15], $0x1000  }
0x145: {  	v7 =	vmov s8;
	s8 =	smov.u32 s17;
	s2 =	sadd.s32 $0x1B700, s25;
	[sflag:s15] =	ssyncset.done $0x0  }
0x146: {  	v8 =	vmov s2;
	s2 =	smov.u32 s19;
	[sflag:s15] =	ssyncadd.s32 $0xFFFFF000;
	s15 =	sshll.u32 s9, $0x3  }
.LBB2_17:
0x147: {  	s20 =	sadd.s32 $0x200, s20  }
0x148: {  	p2 =	sne.s32 s20, $0x1000  }
.Ltmp11:
0x149: {  	_ = 	snop;
	(pc) =	sbr.rel @!p2 .LBB2_18-.Ltmp11, $2  }
0x14a: {  	_ =	sdelay $0x2  }
0x14b: {  	s2 =	sadd.s32 $0x1, s2;
	s8 =	sadd.s32 $0x1, s8  }
.LBB2_15:
0x14c: {  	p2 =	sge.s32 s2, s4  }
.Ltmp12:
0x14d: {  	_ = 	snop;
	(pc) =	sbr.rel @p2 .LBB2_17-.Ltmp12, $1  }
0x14e: {  	_ =	sdelay $0x3  }
0x14f: {  	_ =	sdelay $0x2  }
0x150: {  	s21 =	sshra.s32 s20, $0x2;
	v13 =	vld [tilespmem:$0x12000]  }
0x151: {  	v9 =	vld.idx.msk [tilespmem:v7+s21+$0xFFFFF800 ss:$0x1], $0xffff  }
0x152: {  	v10 =	vld.idx.msk [tilespmem:v8+s21+$0xFFFFF800 ss:$0x1], $0xffff  }
0x153: {  	v11 =	vld.idx.msk [tilespmem:v7+s21+$0xFFFFF810 ss:$0x1], $0xffff  }
0x154: {  	v12 =	vld.idx.msk [tilespmem:v8+s21+$0xFFFFF810 ss:$0x1], $0xffff  }
0x155: {  	v14 =	vld.idx.msk [tilespmem:v8+s21+$0xFFFFF820 ss:$0x1], $0xffff  }
0x156: {  	v31 =	vld.idx.msk [tilespmem:v7+s21+$0xFFFFF830 ss:$0x1], $0xffff  }
0x157: {  	v32 =	vld.idx.msk [tilespmem:v8+s21+$0xFFFFF830 ss:$0x1], $0xffff  }
0x158: {  	v34 =	vld.idx.msk [tilespmem:v7+s21+$0xFFFFF840 ss:$0x1], $0xffff  }
0x159: {  	v35 =	vld.idx.msk [tilespmem:v8+s21+$0xFFFFF840 ss:$0x1], $0xffff  }
0x15a: {  	v40 =	vld.idx.msk [tilespmem:v7+s21+$0xFFFFF860 ss:$0x1], $0xffff  }
0x15b: {  	v41 =	vld.idx.msk [tilespmem:v8+s21+$0xFFFFF860 ss:$0x1], $0xffff  }
0x15c: {  	v43 =	vld.idx.msk [tilespmem:v7+s21+$0xFFFFF870 ss:$0x1], $0xffff  }
0x15d: {  	v46 =	vld.idx.msk [tilespmem:v8+s21+$0xFFFFF870 ss:$0x1], $0xffff  }
0x15e: {  	v62 =	vld.idx.msk [tilespmem:v7+s21+$0xFFFFFC20 ss:$0x1], $0xffff  }
0x15f: {  	v24 =	vld.idx.msk [tilespmem:v8+s21+$0xFFFFFC20 ss:$0x1], $0xffff  }
0x160: {  	v30 =	vld.idx.msk [tilespmem:v7+s21+$0xFFFFFC30 ss:$0x1], $0xffff  }
0x161: {  	v9 =	vadd.bf16 v10, v9;
	v10 =	vld.idx.msk [tilespmem:v7+s21+$0xFFFFF820 ss:$0x1], $0xffff;
	v11 =	vadd.bf16 v12, v11  }
0x162: {  	v12 =	vadd.bf16 v32, v31;
	v49 =	vadd.bf16 v41, v40;
	v31 =	vld.idx.msk [tilespmem:v8+s21+$0xFFFFFC30 ss:$0x1], $0xffff  }
0x163: {  	v16 =	vld [tilespmem:$0x12010];
	v56 =	vadd.bf16 v46, v43;
	v15 =	vmul.bf16 v4, v9;
	v33 =	vmul.bf16 v4, v11  }
0x164: {  	vm6 =	vgt.bf16 v9, $0.0e+00;
	v39 =	vmul.bf16 v4, v12;
	v54 =	vmul.bf16 v4, v49  }
0x165: {  	v17 =	vld [tilespmem:$0x12020];
	v60 =	vmul.bf16 v4, v56;
	v9 =	vsel vm6, v9, v15;
	vm6 =	vgt.bf16 v11, $0.0e+00  }
0x166: {  	v19 =	vld [tilespmem:$0x12030];
	v9 =	vmul.bf16 v9, v13;
	v10 =	vadd.bf16 v14, v10;
	v13 =	vadd.bf16 v35, v34  }
0x167: {  	v21 =	vld [tilespmem:$0x12040];
	v11 =	vsel vm6, v11, v33;
	v14 =	vadd.bf16 v24, v62;
	v15 =	vadd.bf16 v31, v30  }
0x168: {  	v37 =	vld.idx.msk [tilespmem:v7+s21+$0xFFFFF850 ss:$0x1], $0xffff;
	v11 =	vmul.bf16 v11, v16;
	v18 =	vunpack.i.u.bf16.f32 v9;
	v9 =	vunpack.i.l.bf16.f32 v9  }
0x169: {  	v59 =	vld.idx.msk [tilespmem:v7+s21+$0xFFFFFC10 ss:$0x1], $0xffff;
	v36 =	vmul.bf16 v4, v10;
	vm6 =	vgt.bf16 v10, $0.0e+00;
	v42 =	vmul.bf16 v4, v13  }
0x16a: {  	v61 =	vld.idx.msk [tilespmem:v8+s21+$0xFFFFFC10 ss:$0x1], $0xffff;
	v24 =	vmul.bf16 v4, v15;
	v9 =	vadd.f32 $0.0e+00, v9;
	v18 =	vadd.f32 $0.0e+00, v18  }
0x16b: {  	v38 =	vld.idx.msk [tilespmem:v8+s21+$0xFFFFF850 ss:$0x1], $0xffff;
	v20 =	vunpack.i.u.bf16.f32 v11;
	v11 =	vunpack.i.l.bf16.f32 v11;
	v10 =	vsel vm6, v10, v36  }
0x16c: {  	v33 =	vld.idx.msk [tilespmem:v7+s21+$0xFFFFFC40 ss:$0x1], $0xffff;
	v11 =	vadd.f32 $0.0e+00, v11;
	vm6 =	vgt.bf16 v12, $0.0e+00;
	v20 =	vadd.f32 $0.0e+00, v20  }
0x16d: {  	v35 =	vld.idx.msk [tilespmem:v8+s21+$0xFFFFFC40 ss:$0x1], $0xffff;
	v10 =	vmul.bf16 v10, v17;
	v12 =	vsel vm6, v12, v39;
	vm6 =	vgt.bf16 v13, $0.0e+00  }
0x16e: {  	v36 =	vmul.bf16 v4, v14;
	v12 =	vmul.bf16 v12, v19;
	v13 =	vsel vm6, v13, v42  }
0x16f: {  	v19 =	vadd.bf16 v61, v59;
	v22 =	vunpack.i.u.bf16.f32 v10;
	v10 =	vunpack.i.l.bf16.f32 v10  }
0x170: {  	v23 =	vld [tilespmem:$0x12050];
	v13 =	vmul.bf16 v13, v21;
	v9 =	vadd.f32 v10, v9;
	v10 =	vadd.bf16 v38, v37  }
0x171: {  	v48 =	vld [tilespmem:$0x12060];
	v44 =	vadd.f32 v22, v18;
	v45 =	vunpack.i.u.bf16.f32 v12;
	v12 =	vunpack.i.l.bf16.f32 v12  }
0x172: {  	v55 =	vld [tilespmem:$0x12070];
	v32 =	vmul.bf16 v4, v19;
	v18 =	vadd.bf16 v35, v33;
	v47 =	vmul.bf16 v4, v10  }
0x173: {  	v50 =	vld.idx.msk [tilespmem:v7+s21+$0xFFFFFC00 ss:$0x1], $0xffff;
	v11 =	vadd.f32 v12, v11;
	v51 =	vadd.f32 v45, v20;
	vm6 =	vgt.bf16 v10, $0.0e+00  }
0x174: {  	v53 =	vld.idx.msk [tilespmem:v8+s21+$0xFFFFFC00 ss:$0x1], $0xffff;
	v52 =	vunpack.i.u.bf16.f32 v13;
	v10 =	vsel vm6, v10, v47;
	vm6 =	vgt.bf16 v49, $0.0e+00  }
0x175: {  	v57 =	vld [tilespmem:$0x12080];
	v13 =	vunpack.i.l.bf16.f32 v13;
	v10 =	vmul.bf16 v10, v23;
	v12 =	vsel vm6, v49, v54  }
0x176: {  	v41 =	vld.idx.msk [tilespmem:v8+s21+$0xFFFFFC50 ss:$0x1], $0xffff;
	v9 =	vadd.f32 v13, v9;
	vm6 =	vgt.bf16 v56, $0.0e+00;
	v12 =	vmul.bf16 v12, v48  }
0x177: {  	v39 =	vld.idx.msk [tilespmem:v7+s21+$0xFFFFFC50 ss:$0x1], $0xffff;
	v13 =	vsel vm6, v56, v60;
	v58 =	vunpack.i.u.bf16.f32 v10;
	v10 =	vunpack.i.l.bf16.f32 v10  }
0x178: {  	v26 =	vld [tilespmem:$0x12090];
	v16 =	vadd.f32 v52, v44;
	v13 =	vmul.bf16 v13, v55;
	v10 =	vadd.f32 v10, v11  }
0x179: {  	v28 =	vld [tilespmem:$0x120A0];
	v11 =	vadd.bf16 v53, v50;
	v63 =	vunpack.i.u.bf16.f32 v12;
	v12 =	vunpack.i.l.bf16.f32 v12  }
0x17a: {  	v43 =	vmul.bf16 v4, v18;
	v52 =	vld.idx.msk [tilespmem:v7+s21+$0x0 ss:$0x1], $0xffff;
	v17 =	vadd.f32 v58, v51;
	v9 =	vadd.f32 v12, v9  }
0x17b: {  	v53 =	vld.idx.msk [tilespmem:v8+s21+$0x0 ss:$0x1], $0xffff;
	v27 =	vadd.f32 v63, v16;
	v29 =	vunpack.i.l.bf16.f32 v13;
	v13 =	vunpack.i.u.bf16.f32 v13  }
0x17c: {  	v46 =	vld.idx.msk [tilespmem:v8+s21+$0xFFFFFC70 ss:$0x1], $0xffff;
	v16 =	vadd.bf16 v41, v39;
	v25 =	vmul.bf16 v4, v11;
	v10 =	vadd.f32 v29, v10  }
0x17d: {  	v30 =	vld [tilespmem:$0x12120];
	vm6 =	vgt.bf16 v11, $0.0e+00;
	v13 =	vadd.f32 v13, v17;
	v9 =	vadd.f32 v9, v27  }
0x17e: {  	v42 =	vld.idx.msk [tilespmem:v7+s21+$0xFFFFFC60 ss:$0x1], $0xffff;
	v47 =	vmul.bf16 v4, v16;
	v11 =	vsel vm6, v11, v25;
	vm6 =	vgt.bf16 v19, $0.0e+00  }
0x17f: {  	v59 =	vld.idx.msk [tilespmem:v8+s21+$0x10 ss:$0x1], $0xffff;
	v10 =	vadd.f32 v10, v13;
	v11 =	vmul.bf16 v11, v57;
	v17 =	vsel vm6, v19, v32  }
0x180: {  	v37 =	vld [tilespmem:$0x120B0];
	vm6 =	vgt.bf16 v14, $0.0e+00;
	v19 =	vadd.bf16 v53, v52;
	v17 =	vmul.bf16 v17, v26  }
0x181: {  	v45 =	vld.idx.msk [tilespmem:v7+s21+$0xFFFFFC70 ss:$0x1], $0xffff;
	v14 =	vsel vm6, v14, v36;
	vm6 =	vgt.bf16 v15, $0.0e+00;
	v9 =	vadd.f32 v10, v9  }
0x182: {  	v61 =	vld.idx.msk [tilespmem:v8+s21+$0x20 ss:$0x1], $0xffff;
	v34 =	vunpack.i.u.bf16.f32 v11;
	v11 =	vunpack.i.l.bf16.f32 v11;
	v14 =	vmul.bf16 v14, v28  }
0x183: {  	v38 =	vld [tilespmem:$0x120C0];
	v15 =	vsel vm6, v15, v24;
	vm6 =	vgt.bf16 v18, $0.0e+00;
	v63 =	vmul.bf16 v4, v19  }
0x184: {  	v27 =	vld [tilespmem:$0x120D0];
	v11 =	vadd.f32 $0.0e+00, v11;
	v12 =	vadd.f32 $0.0e+00, v34;
	v40 =	vunpack.i.u.bf16.f32 v17  }
0x185: {  	v26 =	vld.idx.msk [tilespmem:v8+s21+$0xFFFFFC60 ss:$0x1], $0xffff;
	v17 =	vunpack.i.l.bf16.f32 v17;
	v44 =	vmul.bf16 v15, v37;
	v18 =	vsel vm6, v18, v43  }
0x186: {  	v48 =	vld [tilespmem:$0x120E0];
	vm6 =	vgt.bf16 v16, $0.0e+00;
	v15 =	vadd.bf16 v46, v45;
	v17 =	vadd.f32 $0.0e+00, v17  }
0x187: {  	v56 =	vld [tilespmem:$0x12100];
	v21 =	vadd.f32 $0.0e+00, v40;
	v25 =	vunpack.i.u.bf16.f32 v14;
	v14 =	vunpack.i.l.bf16.f32 v14  }
0x188: {  	v60 =	vld.idx.msk [tilespmem:v7+s21+$0x20 ss:$0x1], $0xffff;
	v18 =	vmul.bf16 v18, v38;
	v16 =	vsel vm6, v16, v47;
	v11 =	vadd.f32 v14, v11  }
0x189: {  	v57 =	vld.idx.msk [tilespmem:v7+s21+$0x10 ss:$0x1], $0xffff;
	v12 =	vadd.f32 v25, v12;
	v22 =	vunpack.i.u.bf16.f32 v44;
	v14 =	vunpack.i.l.bf16.f32 v44  }
0x18a: {  	v50 =	vld [tilespmem:$0x120F0];
	v16 =	vmul.bf16 v16, v27;
	v14 =	vadd.f32 v14, v17;
	v20 =	vadd.bf16 v26, v42  }
0x18b: {  	v45 =	vld.idx.msk [tilespmem:v7+s21+$0x60 ss:$0x1], $0xffff;
	v21 =	vadd.f32 v22, v21;
	v49 =	vunpack.i.u.bf16.f32 v18;
	v18 =	vunpack.i.l.bf16.f32 v18  }
0x18c: {  	v47 =	vld.idx.msk [tilespmem:v8+s21+$0x60 ss:$0x1], $0xffff;
	v55 =	vmul.bf16 v4, v15;
	v11 =	vadd.f32 v18, v11;
	v12 =	vadd.f32 v49, v12  }
0x18d: {  	v39 =	vld [tilespmem:$0x12130];
	v54 =	vunpack.i.l.bf16.f32 v16;
	v16 =	vunpack.i.u.bf16.f32 v16;
	v51 =	vmul.bf16 v4, v20  }
0x18e: {  	v32 =	vld.idx.msk [tilespmem:v7+s21+$0x30 ss:$0x1], $0xffff;
	v18 =	vadd.bf16 v59, v57;
	vm6 =	vgt.bf16 v20, $0.0e+00;
	v14 =	vadd.f32 v54, v14  }
0x18f: {  	v52 =	vld.idx.msk [tilespmem:v8+s21+$0x70 ss:$0x1], $0xffff;
	v16 =	vadd.f32 v16, v21;
	v17 =	vsel vm6, v20, v51;
	vm6 =	vgt.bf16 v15, $0.0e+00  }
0x190: {  	v36 =	vld.idx.msk [tilespmem:v7+s21+$0x40 ss:$0x1], $0xffff;
	v35 =	vmul.bf16 v4, v18;
	v17 =	vmul.bf16 v17, v48;
	v15 =	vsel vm6, v15, v55  }
0x191: {  	v51 =	vld.idx.msk [tilespmem:v7+s21+$0x70 ss:$0x1], $0xffff;
	v20 =	vadd.bf16 v47, v45;
	vm6 =	vgt.bf16 v19, $0.0e+00;
	v15 =	vmul.bf16 v15, v50  }
0x192: {  	v28 =	vld [tilespmem:$0x12110];
	v31 =	vsel vm6, v19, v63;
	v58 =	vunpack.i.u.bf16.f32 v17;
	v17 =	vunpack.i.l.bf16.f32 v17  }
0x193: {  	v37 =	vld.idx.msk [tilespmem:v8+s21+$0x40 ss:$0x1], $0xffff;
	vm6 =	vgt.bf16 v18, $0.0e+00;
	v57 =	vmul.bf16 v4, v20;
	v11 =	vadd.f32 v17, v11  }
0x194: {  	v34 =	vld.idx.msk [tilespmem:v8+s21+$0x30 ss:$0x1], $0xffff;
	v12 =	vadd.f32 v58, v12;
	v62 =	vunpack.i.u.bf16.f32 v15;
	v15 =	vunpack.i.l.bf16.f32 v15  }
0x195: {  	v54 =	vld.idx.msk [tilespmem:v7+s21+$0x400 ss:$0x1], $0xffff;
	v13 =	vmul.bf16 v31, v56;
	v17 =	vadd.bf16 v61, v60;
	v14 =	vadd.f32 v15, v14  }
0x196: {  	v56 =	vld.idx.msk [tilespmem:v8+s21+$0x400 ss:$0x1], $0xffff;
	v29 =	vadd.f32 v62, v16;
	v15 =	vsel vm6, v18, v35;
	v18 =	vadd.bf16 v52, v51  }
0x197: {  	v41 =	vld.idx.msk [tilespmem:v7+s21+$0x50 ss:$0x1], $0xffff;
	v11 =	vadd.f32 v11, v12;
	v38 =	vmul.bf16 v4, v17;
	v15 =	vmul.bf16 v15, v28  }
0x198: {  	v43 =	vld.idx.msk [tilespmem:v8+s21+$0x50 ss:$0x1], $0xffff;
	vm6 =	vgt.bf16 v17, $0.0e+00;
	v12 =	vadd.bf16 v37, v36;
	v33 =	vadd.f32 v14, v29  }
0x199: {  	v40 =	vld [tilespmem:$0x12140];
	v14 =	vadd.bf16 v34, v32;
	v28 =	vmul.bf16 v4, v18;
	v17 =	vsel vm6, v17, v38  }
0x19a: {  	v49 =	vld [tilespmem:$0x12150];
	v42 =	vunpack.i.u.bf16.f32 v15;
	v15 =	vunpack.i.l.bf16.f32 v15;
	v48 =	vmul.bf16 v4, v12  }
0x19b: {  	v32 =	vld.idx.msk [tilespmem:v8+s21+$0x420 ss:$0x1], $0xffff;
	v29 =	vadd.bf16 v56, v54;
	v10 =	vadd.f32 v33, v11;
	v11 =	vunpack.i.u.bf16.f32 v13  }
0x19c: {  	v13 =	vunpack.i.l.bf16.f32 v13;
	v16 =	vmul.bf16 v17, v30;
	v15 =	vadd.f32 $0.0e+00, v15;
	v30 =	vld.idx.msk [tilespmem:v7+s21+$0x420 ss:$0x1], $0xffff  }
0x19d: {  	v44 =	vmul.bf16 v4, v14;
	v19 =	vadd.f32 $0.0e+00, v42;
	v17 =	vadd.bf16 v43, v41;
	v41 =	vld.idx.msk [tilespmem:v7+s21+$0x440 ss:$0x1], $0xffff  }
0x19e: {  	vm6 =	vgt.bf16 v14, $0.0e+00;
	v43 =	vld.idx.msk [tilespmem:v8+s21+$0x440 ss:$0x1], $0xffff;
	v13 =	vadd.f32 $0.0e+00, v13;
	v11 =	vadd.f32 $0.0e+00, v11  }
0x19f: {  	v47 =	vld.idx.msk [tilespmem:v8+s21+$0x450 ss:$0x1], $0xffff;
	v33 =	vmul.bf16 v4, v29;
	v46 =	vunpack.i.u.bf16.f32 v16;
	v14 =	vsel vm6, v14, v44  }
0x1a0: {  	v50 =	vld [tilespmem:$0x12160];
	v16 =	vunpack.i.l.bf16.f32 v16;
	vm6 =	vgt.bf16 v12, $0.0e+00;
	v14 =	vmul.bf16 v14, v39  }
0x1a1: {  	v63 =	vld.idx.msk [tilespmem:v8+s21+$0x410 ss:$0x1], $0xffff;
	v53 =	vmul.bf16 v4, v17;
	v13 =	vadd.f32 v16, v13;
	v12 =	vsel vm6, v12, v48  }
0x1a2: {  	v58 =	vld [tilespmem:$0x12170];
	v11 =	vadd.f32 v46, v11;
	v12 =	vmul.bf16 v12, v40;
	v21 =	vunpack.i.u.bf16.f32 v14  }
0x1a3: {  	v61 =	vld.idx.msk [tilespmem:v7+s21+$0x410 ss:$0x1], $0xffff;
	v14 =	vunpack.i.l.bf16.f32 v14;
	v40 =	vadd.bf16 v32, v30;
	v23 =	vadd.bf16 v43, v41  }
0x1a4: {  	vm6 =	vgt.bf16 v17, $0.0e+00;
	v46 =	vld.idx.msk [tilespmem:v7+s21+$0x450 ss:$0x1], $0xffff;
	v14 =	vadd.f32 v14, v15;
	v19 =	vadd.f32 v21, v19  }
0x1a5: {  	v60 =	vld [tilespmem:$0x12180];
	v55 =	vunpack.i.u.bf16.f32 v12;
	v12 =	vunpack.i.l.bf16.f32 v12;
	v15 =	vsel vm6, v17, v53  }
0x1a6: {  	v35 =	vld.idx.msk [tilespmem:v7+s21+$0x430 ss:$0x1], $0xffff;
	vm6 =	vgt.bf16 v20, $0.0e+00;
	v12 =	vadd.f32 v12, v13;
	v59 =	vmul.bf16 v15, v49  }
0x1a7: {  	v51 =	vld.idx.msk [tilespmem:v8+s21+$0x460 ss:$0x1], $0xffff;
	v11 =	vadd.f32 v55, v11;
	v17 =	vsel vm6, v20, v57;
	vm6 =	vgt.bf16 v18, $0.0e+00  }
0x1a8: {  	v36 =	vld.idx.msk [tilespmem:v8+s21+$0x430 ss:$0x1], $0xffff;
	v44 =	vmul.bf16 v4, v40;
	v16 =	vmul.bf16 v17, v50;
	v17 =	vadd.bf16 v63, v61  }
0x1a9: {  	v54 =	vld.idx.msk [tilespmem:v8+s21+$0x470 ss:$0x1], $0xffff;
	v20 =	vadd.bf16 v47, v46;
	v62 =	vunpack.i.u.bf16.f32 v59;
	v13 =	vunpack.i.l.bf16.f32 v59  }
0x1aa: {  	v53 =	vld.idx.msk [tilespmem:v7+s21+$0x470 ss:$0x1], $0xffff;
	v52 =	vmul.bf16 v4, v23;
	v13 =	vadd.f32 v13, v14;
	v19 =	vadd.f32 v62, v19  }
0x1ab: {  	v50 =	vld.idx.msk [tilespmem:v7+s21+$0x460 ss:$0x1], $0xffff;
	v31 =	vunpack.i.u.bf16.f32 v16;
	v16 =	vunpack.i.l.bf16.f32 v16;
	v14 =	vsel vm6, v18, v28  }
0x1ac: {  	vm6 =	vgt.bf16 v29, $0.0e+00;
	v39 =	vmul.bf16 v4, v17;
	v12 =	vadd.f32 v16, v12  }
0x1ad: {  	v14 =	vmul.bf16 v14, v58;
	v11 =	vadd.f32 v31, v11;
	v18 =	vsel vm6, v29, v33  }
0x1ae: {  	v34 =	vld [tilespmem:$0x12190];
	vm6 =	vgt.bf16 v17, $0.0e+00;
	v16 =	vadd.bf16 v36, v35;
	v58 =	vmul.bf16 v4, v20  }
0x1af: {  	v22 =	vadd.bf16 v54, v53;
	v15 =	vmul.bf16 v18, v60;
	v37 =	vunpack.i.u.bf16.f32 v14  }
0x1b0: {  	v38 =	vld [tilespmem:$0x121A0];
	v14 =	vunpack.i.l.bf16.f32 v14;
	v48 =	vmul.bf16 v4, v16;
	v18 =	vadd.bf16 v51, v50  }
0x1b1: {  	v29 =	vmul.bf16 v4, v22;
	v13 =	vadd.f32 v14, v13;
	v19 =	vadd.f32 v37, v19  }
0x1b2: {  	v45 =	vld [tilespmem:$0x121B0];
	v42 =	vunpack.i.u.bf16.f32 v15;
	v15 =	vunpack.i.l.bf16.f32 v15;
	v14 =	vsel vm6, v17, v39  }
0x1b3: {  	vm6 =	vgt.bf16 v40, $0.0e+00;
	v14 =	vmul.bf16 v14, v34;
	v15 =	vadd.f32 $0.0e+00, v15  }
0x1b4: {  	v21 =	vadd.f32 $0.0e+00, v42;
	v17 =	vsel vm6, v40, v44;
	vm6 =	vgt.bf16 v16, $0.0e+00  }
0x1b5: {  	v56 =	vld [tilespmem:$0x121D0];
	v62 =	vmul.bf16 v4, v18;
	v17 =	vmul.bf16 v17, v38;
	v16 =	vsel vm6, v16, v48  }
0x1b6: {  	v49 =	vld [tilespmem:$0x121C0];
	vm6 =	vgt.bf16 v23, $0.0e+00;
	v26 =	vunpack.i.u.bf16.f32 v14;
	v14 =	vunpack.i.l.bf16.f32 v14  }
0x1b7: {  	v16 =	vmul.bf16 v16, v45;
	v55 =	vsel vm6, v23, v52;
	vm6 =	vgt.bf16 v20, $0.0e+00  }
0x1b8: {  	v59 =	vld [tilespmem:$0x121E0];
	v14 =	vadd.f32 $0.0e+00, v14;
	v28 =	vunpack.i.l.bf16.f32 v17;
	v17 =	vunpack.i.u.bf16.f32 v17  }
0x1b9: {  	v26 =	vadd.f32 $0.0e+00, v26;
	v20 =	vsel vm6, v20, v58;
	vm6 =	vgt.bf16 v18, $0.0e+00  }
0x1ba: {  	v15 =	vadd.f32 v28, v15;
	v17 =	vadd.f32 v17, v21;
	v57 =	vunpack.i.u.bf16.f32 v16  }
0x1bb: {  	v63 =	vld [tilespmem:$0x121F0];
	v21 =	vmul.bf16 v55, v49;
	v16 =	vunpack.i.l.bf16.f32 v16;
	v20 =	vmul.bf16 v20, v56  }
0x1bc: {  	v18 =	vsel vm6, v18, v62;
	vm6 =	vgt.bf16 v22, $0.0e+00;
	v14 =	vadd.f32 v16, v14  }
0x1bd: {  	v60 =	vadd.f32 v57, v26;
	v18 =	vmul.bf16 v18, v59;
	v31 =	vsel vm6, v22, v29  }
0x1be: {  	v61 =	vunpack.i.l.bf16.f32 v21;
	v21 =	vunpack.i.u.bf16.f32 v21;
	v30 =	vunpack.i.l.bf16.f32 v20  }
0x1bf: {  	v20 =	vunpack.i.u.bf16.f32 v20;
	v15 =	vadd.f32 v61, v15;
	v17 =	vadd.f32 v21, v17  }
0x1c0: {  	v14 =	vadd.f32 v30, v14;
	v21 =	vmul.bf16 v31, v63;
	v32 =	vunpack.i.l.bf16.f32 v18  }
0x1c1: {  	v16 =	vadd.f32 v20, v60;
	v18 =	vunpack.i.u.bf16.f32 v18;
	v15 =	vadd.f32 v32, v15  }
0x1c2: {  	v17 =	vadd.f32 v18, v17;
	v33 =	vunpack.i.u.bf16.f32 v21;
	v34 =	vunpack.i.l.bf16.f32 v21  }
0x1c3: {  	v14 =	vadd.f32 v34, v14;
	v16 =	vadd.f32 v33, v16  }
0x1c4: {  	v11 =	vadd.f32 v12, v11;
	v35 =	vadd.f32 v13, v19  }
0x1c5: {  	(xrf2) =	vadd.scan.msk.f32 $0xffff, v9;
	v36 =	vadd.f32 v15, v17;
	v14 =	vadd.f32 v14, v16  }
0x1c6: {  	(xrf2) =	vadd.scan.msk.f32 $0xffff, v10;
	v9 =	vadd.f32 v35, v11  }
0x1c7: {  	v10 =	vadd.f32 v14, v36  }
0x1c8: {  	(xrf2) =	vadd.scan.msk.f32 $0xffff, v9  }
0x1c9: {  	(xrf2) =	vadd.scan.msk.f32 $0xffff, v10;
	_ =	sdelay $0x1  }
0x1ca: {  	v9 =	vld [tilespmem:s8+$0x0];
	_ =	sdelay $0x3  }
0x1cb: {  	v10, _, _ =	vpop (xrf2)  }
0x1cc: {  	(v2sf) =	vpush v9, $0x0;
	v9, _, _ =	vpop (xrf2);
	v10 =	vmul.f32 $1.442695020e+00, v10  }
0x1cd: {  	v9 =	vmul.f32 $1.442695020e+00, v9  }
0x1ce: {  	v11, _, _ =	vpop (xrf2);
	v10 =	vbroadcast v10, $0xF  }
0x1cf: {  	v11 =	vmul.f32 $1.442695020e+00, v11;
	v9 =	vbroadcast v9, $0xF;
	v37, _, _ =	vpop (xrf2)  }
0x1d0: {  	(erf) = vpow2.f32 v10;
	v12 =	vmul.f32 $1.442695020e+00, v37  }
0x1d1: {  	v10 =	vbroadcast v11, $0xF  }
0x1d2: {  	(erf) = vpow2.f32 v9;
	v9 =	vbroadcast v12, $0xF  }
0x1d3: {  	(erf) = vpow2.f32 v10  }
0x1d4: {  	(erf) = vpow2.f32 v9;
	_ =	sdelay $0x4  }
0x1d5: {  	v38 =	vpop (erf)  }
0x1d6: {  	v9 =	vnsel vm2, $0x0, v38  }
0x1d7: {  	s23 =	spop (v2sf);
	v11 =	vpop (erf)  }
0x1d8: {  	s22 =	ssub.s32 s23, s14;
	v10 =	vpop (erf);
	v39 =	vsel vm3, v9, v11  }
0x1d9: {  	s24 =	sshll.u32 s22, $0x9;
	v13 =	vsel vm4, v39, v10;
	v9 =	vpop (erf)  }
0x1da: {  	s24 =	sshra.s32 s24, $0x2;
	v13 =	vsel vm5, v13, v9  }
0x1db: {  	[tilespmem:s24+$0x10000] =	vst.add.f32.msk $0xffff, v13  }
0x1dc: {  	v13 =	vld.idx.msk [tilespmem:v7+s21+$0xFFFFF800 ss:$0x1], $0xffff;
	_ =	sdelay $0x4  }
0x1dd: {  	s23 =	sshll.u32 s23, $0x7;
	s22 =	sshll.u32 s22, $0xA;
	v40 =	vunpack.i.l.bf16.f32 v13  }
0x1de: {  	s23 =	sand.u32 $0x380, s23;
	s25 =	sand.u32 $0xFFFFE000, s22;
	v13 =	vunpack.i.u.bf16.f32 v13;
	v14 =	vmul.f32 v40, v38  }
0x1df: {  	s24 =	sor.u32 s23, s25;
	v13 =	vmul.f32 v13, v38  }
0x1e0: {  	s25 =	sor.u32 $0x10, s24;
	[tilespmem:s24+$0x0] =	vst.add.f32.msk $0xffff, v14  }
0x1e1: {  	[tilespmem:s25+$0x0] =	vst.add.f32.msk $0xffff, v13  }
0x1e2: {  	v13 =	vld.idx.msk [tilespmem:v7+s21+$0xFFFFF810 ss:$0x1], $0xffff;
	_ =	sdelay $0x4  }
0x1e3: {  	v41 =	vunpack.i.l.bf16.f32 v13  }
0x1e4: {  	v13 =	vunpack.i.u.bf16.f32 v13;
	v14 =	vmul.f32 v41, v38  }
0x1e5: {  	s25 =	sor.u32 $0x20, s24;
	v13 =	vmul.f32 v13, v38  }
0x1e6: {  	[tilespmem:s25+$0x0] =	vst.add.f32.msk $0xffff, v14;
	s25 =	sor.u32 $0x30, s24  }
0x1e7: {  	[tilespmem:s25+$0x0] =	vst.add.f32.msk $0xffff, v13  }
0x1e8: {  	v13 =	vld.idx.msk [tilespmem:v7+s21+$0xFFFFF820 ss:$0x1], $0xffff;
	_ =	sdelay $0x4  }
0x1e9: {  	v42 =	vunpack.i.l.bf16.f32 v13  }
0x1ea: {  	v13 =	vunpack.i.u.bf16.f32 v13;
	v14 =	vmul.f32 v42, v38  }
0x1eb: {  	s25 =	sor.u32 $0x40, s24;
	v13 =	vmul.f32 v13, v38  }
0x1ec: {  	[tilespmem:s25+$0x0] =	vst.add.f32.msk $0xffff, v14;
	s25 =	sor.u32 $0x50, s24  }
0x1ed: {  	[tilespmem:s25+$0x0] =	vst.add.f32.msk $0xffff, v13  }
0x1ee: {  	v13 =	vld.idx.msk [tilespmem:v7+s21+$0xFFFFF830 ss:$0x1], $0xffff;
	_ =	sdelay $0x4  }
0x1ef: {  	v43 =	vunpack.i.l.bf16.f32 v13  }
0x1f0: {  	v13 =	vunpack.i.u.bf16.f32 v13;
	v14 =	vmul.f32 v43, v38  }
0x1f1: {  	s25 =	sor.u32 $0x60, s24;
	v13 =	vmul.f32 v13, v38  }
0x1f2: {  	[tilespmem:s25+$0x0] =	vst.add.f32.msk $0xffff, v14;
	s25 =	sor.u32 $0x70, s24  }
0x1f3: {  	[tilespmem:s25+$0x0] =	vst.add.f32.msk $0xffff, v13  }
0x1f4: {  	v13 =	vld.idx.msk [tilespmem:v7+s21+$0xFFFFF840 ss:$0x1], $0xffff;
	_ =	sdelay $0x4  }
0x1f5: {  	v44 =	vunpack.i.l.bf16.f32 v13  }
0x1f6: {  	v13 =	vunpack.i.u.bf16.f32 v13;
	v14 =	vmul.f32 v44, v38  }
0x1f7: {  	s25 =	sor.u32 $0x400, s24;
	v13 =	vmul.f32 v13, v38  }
0x1f8: {  	[tilespmem:s25+$0x0] =	vst.add.f32.msk $0xffff, v14;
	s25 =	sor.u32 $0x410, s24  }
0x1f9: {  	[tilespmem:s25+$0x0] =	vst.add.f32.msk $0xffff, v13  }
0x1fa: {  	v13 =	vld.idx.msk [tilespmem:v7+s21+$0xFFFFF850 ss:$0x1], $0xffff;
	_ =	sdelay $0x4  }
0x1fb: {  	v45 =	vunpack.i.l.bf16.f32 v13  }
0x1fc: {  	v13 =	vunpack.i.u.bf16.f32 v13;
	v14 =	vmul.f32 v45, v38  }
0x1fd: {  	s25 =	sor.u32 $0x420, s24;
	v13 =	vmul.f32 v13, v38  }
0x1fe: {  	[tilespmem:s25+$0x0] =	vst.add.f32.msk $0xffff, v14;
	s25 =	sor.u32 $0x430, s24  }
0x1ff: {  	[tilespmem:s25+$0x0] =	vst.add.f32.msk $0xffff, v13  }
0x200: {  	v13 =	vld.idx.msk [tilespmem:v7+s21+$0xFFFFF860 ss:$0x1], $0xffff;
	_ =	sdelay $0x4  }
0x201: {  	v46 =	vunpack.i.l.bf16.f32 v13  }
0x202: {  	v13 =	vunpack.i.u.bf16.f32 v13;
	v14 =	vmul.f32 v46, v38  }
0x203: {  	s25 =	sor.u32 $0x440, s24;
	v13 =	vmul.f32 v13, v38  }
0x204: {  	[tilespmem:s25+$0x0] =	vst.add.f32.msk $0xffff, v14;
	s25 =	sor.u32 $0x450, s24  }
0x205: {  	[tilespmem:s25+$0x0] =	vst.add.f32.msk $0xffff, v13  }
0x206: {  	v13 =	vld.idx.msk [tilespmem:v7+s21+$0xFFFFF870 ss:$0x1], $0xffff;
	_ =	sdelay $0x4  }
0x207: {  	v47 =	vunpack.i.l.bf16.f32 v13  }
0x208: {  	v13 =	vunpack.i.u.bf16.f32 v13;
	v14 =	vmul.f32 v47, v38  }
0x209: {  	s25 =	sor.u32 $0x460, s24;
	v12 =	vmul.f32 v13, v38  }
0x20a: {  	[tilespmem:s25+$0x0] =	vst.add.f32.msk $0xffff, v14;
	s25 =	sor.u32 $0x470, s24  }
0x20b: {  	[tilespmem:s25+$0x0] =	vst.add.f32.msk $0xffff, v12  }
0x20c: {  	v12 =	vld.idx.msk [tilespmem:v7+s21+$0xFFFFFC00 ss:$0x1], $0xffff;
	_ =	sdelay $0x4  }
0x20d: {  	v48 =	vunpack.i.l.bf16.f32 v12  }
0x20e: {  	v12 =	vunpack.i.u.bf16.f32 v12;
	v13 =	vmul.f32 v48, v11  }
0x20f: {  	s25 =	sor.u32 $0x800, s24;
	v12 =	vmul.f32 v12, v11  }
0x210: {  	[tilespmem:s25+$0x0] =	vst.add.f32.msk $0xffff, v13;
	s25 =	sor.u32 $0x810, s24  }
0x211: {  	[tilespmem:s25+$0x0] =	vst.add.f32.msk $0xffff, v12  }
0x212: {  	v12 =	vld.idx.msk [tilespmem:v7+s21+$0xFFFFFC10 ss:$0x1], $0xffff;
	_ =	sdelay $0x4  }
0x213: {  	v49 =	vunpack.i.l.bf16.f32 v12  }
0x214: {  	v12 =	vunpack.i.u.bf16.f32 v12;
	v13 =	vmul.f32 v49, v11  }
0x215: {  	s25 =	sor.u32 $0x820, s24;
	v12 =	vmul.f32 v12, v11  }
0x216: {  	[tilespmem:s25+$0x0] =	vst.add.f32.msk $0xffff, v13;
	s25 =	sor.u32 $0x830, s24  }
0x217: {  	[tilespmem:s25+$0x0] =	vst.add.f32.msk $0xffff, v12  }
0x218: {  	v12 =	vld.idx.msk [tilespmem:v7+s21+$0xFFFFFC20 ss:$0x1], $0xffff;
	_ =	sdelay $0x4  }
0x219: {  	v50 =	vunpack.i.l.bf16.f32 v12  }
0x21a: {  	v12 =	vunpack.i.u.bf16.f32 v12;
	v13 =	vmul.f32 v50, v11  }
0x21b: {  	s25 =	sor.u32 $0x840, s24;
	v12 =	vmul.f32 v12, v11  }
0x21c: {  	[tilespmem:s25+$0x0] =	vst.add.f32.msk $0xffff, v13;
	s25 =	sor.u32 $0x850, s24  }
0x21d: {  	[tilespmem:s25+$0x0] =	vst.add.f32.msk $0xffff, v12  }
0x21e: {  	v12 =	vld.idx.msk [tilespmem:v7+s21+$0xFFFFFC30 ss:$0x1], $0xffff;
	_ =	sdelay $0x4  }
0x21f: {  	v51 =	vunpack.i.l.bf16.f32 v12  }
0x220: {  	v12 =	vunpack.i.u.bf16.f32 v12;
	v13 =	vmul.f32 v51, v11  }
0x221: {  	s25 =	sor.u32 $0x860, s24;
	v12 =	vmul.f32 v12, v11  }
0x222: {  	[tilespmem:s25+$0x0] =	vst.add.f32.msk $0xffff, v13;
	s25 =	sor.u32 $0x870, s24  }
0x223: {  	[tilespmem:s25+$0x0] =	vst.add.f32.msk $0xffff, v12  }
0x224: {  	v12 =	vld.idx.msk [tilespmem:v7+s21+$0xFFFFFC40 ss:$0x1], $0xffff;
	_ =	sdelay $0x4  }
0x225: {  	v52 =	vunpack.i.l.bf16.f32 v12  }
0x226: {  	v12 =	vunpack.i.u.bf16.f32 v12;
	v13 =	vmul.f32 v52, v11  }
0x227: {  	s25 =	sor.u32 $0xC00, s24;
	v12 =	vmul.f32 v12, v11  }
0x228: {  	[tilespmem:s25+$0x0] =	vst.add.f32.msk $0xffff, v13;
	s25 =	sor.u32 $0xC10, s24  }
0x229: {  	[tilespmem:s25+$0x0] =	vst.add.f32.msk $0xffff, v12  }
0x22a: {  	v12 =	vld.idx.msk [tilespmem:v7+s21+$0xFFFFFC50 ss:$0x1], $0xffff;
	_ =	sdelay $0x4  }
0x22b: {  	v53 =	vunpack.i.l.bf16.f32 v12  }
0x22c: {  	v12 =	vunpack.i.u.bf16.f32 v12;
	v13 =	vmul.f32 v53, v11  }
0x22d: {  	s25 =	sor.u32 $0xC20, s24;
	v12 =	vmul.f32 v12, v11  }
0x22e: {  	[tilespmem:s25+$0x0] =	vst.add.f32.msk $0xffff, v13;
	s25 =	sor.u32 $0xC30, s24  }
0x22f: {  	[tilespmem:s25+$0x0] =	vst.add.f32.msk $0xffff, v12  }
0x230: {  	v12 =	vld.idx.msk [tilespmem:v7+s21+$0xFFFFFC60 ss:$0x1], $0xffff;
	_ =	sdelay $0x4  }
0x231: {  	v54 =	vunpack.i.l.bf16.f32 v12  }
0x232: {  	v12 =	vunpack.i.u.bf16.f32 v12;
	v13 =	vmul.f32 v54, v11  }
0x233: {  	s25 =	sor.u32 $0xC40, s24;
	v12 =	vmul.f32 v12, v11  }
0x234: {  	[tilespmem:s25+$0x0] =	vst.add.f32.msk $0xffff, v13;
	s25 =	sor.u32 $0xC50, s24  }
0x235: {  	[tilespmem:s25+$0x0] =	vst.add.f32.msk $0xffff, v12  }
0x236: {  	v12 =	vld.idx.msk [tilespmem:v7+s21+$0xFFFFFC70 ss:$0x1], $0xffff;
	_ =	sdelay $0x4  }
0x237: {  	v55 =	vunpack.i.l.bf16.f32 v12  }
0x238: {  	v12 =	vunpack.i.u.bf16.f32 v12;
	v13 =	vmul.f32 v55, v11  }
0x239: {  	s25 =	sor.u32 $0xC60, s24;
	v11 =	vmul.f32 v12, v11  }
0x23a: {  	[tilespmem:s25+$0x0] =	vst.add.f32.msk $0xffff, v13;
	s25 =	sor.u32 $0xC70, s24  }
0x23b: {  	[tilespmem:s25+$0x0] =	vst.add.f32.msk $0xffff, v11  }
0x23c: {  	v11 =	vld.idx.msk [tilespmem:v7+s21+$0x0 ss:$0x1], $0xffff;
	_ =	sdelay $0x4  }
0x23d: {  	v56 =	vunpack.i.l.bf16.f32 v11  }
0x23e: {  	v11 =	vunpack.i.u.bf16.f32 v11;
	v12 =	vmul.f32 v56, v10  }
0x23f: {  	s25 =	sor.u32 $0x1000, s24;
	v11 =	vmul.f32 v11, v10  }
0x240: {  	[tilespmem:s25+$0x0] =	vst.add.f32.msk $0xffff, v12;
	s25 =	sor.u32 $0x1010, s24  }
0x241: {  	[tilespmem:s25+$0x0] =	vst.add.f32.msk $0xffff, v11  }
0x242: {  	v11 =	vld.idx.msk [tilespmem:v7+s21+$0x10 ss:$0x1], $0xffff;
	_ =	sdelay $0x4  }
0x243: {  	v57 =	vunpack.i.l.bf16.f32 v11  }
0x244: {  	v11 =	vunpack.i.u.bf16.f32 v11;
	v12 =	vmul.f32 v57, v10  }
0x245: {  	s25 =	sor.u32 $0x1020, s24;
	v11 =	vmul.f32 v11, v10  }
0x246: {  	[tilespmem:s25+$0x0] =	vst.add.f32.msk $0xffff, v12;
	s25 =	sor.u32 $0x1030, s24  }
0x247: {  	[tilespmem:s25+$0x0] =	vst.add.f32.msk $0xffff, v11  }
0x248: {  	v11 =	vld.idx.msk [tilespmem:v7+s21+$0x20 ss:$0x1], $0xffff;
	_ =	sdelay $0x4  }
0x249: {  	v58 =	vunpack.i.l.bf16.f32 v11  }
0x24a: {  	v11 =	vunpack.i.u.bf16.f32 v11;
	v12 =	vmul.f32 v58, v10  }
0x24b: {  	s25 =	sor.u32 $0x1040, s24;
	v11 =	vmul.f32 v11, v10  }
0x24c: {  	[tilespmem:s25+$0x0] =	vst.add.f32.msk $0xffff, v12;
	s25 =	sor.u32 $0x1050, s24  }
0x24d: {  	[tilespmem:s25+$0x0] =	vst.add.f32.msk $0xffff, v11  }
0x24e: {  	v11 =	vld.idx.msk [tilespmem:v7+s21+$0x30 ss:$0x1], $0xffff;
	_ =	sdelay $0x4  }
0x24f: {  	v59 =	vunpack.i.l.bf16.f32 v11  }
0x250: {  	v11 =	vunpack.i.u.bf16.f32 v11;
	v12 =	vmul.f32 v59, v10  }
0x251: {  	s25 =	sor.u32 $0x1060, s24;
	v11 =	vmul.f32 v11, v10  }
0x252: {  	[tilespmem:s25+$0x0] =	vst.add.f32.msk $0xffff, v12;
	s25 =	sor.u32 $0x1070, s24  }
0x253: {  	[tilespmem:s25+$0x0] =	vst.add.f32.msk $0xffff, v11  }
0x254: {  	v11 =	vld.idx.msk [tilespmem:v7+s21+$0x40 ss:$0x1], $0xffff;
	_ =	sdelay $0x4  }
0x255: {  	v60 =	vunpack.i.l.bf16.f32 v11  }
0x256: {  	v11 =	vunpack.i.u.bf16.f32 v11;
	v12 =	vmul.f32 v60, v10  }
0x257: {  	s25 =	sor.u32 $0x1400, s24;
	v11 =	vmul.f32 v11, v10  }
0x258: {  	[tilespmem:s25+$0x0] =	vst.add.f32.msk $0xffff, v12;
	s25 =	sor.u32 $0x1410, s24  }
0x259: {  	[tilespmem:s25+$0x0] =	vst.add.f32.msk $0xffff, v11  }
0x25a: {  	v11 =	vld.idx.msk [tilespmem:v7+s21+$0x50 ss:$0x1], $0xffff;
	_ =	sdelay $0x4  }
0x25b: {  	v61 =	vunpack.i.l.bf16.f32 v11  }
0x25c: {  	v11 =	vunpack.i.u.bf16.f32 v11;
	v12 =	vmul.f32 v61, v10  }
0x25d: {  	s25 =	sor.u32 $0x1420, s24;
	v11 =	vmul.f32 v11, v10  }
0x25e: {  	[tilespmem:s25+$0x0] =	vst.add.f32.msk $0xffff, v12;
	s25 =	sor.u32 $0x1430, s24  }
0x25f: {  	[tilespmem:s25+$0x0] =	vst.add.f32.msk $0xffff, v11  }
0x260: {  	v11 =	vld.idx.msk [tilespmem:v7+s21+$0x60 ss:$0x1], $0xffff;
	_ =	sdelay $0x4  }
0x261: {  	v62 =	vunpack.i.l.bf16.f32 v11  }
0x262: {  	v11 =	vunpack.i.u.bf16.f32 v11;
	v12 =	vmul.f32 v62, v10  }
0x263: {  	s25 =	sor.u32 $0x1440, s24;
	v11 =	vmul.f32 v11, v10  }
0x264: {  	[tilespmem:s25+$0x0] =	vst.add.f32.msk $0xffff, v12;
	s25 =	sor.u32 $0x1450, s24  }
0x265: {  	[tilespmem:s25+$0x0] =	vst.add.f32.msk $0xffff, v11  }
0x266: {  	v11 =	vld.idx.msk [tilespmem:v7+s21+$0x70 ss:$0x1], $0xffff;
	_ =	sdelay $0x4  }
0x267: {  	v63 =	vunpack.i.l.bf16.f32 v11  }
0x268: {  	v11 =	vunpack.i.u.bf16.f32 v11;
	v12 =	vmul.f32 v63, v10  }
0x269: {  	s25 =	sor.u32 $0x1460, s24;
	v10 =	vmul.f32 v11, v10  }
0x26a: {  	[tilespmem:s25+$0x0] =	vst.add.f32.msk $0xffff, v12;
	s25 =	sor.u32 $0x1470, s24  }
0x26b: {  	[tilespmem:s25+$0x0] =	vst.add.f32.msk $0xffff, v10  }
0x26c: {  	v10 =	vld.idx.msk [tilespmem:v7+s21+$0x400 ss:$0x1], $0xffff;
	_ =	sdelay $0x4  }
0x26d: {  	v11 =	vunpack.i.l.bf16.f32 v10  }
0x26e: {  	v10 =	vunpack.i.u.bf16.f32 v10;
	v11 =	vmul.f32 v11, v9  }
0x26f: {  	s25 =	sor.u32 $0x1800, s24;
	v10 =	vmul.f32 v10, v9  }
0x270: {  	[tilespmem:s25+$0x0] =	vst.add.f32.msk $0xffff, v11;
	s25 =	sor.u32 $0x1810, s24  }
0x271: {  	[tilespmem:s25+$0x0] =	vst.add.f32.msk $0xffff, v10  }
0x272: {  	v10 =	vld.idx.msk [tilespmem:v7+s21+$0x410 ss:$0x1], $0xffff;
	_ =	sdelay $0x4  }
0x273: {  	v11 =	vunpack.i.l.bf16.f32 v10  }
0x274: {  	v10 =	vunpack.i.u.bf16.f32 v10;
	v11 =	vmul.f32 v11, v9  }
0x275: {  	s25 =	sor.u32 $0x1820, s24;
	v10 =	vmul.f32 v10, v9  }
0x276: {  	[tilespmem:s25+$0x0] =	vst.add.f32.msk $0xffff, v11;
	s25 =	sor.u32 $0x1830, s24  }
0x277: {  	[tilespmem:s25+$0x0] =	vst.add.f32.msk $0xffff, v10  }
0x278: {  	v10 =	vld.idx.msk [tilespmem:v7+s21+$0x420 ss:$0x1], $0xffff;
	_ =	sdelay $0x4  }
0x279: {  	v11 =	vunpack.i.l.bf16.f32 v10  }
0x27a: {  	v10 =	vunpack.i.u.bf16.f32 v10;
	v11 =	vmul.f32 v11, v9  }
0x27b: {  	s25 =	sor.u32 $0x1840, s24;
	v10 =	vmul.f32 v10, v9  }
0x27c: {  	[tilespmem:s25+$0x0] =	vst.add.f32.msk $0xffff, v11;
	s25 =	sor.u32 $0x1850, s24  }
0x27d: {  	[tilespmem:s25+$0x0] =	vst.add.f32.msk $0xffff, v10  }
0x27e: {  	v10 =	vld.idx.msk [tilespmem:v7+s21+$0x430 ss:$0x1], $0xffff;
	_ =	sdelay $0x4  }
0x27f: {  	v11 =	vunpack.i.l.bf16.f32 v10  }
0x280: {  	v10 =	vunpack.i.u.bf16.f32 v10;
	v11 =	vmul.f32 v11, v9  }
0x281: {  	s25 =	sor.u32 $0x1860, s24;
	v10 =	vmul.f32 v10, v9  }
0x282: {  	s24 =	sor.u32 $0x1870, s24;
	[tilespmem:s25+$0x0] =	vst.add.f32.msk $0xffff, v11  }
0x283: {  	[tilespmem:s24+$0x0] =	vst.add.f32.msk $0xffff, v10  }
0x284: {  	v10 =	vld.idx.msk [tilespmem:v7+s21+$0x440 ss:$0x1], $0xffff;
	_ =	sdelay $0x4  }
0x285: {  	v11 =	vunpack.i.l.bf16.f32 v10  }
0x286: {  	s22 =	sor.u32 s23, s22;
	v10 =	vunpack.i.u.bf16.f32 v10;
	v11 =	vmul.f32 v11, v9  }
0x287: {  	s23 =	sor.u32 $0x1C00, s22;
	v10 =	vmul.f32 v10, v9  }
0x288: {  	s25 =	sor.u32 $0x1C10, s22;
	[tilespmem:s23+$0x0] =	vst.add.f32.msk $0xffff, v11  }
0x289: {  	[tilespmem:s25+$0x0] =	vst.add.f32.msk $0xffff, v10  }
0x28a: {  	v10 =	vld.idx.msk [tilespmem:v7+s21+$0x450 ss:$0x1], $0xffff;
	_ =	sdelay $0x4  }
0x28b: {  	v11 =	vunpack.i.l.bf16.f32 v10  }
0x28c: {  	v10 =	vunpack.i.u.bf16.f32 v10;
	v11 =	vmul.f32 v11, v9  }
0x28d: {  	s24 =	sor.u32 $0x1C20, s22;
	v10 =	vmul.f32 v10, v9  }
0x28e: {  	s25 =	sor.u32 $0x1C30, s22;
	[tilespmem:s24+$0x0] =	vst.add.f32.msk $0xffff, v11  }
0x28f: {  	[tilespmem:s25+$0x0] =	vst.add.f32.msk $0xffff, v10  }
0x290: {  	v10 =	vld.idx.msk [tilespmem:v7+s21+$0x460 ss:$0x1], $0xffff;
	_ =	sdelay $0x4  }
0x291: {  	v11 =	vunpack.i.l.bf16.f32 v10  }
0x292: {  	v10 =	vunpack.i.u.bf16.f32 v10;
	v11 =	vmul.f32 v11, v9  }
0x293: {  	s24 =	sor.u32 $0x1C40, s22;
	v10 =	vmul.f32 v10, v9  }
0x294: {  	s25 =	sor.u32 $0x1C50, s22;
	[tilespmem:s24+$0x0] =	vst.add.f32.msk $0xffff, v11  }
0x295: {  	[tilespmem:s25+$0x0] =	vst.add.f32.msk $0xffff, v10  }
0x296: {  	v10 =	vld.idx.msk [tilespmem:v7+s21+$0x470 ss:$0x1], $0xffff;
	_ =	sdelay $0x4  }
.Ltmp13:
0x297: {  	v11 =	vunpack.i.l.bf16.f32 v10;
	(pc) =	sbr.rel .LBB2_17-.Ltmp13, $4  }
0x298: {  	v10 =	vunpack.i.u.bf16.f32 v10;
	v11 =	vmul.f32 v11, v9  }
0x299: {  	s24 =	sor.u32 $0x1C60, s22;
	v9 =	vmul.f32 v10, v9  }
0x29a: {  	s25 =	sor.u32 $0x1C70, s22;
	[tilespmem:s24+$0x0] =	vst.add.f32.msk $0xffff, v11  }
0x29b: {  	[tilespmem:s25+$0x0] =	vst.add.f32.msk $0xffff, v9  }
.LBB2_20:
0x29c: {  	_ =	swait.ge [sflag:s18], $0x2400  }
0x29d: {  	[sflag:s18] =	ssyncset.done $0x0  }
0x29e: {  	[sflag:s18] =	ssyncadd.s32 $0xFFFFDC00  }
0x29f: {  	s2 =	simm.s32 $0x0;
	_ =	swait.ge [sflag:s0], $0x2400  }
0x2a0: {  	s4 =	simm.s32 $0xFFFF0000;
	s6 =	simm.s32 $0x10000;
	[sflag:s0] =	ssyncset.done $0x0  }
0x2a1: {  	s7 =	simm.s32 $0x0;
	s8 =	simm.s32 $0x0;
	[sflag:s0] =	ssyncadd.s32 $0xFFFFDC00  }
.LBB2_21:
0x2a2: {  	v5 =	vld [tilespmem:s6+$0x0];
	_ =	sdelay $0x4  }
0x2a3: {  	v6 =	vadd.f32 $1.000000020e-16, v5;
	_ =	sdelay $0x1  }
0x2a4: {  	v5 =	vbroadcast v6, $0x0;
	_ =	sdelay $0x1  }
0x2a5: {  	(erf) = vrcp.f32 v5;
	_ =	sdelay $0x1  }
0x2a6: {  	s9 =	sadd.s32 $0x10000, s4  }
0x2a7: {  	s13 =	sand.u32 $0x380, s8;
	s9 =	sand.u32 $0xE000, s9  }
0x2a8: {  	s9 =	sor.u32 s13, s9  }
0x2a9: {  	v7 =	vld [tilespmem:s9+$0x0]  }
0x2aa: {  	v8 =	vld [tilespmem:s9+$0x10]  }
0x2ab: {  	v9 =	vld [tilespmem:s9+$0x20]  }
0x2ac: {  	v10 =	vld [tilespmem:s9+$0x30]  }
0x2ad: {  	v11 =	vld [tilespmem:s9+$0x50];
	v5 =	vpop (erf)  }
0x2ae: {  	v12 =	vld [tilespmem:s9+$0x60];
	v7 =	vmul.f32 v5, v7  }
0x2af: {  	v13 =	vld [tilespmem:s9+$0x70];
	v8 =	vmul.f32 v5, v8  }
0x2b0: {  	v48 =	vld [tilespmem:s9+$0x400];
	v14 =	vbroadcast v6, $0x1;
	[tilespmem:s9+$0x0] =	vst v7;
	v7 =	vmul.f32 v9, v5  }
0x2b1: {  	v50 =	vld [tilespmem:s9+$0x410];
	v49 =	vmul.f32 v10, v5;
	[tilespmem:s9+$0x10] =	vst v8  }
0x2b2: {  	v51 =	vld [tilespmem:s9+$0x420];
	(erf) = vrcp.f32 v14;
	[tilespmem:s9+$0x20] =	vst v7;
	v7 =	vmul.f32 v11, v5  }
0x2b3: {  	v53 =	vld [tilespmem:s9+$0x430];
	v52 =	vmul.f32 v12, v5;
	[tilespmem:s9+$0x30] =	vst v49  }
0x2b4: {  	v54 =	vld [tilespmem:s9+$0x450];
	[tilespmem:s9+$0x50] =	vst v7;
	v7 =	vmul.f32 v13, v5  }
0x2b5: {  	v56 =	vld [tilespmem:s9+$0x460];
	v55 =	vmul.f32 v48, v5;
	[tilespmem:s9+$0x60] =	vst v52  }
0x2b6: {  	v57 =	vld [tilespmem:s9+$0x470];
	[tilespmem:s9+$0x70] =	vst v7;
	v7 =	vmul.f32 v50, v5  }
0x2b7: {  	v59 =	vld [tilespmem:s9+$0x800];
	v58 =	vmul.f32 v51, v5;
	[tilespmem:s9+$0x400] =	vst v55  }
0x2b8: {  	v60 =	vld [tilespmem:s9+$0x810];
	[tilespmem:s9+$0x410] =	vst v7;
	v7 =	vmul.f32 v53, v5  }
0x2b9: {  	v62 =	vld [tilespmem:s9+$0x820];
	v61 =	vmul.f32 v54, v5;
	[tilespmem:s9+$0x420] =	vst v58  }
0x2ba: {  	v63 =	vld [tilespmem:s9+$0x830];
	[tilespmem:s9+$0x430] =	vst v7;
	v7 =	vmul.f32 v56, v5  }
0x2bb: {  	v18 =	vld [tilespmem:s9+$0x850];
	v17 =	vmul.f32 v57, v5;
	[tilespmem:s9+$0x450] =	vst v61;
	v10 =	vpop (erf)  }
0x2bc: {  	v19 =	vld [tilespmem:s9+$0x860];
	[tilespmem:s9+$0x460] =	vst v7;
	v7 =	vmul.f32 v59, v10  }
0x2bd: {  	v21 =	vld [tilespmem:s9+$0x870];
	[tilespmem:s9+$0x470] =	vst v17;
	v20 =	vmul.f32 v60, v10  }
0x2be: {  	v22 =	vld [tilespmem:s9+$0xC00];
	v15 =	vbroadcast v6, $0x2;
	[tilespmem:s9+$0x800] =	vst v7;
	v7 =	vmul.f32 v62, v10  }
0x2bf: {  	v24 =	vld [tilespmem:s9+$0xC10];
	v23 =	vmul.f32 v63, v10;
	[tilespmem:s9+$0x810] =	vst v20  }
0x2c0: {  	v25 =	vld [tilespmem:s9+$0xC20];
	(erf) = vrcp.f32 v15;
	[tilespmem:s9+$0x820] =	vst v7;
	v7 =	vmul.f32 v18, v10  }
0x2c1: {  	v27 =	vld [tilespmem:s9+$0xC30];
	v26 =	vmul.f32 v19, v10;
	[tilespmem:s9+$0x830] =	vst v23  }
0x2c2: {  	v28 =	vld [tilespmem:s9+$0xC50];
	[tilespmem:s9+$0x850] =	vst v7;
	v7 =	vmul.f32 v21, v10  }
0x2c3: {  	v30 =	vld [tilespmem:s9+$0xC60];
	v29 =	vmul.f32 v22, v10;
	[tilespmem:s9+$0x860] =	vst v26  }
0x2c4: {  	v31 =	vld [tilespmem:s9+$0xC70];
	[tilespmem:s9+$0x870] =	vst v7;
	v7 =	vmul.f32 v24, v10  }
0x2c5: {  	v33 =	vld [tilespmem:s9+$0x1000];
	v32 =	vmul.f32 v25, v10;
	[tilespmem:s9+$0xC00] =	vst v29  }
0x2c6: {  	v34 =	vld [tilespmem:s9+$0x1010];
	[tilespmem:s9+$0xC10] =	vst v7;
	v7 =	vmul.f32 v27, v10  }
0x2c7: {  	v36 =	vld [tilespmem:s9+$0x1020];
	v35 =	vmul.f32 v28, v10;
	[tilespmem:s9+$0xC20] =	vst v32  }
0x2c8: {  	v37 =	vld [tilespmem:s9+$0x1030];
	[tilespmem:s9+$0xC30] =	vst v7;
	v7 =	vmul.f32 v30, v10  }
0x2c9: {  	v40 =	vld [tilespmem:s9+$0x1050];
	v38 =	vmul.f32 v31, v10;
	[tilespmem:s9+$0xC50] =	vst v35;
	v39 =	vpop (erf)  }
0x2ca: {  	v41 =	vld [tilespmem:s9+$0x1060];
	[tilespmem:s9+$0xC60] =	vst v7;
	v7 =	vmul.f32 v33, v39  }
0x2cb: {  	v43 =	vld [tilespmem:s9+$0x1070];
	[tilespmem:s9+$0xC70] =	vst v38;
	v42 =	vmul.f32 v34, v39  }
0x2cc: {  	v44 =	vld [tilespmem:s9+$0x1400];
	v6 =	vbroadcast v6, $0x3;
	[tilespmem:s9+$0x1000] =	vst v7;
	v7 =	vmul.f32 v36, v39  }
0x2cd: {  	v46 =	vld [tilespmem:s9+$0x1410];
	v45 =	vmul.f32 v37, v39;
	[tilespmem:s9+$0x1010] =	vst v42  }
0x2ce: {  	v47 =	vld [tilespmem:s9+$0x1420];
	(erf) = vrcp.f32 v6;
	[tilespmem:s9+$0x1020] =	vst v7;
	v7 =	vmul.f32 v40, v39  }
0x2cf: {  	v48 =	vld [tilespmem:s9+$0x1430];
	v6 =	vmul.f32 v41, v39;
	[tilespmem:s9+$0x1030] =	vst v45  }
0x2d0: {  	v49 =	vld [tilespmem:s9+$0x1450];
	[tilespmem:s9+$0x1050] =	vst v7;
	v7 =	vmul.f32 v43, v39  }
0x2d1: {  	v50 =	vld [tilespmem:s9+$0x1460];
	[tilespmem:s9+$0x1060] =	vst v6;
	v6 =	vmul.f32 v44, v39  }
0x2d2: {  	v51 =	vld [tilespmem:s9+$0x1470];
	[tilespmem:s9+$0x1070] =	vst v7;
	v7 =	vmul.f32 v46, v39  }
0x2d3: {  	v52 =	vld [tilespmem:s9+$0x1800];
	[tilespmem:s9+$0x1400] =	vst v6;
	v6 =	vmul.f32 v47, v39  }
0x2d4: {  	v53 =	vld [tilespmem:s9+$0x1810];
	[tilespmem:s9+$0x1410] =	vst v7;
	v7 =	vmul.f32 v48, v39  }
0x2d5: {  	v54 =	vld [tilespmem:s9+$0x1820];
	[tilespmem:s9+$0x1420] =	vst v6;
	v6 =	vmul.f32 v49, v39  }
0x2d6: {  	v55 =	vld [tilespmem:s9+$0x1830];
	[tilespmem:s9+$0x1430] =	vst v7;
	v7 =	vmul.f32 v50, v39  }
0x2d7: {  	v57 =	vld [tilespmem:s9+$0x1850];
	[tilespmem:s9+$0x1450] =	vst v6;
	v6 =	vmul.f32 v51, v39;
	v56 =	vpop (erf)  }
0x2d8: {  	v58 =	vld [tilespmem:s9+$0x1860];
	[tilespmem:s9+$0x1460] =	vst v7;
	v7 =	vmul.f32 v52, v56  }
0x2d9: {  	v59 =	vld [tilespmem:s9+$0x1870];
	[tilespmem:s9+$0x1470] =	vst v6;
	v6 =	vmul.f32 v53, v56  }
0x2da: {  	v11 =	vmul.f32 v54, v56;
	[tilespmem:s9+$0x1800] =	vst v7;
	v7 =	vld [tilespmem:s9+$0x40]  }
0x2db: {  	v12 =	vmul.f32 v55, v56;
	[tilespmem:s9+$0x1810] =	vst v6;
	v6 =	vld [tilespmem:s9+$0x440]  }
0x2dc: {  	v60 =	vld [tilespmem:s9+$0x840];
	v15 =	vmul.f32 v57, v56;
	[tilespmem:s9+$0x1820] =	vst v11  }
0x2dd: {  	s17 =	sand.u32 $0x7, s2;
	v61 =	vld [tilespmem:s9+$0xC40];
	v14 =	vmul.f32 v58, v56;
	[tilespmem:s9+$0x1830] =	vst v12  }
0x2de: {  	s13 =	sshll.u32 s17, $0x7;
	v62 =	vld [tilespmem:s9+$0x1040];
	v8 =	vmul.f32 v59, v56;
	[tilespmem:s9+$0x1850] =	vst v15  }
0x2df: {  	s13 =	sadd.s32 s13, s7;
	v63 =	vld [tilespmem:s9+$0x1440];
	[tilespmem:s9+$0x1860] =	vst v14;
	v7 =	vmul.f32 v7, v5  }
0x2e0: {  	s15 =	sor.u32 $0x1C00, s13;
	[tilespmem:s9+$0x1870] =	vst v8;
	v5 =	vmul.f32 v6, v5;
	v6 =	vld [tilespmem:s9+$0x1840]  }
0x2e1: {  	v8 =	vld [tilespmem:s15+$0x0];
	[tilespmem:s9+$0x40] =	vst v7;
	v7 =	vmul.f32 v60, v10  }
0x2e2: {  	[tilespmem:s9+$0x440] =	vst v5;
	v5 =	vmul.f32 v61, v10  }
0x2e3: {  	[tilespmem:s9+$0x840] =	vst v7;
	v7 =	vmul.f32 v62, v39  }
0x2e4: {  	[tilespmem:s9+$0xC40] =	vst v5;
	v5 =	vmul.f32 v63, v39  }
0x2e5: {  	v6 =	vmul.f32 v6, v56;
	[tilespmem:s9+$0x1040] =	vst v7  }
0x2e6: {  	[tilespmem:s9+$0x1440] =	vst v5;
	v5 =	vmul.f32 v8, v56  }
0x2e7: {  	[tilespmem:s9+$0x1840] =	vst v6  }
0x2e8: {  	s19 =	sor.u32 $0x1C10, s13;
	[tilespmem:s15+$0x0] =	vst v5  }
0x2e9: {  	v5 =	vld [tilespmem:s19+$0x0];
	_ =	sdelay $0x4  }
0x2ea: {  	v5 =	vmul.f32 v5, v56;
	_ =	sdelay $0x1  }
0x2eb: {  	s20 =	sor.u32 $0x1C20, s13;
	[tilespmem:s19+$0x0] =	vst v5  }
0x2ec: {  	v5 =	vld [tilespmem:s20+$0x0];
	_ =	sdelay $0x4  }
0x2ed: {  	v5 =	vmul.f32 v5, v56;
	_ =	sdelay $0x1  }
0x2ee: {  	s21 =	sor.u32 $0x1C30, s13;
	[tilespmem:s20+$0x0] =	vst v5  }
0x2ef: {  	v5 =	vld [tilespmem:s21+$0x0];
	_ =	sdelay $0x4  }
0x2f0: {  	v5 =	vmul.f32 v5, v56;
	_ =	sdelay $0x1  }
0x2f1: {  	s22 =	sor.u32 $0x1C40, s13;
	[tilespmem:s21+$0x0] =	vst v5  }
0x2f2: {  	v5 =	vld [tilespmem:s22+$0x0];
	_ =	sdelay $0x4  }
0x2f3: {  	v5 =	vmul.f32 v5, v56;
	_ =	sdelay $0x1  }
0x2f4: {  	s23 =	sor.u32 $0x1C50, s13;
	[tilespmem:s22+$0x0] =	vst v5  }
0x2f5: {  	v5 =	vld [tilespmem:s23+$0x0];
	_ =	sdelay $0x4  }
0x2f6: {  	v5 =	vmul.f32 v5, v56;
	_ =	sdelay $0x1  }
0x2f7: {  	s24 =	sor.u32 $0x1C60, s13;
	[tilespmem:s23+$0x0] =	vst v5  }
0x2f8: {  	v5 =	vld [tilespmem:s24+$0x0];
	_ =	sdelay $0x4  }
0x2f9: {  	v5 =	vmul.f32 v5, v56;
	_ =	sdelay $0x1  }
0x2fa: {  	s25 =	sor.u32 $0x1C70, s13;
	[tilespmem:s24+$0x0] =	vst v5  }
0x2fb: {  	v5 =	vld [tilespmem:s25+$0x0];
	_ =	sdelay $0x1  }
0x2fc: {  	p1 =	sne.s32 s8, $0x1F80  }
.Ltmp14:
0x2fd: {  	_ = 	snop;
	(pc) =	sbr.rel @p1 .LBB2_21-.Ltmp14, $4  }
0x2fe: {  	_ = 	snop  }
0x2ff: {  	v5 =	vmul.f32 v5, v56  }
0x300: {  	s2 =	sadd.s32 $0x1, s2;
	s4 =	sadd.s32 $0x400, s4  }
0x301: {  	s6 =	sadd.s32 $0x80, s6;
	s8 =	sadd.s32 $0x80, s8;
	s7 =	sadd.s32 $0x400, s7;
	[tilespmem:s25+$0x0] =	vst v5  }
0x302: {  	s2 =	sshll.u32 s14, $0x7;
	s4 =	rddreg [dreg:$0x4]  }
.Ltmp15:
0x303: {  	s25 =	simm.s32 $0x7;
	s2 =	sadd.s32 s4, s2;
	(pc) =	sbr.rel @p0 .LBB2_2-.Ltmp15, $4  }
0x304: {  	[hbm4b:s2+s3] =	stream.linear.scatter [tilespmem:s3], [sflag:$0x7], $0x10000, $0x38;
	[tilespmem:$0x1CF00] =	vst v63  }
0x305: {  	_ =	swait.ge [sflag:s25], $0x10000  }
0x306: {  	[sflag:s25] =	ssyncset.done $0x0  }
0x307: {  	p1 =	por $0x0, $0x0;
	s2 =	simm.s32 $0x40;
	[sflag:s25] =	ssyncadd.s32 $0xFFFF0000  }
0x308: {  	s4 =	rddreg [dreg:$0x8]  }
0x309: {  	s2 =	rddreg [dreg:$0x7];
	s4 =	sadd.s32 $0x1, s4  }
0x30a: {  	p0 =	sne.s32 s4, s2  }
.Ltmp16:
0x30b: {  	_ = 	snop;
	(pc) =	sbr.rel @p0 .LBB2_1-.Ltmp16, $1  }
0x30c: {  	_ =	sdelay $0x3  }
0x30d: {  	_ =	sfence.sel $0x180000  }
0x30e: {  	[bflag:$0x0] =	sbarrier.arrive $0xFFFF  }
0x30f: {  	_ =	strace $0x90000047  }
0x310: {  	s0 =	stileid.u32;
	[bflag:$0x2] =	sbarrier.arrive $0xFFFF  }
0x311: {  	p0 =	sne.s32 s0, $0x0;
	s0 =	rddreg [dreg:$0x2]  }
0x312: {  	s0 =	sadd.s32 @!p0 $0x100000, s0  }
0x313: {  	[sflag:s0] =	ssyncadd.tile.s32 @!p0 $0x1;
	_ =	shalt  }
.Lfunc_end2:
_tile_overlayer_lowered:
.L_overlay_start_2:
0x314: {  	(tag) =	ssettag $0x2  }
0x315: {  	s0 =	rddreg [dreg:$0x0];
	s2 =	stileid.u32  }
0x316: {  	s1 =	rddreg [dreg:$0x1];
	p0 =	sne.s32 s2, $0x0  }
0x317: {  	s3 =	rddreg [dreg:$0x2];
	[bflag:$0x3] =	sbarrier.arrive $0xFFFF;
	s2 =	simm.s32 @!p0 $0x1C07  }
0x318: {  	[timem:s3], [sflag:s2] =	dma.local @!p0 [hbm:s0], s1  }
0x319: {  	s0 =	simm.s32 @!p0 $0x7  }
0x31a: {  	_ =	swait.ge @!p0 [sflag:s0], s1  }
0x31b: {  	s1 =	ssub.s32 @!p0 $0x0, s1;
	[sflag:s0] =	ssyncset.done @!p0 $0x0  }
0x31c: {  	[sflag:s0] =	ssyncadd.s32 @!p0 s1  }
0x31d: {  	[bflag:$0x3] =	sbarrier.arrive $0xFFFF  }
0x31e: {  	_ =	shalt  }

</sc_bundles>
